<compile_context>
chip_gen: v7x
topology: tpu7x:2x2x1
jax: 0.10.2.dev20260603
libtpu: 0.0.44.dev20260713+nightly
codegen_flags: <defaults>
</compile_context>

<pallas_src>
import functools

import jax
import jax.numpy as jnp
from jax import lax
from jax.experimental import pallas as pl
from jax.experimental.pallas import tpu as pltpu
from jax.experimental.pallas import tpu_sc as plsc

N = 512
EMB = 16
WINDOW = 64
SLIDE = 512


def _build_indicator_mats(row, col):
    E_pad = row.shape[0]
    iters = E_pad // 16
    info = plsc.get_sparse_core_info()
    n_tiles = info.num_cores * info.num_subcores
    half = n_tiles // 2
    rows_per_tile = N // half
    blk = rows_per_tile * N
    mesh = plsc.VectorSubcoreMesh(core_axis_name="c", subcore_axis_name="s")

    @functools.partial(
        pl.kernel,
        mesh=mesh,
        out_type=[
            jax.ShapeDtypeStruct((N * N,), jnp.float32),
            jax.ShapeDtypeStruct((N * N,), jnp.float32),
        ],
        scratch_types=[
            pltpu.VMEM((E_pad,), jnp.int32),
            pltpu.VMEM((E_pad,), jnp.int32),
            pltpu.VMEM((blk,), jnp.float32),
        ],
        compiler_params=pltpu.CompilerParams(needs_layout_passes=False),
    )
    def k(row_hbm, col_hbm, ao_hbm, ai_hbm, row_v, col_v, a_v):
        wid = lax.axis_index("s") * info.num_cores + lax.axis_index("c")
        on_ao = wid < half
        slot = jnp.where(on_ao, wid, wid - half)
        lo = slot * rows_per_tile
        hi = lo + rows_per_tile

        zeros16 = jnp.zeros((16,), jnp.float32)

        def init_body(i, carry):
            a_v[pl.ds(i * 16, 16)] = zeros16
            return carry

        lax.fori_loop(0, blk // 16, init_body, 0, unroll=8)

        pltpu.sync_copy(row_hbm, row_v)
        pltpu.sync_copy(col_hbm, col_v)

        ones16 = jnp.ones((16,), jnp.float32)

        def make_body(dst_v, src_v):
            def body(i, carry):
                dst = dst_v[pl.ds(i * 16, 16)]
                src = src_v[pl.ds(i * 16, 16)]
                m = (dst >= lo) & (dst < hi)
                plsc.store_scatter(a_v, [(dst - lo) * N + src], ones16,
                                   mask=m)
                return carry
            return body

        @pl.when(on_ao)
        def _():
            lax.fori_loop(0, iters, make_body(col_v, row_v), 0, unroll=8)

        @pl.when(jnp.logical_not(on_ao))
        def _():
            lax.fori_loop(0, iters, make_body(row_v, col_v), 0, unroll=8)

        @pl.when(on_ao)
        def _():
            pltpu.sync_copy(a_v, ao_hbm.at[pl.ds(slot * blk, blk)])

        @pl.when(jnp.logical_not(on_ao))
        def _():
            pltpu.sync_copy(a_v, ai_hbm.at[pl.ds(slot * blk, blk)])

    return k(row, col)


def _encoder_body(inp_ref, w1_ref, b1_ref, g1_ref, be1_ref,
                  w2_ref, b2_ref, g2_ref, be2_ref, xs_ref):
    f32 = jnp.float32
    w1 = w1_ref[...]
    w2 = w2_ref[...]

    rows8 = lax.broadcasted_iota(jnp.int32, (8, 16), 0)
    cols16 = lax.broadcasted_iota(jnp.int32, (8, 16), 1)
    s0 = (cols16 == 2 * rows8).astype(f32)
    s1 = (cols16 == 2 * rows8 + 1).astype(f32)

    for step in range(8):
        xw = inp_ref[:, step * SLIDE:step * SLIDE + WINDOW]
        ys = [jnp.dot(xw[:, 4 * p:4 * p + 8], w1,
                      preferred_element_type=f32) for p in range(15)]
        y = jnp.concatenate(ys, axis=0) + b1_ref[...]
        y = jnp.maximum(y, 0.0)
        m = jnp.mean(y, axis=0, keepdims=True)
        v = jnp.mean((y - m) * (y - m), axis=0, keepdims=True)
        y = (y - m) * lax.rsqrt(v + 1e-5) * g1_ref[...] + be1_ref[...]
        zs = []
        for q in range(2):
            acc = jnp.zeros((N, 8), f32)
            for kk in range(8):
                blk = y[(4 * q + kk) * N:(4 * q + kk + 1) * N, :]
                acc = acc + jnp.dot(blk, w2[kk], preferred_element_type=f32)
            zs.append(acc)
        z = jnp.concatenate(zs, axis=0) + b2_ref[...]
        z = jnp.maximum(z, 0.0)
        m2 = jnp.mean(z, axis=0, keepdims=True)
        v2 = jnp.mean((z - m2) * (z - m2), axis=0, keepdims=True)
        z = (z - m2) * lax.rsqrt(v2 + 1e-5) * g2_ref[...] + be2_ref[...]
        xs_ref[:, step * 16:(step + 1) * 16] = (
            jnp.dot(z[:N], s0, preferred_element_type=f32)
            + jnp.dot(z[N:], s1, preferred_element_type=f32))


def _gru_body(xs_ref, ao_ref, ai_ref,
              wz0_ref, wz1_ref, wz2_ref, bz_ref,
              wr0_ref, wr1_ref, wr2_ref, br_ref,
              wh0_ref, wh1_ref, wh2_ref, bh_ref,
              h_out_ref):
    f32 = jnp.float32
    ao = ao_ref[...]
    ai = ai_ref[...]
    deg_out = jnp.sum(ao, axis=0, keepdims=True)
    deg_in = jnp.sum(ao, axis=1, keepdims=True)
    inv_out = jnp.where(deg_out > 0, 1.0 / deg_out, 0.0)
    inv_in = jnp.where(deg_in > 0, 1.0 / deg_in, 0.0)
    mo = ao * inv_out
    mi = ai * inv_in

    def sigmoid(x):
        return 1.0 / (1.0 + jnp.exp(-x))

    def dconv(xcat, w0, w1g, w2g, b):
        po = jnp.dot(mo, xcat, preferred_element_type=f32)
        pi = jnp.dot(mi, xcat, preferred_element_type=f32)
        return (jnp.dot(xcat, w0, preferred_element_type=f32)
                + jnp.dot(po, w1g, preferred_element_type=f32)
                + jnp.dot(pi, w2g, preferred_element_type=f32) + b)

    h = jnp.zeros((N, EMB), f32)
    for step in range(8):
        x = xs_ref[:, step * 16:(step + 1) * 16]
        xcat = jnp.concatenate([x, h], axis=1)
        zg = sigmoid(dconv(xcat, wz0_ref[...], wz1_ref[...], wz2_ref[...],
                           bz_ref[...]))
        rg = sigmoid(dconv(xcat, wr0_ref[...], wr1_ref[...], wr2_ref[...],
                           br_ref[...]))
        xcat2 = jnp.concatenate([x, rg * h], axis=1)
        ht = jnp.tanh(dconv(xcat2, wh0_ref[...], wh1_ref[...], wh2_ref[...],
                            bh_ref[...]))
        h = jnp.maximum(zg * h + (1.0 - zg) * ht, 0.0)
    h_out_ref[...] = h


def _lin1_body(h_ref, w_ref, b_ref, o_ref):
    o_ref[...] = lax.dot_general(
        h_ref[...], w_ref[...], (((1,), (1,)), ((), ())),
        preferred_element_type=jnp.float32) + b_ref[...]


def _heads_body(o_ref, c1w_ref, c1b_ref, c2w_ref, c2b_ref, rw_ref, rb_ref,
                ang_ref, reg_ref):
    out = o_ref[...]
    t1 = lax.dot_general(out, c1w_ref[...], (((1,), (1,)), ((), ())),
                         preferred_element_type=jnp.float32) + c1b_ref[...]
    ang_ref[...] = lax.dot_general(
        t1, c2w_ref[...], (((1,), (1,)), ((), ())),
        preferred_element_type=jnp.float32) + c2b_ref[...]
    reg_ref[...] = lax.dot_general(
        out, rw_ref[...], (((1,), (1,)), ((), ())),
        preferred_element_type=jnp.float32) + rb_ref[...]


def kernel(inputs, edge_index, er_edge_index, conv1_w, conv1_b, conv2_w,
           conv2_b, bn1_g, bn1_b, bn2_g, bn2_b, Wz, bz, Wr, br, Wh, bh,
           lin1_w, lin1_b, cls1_w, cls1_b, cls2_w, cls2_b, reg_w, reg_b):
    f32 = jnp.float32
    E = er_edge_index.shape[1]
    E_pad = ((E + 15) // 16) * 16
    pad = jnp.full((E_pad - E,), N, jnp.int32)
    row = jnp.concatenate([er_edge_index[0].astype(jnp.int32), pad])
    col = jnp.concatenate([er_edge_index[1].astype(jnp.int32), pad])
    ao_flat, ai_flat = _build_indicator_mats(row, col)
    ao = ao_flat.reshape(N, N)
    ai = ai_flat.reshape(N, N)

    w1 = conv1_w.reshape(32, 8).T
    w2 = jnp.transpose(conv2_w, (2, 1, 0))
    r2 = lambda a: a.reshape(1, -1)

    xs = pl.pallas_call(
        _encoder_body,
        out_shape=jax.ShapeDtypeStruct((N, 8 * 16), f32),
    )(inputs, w1, r2(conv1_b), r2(bn1_g), r2(bn1_b),
      w2, r2(conv2_b), r2(bn2_g), r2(bn2_b))

    def gates(W):
        return W[0, 0] + W[1, 0], W[0, 1], W[1, 1]

    wz0, wz1, wz2 = gates(Wz)
    wr0, wr1, wr2 = gates(Wr)
    wh0, wh1, wh2 = gates(Wh)

    h = pl.pallas_call(
        _gru_body,
        out_shape=jax.ShapeDtypeStruct((N, EMB), f32),
    )(xs, ao, ai,
      wz0, wz1, wz2, r2(bz), wr0, wr1, wr2, r2(br),
      wh0, wh1, wh2, r2(bh))

    hid = N * EMB
    hid2 = hid // 2
    h_row = h.reshape(1, hid)
    bj = 512
    out_row = pl.pallas_call(
        _lin1_body,
        grid=(hid2 // bj,),
        in_specs=[
            pl.BlockSpec((1, hid), lambda j: (0, 0)),
            pl.BlockSpec((bj, hid), lambda j: (j, 0)),
            pl.BlockSpec((1, bj), lambda j: (0, j)),
        ],
        out_specs=pl.BlockSpec((1, bj), lambda j: (0, j)),
        out_shape=jax.ShapeDtypeStruct((1, hid2), f32),
    )(h_row, lin1_w, lin1_b.reshape(1, hid2))

    dd, no_ = reg_w.shape[0], reg_w.shape[1]
    rw = reg_w.reshape(dd * no_, hid2)
    ang, regf = pl.pallas_call(
        _heads_body,
        out_shape=[
            jax.ShapeDtypeStruct((1, 8), f32),
            jax.ShapeDtypeStruct((1, dd * no_), f32),
        ],
    )(out_row, cls1_w, r2(cls1_b), cls2_w, r2(cls2_b), rw, r2(reg_b))

    return (er_edge_index, regf.reshape(dd, no_), ang.reshape(8))

# --- scband reference (transcript-rebuilt; emitter-appended) ---
"""Pipeline reference for scband-gts-model-38268158607754 (READ-ONLY COPY).

The authoritative reference and input builder live on the scoring server;
editing this copy changes nothing except your own understanding.
"""

import jax, jax.numpy as jnp
import numpy as np

NUM_NODES = 512
K1 = 8; K2 = 8; S1 = 4; S2 = 4
C1 = 32; C2 = 8
EMB = 16
DIFF_K = 2
WINDOW = 64
TOTAL_T = 4096
SLIDE = 512
DECODE_DIM = 2
HID = NUM_NODES * EMB
HID2 = HID // 2
HID8 = HID // 8


def _er_graph(n, p, seed=42):
    # deterministic stand-in for torch_geometric.utils.erdos_renyi_graph(n, p)
    rng = np.random.default_rng(seed)
    mask = np.triu(rng.random((n, n)) < p, k=1)
    r, c = np.nonzero(mask)
    row = np.concatenate([r, c]); col = np.concatenate([c, r])
    return jnp.asarray(np.stack([row, col]).astype(np.int64))


def setup_inputs(seed: int = 0):
    key = jax.random.key(seed)
    ks = jax.random.split(key, 24)
    def nrm(k, shape, s):
        return jax.random.normal(k, shape, dtype=jnp.float32) * s
    inp = {}
    inp['inputs'] = jax.random.normal(ks[0], (NUM_NODES, TOTAL_T), dtype=jnp.float32)
    # forward arg 'edge_index' is accepted but ignored by the original model
    inp['edge_index'] = jax.random.randint(ks[1], (2, 26214), 0, NUM_NODES).astype(jnp.int64)
    inp['er_edge_index'] = _er_graph(NUM_NODES, 0.1)
    inp['conv1_w'] = nrm(ks[2], (C1, 1, K1), 0.2); inp['conv1_b'] = nrm(ks[3], (C1,), 0.1)
    inp['conv2_w'] = nrm(ks[4], (C2, C1, K2), 0.05); inp['conv2_b'] = nrm(ks[5], (C2,), 0.1)
    inp['bn1_g'] = 1.0 + nrm(ks[6], (C1,), 0.1); inp['bn1_b'] = nrm(ks[7], (C1,), 0.1)
    inp['bn2_g'] = 1.0 + nrm(ks[8], (C2,), 0.1); inp['bn2_b'] = nrm(ks[9], (C2,), 0.1)
    din = 2 * EMB
    inp['Wz'] = nrm(ks[10], (2, DIFF_K, din, EMB), 0.1); inp['bz'] = nrm(ks[11], (EMB,), 0.1)
    inp['Wr'] = nrm(ks[12], (2, DIFF_K, din, EMB), 0.1); inp['br'] = nrm(ks[13], (EMB,), 0.1)
    inp['Wh'] = nrm(ks[14], (2, DIFF_K, din, EMB), 0.1); inp['bh'] = nrm(ks[15], (EMB,), 0.1)
    inp['lin1_w'] = nrm(ks[16], (HID2, HID), 0.01); inp['lin1_b'] = nrm(ks[17], (HID2,), 0.01)
    inp['cls1_w'] = nrm(ks[18], (HID8, HID2), 0.01); inp['cls1_b'] = nrm(ks[19], (HID8,), 0.01)
    inp['cls2_w'] = nrm(ks[20], (8, HID8), 0.02); inp['cls2_b'] = nrm(ks[21], (8,), 0.01)
    inp['reg_w'] = nrm(ks[22], (DECODE_DIM, 742, HID2), 0.01); inp['reg_b'] = nrm(ks[23], (DECODE_DIM, 742), 0.01)
    return inp


def _conv1d(x, w, b, stride):
    out = jax.lax.conv_general_dilated(x, w, (stride,), 'VALID', dimension_numbers=('NCH', 'OIH', 'NCH'))
    return out + b[None, :, None]


def _bn(x, g, b, eps=1e-5):
    # BatchNorm1d in training mode: batch stats over (N, L), biased variance
    m = x.mean(axis=(0, 2), keepdims=True)
    v = x.var(axis=(0, 2), keepdims=True)
    return (x - m) / jnp.sqrt(v + eps) * g[None, :, None] + b[None, :, None]


def _dconv(X, W, bias, row, col, no, ni, n):
    # torch_geometric_temporal DConv: bidirectional diffusion conv, K steps
    H = X @ W[0, 0] + X @ W[1, 0]
    Tx1_o = jnp.zeros((n, X.shape[1]), X.dtype).at[col].add(no[:, None] * X[row])
    Tx1_i = jnp.zeros((n, X.shape[1]), X.dtype).at[row].add(ni[:, None] * X[col])
    H = H + Tx1_o @ W[0, 1] + Tx1_i @ W[1, 1]
    Tx0_o = X; Tx0_i = X
    for k in range(2, W.shape[1]):
        Tx2_o = 2.0 * jnp.zeros((n, X.shape[1]), X.dtype).at[col].add(no[:, None] * Tx1_o[row]) - Tx0_o
        Tx2_i = 2.0 * jnp.zeros((n, X.shape[1]), X.dtype).at[row].add(ni[:, None] * Tx1_i[col]) - Tx0_i
        H = H + Tx2_o @ W[0, k] + Tx2_i @ W[1, k]
        Tx0_o, Tx1_o = Tx1_o, Tx2_o
        Tx0_i, Tx1_i = Tx1_i, Tx2_i
    return H + bias


def _forward(inputs, er_edge_index, conv1_w, conv1_b, conv2_w, conv2_b, bn1_g, bn1_b, bn2_g, bn2_b, Wz, bz, Wr, br, Wh, bh, lin1_w, lin1_b, cls1_w, cls1_b, cls2_w, cls2_b, reg_w, reg_b):
    n = NUM_NODES
    row = er_edge_index[0]; col = er_edge_index[1]
    e1 = jnp.ones(row.shape[0], jnp.float32)
    deg_out = jnp.zeros(n, jnp.float32).at[row].add(e1)
    deg_in = jnp.zeros(n, jnp.float32).at[col].add(e1)
    no = (1.0 / deg_out)[row]
    ni = (1.0 / deg_in)[row]
    H = jnp.zeros((n, EMB), jnp.float32)
    locs = [WINDOW + i for i in range(TOTAL_T - WINDOW + 1) if i % SLIDE == 0]
    for start in locs:
        xw = inputs[:, start - WINDOW:start].reshape(n, 1, WINDOW)
        x = _bn(jax.nn.relu(_conv1d(xw, conv1_w, conv1_b, S1)), bn1_g, bn1_b)
        x = _bn(jax.nn.relu(_conv1d(x, conv2_w, conv2_b, S2)), bn2_g, bn2_b)
        x = x.reshape(n, -1)
        XH = jnp.concatenate([x, H], axis=1)
        Z = jax.nn.sigmoid(_dconv(XH, Wz, bz, row, col, no, ni, n))
        R = jax.nn.sigmoid(_dconv(XH, Wr, br, row, col, no, ni, n))
        Ht = jnp.tanh(_dconv(jnp.concatenate([x, R * H], axis=1), Wh, bh, row, col, no, ni, n))
        H = jax.nn.relu(Z * H + (1.0 - Z) * Ht)
    h = H.reshape(-1)
    out = h @ lin1_w.T + lin1_b
    angle = (out @ cls1_w.T + cls1_b) @ cls2_w.T + cls2_b
    outputs = jnp.einsum('h,doh->do', out, reg_w) + reg_b
    return outputs, angle


def reference(inputs, edge_index, er_edge_index, conv1_w, conv1_b, conv2_w, conv2_b, bn1_g, bn1_b, bn2_g, bn2_b, Wz, bz, Wr, br, Wh, bh, lin1_w, lin1_b, cls1_w, cls1_b, cls2_w, cls2_b, reg_w, reg_b):
    outputs, angle = _forward(inputs, er_edge_index, conv1_w, conv1_b, conv2_w, conv2_b, bn1_g, bn1_b, bn2_g, bn2_b, Wz, bz, Wr, br, Wh, bh, lin1_w, lin1_b, cls1_w, cls1_b, cls2_w, cls2_b, reg_w, reg_b)
    return (er_edge_index, outputs, angle)


if False:  # reference __main__ guard neutralized (emitter)
    o = reference(**setup_inputs())
    print(o[0].shape, o[1].shape, o[2].shape)

if __name__ == "__main__":
    import jax
    _d = setup_inputs()
    print(jax.jit(kernel)(*tuple(_d.values())))

</pallas_src>

<mosaic_0001>
#map = affine_map<(d0, d1) -> (0)>
module attributes {stable_mosaic.version = 14 : i64} {
  func.func @k(%arg0: i32, %arg1: i32, %arg2: memref<26080xi32, #tpu.memory_space<hbm>>, %arg3: memref<26080xi32, #tpu.memory_space<hbm>>, %arg4: memref<262144xf32, #tpu.memory_space<hbm>>, %arg5: memref<262144xf32, #tpu.memory_space<hbm>>, %arg6: memref<26080xi32, #tpu.memory_space<vmem>>, %arg7: memref<26080xi32, #tpu.memory_space<vmem>>, %arg8: memref<16384xf32, #tpu.memory_space<vmem>>) attributes {dimension_semantics = [#tpu.dimension_semantics<core_parallel>, #tpu.dimension_semantics<subcore_parallel>], iteration_bounds = array<i64: 2, 16>, scalar_prefetch = 0 : i64, scratch_operands = 3 : i64, tpu.core_type = #tpu.core_type<sc_vector_subcore>, window_params = [{transform_indices = #map}, {transform_indices = #map}, {transform_indices = #map}, {transform_indices = #map}]} {
    %mul3A = arith.constant 2 : i32
    %mul3A_0 = arith.muli %arg1, %mul3A : i32
    %add3A = arith.addi %mul3A_0, %arg0 : i32
    %lt3A = arith.constant 16 : i32
    %lt3A_1 = arith.cmpi slt, %add3A, %lt3A : i32
    %sub3A = arith.constant 16 : i32
    %sub3A_2 = arith.subi %add3A, %sub3A : i32
    %select_n3A = arith.select %lt3A_1, %add3A, %sub3A_2 : i32
    %mul3A_3 = arith.constant 32 : i32
    %mul3A_4 = arith.muli %select_n3A, %mul3A_3 : i32
    %add3A_5 = arith.constant 32 : i32
    %add3A_6 = arith.addi %mul3A_4, %add3A_5 : i32
    %broadcast_in_dim3A = arith.constant 0.000000e+00 : f32
    %broadcast_in_dim3A_7 = vector.broadcast %broadcast_in_dim3A : f32 to vector<16xf32>
    %scan3A = arith.constant 0 : i32
    %scan3A_8 = arith.constant 0 : i32
    %scan3A_9 = arith.constant 1024 : i32
    %scan3A_10 = arith.addi %scan3A_8, %scan3A_9 : i32
    %scan3A_11 = arith.constant 8 : i32
    scf.for %scan3A_28 = %scan3A_8 to %scan3A_10 step %scan3A_11  : i32 {
      %mul3A_29 = arith.constant 16 : i32
      %mul3A_30 = arith.muli %scan3A_28, %mul3A_29 : i32
      %swap3A = arith.index_cast %mul3A_30 : i32 to index
      %swap3A_31 = tpu.vector_load %arg8[%swap3A] {strides = array<i32>} : memref<16384xf32, #tpu.memory_space<vmem>>, vector<16xf32>,
      tpu.vector_store %arg8[%swap3A], %broadcast_in_dim3A_7 {strides = array<i32>} : memref<16384xf32, #tpu.memory_space<vmem>>, vector<16xf32>,
      %scan3A_32 = arith.constant 1 : i32
      %scan3A_33 = arith.addi %scan3A_28, %scan3A_32 : i32
      %mul3A_34 = arith.constant 16 : i32
      %mul3A_35 = arith.muli %scan3A_33, %mul3A_34 : i32
      %swap3A_36 = arith.index_cast %mul3A_35 : i32 to index
      %swap3A_37 = tpu.vector_load %arg8[%swap3A_36] {strides = array<i32>} : memref<16384xf32, #tpu.memory_space<vmem>>, vector<16xf32>,
      tpu.vector_store %arg8[%swap3A_36], %broadcast_in_dim3A_7 {strides = array<i32>} : memref<16384xf32, #tpu.memory_space<vmem>>, vector<16xf32>,
      %scan3A_38 = arith.constant 2 : i32
      %scan3A_39 = arith.addi %scan3A_28, %scan3A_38 : i32
      %mul3A_40 = arith.constant 16 : i32
      %mul3A_41 = arith.muli %scan3A_39, %mul3A_40 : i32
      %swap3A_42 = arith.index_cast %mul3A_41 : i32 to index
      %swap3A_43 = tpu.vector_load %arg8[%swap3A_42] {strides = array<i32>} : memref<16384xf32, #tpu.memory_space<vmem>>, vector<16xf32>,
      tpu.vector_store %arg8[%swap3A_42], %broadcast_in_dim3A_7 {strides = array<i32>} : memref<16384xf32, #tpu.memory_space<vmem>>, vector<16xf32>,
      %scan3A_44 = arith.constant 3 : i32
      %scan3A_45 = arith.addi %scan3A_28, %scan3A_44 : i32
      %mul3A_46 = arith.constant 16 : i32
      %mul3A_47 = arith.muli %scan3A_45, %mul3A_46 : i32
      %swap3A_48 = arith.index_cast %mul3A_47 : i32 to index
      %swap3A_49 = tpu.vector_load %arg8[%swap3A_48] {strides = array<i32>} : memref<16384xf32, #tpu.memory_space<vmem>>, vector<16xf32>,
      tpu.vector_store %arg8[%swap3A_48], %broadcast_in_dim3A_7 {strides = array<i32>} : memref<16384xf32, #tpu.memory_space<vmem>>, vector<16xf32>,
      %scan3A_50 = arith.constant 4 : i32
      %scan3A_51 = arith.addi %scan3A_28, %scan3A_50 : i32
      %mul3A_52 = arith.constant 16 : i32
      %mul3A_53 = arith.muli %scan3A_51, %mul3A_52 : i32
      %swap3A_54 = arith.index_cast %mul3A_53 : i32 to index
      %swap3A_55 = tpu.vector_load %arg8[%swap3A_54] {strides = array<i32>} : memref<16384xf32, #tpu.memory_space<vmem>>, vector<16xf32>,
      tpu.vector_store %arg8[%swap3A_54], %broadcast_in_dim3A_7 {strides = array<i32>} : memref<16384xf32, #tpu.memory_space<vmem>>, vector<16xf32>,
      %scan3A_56 = arith.constant 5 : i32
      %scan3A_57 = arith.addi %scan3A_28, %scan3A_56 : i32
      %mul3A_58 = arith.constant 16 : i32
      %mul3A_59 = arith.muli %scan3A_57, %mul3A_58 : i32
      %swap3A_60 = arith.index_cast %mul3A_59 : i32 to index
      %swap3A_61 = tpu.vector_load %arg8[%swap3A_60] {strides = array<i32>} : memref<16384xf32, #tpu.memory_space<vmem>>, vector<16xf32>,
      tpu.vector_store %arg8[%swap3A_60], %broadcast_in_dim3A_7 {strides = array<i32>} : memref<16384xf32, #tpu.memory_space<vmem>>, vector<16xf32>,
      %scan3A_62 = arith.constant 6 : i32
      %scan3A_63 = arith.addi %scan3A_28, %scan3A_62 : i32
      %mul3A_64 = arith.constant 16 : i32
      %mul3A_65 = arith.muli %scan3A_63, %mul3A_64 : i32
      %swap3A_66 = arith.index_cast %mul3A_65 : i32 to index
      %swap3A_67 = tpu.vector_load %arg8[%swap3A_66] {strides = array<i32>} : memref<16384xf32, #tpu.memory_space<vmem>>, vector<16xf32>,
      tpu.vector_store %arg8[%swap3A_66], %broadcast_in_dim3A_7 {strides = array<i32>} : memref<16384xf32, #tpu.memory_space<vmem>>, vector<16xf32>,
      %scan3A_68 = arith.constant 7 : i32
      %scan3A_69 = arith.addi %scan3A_28, %scan3A_68 : i32
      %mul3A_70 = arith.constant 16 : i32
      %mul3A_71 = arith.muli %scan3A_69, %mul3A_70 : i32
      %swap3A_72 = arith.index_cast %mul3A_71 : i32 to index
      %swap3A_73 = tpu.vector_load %arg8[%swap3A_72] {strides = array<i32>} : memref<16384xf32, #tpu.memory_space<vmem>>, vector<16xf32>,
      tpu.vector_store %arg8[%swap3A_72], %broadcast_in_dim3A_7 {strides = array<i32>} : memref<16384xf32, #tpu.memory_space<vmem>>, vector<16xf32>,
    }
    %scan3A_12 = arith.constant 1024 : i32
    "tpu.region"() ({
      %run_scoped3A = tpu.sem_alloc : memref<!tpu.dma_semaphore, #tpu.memory_space<semaphore_mem>>
      tpu.enqueue_dma source(%arg2 : memref<26080xi32, #tpu.memory_space<hbm>>) target(%arg6 : memref<26080xi32, #tpu.memory_space<vmem>>) target_semaphore(%run_scoped3A : memref<!tpu.dma_semaphore, #tpu.memory_space<semaphore_mem>>)
      tpu.wait_dma2 semaphore(%run_scoped3A : memref<!tpu.dma_semaphore, #tpu.memory_space<semaphore_mem>>) src(%arg2 : memref<26080xi32, #tpu.memory_space<hbm>>) dst(%arg6 : memref<26080xi32, #tpu.memory_space<vmem>>)
      tpu.yield
    }) : () -> ()
    "tpu.region"() ({
      %run_scoped3A = tpu.sem_alloc : memref<!tpu.dma_semaphore, #tpu.memory_space<semaphore_mem>>
      tpu.enqueue_dma source(%arg3 : memref<26080xi32, #tpu.memory_space<hbm>>) target(%arg7 : memref<26080xi32, #tpu.memory_space<vmem>>) target_semaphore(%run_scoped3A : memref<!tpu.dma_semaphore, #tpu.memory_space<semaphore_mem>>)
      tpu.wait_dma2 semaphore(%run_scoped3A : memref<!tpu.dma_semaphore, #tpu.memory_space<semaphore_mem>>) src(%arg3 : memref<26080xi32, #tpu.memory_space<hbm>>) dst(%arg7 : memref<26080xi32, #tpu.memory_space<vmem>>)
      tpu.yield
    }) : () -> ()
    %broadcast_in_dim3A_13 = arith.constant 1.000000e+00 : f32
    %broadcast_in_dim3A_14 = vector.broadcast %broadcast_in_dim3A_13 : f32 to vector<16xf32>
    %convert_element_type3A = arith.extui %lt3A_1 : i1 to i32
    %cond3A = arith.constant 0 : i32
    %cond3A_15 = arith.cmpi ne, %convert_element_type3A, %cond3A : i32
    scf.if %cond3A_15 {
      %scan3A_28 = arith.constant 0 : i32
      %scan3A_29 = arith.constant 0 : i32
      %scan3A_30 = arith.constant 1624 : i32
      %scan3A_31 = arith.addi %scan3A_29, %scan3A_30 : i32
      %scan3A_32 = arith.constant 8 : i32
      scf.for %scan3A_157 = %scan3A_29 to %scan3A_31 step %scan3A_32  : i32 {
        %mul3A_158 = arith.constant 16 : i32
        %mul3A_159 = arith.muli %scan3A_157, %mul3A_158 : i32
        %get3A_160 = arith.index_cast %mul3A_159 : i32 to index
        %get3A_161 = tpu.vector_load %arg7[%get3A_160] {strides = array<i32>} : memref<26080xi32, #tpu.memory_space<vmem>>, vector<16xi32>,
        %mul3A_162 = arith.constant 16 : i32
        %mul3A_163 = arith.muli %scan3A_157, %mul3A_162 : i32
        %get3A_164 = arith.index_cast %mul3A_163 : i32 to index
        %get3A_165 = tpu.vector_load %arg6[%get3A_164] {strides = array<i32>} : memref<26080xi32, #tpu.memory_space<vmem>>, vector<16xi32>,
        %ge3A_166 = vector.broadcast %mul3A_4 : i32 to vector<16xi32>
        %ge3A_167 = arith.cmpi sge, %get3A_161, %ge3A_166 : vector<16xi32>
        %lt3A_168 = vector.broadcast %add3A_6 : i32 to vector<16xi32>
        %lt3A_169 = arith.cmpi slt, %get3A_161, %lt3A_168 : vector<16xi32>
        %and3A_170 = arith.andi %ge3A_167, %lt3A_169 : vector<16xi1>
        %sub3A_171 = vector.broadcast %mul3A_4 : i32 to vector<16xi32>
        %sub3A_172 = arith.subi %get3A_161, %sub3A_171 : vector<16xi32>
        %mul3A_173 = arith.constant 512 : i32
        %mul3A_174 = vector.broadcast %mul3A_173 : i32 to vector<16xi32>
        %mul3A_175 = arith.muli %sub3A_172, %mul3A_174 : vector<16xi32>
        %add3A_176 = arith.addi %mul3A_175, %get3A_165 : vector<16xi32>
        tpu.vector_store_idx %arg8[%add3A_176], %broadcast_in_dim3A_14 masked %and3A_170 : memref<16384xf32, #tpu.memory_space<vmem>>[vector<16xi32>], vector<16xf32>, vector<16xi1>
        %scan3A_177 = arith.constant 1 : i32
        %scan3A_178 = arith.addi %scan3A_157, %scan3A_177 : i32
        %mul3A_179 = arith.constant 16 : i32
        %mul3A_180 = arith.muli %scan3A_178, %mul3A_179 : i32
        %get3A_181 = arith.index_cast %mul3A_180 : i32 to index
        %get3A_182 = tpu.vector_load %arg7[%get3A_181] {strides = array<i32>} : memref<26080xi32, #tpu.memory_space<vmem>>, vector<16xi32>,
        %mul3A_183 = arith.constant 16 : i32
        %mul3A_184 = arith.muli %scan3A_178, %mul3A_183 : i32
        %get3A_185 = arith.index_cast %mul3A_184 : i32 to index
        %get3A_186 = tpu.vector_load %arg6[%get3A_185] {strides = array<i32>} : memref<26080xi32, #tpu.memory_space<vmem>>, vector<16xi32>,
        %ge3A_187 = vector.broadcast %mul3A_4 : i32 to vector<16xi32>
        %ge3A_188 = arith.cmpi sge, %get3A_182, %ge3A_187 : vector<16xi32>
        %lt3A_189 = vector.broadcast %add3A_6 : i32 to vector<16xi32>
        %lt3A_190 = arith.cmpi slt, %get3A_182, %lt3A_189 : vector<16xi32>
        %and3A_191 = arith.andi %ge3A_188, %lt3A_190 : vector<16xi1>
        %sub3A_192 = vector.broadcast %mul3A_4 : i32 to vector<16xi32>
        %sub3A_193 = arith.subi %get3A_182, %sub3A_192 : vector<16xi32>
        %mul3A_194 = arith.constant 512 : i32
        %mul3A_195 = vector.broadcast %mul3A_194 : i32 to vector<16xi32>
        %mul3A_196 = arith.muli %sub3A_193, %mul3A_195 : vector<16xi32>
        %add3A_197 = arith.addi %mul3A_196, %get3A_186 : vector<16xi32>
        tpu.vector_store_idx %arg8[%add3A_197], %broadcast_in_dim3A_14 masked %and3A_191 : memref<16384xf32, #tpu.memory_space<vmem>>[vector<16xi32>], vector<16xf32>, vector<16xi1>
        %scan3A_198 = arith.constant 2 : i32
        %scan3A_199 = arith.addi %scan3A_157, %scan3A_198 : i32
        %mul3A_200 = arith.constant 16 : i32
        %mul3A_201 = arith.muli %scan3A_199, %mul3A_200 : i32
        %get3A_202 = arith.index_cast %mul3A_201 : i32 to index
        %get3A_203 = tpu.vector_load %arg7[%get3A_202] {strides = array<i32>} : memref<26080xi32, #tpu.memory_space<vmem>>, vector<16xi32>,
        %mul3A_204 = arith.constant 16 : i32
        %mul3A_205 = arith.muli %scan3A_199, %mul3A_204 : i32
        %get3A_206 = arith.index_cast %mul3A_205 : i32 to index
        %get3A_207 = tpu.vector_load %arg6[%get3A_206] {strides = array<i32>} : memref<26080xi32, #tpu.memory_space<vmem>>, vector<16xi32>,
        %ge3A_208 = vector.broadcast %mul3A_4 : i32 to vector<16xi32>
        %ge3A_209 = arith.cmpi sge, %get3A_203, %ge3A_208 : vector<16xi32>
        %lt3A_210 = vector.broadcast %add3A_6 : i32 to vector<16xi32>
        %lt3A_211 = arith.cmpi slt, %get3A_203, %lt3A_210 : vector<16xi32>
        %and3A_212 = arith.andi %ge3A_209, %lt3A_211 : vector<16xi1>
        %sub3A_213 = vector.broadcast %mul3A_4 : i32 to vector<16xi32>
        %sub3A_214 = arith.subi %get3A_203, %sub3A_213 : vector<16xi32>
        %mul3A_215 = arith.constant 512 : i32
        %mul3A_216 = vector.broadcast %mul3A_215 : i32 to vector<16xi32>
        %mul3A_217 = arith.muli %sub3A_214, %mul3A_216 : vector<16xi32>
        %add3A_218 = arith.addi %mul3A_217, %get3A_207 : vector<16xi32>
        tpu.vector_store_idx %arg8[%add3A_218], %broadcast_in_dim3A_14 masked %and3A_212 : memref<16384xf32, #tpu.memory_space<vmem>>[vector<16xi32>], vector<16xf32>, vector<16xi1>
        %scan3A_219 = arith.constant 3 : i32
        %scan3A_220 = arith.addi %scan3A_157, %scan3A_219 : i32
        %mul3A_221 = arith.constant 16 : i32
        %mul3A_222 = arith.muli %scan3A_220, %mul3A_221 : i32
        %get3A_223 = arith.index_cast %mul3A_222 : i32 to index
        %get3A_224 = tpu.vector_load %arg7[%get3A_223] {strides = array<i32>} : memref<26080xi32, #tpu.memory_space<vmem>>, vector<16xi32>,
        %mul3A_225 = arith.constant 16 : i32
        %mul3A_226 = arith.muli %scan3A_220, %mul3A_225 : i32
        %get3A_227 = arith.index_cast %mul3A_226 : i32 to index
        %get3A_228 = tpu.vector_load %arg6[%get3A_227] {strides = array<i32>} : memref<26080xi32, #tpu.memory_space<vmem>>, vector<16xi32>,
        %ge3A_229 = vector.broadcast %mul3A_4 : i32 to vector<16xi32>
        %ge3A_230 = arith.cmpi sge, %get3A_224, %ge3A_229 : vector<16xi32>
        %lt3A_231 = vector.broadcast %add3A_6 : i32 to vector<16xi32>
        %lt3A_232 = arith.cmpi slt, %get3A_224, %lt3A_231 : vector<16xi32>
        %and3A_233 = arith.andi %ge3A_230, %lt3A_232 : vector<16xi1>
        %sub3A_234 = vector.broadcast %mul3A_4 : i32 to vector<16xi32>
        %sub3A_235 = arith.subi %get3A_224, %sub3A_234 : vector<16xi32>
        %mul3A_236 = arith.constant 512 : i32
        %mul3A_237 = vector.broadcast %mul3A_236 : i32 to vector<16xi32>
        %mul3A_238 = arith.muli %sub3A_235, %mul3A_237 : vector<16xi32>
        %add3A_239 = arith.addi %mul3A_238, %get3A_228 : vector<16xi32>
        tpu.vector_store_idx %arg8[%add3A_239], %broadcast_in_dim3A_14 masked %and3A_233 : memref<16384xf32, #tpu.memory_space<vmem>>[vector<16xi32>], vector<16xf32>, vector<16xi1>
        %scan3A_240 = arith.constant 4 : i32
        %scan3A_241 = arith.addi %scan3A_157, %scan3A_240 : i32
        %mul3A_242 = arith.constant 16 : i32
        %mul3A_243 = arith.muli %scan3A_241, %mul3A_242 : i32
        %get3A_244 = arith.index_cast %mul3A_243 : i32 to index
        %get3A_245 = tpu.vector_load %arg7[%get3A_244] {strides = array<i32>} : memref<26080xi32, #tpu.memory_space<vmem>>, vector<16xi32>,
        %mul3A_246 = arith.constant 16 : i32
        %mul3A_247 = arith.muli %scan3A_241, %mul3A_246 : i32
        %get3A_248 = arith.index_cast %mul3A_247 : i32 to index
        %get3A_249 = tpu.vector_load %arg6[%get3A_248] {strides = array<i32>} : memref<26080xi32, #tpu.memory_space<vmem>>, vector<16xi32>,
        %ge3A_250 = vector.broadcast %mul3A_4 : i32 to vector<16xi32>
        %ge3A_251 = arith.cmpi sge, %get3A_245, %ge3A_250 : vector<16xi32>
        %lt3A_252 = vector.broadcast %add3A_6 : i32 to vector<16xi32>
        %lt3A_253 = arith.cmpi slt, %get3A_245, %lt3A_252 : vector<16xi32>
        %and3A_254 = arith.andi %ge3A_251, %lt3A_253 : vector<16xi1>
        %sub3A_255 = vector.broadcast %mul3A_4 : i32 to vector<16xi32>
        %sub3A_256 = arith.subi %get3A_245, %sub3A_255 : vector<16xi32>
        %mul3A_257 = arith.constant 512 : i32
        %mul3A_258 = vector.broadcast %mul3A_257 : i32 to vector<16xi32>
        %mul3A_259 = arith.muli %sub3A_256, %mul3A_258 : vector<16xi32>
        %add3A_260 = arith.addi %mul3A_259, %get3A_249 : vector<16xi32>
        tpu.vector_store_idx %arg8[%add3A_260], %broadcast_in_dim3A_14 masked %and3A_254 : memref<16384xf32, #tpu.memory_space<vmem>>[vector<16xi32>], vector<16xf32>, vector<16xi1>
        %scan3A_261 = arith.constant 5 : i32
        %scan3A_262 = arith.addi %scan3A_157, %scan3A_261 : i32
        %mul3A_263 = arith.constant 16 : i32
        %mul3A_264 = arith.muli %scan3A_262, %mul3A_263 : i32
        %get3A_265 = arith.index_cast %mul3A_264 : i32 to index
        %get3A_266 = tpu.vector_load %arg7[%get3A_265] {strides = array<i32>} : memref<26080xi32, #tpu.memory_space<vmem>>, vector<16xi32>,
        %mul3A_267 = arith.constant 16 : i32
        %mul3A_268 = arith.muli %scan3A_262, %mul3A_267 : i32
        %get3A_269 = arith.index_cast %mul3A_268 : i32 to index
        %get3A_270 = tpu.vector_load %arg6[%get3A_269] {strides = array<i32>} : memref<26080xi32, #tpu.memory_space<vmem>>, vector<16xi32>,
        %ge3A_271 = vector.broadcast %mul3A_4 : i32 to vector<16xi32>
        %ge3A_272 = arith.cmpi sge, %get3A_266, %ge3A_271 : vector<16xi32>
        %lt3A_273 = vector.broadcast %add3A_6 : i32 to vector<16xi32>
        %lt3A_274 = arith.cmpi slt, %get3A_266, %lt3A_273 : vector<16xi32>
        %and3A_275 = arith.andi %ge3A_272, %lt3A_274 : vector<16xi1>
        %sub3A_276 = vector.broadcast %mul3A_4 : i32 to vector<16xi32>
        %sub3A_277 = arith.subi %get3A_266, %sub3A_276 : vector<16xi32>
        %mul3A_278 = arith.constant 512 : i32
        %mul3A_279 = vector.broadcast %mul3A_278 : i32 to vector<16xi32>
        %mul3A_280 = arith.muli %sub3A_277, %mul3A_279 : vector<16xi32>
        %add3A_281 = arith.addi %mul3A_280, %get3A_270 : vector<16xi32>
        tpu.vector_store_idx %arg8[%add3A_281], %broadcast_in_dim3A_14 masked %and3A_275 : memref<16384xf32, #tpu.memory_space<vmem>>[vector<16xi32>], vector<16xf32>, vector<16xi1>
        %scan3A_282 = arith.constant 6 : i32
        %scan3A_283 = arith.addi %scan3A_157, %scan3A_282 : i32
        %mul3A_284 = arith.constant 16 : i32
        %mul3A_285 = arith.muli %scan3A_283, %mul3A_284 : i32
        %get3A_286 = arith.index_cast %mul3A_285 : i32 to index
        %get3A_287 = tpu.vector_load %arg7[%get3A_286] {strides = array<i32>} : memref<26080xi32, #tpu.memory_space<vmem>>, vector<16xi32>,
        %mul3A_288 = arith.constant 16 : i32
        %mul3A_289 = arith.muli %scan3A_283, %mul3A_288 : i32
        %get3A_290 = arith.index_cast %mul3A_289 : i32 to index
        %get3A_291 = tpu.vector_load %arg6[%get3A_290] {strides = array<i32>} : memref<26080xi32, #tpu.memory_space<vmem>>, vector<16xi32>,
        %ge3A_292 = vector.broadcast %mul3A_4 : i32 to vector<16xi32>
        %ge3A_293 = arith.cmpi sge, %get3A_287, %ge3A_292 : vector<16xi32>
        %lt3A_294 = vector.broadcast %add3A_6 : i32 to vector<16xi32>
        %lt3A_295 = arith.cmpi slt, %get3A_287, %lt3A_294 : vector<16xi32>
        %and3A_296 = arith.andi %ge3A_293, %lt3A_295 : vector<16xi1>
        %sub3A_297 = vector.broadcast %mul3A_4 : i32 to vector<16xi32>
        %sub3A_298 = arith.subi %get3A_287, %sub3A_297 : vector<16xi32>
        %mul3A_299 = arith.constant 512 : i32
        %mul3A_300 = vector.broadcast %mul3A_299 : i32 to vector<16xi32>
        %mul3A_301 = arith.muli %sub3A_298, %mul3A_300 : vector<16xi32>
        %add3A_302 = arith.addi %mul3A_301, %get3A_291 : vector<16xi32>
        tpu.vector_store_idx %arg8[%add3A_302], %broadcast_in_dim3A_14 masked %and3A_296 : memref<16384xf32, #tpu.memory_space<vmem>>[vector<16xi32>], vector<16xf32>, vector<16xi1>
        %scan3A_303 = arith.constant 7 : i32
        %scan3A_304 = arith.addi %scan3A_157, %scan3A_303 : i32
        %mul3A_305 = arith.constant 16 : i32
        %mul3A_306 = arith.muli %scan3A_304, %mul3A_305 : i32
        %get3A_307 = arith.index_cast %mul3A_306 : i32 to index
        %get3A_308 = tpu.vector_load %arg7[%get3A_307] {strides = array<i32>} : memref<26080xi32, #tpu.memory_space<vmem>>, vector<16xi32>,
        %mul3A_309 = arith.constant 16 : i32
        %mul3A_310 = arith.muli %scan3A_304, %mul3A_309 : i32
        %get3A_311 = arith.index_cast %mul3A_310 : i32 to index
        %get3A_312 = tpu.vector_load %arg6[%get3A_311] {strides = array<i32>} : memref<26080xi32, #tpu.memory_space<vmem>>, vector<16xi32>,
        %ge3A_313 = vector.broadcast %mul3A_4 : i32 to vector<16xi32>
        %ge3A_314 = arith.cmpi sge, %get3A_308, %ge3A_313 : vector<16xi32>
        %lt3A_315 = vector.broadcast %add3A_6 : i32 to vector<16xi32>
        %lt3A_316 = arith.cmpi slt, %get3A_308, %lt3A_315 : vector<16xi32>
        %and3A_317 = arith.andi %ge3A_314, %lt3A_316 : vector<16xi1>
        %sub3A_318 = vector.broadcast %mul3A_4 : i32 to vector<16xi32>
        %sub3A_319 = arith.subi %get3A_308, %sub3A_318 : vector<16xi32>
        %mul3A_320 = arith.constant 512 : i32
        %mul3A_321 = vector.broadcast %mul3A_320 : i32 to vector<16xi32>
        %mul3A_322 = arith.muli %sub3A_319, %mul3A_321 : vector<16xi32>
        %add3A_323 = arith.addi %mul3A_322, %get3A_312 : vector<16xi32>
        tpu.vector_store_idx %arg8[%add3A_323], %broadcast_in_dim3A_14 masked %and3A_317 : memref<16384xf32, #tpu.memory_space<vmem>>[vector<16xi32>], vector<16xf32>, vector<16xi1>
      }
      %scan3A_33 = arith.constant 1624 : i32
      %scan3A_34 = arith.addi %scan3A_29, %scan3A_33 : i32
      %mul3A_35 = arith.constant 16 : i32
      %mul3A_36 = arith.muli %scan3A_34, %mul3A_35 : i32
      %get3A = arith.index_cast %mul3A_36 : i32 to index
      %get3A_37 = tpu.vector_load %arg7[%get3A] {strides = array<i32>} : memref<26080xi32, #tpu.memory_space<vmem>>, vector<16xi32>,
      %mul3A_38 = arith.constant 16 : i32
      %mul3A_39 = arith.muli %scan3A_34, %mul3A_38 : i32
      %get3A_40 = arith.index_cast %mul3A_39 : i32 to index
      %get3A_41 = tpu.vector_load %arg6[%get3A_40] {strides = array<i32>} : memref<26080xi32, #tpu.memory_space<vmem>>, vector<16xi32>,
      %ge3A = vector.broadcast %mul3A_4 : i32 to vector<16xi32>
      %ge3A_42 = arith.cmpi sge, %get3A_37, %ge3A : vector<16xi32>
      %lt3A_43 = vector.broadcast %add3A_6 : i32 to vector<16xi32>
      %lt3A_44 = arith.cmpi slt, %get3A_37, %lt3A_43 : vector<16xi32>
      %and3A = arith.andi %ge3A_42, %lt3A_44 : vector<16xi1>
      %sub3A_45 = vector.broadcast %mul3A_4 : i32 to vector<16xi32>
      %sub3A_46 = arith.subi %get3A_37, %sub3A_45 : vector<16xi32>
      %mul3A_47 = arith.constant 512 : i32
      %mul3A_48 = vector.broadcast %mul3A_47 : i32 to vector<16xi32>
      %mul3A_49 = arith.muli %sub3A_46, %mul3A_48 : vector<16xi32>
      %add3A_50 = arith.addi %mul3A_49, %get3A_41 : vector<16xi32>
      tpu.vector_store_idx %arg8[%add3A_50], %broadcast_in_dim3A_14 masked %and3A : memref<16384xf32, #tpu.memory_space<vmem>>[vector<16xi32>], vector<16xf32>, vector<16xi1>
      %scan3A_51 = arith.constant 1625 : i32
      %scan3A_52 = arith.addi %scan3A_29, %scan3A_51 : i32
      %mul3A_53 = arith.constant 16 : i32
      %mul3A_54 = arith.muli %scan3A_52, %mul3A_53 : i32
      %get3A_55 = arith.index_cast %mul3A_54 : i32 to index
      %get3A_56 = tpu.vector_load %arg7[%get3A_55] {strides = array<i32>} : memref<26080xi32, #tpu.memory_space<vmem>>, vector<16xi32>,
      %mul3A_57 = arith.constant 16 : i32
      %mul3A_58 = arith.muli %scan3A_52, %mul3A_57 : i32
      %get3A_59 = arith.index_cast %mul3A_58 : i32 to index
      %get3A_60 = tpu.vector_load %arg6[%get3A_59] {strides = array<i32>} : memref<26080xi32, #tpu.memory_space<vmem>>, vector<16xi32>,
      %ge3A_61 = vector.broadcast %mul3A_4 : i32 to vector<16xi32>
      %ge3A_62 = arith.cmpi sge, %get3A_56, %ge3A_61 : vector<16xi32>
      %lt3A_63 = vector.broadcast %add3A_6 : i32 to vector<16xi32>
      %lt3A_64 = arith.cmpi slt, %get3A_56, %lt3A_63 : vector<16xi32>
      %and3A_65 = arith.andi %ge3A_62, %lt3A_64 : vector<16xi1>
      %sub3A_66 = vector.broadcast %mul3A_4 : i32 to vector<16xi32>
      %sub3A_67 = arith.subi %get3A_56, %sub3A_66 : vector<16xi32>
      %mul3A_68 = arith.constant 512 : i32
      %mul3A_69 = vector.broadcast %mul3A_68 : i32 to vector<16xi32>
      %mul3A_70 = arith.muli %sub3A_67, %mul3A_69 : vector<16xi32>
      %add3A_71 = arith.addi %mul3A_70, %get3A_60 : vector<16xi32>
      tpu.vector_store_idx %arg8[%add3A_71], %broadcast_in_dim3A_14 masked %and3A_65 : memref<16384xf32, #tpu.memory_space<vmem>>[vector<16xi32>], vector<16xf32>, vector<16xi1>
      %scan3A_72 = arith.constant 1626 : i32
      %scan3A_73 = arith.addi %scan3A_29, %scan3A_72 : i32
      %mul3A_74 = arith.constant 16 : i32
      %mul3A_75 = arith.muli %scan3A_73, %mul3A_74 : i32
      %get3A_76 = arith.index_cast %mul3A_75 : i32 to index
      %get3A_77 = tpu.vector_load %arg7[%get3A_76] {strides = array<i32>} : memref<26080xi32, #tpu.memory_space<vmem>>, vector<16xi32>,
      %mul3A_78 = arith.constant 16 : i32
      %mul3A_79 = arith.muli %scan3A_73, %mul3A_78 : i32
      %get3A_80 = arith.index_cast %mul3A_79 : i32 to index
      %get3A_81 = tpu.vector_load %arg6[%get3A_80] {strides = array<i32>} : memref<26080xi32, #tpu.memory_space<vmem>>, vector<16xi32>,
      %ge3A_82 = vector.broadcast %mul3A_4 : i32 to vector<16xi32>
      %ge3A_83 = arith.cmpi sge, %get3A_77, %ge3A_82 : vector<16xi32>
      %lt3A_84 = vector.broadcast %add3A_6 : i32 to vector<16xi32>
      %lt3A_85 = arith.cmpi slt, %get3A_77, %lt3A_84 : vector<16xi32>
      %and3A_86 = arith.andi %ge3A_83, %lt3A_85 : vector<16xi1>
      %sub3A_87 = vector.broadcast %mul3A_4 : i32 to vector<16xi32>
      %sub3A_88 = arith.subi %get3A_77, %sub3A_87 : vector<16xi32>
      %mul3A_89 = arith.constant 512 : i32
      %mul3A_90 = vector.broadcast %mul3A_89 : i32 to vector<16xi32>
      %mul3A_91 = arith.muli %sub3A_88, %mul3A_90 : vector<16xi32>
      %add3A_92 = arith.addi %mul3A_91, %get3A_81 : vector<16xi32>
      tpu.vector_store_idx %arg8[%add3A_92], %broadcast_in_dim3A_14 masked %and3A_86 : memref<16384xf32, #tpu.memory_space<vmem>>[vector<16xi32>], vector<16xf32>, vector<16xi1>
      %scan3A_93 = arith.constant 1627 : i32
      %scan3A_94 = arith.addi %scan3A_29, %scan3A_93 : i32
      %mul3A_95 = arith.constant 16 : i32
      %mul3A_96 = arith.muli %scan3A_94, %mul3A_95 : i32
      %get3A_97 = arith.index_cast %mul3A_96 : i32 to index
      %get3A_98 = tpu.vector_load %arg7[%get3A_97] {strides = array<i32>} : memref<26080xi32, #tpu.memory_space<vmem>>, vector<16xi32>,
      %mul3A_99 = arith.constant 16 : i32
      %mul3A_100 = arith.muli %scan3A_94, %mul3A_99 : i32
      %get3A_101 = arith.index_cast %mul3A_100 : i32 to index
      %get3A_102 = tpu.vector_load %arg6[%get3A_101] {strides = array<i32>} : memref<26080xi32, #tpu.memory_space<vmem>>, vector<16xi32>,
      %ge3A_103 = vector.broadcast %mul3A_4 : i32 to vector<16xi32>
      %ge3A_104 = arith.cmpi sge, %get3A_98, %ge3A_103 : vector<16xi32>
      %lt3A_105 = vector.broadcast %add3A_6 : i32 to vector<16xi32>
      %lt3A_106 = arith.cmpi slt, %get3A_98, %lt3A_105 : vector<16xi32>
      %and3A_107 = arith.andi %ge3A_104, %lt3A_106 : vector<16xi1>
      %sub3A_108 = vector.broadcast %mul3A_4 : i32 to vector<16xi32>
      %sub3A_109 = arith.subi %get3A_98, %sub3A_108 : vector<16xi32>
      %mul3A_110 = arith.constant 512 : i32
      %mul3A_111 = vector.broadcast %mul3A_110 : i32 to vector<16xi32>
      %mul3A_112 = arith.muli %sub3A_109, %mul3A_111 : vector<16xi32>
      %add3A_113 = arith.addi %mul3A_112, %get3A_102 : vector<16xi32>
      tpu.vector_store_idx %arg8[%add3A_113], %broadcast_in_dim3A_14 masked %and3A_107 : memref<16384xf32, #tpu.memory_space<vmem>>[vector<16xi32>], vector<16xf32>, vector<16xi1>
      %scan3A_114 = arith.constant 1628 : i32
      %scan3A_115 = arith.addi %scan3A_29, %scan3A_114 : i32
      %mul3A_116 = arith.constant 16 : i32
      %mul3A_117 = arith.muli %scan3A_115, %mul3A_116 : i32
      %get3A_118 = arith.index_cast %mul3A_117 : i32 to index
      %get3A_119 = tpu.vector_load %arg7[%get3A_118] {strides = array<i32>} : memref<26080xi32, #tpu.memory_space<vmem>>, vector<16xi32>,
      %mul3A_120 = arith.constant 16 : i32
      %mul3A_121 = arith.muli %scan3A_115, %mul3A_120 : i32
      %get3A_122 = arith.index_cast %mul3A_121 : i32 to index
      %get3A_123 = tpu.vector_load %arg6[%get3A_122] {strides = array<i32>} : memref<26080xi32, #tpu.memory_space<vmem>>, vector<16xi32>,
      %ge3A_124 = vector.broadcast %mul3A_4 : i32 to vector<16xi32>
      %ge3A_125 = arith.cmpi sge, %get3A_119, %ge3A_124 : vector<16xi32>
      %lt3A_126 = vector.broadcast %add3A_6 : i32 to vector<16xi32>
      %lt3A_127 = arith.cmpi slt, %get3A_119, %lt3A_126 : vector<16xi32>
      %and3A_128 = arith.andi %ge3A_125, %lt3A_127 : vector<16xi1>
      %sub3A_129 = vector.broadcast %mul3A_4 : i32 to vector<16xi32>
      %sub3A_130 = arith.subi %get3A_119, %sub3A_129 : vector<16xi32>
      %mul3A_131 = arith.constant 512 : i32
      %mul3A_132 = vector.broadcast %mul3A_131 : i32 to vector<16xi32>
      %mul3A_133 = arith.muli %sub3A_130, %mul3A_132 : vector<16xi32>
      %add3A_134 = arith.addi %mul3A_133, %get3A_123 : vector<16xi32>
      tpu.vector_store_idx %arg8[%add3A_134], %broadcast_in_dim3A_14 masked %and3A_128 : memref<16384xf32, #tpu.memory_space<vmem>>[vector<16xi32>], vector<16xf32>, vector<16xi1>
      %scan3A_135 = arith.constant 1629 : i32
      %scan3A_136 = arith.addi %scan3A_29, %scan3A_135 : i32
      %mul3A_137 = arith.constant 16 : i32
      %mul3A_138 = arith.muli %scan3A_136, %mul3A_137 : i32
      %get3A_139 = arith.index_cast %mul3A_138 : i32 to index
      %get3A_140 = tpu.vector_load %arg7[%get3A_139] {strides = array<i32>} : memref<26080xi32, #tpu.memory_space<vmem>>, vector<16xi32>,
      %mul3A_141 = arith.constant 16 : i32
      %mul3A_142 = arith.muli %scan3A_136, %mul3A_141 : i32
      %get3A_143 = arith.index_cast %mul3A_142 : i32 to index
      %get3A_144 = tpu.vector_load %arg6[%get3A_143] {strides = array<i32>} : memref<26080xi32, #tpu.memory_space<vmem>>, vector<16xi32>,
      %ge3A_145 = vector.broadcast %mul3A_4 : i32 to vector<16xi32>
      %ge3A_146 = arith.cmpi sge, %get3A_140, %ge3A_145 : vector<16xi32>
      %lt3A_147 = vector.broadcast %add3A_6 : i32 to vector<16xi32>
      %lt3A_148 = arith.cmpi slt, %get3A_140, %lt3A_147 : vector<16xi32>
      %and3A_149 = arith.andi %ge3A_146, %lt3A_148 : vector<16xi1>
      %sub3A_150 = vector.broadcast %mul3A_4 : i32 to vector<16xi32>
      %sub3A_151 = arith.subi %get3A_140, %sub3A_150 : vector<16xi32>
      %mul3A_152 = arith.constant 512 : i32
      %mul3A_153 = vector.broadcast %mul3A_152 : i32 to vector<16xi32>
      %mul3A_154 = arith.muli %sub3A_151, %mul3A_153 : vector<16xi32>
      %add3A_155 = arith.addi %mul3A_154, %get3A_144 : vector<16xi32>
      tpu.vector_store_idx %arg8[%add3A_155], %broadcast_in_dim3A_14 masked %and3A_149 : memref<16384xf32, #tpu.memory_space<vmem>>[vector<16xi32>], vector<16xf32>, vector<16xi1>
      %scan3A_156 = arith.constant 1630 : i32
    } else {
    }
    %not3A = arith.constant true
    %not3A_16 = arith.xori %lt3A_1, %not3A : i1
    %convert_element_type3A_17 = arith.extui %not3A_16 : i1 to i32
    %cond3A_18 = arith.constant 0 : i32
    %cond3A_19 = arith.cmpi ne, %convert_element_type3A_17, %cond3A_18 : i32
    scf.if %cond3A_19 {
      %scan3A_28 = arith.constant 0 : i32
      %scan3A_29 = arith.constant 0 : i32
      %scan3A_30 = arith.constant 1624 : i32
      %scan3A_31 = arith.addi %scan3A_29, %scan3A_30 : i32
      %scan3A_32 = arith.constant 8 : i32
      scf.for %scan3A_157 = %scan3A_29 to %scan3A_31 step %scan3A_32  : i32 {
        %mul3A_158 = arith.constant 16 : i32
        %mul3A_159 = arith.muli %scan3A_157, %mul3A_158 : i32
        %get3A_160 = arith.index_cast %mul3A_159 : i32 to index
        %get3A_161 = tpu.vector_load %arg6[%get3A_160] {strides = array<i32>} : memref<26080xi32, #tpu.memory_space<vmem>>, vector<16xi32>,
        %mul3A_162 = arith.constant 16 : i32
        %mul3A_163 = arith.muli %scan3A_157, %mul3A_162 : i32
        %get3A_164 = arith.index_cast %mul3A_163 : i32 to index
        %get3A_165 = tpu.vector_load %arg7[%get3A_164] {strides = array<i32>} : memref<26080xi32, #tpu.memory_space<vmem>>, vector<16xi32>,
        %ge3A_166 = vector.broadcast %mul3A_4 : i32 to vector<16xi32>
        %ge3A_167 = arith.cmpi sge, %get3A_161, %ge3A_166 : vector<16xi32>
        %lt3A_168 = vector.broadcast %add3A_6 : i32 to vector<16xi32>
        %lt3A_169 = arith.cmpi slt, %get3A_161, %lt3A_168 : vector<16xi32>
        %and3A_170 = arith.andi %ge3A_167, %lt3A_169 : vector<16xi1>
        %sub3A_171 = vector.broadcast %mul3A_4 : i32 to vector<16xi32>
        %sub3A_172 = arith.subi %get3A_161, %sub3A_171 : vector<16xi32>
        %mul3A_173 = arith.constant 512 : i32
        %mul3A_174 = vector.broadcast %mul3A_173 : i32 to vector<16xi32>
        %mul3A_175 = arith.muli %sub3A_172, %mul3A_174 : vector<16xi32>
        %add3A_176 = arith.addi %mul3A_175, %get3A_165 : vector<16xi32>
        tpu.vector_store_idx %arg8[%add3A_176], %broadcast_in_dim3A_14 masked %and3A_170 : memref<16384xf32, #tpu.memory_space<vmem>>[vector<16xi32>], vector<16xf32>, vector<16xi1>
        %scan3A_177 = arith.constant 1 : i32
        %scan3A_178 = arith.addi %scan3A_157, %scan3A_177 : i32
        %mul3A_179 = arith.constant 16 : i32
        %mul3A_180 = arith.muli %scan3A_178, %mul3A_179 : i32
        %get3A_181 = arith.index_cast %mul3A_180 : i32 to index
        %get3A_182 = tpu.vector_load %arg6[%get3A_181] {strides = array<i32>} : memref<26080xi32, #tpu.memory_space<vmem>>, vector<16xi32>,
        %mul3A_183 = arith.constant 16 : i32
        %mul3A_184 = arith.muli %scan3A_178, %mul3A_183 : i32
        %get3A_185 = arith.index_cast %mul3A_184 : i32 to index
        %get3A_186 = tpu.vector_load %arg7[%get3A_185] {strides = array<i32>} : memref<26080xi32, #tpu.memory_space<vmem>>, vector<16xi32>,
        %ge3A_187 = vector.broadcast %mul3A_4 : i32 to vector<16xi32>
        %ge3A_188 = arith.cmpi sge, %get3A_182, %ge3A_187 : vector<16xi32>
        %lt3A_189 = vector.broadcast %add3A_6 : i32 to vector<16xi32>
        %lt3A_190 = arith.cmpi slt, %get3A_182, %lt3A_189 : vector<16xi32>
        %and3A_191 = arith.andi %ge3A_188, %lt3A_190 : vector<16xi1>
        %sub3A_192 = vector.broadcast %mul3A_4 : i32 to vector<16xi32>
        %sub3A_193 = arith.subi %get3A_182, %sub3A_192 : vector<16xi32>
        %mul3A_194 = arith.constant 512 : i32
        %mul3A_195 = vector.broadcast %mul3A_194 : i32 to vector<16xi32>
        %mul3A_196 = arith.muli %sub3A_193, %mul3A_195 : vector<16xi32>
        %add3A_197 = arith.addi %mul3A_196, %get3A_186 : vector<16xi32>
        tpu.vector_store_idx %arg8[%add3A_197], %broadcast_in_dim3A_14 masked %and3A_191 : memref<16384xf32, #tpu.memory_space<vmem>>[vector<16xi32>], vector<16xf32>, vector<16xi1>
        %scan3A_198 = arith.constant 2 : i32
        %scan3A_199 = arith.addi %scan3A_157, %scan3A_198 : i32
        %mul3A_200 = arith.constant 16 : i32
        %mul3A_201 = arith.muli %scan3A_199, %mul3A_200 : i32
        %get3A_202 = arith.index_cast %mul3A_201 : i32 to index
        %get3A_203 = tpu.vector_load %arg6[%get3A_202] {strides = array<i32>} : memref<26080xi32, #tpu.memory_space<vmem>>, vector<16xi32>,
        %mul3A_204 = arith.constant 16 : i32
        %mul3A_205 = arith.muli %scan3A_199, %mul3A_204 : i32
        %get3A_206 = arith.index_cast %mul3A_205 : i32 to index
        %get3A_207 = tpu.vector_load %arg7[%get3A_206] {strides = array<i32>} : memref<26080xi32, #tpu.memory_space<vmem>>, vector<16xi32>,
        %ge3A_208 = vector.broadcast %mul3A_4 : i32 to vector<16xi32>
        %ge3A_209 = arith.cmpi sge, %get3A_203, %ge3A_208 : vector<16xi32>
        %lt3A_210 = vector.broadcast %add3A_6 : i32 to vector<16xi32>
        %lt3A_211 = arith.cmpi slt, %get3A_203, %lt3A_210 : vector<16xi32>
        %and3A_212 = arith.andi %ge3A_209, %lt3A_211 : vector<16xi1>
        %sub3A_213 = vector.broadcast %mul3A_4 : i32 to vector<16xi32>
        %sub3A_214 = arith.subi %get3A_203, %sub3A_213 : vector<16xi32>
        %mul3A_215 = arith.constant 512 : i32
        %mul3A_216 = vector.broadcast %mul3A_215 : i32 to vector<16xi32>
        %mul3A_217 = arith.muli %sub3A_214, %mul3A_216 : vector<16xi32>
        %add3A_218 = arith.addi %mul3A_217, %get3A_207 : vector<16xi32>
        tpu.vector_store_idx %arg8[%add3A_218], %broadcast_in_dim3A_14 masked %and3A_212 : memref<16384xf32, #tpu.memory_space<vmem>>[vector<16xi32>], vector<16xf32>, vector<16xi1>
        %scan3A_219 = arith.constant 3 : i32
        %scan3A_220 = arith.addi %scan3A_157, %scan3A_219 : i32
        %mul3A_221 = arith.constant 16 : i32
        %mul3A_222 = arith.muli %scan3A_220, %mul3A_221 : i32
        %get3A_223 = arith.index_cast %mul3A_222 : i32 to index
        %get3A_224 = tpu.vector_load %arg6[%get3A_223] {strides = array<i32>} : memref<26080xi32, #tpu.memory_space<vmem>>, vector<16xi32>,
        %mul3A_225 = arith.constant 16 : i32
        %mul3A_226 = arith.muli %scan3A_220, %mul3A_225 : i32
        %get3A_227 = arith.index_cast %mul3A_226 : i32 to index
        %get3A_228 = tpu.vector_load %arg7[%get3A_227] {strides = array<i32>} : memref<26080xi32, #tpu.memory_space<vmem>>, vector<16xi32>,
        %ge3A_229 = vector.broadcast %mul3A_4 : i32 to vector<16xi32>
        %ge3A_230 = arith.cmpi sge, %get3A_224, %ge3A_229 : vector<16xi32>
        %lt3A_231 = vector.broadcast %add3A_6 : i32 to vector<16xi32>
        %lt3A_232 = arith.cmpi slt, %get3A_224, %lt3A_231 : vector<16xi32>
        %and3A_233 = arith.andi %ge3A_230, %lt3A_232 : vector<16xi1>
        %sub3A_234 = vector.broadcast %mul3A_4 : i32 to vector<16xi32>
        %sub3A_235 = arith.subi %get3A_224, %sub3A_234 : vector<16xi32>
        %mul3A_236 = arith.constant 512 : i32
        %mul3A_237 = vector.broadcast %mul3A_236 : i32 to vector<16xi32>
        %mul3A_238 = arith.muli %sub3A_235, %mul3A_237 : vector<16xi32>
        %add3A_239 = arith.addi %mul3A_238, %get3A_228 : vector<16xi32>
        tpu.vector_store_idx %arg8[%add3A_239], %broadcast_in_dim3A_14 masked %and3A_233 : memref<16384xf32, #tpu.memory_space<vmem>>[vector<16xi32>], vector<16xf32>, vector<16xi1>
        %scan3A_240 = arith.constant 4 : i32
        %scan3A_241 = arith.addi %scan3A_157, %scan3A_240 : i32
        %mul3A_242 = arith.constant 16 : i32
        %mul3A_243 = arith.muli %scan3A_241, %mul3A_242 : i32
        %get3A_244 = arith.index_cast %mul3A_243 : i32 to index
        %get3A_245 = tpu.vector_load %arg6[%get3A_244] {strides = array<i32>} : memref<26080xi32, #tpu.memory_space<vmem>>, vector<16xi32>,
        %mul3A_246 = arith.constant 16 : i32
        %mul3A_247 = arith.muli %scan3A_241, %mul3A_246 : i32
        %get3A_248 = arith.index_cast %mul3A_247 : i32 to index
        %get3A_249 = tpu.vector_load %arg7[%get3A_248] {strides = array<i32>} : memref<26080xi32, #tpu.memory_space<vmem>>, vector<16xi32>,
        %ge3A_250 = vector.broadcast %mul3A_4 : i32 to vector<16xi32>
        %ge3A_251 = arith.cmpi sge, %get3A_245, %ge3A_250 : vector<16xi32>
        %lt3A_252 = vector.broadcast %add3A_6 : i32 to vector<16xi32>
        %lt3A_253 = arith.cmpi slt, %get3A_245, %lt3A_252 : vector<16xi32>
        %and3A_254 = arith.andi %ge3A_251, %lt3A_253 : vector<16xi1>
        %sub3A_255 = vector.broadcast %mul3A_4 : i32 to vector<16xi32>
        %sub3A_256 = arith.subi %get3A_245, %sub3A_255 : vector<16xi32>
        %mul3A_257 = arith.constant 512 : i32
        %mul3A_258 = vector.broadcast %mul3A_257 : i32 to vector<16xi32>
        %mul3A_259 = arith.muli %sub3A_256, %mul3A_258 : vector<16xi32>
        %add3A_260 = arith.addi %mul3A_259, %get3A_249 : vector<16xi32>
        tpu.vector_store_idx %arg8[%add3A_260], %broadcast_in_dim3A_14 masked %and3A_254 : memref<16384xf32, #tpu.memory_space<vmem>>[vector<16xi32>], vector<16xf32>, vector<16xi1>
        %scan3A_261 = arith.constant 5 : i32
        %scan3A_262 = arith.addi %scan3A_157, %scan3A_261 : i32
        %mul3A_263 = arith.constant 16 : i32
        %mul3A_264 = arith.muli %scan3A_262, %mul3A_263 : i32
        %get3A_265 = arith.index_cast %mul3A_264 : i32 to index
        %get3A_266 = tpu.vector_load %arg6[%get3A_265] {strides = array<i32>} : memref<26080xi32, #tpu.memory_space<vmem>>, vector<16xi32>,
        %mul3A_267 = arith.constant 16 : i32
        %mul3A_268 = arith.muli %scan3A_262, %mul3A_267 : i32
        %get3A_269 = arith.index_cast %mul3A_268 : i32 to index
        %get3A_270 = tpu.vector_load %arg7[%get3A_269] {strides = array<i32>} : memref<26080xi32, #tpu.memory_space<vmem>>, vector<16xi32>,
        %ge3A_271 = vector.broadcast %mul3A_4 : i32 to vector<16xi32>
        %ge3A_272 = arith.cmpi sge, %get3A_266, %ge3A_271 : vector<16xi32>
        %lt3A_273 = vector.broadcast %add3A_6 : i32 to vector<16xi32>
        %lt3A_274 = arith.cmpi slt, %get3A_266, %lt3A_273 : vector<16xi32>
        %and3A_275 = arith.andi %ge3A_272, %lt3A_274 : vector<16xi1>
        %sub3A_276 = vector.broadcast %mul3A_4 : i32 to vector<16xi32>
        %sub3A_277 = arith.subi %get3A_266, %sub3A_276 : vector<16xi32>
        %mul3A_278 = arith.constant 512 : i32
        %mul3A_279 = vector.broadcast %mul3A_278 : i32 to vector<16xi32>
        %mul3A_280 = arith.muli %sub3A_277, %mul3A_279 : vector<16xi32>
        %add3A_281 = arith.addi %mul3A_280, %get3A_270 : vector<16xi32>
        tpu.vector_store_idx %arg8[%add3A_281], %broadcast_in_dim3A_14 masked %and3A_275 : memref<16384xf32, #tpu.memory_space<vmem>>[vector<16xi32>], vector<16xf32>, vector<16xi1>
        %scan3A_282 = arith.constant 6 : i32
        %scan3A_283 = arith.addi %scan3A_157, %scan3A_282 : i32
        %mul3A_284 = arith.constant 16 : i32
        %mul3A_285 = arith.muli %scan3A_283, %mul3A_284 : i32
        %get3A_286 = arith.index_cast %mul3A_285 : i32 to index
        %get3A_287 = tpu.vector_load %arg6[%get3A_286] {strides = array<i32>} : memref<26080xi32, #tpu.memory_space<vmem>>, vector<16xi32>,
        %mul3A_288 = arith.constant 16 : i32
        %mul3A_289 = arith.muli %scan3A_283, %mul3A_288 : i32
        %get3A_290 = arith.index_cast %mul3A_289 : i32 to index
        %get3A_291 = tpu.vector_load %arg7[%get3A_290] {strides = array<i32>} : memref<26080xi32, #tpu.memory_space<vmem>>, vector<16xi32>,
        %ge3A_292 = vector.broadcast %mul3A_4 : i32 to vector<16xi32>
        %ge3A_293 = arith.cmpi sge, %get3A_287, %ge3A_292 : vector<16xi32>
        %lt3A_294 = vector.broadcast %add3A_6 : i32 to vector<16xi32>
        %lt3A_295 = arith.cmpi slt, %get3A_287, %lt3A_294 : vector<16xi32>
        %and3A_296 = arith.andi %ge3A_293, %lt3A_295 : vector<16xi1>
        %sub3A_297 = vector.broadcast %mul3A_4 : i32 to vector<16xi32>
        %sub3A_298 = arith.subi %get3A_287, %sub3A_297 : vector<16xi32>
        %mul3A_299 = arith.constant 512 : i32
        %mul3A_300 = vector.broadcast %mul3A_299 : i32 to vector<16xi32>
        %mul3A_301 = arith.muli %sub3A_298, %mul3A_300 : vector<16xi32>
        %add3A_302 = arith.addi %mul3A_301, %get3A_291 : vector<16xi32>
        tpu.vector_store_idx %arg8[%add3A_302], %broadcast_in_dim3A_14 masked %and3A_296 : memref<16384xf32, #tpu.memory_space<vmem>>[vector<16xi32>], vector<16xf32>, vector<16xi1>
        %scan3A_303 = arith.constant 7 : i32
        %scan3A_304 = arith.addi %scan3A_157, %scan3A_303 : i32
        %mul3A_305 = arith.constant 16 : i32
        %mul3A_306 = arith.muli %scan3A_304, %mul3A_305 : i32
        %get3A_307 = arith.index_cast %mul3A_306 : i32 to index
        %get3A_308 = tpu.vector_load %arg6[%get3A_307] {strides = array<i32>} : memref<26080xi32, #tpu.memory_space<vmem>>, vector<16xi32>,
        %mul3A_309 = arith.constant 16 : i32
        %mul3A_310 = arith.muli %scan3A_304, %mul3A_309 : i32
        %get3A_311 = arith.index_cast %mul3A_310 : i32 to index
        %get3A_312 = tpu.vector_load %arg7[%get3A_311] {strides = array<i32>} : memref<26080xi32, #tpu.memory_space<vmem>>, vector<16xi32>,
        %ge3A_313 = vector.broadcast %mul3A_4 : i32 to vector<16xi32>
        %ge3A_314 = arith.cmpi sge, %get3A_308, %ge3A_313 : vector<16xi32>
        %lt3A_315 = vector.broadcast %add3A_6 : i32 to vector<16xi32>
        %lt3A_316 = arith.cmpi slt, %get3A_308, %lt3A_315 : vector<16xi32>
        %and3A_317 = arith.andi %ge3A_314, %lt3A_316 : vector<16xi1>
        %sub3A_318 = vector.broadcast %mul3A_4 : i32 to vector<16xi32>
        %sub3A_319 = arith.subi %get3A_308, %sub3A_318 : vector<16xi32>
        %mul3A_320 = arith.constant 512 : i32
        %mul3A_321 = vector.broadcast %mul3A_320 : i32 to vector<16xi32>
        %mul3A_322 = arith.muli %sub3A_319, %mul3A_321 : vector<16xi32>
        %add3A_323 = arith.addi %mul3A_322, %get3A_312 : vector<16xi32>
        tpu.vector_store_idx %arg8[%add3A_323], %broadcast_in_dim3A_14 masked %and3A_317 : memref<16384xf32, #tpu.memory_space<vmem>>[vector<16xi32>], vector<16xf32>, vector<16xi1>
      }
      %scan3A_33 = arith.constant 1624 : i32
      %scan3A_34 = arith.addi %scan3A_29, %scan3A_33 : i32
      %mul3A_35 = arith.constant 16 : i32
      %mul3A_36 = arith.muli %scan3A_34, %mul3A_35 : i32
      %get3A = arith.index_cast %mul3A_36 : i32 to index
      %get3A_37 = tpu.vector_load %arg6[%get3A] {strides = array<i32>} : memref<26080xi32, #tpu.memory_space<vmem>>, vector<16xi32>,
      %mul3A_38 = arith.constant 16 : i32
      %mul3A_39 = arith.muli %scan3A_34, %mul3A_38 : i32
      %get3A_40 = arith.index_cast %mul3A_39 : i32 to index
      %get3A_41 = tpu.vector_load %arg7[%get3A_40] {strides = array<i32>} : memref<26080xi32, #tpu.memory_space<vmem>>, vector<16xi32>,
      %ge3A = vector.broadcast %mul3A_4 : i32 to vector<16xi32>
      %ge3A_42 = arith.cmpi sge, %get3A_37, %ge3A : vector<16xi32>
      %lt3A_43 = vector.broadcast %add3A_6 : i32 to vector<16xi32>
      %lt3A_44 = arith.cmpi slt, %get3A_37, %lt3A_43 : vector<16xi32>
      %and3A = arith.andi %ge3A_42, %lt3A_44 : vector<16xi1>
      %sub3A_45 = vector.broadcast %mul3A_4 : i32 to vector<16xi32>
      %sub3A_46 = arith.subi %get3A_37, %sub3A_45 : vector<16xi32>
      %mul3A_47 = arith.constant 512 : i32
      %mul3A_48 = vector.broadcast %mul3A_47 : i32 to vector<16xi32>
      %mul3A_49 = arith.muli %sub3A_46, %mul3A_48 : vector<16xi32>
      %add3A_50 = arith.addi %mul3A_49, %get3A_41 : vector<16xi32>
      tpu.vector_store_idx %arg8[%add3A_50], %broadcast_in_dim3A_14 masked %and3A : memref<16384xf32, #tpu.memory_space<vmem>>[vector<16xi32>], vector<16xf32>, vector<16xi1>
      %scan3A_51 = arith.constant 1625 : i32
      %scan3A_52 = arith.addi %scan3A_29, %scan3A_51 : i32
      %mul3A_53 = arith.constant 16 : i32
      %mul3A_54 = arith.muli %scan3A_52, %mul3A_53 : i32
      %get3A_55 = arith.index_cast %mul3A_54 : i32 to index
      %get3A_56 = tpu.vector_load %arg6[%get3A_55] {strides = array<i32>} : memref<26080xi32, #tpu.memory_space<vmem>>, vector<16xi32>,
      %mul3A_57 = arith.constant 16 : i32
      %mul3A_58 = arith.muli %scan3A_52, %mul3A_57 : i32
      %get3A_59 = arith.index_cast %mul3A_58 : i32 to index
      %get3A_60 = tpu.vector_load %arg7[%get3A_59] {strides = array<i32>} : memref<26080xi32, #tpu.memory_space<vmem>>, vector<16xi32>,
      %ge3A_61 = vector.broadcast %mul3A_4 : i32 to vector<16xi32>
      %ge3A_62 = arith.cmpi sge, %get3A_56, %ge3A_61 : vector<16xi32>
      %lt3A_63 = vector.broadcast %add3A_6 : i32 to vector<16xi32>
      %lt3A_64 = arith.cmpi slt, %get3A_56, %lt3A_63 : vector<16xi32>
      %and3A_65 = arith.andi %ge3A_62, %lt3A_64 : vector<16xi1>
      %sub3A_66 = vector.broadcast %mul3A_4 : i32 to vector<16xi32>
      %sub3A_67 = arith.subi %get3A_56, %sub3A_66 : vector<16xi32>
      %mul3A_68 = arith.constant 512 : i32
      %mul3A_69 = vector.broadcast %mul3A_68 : i32 to vector<16xi32>
      %mul3A_70 = arith.muli %sub3A_67, %mul3A_69 : vector<16xi32>
      %add3A_71 = arith.addi %mul3A_70, %get3A_60 : vector<16xi32>
      tpu.vector_store_idx %arg8[%add3A_71], %broadcast_in_dim3A_14 masked %and3A_65 : memref<16384xf32, #tpu.memory_space<vmem>>[vector<16xi32>], vector<16xf32>, vector<16xi1>
      %scan3A_72 = arith.constant 1626 : i32
      %scan3A_73 = arith.addi %scan3A_29, %scan3A_72 : i32
      %mul3A_74 = arith.constant 16 : i32
      %mul3A_75 = arith.muli %scan3A_73, %mul3A_74 : i32
      %get3A_76 = arith.index_cast %mul3A_75 : i32 to index
      %get3A_77 = tpu.vector_load %arg6[%get3A_76] {strides = array<i32>} : memref<26080xi32, #tpu.memory_space<vmem>>, vector<16xi32>,
      %mul3A_78 = arith.constant 16 : i32
      %mul3A_79 = arith.muli %scan3A_73, %mul3A_78 : i32
      %get3A_80 = arith.index_cast %mul3A_79 : i32 to index
      %get3A_81 = tpu.vector_load %arg7[%get3A_80] {strides = array<i32>} : memref<26080xi32, #tpu.memory_space<vmem>>, vector<16xi32>,
      %ge3A_82 = vector.broadcast %mul3A_4 : i32 to vector<16xi32>
      %ge3A_83 = arith.cmpi sge, %get3A_77, %ge3A_82 : vector<16xi32>
      %lt3A_84 = vector.broadcast %add3A_6 : i32 to vector<16xi32>
      %lt3A_85 = arith.cmpi slt, %get3A_77, %lt3A_84 : vector<16xi32>
      %and3A_86 = arith.andi %ge3A_83, %lt3A_85 : vector<16xi1>
      %sub3A_87 = vector.broadcast %mul3A_4 : i32 to vector<16xi32>
      %sub3A_88 = arith.subi %get3A_77, %sub3A_87 : vector<16xi32>
      %mul3A_89 = arith.constant 512 : i32
      %mul3A_90 = vector.broadcast %mul3A_89 : i32 to vector<16xi32>
      %mul3A_91 = arith.muli %sub3A_88, %mul3A_90 : vector<16xi32>
      %add3A_92 = arith.addi %mul3A_91, %get3A_81 : vector<16xi32>
      tpu.vector_store_idx %arg8[%add3A_92], %broadcast_in_dim3A_14 masked %and3A_86 : memref<16384xf32, #tpu.memory_space<vmem>>[vector<16xi32>], vector<16xf32>, vector<16xi1>
      %scan3A_93 = arith.constant 1627 : i32
      %scan3A_94 = arith.addi %scan3A_29, %scan3A_93 : i32
      %mul3A_95 = arith.constant 16 : i32
      %mul3A_96 = arith.muli %scan3A_94, %mul3A_95 : i32
      %get3A_97 = arith.index_cast %mul3A_96 : i32 to index
      %get3A_98 = tpu.vector_load %arg6[%get3A_97] {strides = array<i32>} : memref<26080xi32, #tpu.memory_space<vmem>>, vector<16xi32>,
      %mul3A_99 = arith.constant 16 : i32
      %mul3A_100 = arith.muli %scan3A_94, %mul3A_99 : i32
      %get3A_101 = arith.index_cast %mul3A_100 : i32 to index
      %get3A_102 = tpu.vector_load %arg7[%get3A_101] {strides = array<i32>} : memref<26080xi32, #tpu.memory_space<vmem>>, vector<16xi32>,
      %ge3A_103 = vector.broadcast %mul3A_4 : i32 to vector<16xi32>
      %ge3A_104 = arith.cmpi sge, %get3A_98, %ge3A_103 : vector<16xi32>
      %lt3A_105 = vector.broadcast %add3A_6 : i32 to vector<16xi32>
      %lt3A_106 = arith.cmpi slt, %get3A_98, %lt3A_105 : vector<16xi32>
      %and3A_107 = arith.andi %ge3A_104, %lt3A_106 : vector<16xi1>
      %sub3A_108 = vector.broadcast %mul3A_4 : i32 to vector<16xi32>
      %sub3A_109 = arith.subi %get3A_98, %sub3A_108 : vector<16xi32>
      %mul3A_110 = arith.constant 512 : i32
      %mul3A_111 = vector.broadcast %mul3A_110 : i32 to vector<16xi32>
      %mul3A_112 = arith.muli %sub3A_109, %mul3A_111 : vector<16xi32>
      %add3A_113 = arith.addi %mul3A_112, %get3A_102 : vector<16xi32>
      tpu.vector_store_idx %arg8[%add3A_113], %broadcast_in_dim3A_14 masked %and3A_107 : memref<16384xf32, #tpu.memory_space<vmem>>[vector<16xi32>], vector<16xf32>, vector<16xi1>
      %scan3A_114 = arith.constant 1628 : i32
      %scan3A_115 = arith.addi %scan3A_29, %scan3A_114 : i32
      %mul3A_116 = arith.constant 16 : i32
      %mul3A_117 = arith.muli %scan3A_115, %mul3A_116 : i32
      %get3A_118 = arith.index_cast %mul3A_117 : i32 to index
      %get3A_119 = tpu.vector_load %arg6[%get3A_118] {strides = array<i32>} : memref<26080xi32, #tpu.memory_space<vmem>>, vector<16xi32>,
      %mul3A_120 = arith.constant 16 : i32
      %mul3A_121 = arith.muli %scan3A_115, %mul3A_120 : i32
      %get3A_122 = arith.index_cast %mul3A_121 : i32 to index
      %get3A_123 = tpu.vector_load %arg7[%get3A_122] {strides = array<i32>} : memref<26080xi32, #tpu.memory_space<vmem>>, vector<16xi32>,
      %ge3A_124 = vector.broadcast %mul3A_4 : i32 to vector<16xi32>
      %ge3A_125 = arith.cmpi sge, %get3A_119, %ge3A_124 : vector<16xi32>
      %lt3A_126 = vector.broadcast %add3A_6 : i32 to vector<16xi32>
      %lt3A_127 = arith.cmpi slt, %get3A_119, %lt3A_126 : vector<16xi32>
      %and3A_128 = arith.andi %ge3A_125, %lt3A_127 : vector<16xi1>
      %sub3A_129 = vector.broadcast %mul3A_4 : i32 to vector<16xi32>
      %sub3A_130 = arith.subi %get3A_119, %sub3A_129 : vector<16xi32>
      %mul3A_131 = arith.constant 512 : i32
      %mul3A_132 = vector.broadcast %mul3A_131 : i32 to vector<16xi32>
      %mul3A_133 = arith.muli %sub3A_130, %mul3A_132 : vector<16xi32>
      %add3A_134 = arith.addi %mul3A_133, %get3A_123 : vector<16xi32>
      tpu.vector_store_idx %arg8[%add3A_134], %broadcast_in_dim3A_14 masked %and3A_128 : memref<16384xf32, #tpu.memory_space<vmem>>[vector<16xi32>], vector<16xf32>, vector<16xi1>
      %scan3A_135 = arith.constant 1629 : i32
      %scan3A_136 = arith.addi %scan3A_29, %scan3A_135 : i32
      %mul3A_137 = arith.constant 16 : i32
      %mul3A_138 = arith.muli %scan3A_136, %mul3A_137 : i32
      %get3A_139 = arith.index_cast %mul3A_138 : i32 to index
      %get3A_140 = tpu.vector_load %arg6[%get3A_139] {strides = array<i32>} : memref<26080xi32, #tpu.memory_space<vmem>>, vector<16xi32>,
      %mul3A_141 = arith.constant 16 : i32
      %mul3A_142 = arith.muli %scan3A_136, %mul3A_141 : i32
      %get3A_143 = arith.index_cast %mul3A_142 : i32 to index
      %get3A_144 = tpu.vector_load %arg7[%get3A_143] {strides = array<i32>} : memref<26080xi32, #tpu.memory_space<vmem>>, vector<16xi32>,
      %ge3A_145 = vector.broadcast %mul3A_4 : i32 to vector<16xi32>
      %ge3A_146 = arith.cmpi sge, %get3A_140, %ge3A_145 : vector<16xi32>
      %lt3A_147 = vector.broadcast %add3A_6 : i32 to vector<16xi32>
      %lt3A_148 = arith.cmpi slt, %get3A_140, %lt3A_147 : vector<16xi32>
      %and3A_149 = arith.andi %ge3A_146, %lt3A_148 : vector<16xi1>
      %sub3A_150 = vector.broadcast %mul3A_4 : i32 to vector<16xi32>
      %sub3A_151 = arith.subi %get3A_140, %sub3A_150 : vector<16xi32>
      %mul3A_152 = arith.constant 512 : i32
      %mul3A_153 = vector.broadcast %mul3A_152 : i32 to vector<16xi32>
      %mul3A_154 = arith.muli %sub3A_151, %mul3A_153 : vector<16xi32>
      %add3A_155 = arith.addi %mul3A_154, %get3A_144 : vector<16xi32>
      tpu.vector_store_idx %arg8[%add3A_155], %broadcast_in_dim3A_14 masked %and3A_149 : memref<16384xf32, #tpu.memory_space<vmem>>[vector<16xi32>], vector<16xf32>, vector<16xi1>
      %scan3A_156 = arith.constant 1630 : i32
    } else {
    }
    %convert_element_type3A_20 = arith.extui %lt3A_1 : i1 to i32
    %cond3A_21 = arith.constant 0 : i32
    %cond3A_22 = arith.cmpi ne, %convert_element_type3A_20, %cond3A_21 : i32
    scf.if %cond3A_22 {
      %mul3A_28 = arith.constant 16384 : i32
      %mul3A_29 = arith.muli %select_n3A, %mul3A_28 : i32
      "tpu.region"() ({
        %run_scoped3A = tpu.sem_alloc : memref<!tpu.dma_semaphore, #tpu.memory_space<semaphore_mem>>
        %dma_start3A = tpu.memref_slice %arg4[%mul3A_29] : memref<262144xf32, #tpu.memory_space<hbm>> -> memref<16384xf32, #tpu.memory_space<hbm>>
        %dma_start3A_30 = tpu.memref_slice %arg4[%mul3A_29] : memref<262144xf32, #tpu.memory_space<hbm>> -> memref<16384xf32, #tpu.memory_space<hbm>>
        tpu.enqueue_dma source(%arg8 : memref<16384xf32, #tpu.memory_space<vmem>>) target(%dma_start3A_30 : memref<16384xf32, #tpu.memory_space<hbm>>) target_semaphore(%run_scoped3A : memref<!tpu.dma_semaphore, #tpu.memory_space<semaphore_mem>>)
        %dma_wait3A = tpu.memref_slice %arg4[%mul3A_29] : memref<262144xf32, #tpu.memory_space<hbm>> -> memref<16384xf32, #tpu.memory_space<hbm>>
        %dma_wait3A_31 = tpu.memref_slice %arg4[%mul3A_29] : memref<262144xf32, #tpu.memory_space<hbm>> -> memref<16384xf32, #tpu.memory_space<hbm>>
        tpu.wait_dma2 semaphore(%run_scoped3A : memref<!tpu.dma_semaphore, #tpu.memory_space<semaphore_mem>>) src(%arg8 : memref<16384xf32, #tpu.memory_space<vmem>>) dst(%dma_wait3A_31 : memref<16384xf32, #tpu.memory_space<hbm>>)
        tpu.yield
      }) : () -> ()
    } else {
    }
    %not3A_23 = arith.constant true
    %not3A_24 = arith.xori %lt3A_1, %not3A_23 : i1
    %convert_element_type3A_25 = arith.extui %not3A_24 : i1 to i32
    %cond3A_26 = arith.constant 0 : i32
    %cond3A_27 = arith.cmpi ne, %convert_element_type3A_25, %cond3A_26 : i32
    scf.if %cond3A_27 {
      %mul3A_28 = arith.constant 16384 : i32
      %mul3A_29 = arith.muli %select_n3A, %mul3A_28 : i32
      "tpu.region"() ({
        %run_scoped3A = tpu.sem_alloc : memref<!tpu.dma_semaphore, #tpu.memory_space<semaphore_mem>>
        %dma_start3A = tpu.memref_slice %arg5[%mul3A_29] : memref<262144xf32, #tpu.memory_space<hbm>> -> memref<16384xf32, #tpu.memory_space<hbm>>
        %dma_start3A_30 = tpu.memref_slice %arg5[%mul3A_29] : memref<262144xf32, #tpu.memory_space<hbm>> -> memref<16384xf32, #tpu.memory_space<hbm>>
        tpu.enqueue_dma source(%arg8 : memref<16384xf32, #tpu.memory_space<vmem>>) target(%dma_start3A_30 : memref<16384xf32, #tpu.memory_space<hbm>>) target_semaphore(%run_scoped3A : memref<!tpu.dma_semaphore, #tpu.memory_space<semaphore_mem>>)
        %dma_wait3A = tpu.memref_slice %arg5[%mul3A_29] : memref<262144xf32, #tpu.memory_space<hbm>> -> memref<16384xf32, #tpu.memory_space<hbm>>
        %dma_wait3A_31 = tpu.memref_slice %arg5[%mul3A_29] : memref<262144xf32, #tpu.memory_space<hbm>> -> memref<16384xf32, #tpu.memory_space<hbm>>
        tpu.wait_dma2 semaphore(%run_scoped3A : memref<!tpu.dma_semaphore, #tpu.memory_space<semaphore_mem>>) src(%arg8 : memref<16384xf32, #tpu.memory_space<vmem>>) dst(%dma_wait3A_31 : memref<16384xf32, #tpu.memory_space<hbm>>)
        tpu.yield
      }) : () -> ()
    } else {
    }
    return
  }
}

module attributes {stable_mosaic.version = 14 : i64} {
  func.func @_encoder_body(%arg0: memref<512x4096xf32, #tpu.memory_space<vmem>>, %arg1: memref<8x32xf32, #tpu.memory_space<vmem>>, %arg2: memref<1x32xf32, #tpu.memory_space<vmem>>, %arg3: memref<1x32xf32, #tpu.memory_space<vmem>>, %arg4: memref<1x32xf32, #tpu.memory_space<vmem>>, %arg5: memref<8x32x8xf32, #tpu.memory_space<vmem>>, %arg6: memref<1x8xf32, #tpu.memory_space<vmem>>, %arg7: memref<1x8xf32, #tpu.memory_space<vmem>>, %arg8: memref<1x8xf32, #tpu.memory_space<vmem>>, %arg9: memref<512x128xf32, #tpu.memory_space<vmem>>) attributes {dimension_semantics = [], scalar_prefetch = 0 : i64, scratch_operands = 0 : i64, tpu.core_type = #tpu.core_type<tc>} {
    %get3A = arith.constant 0 : index
    %get3A_0 = arith.constant 0 : index
    %get3A_1 = vector.load %arg1[%get3A, %get3A_0] : memref<8x32xf32, #tpu.memory_space<vmem>>, vector<8x32xf32>
    %get3A_2 = arith.constant 0 : index
    %get3A_3 = arith.constant 0 : index
    %get3A_4 = arith.constant 0 : index
    %get3A_5 = vector.load %arg5[%get3A_2, %get3A_3, %get3A_4] : memref<8x32x8xf32, #tpu.memory_space<vmem>>, vector<8x32x8xf32>
    %iota3A = tpu.iota {dimensions = array<i32: 0>} : vector<8x16xi32>
    %iota3A_6 = tpu.iota {dimensions = array<i32: 1>} : vector<8x16xi32>
    %mul3A = arith.constant 2 : i32
    %mul3A_7 = vector.broadcast %mul3A : i32 to vector<8x16xi32>
    %mul3A_8 = arith.muli %mul3A_7, %iota3A : vector<8x16xi32>
    %eq3A = arith.cmpi eq, %iota3A_6, %mul3A_8 : vector<8x16xi32>
    %convert_element_type3A = arith.extui %eq3A : vector<8x16xi1> to vector<8x16xi32>
    %convert_element_type3A_9 = arith.sitofp %convert_element_type3A : vector<8x16xi32> to vector<8x16xf32>
    %mul3A_10 = arith.constant 2 : i32
    %mul3A_11 = vector.broadcast %mul3A_10 : i32 to vector<8x16xi32>
    %mul3A_12 = arith.muli %mul3A_11, %iota3A : vector<8x16xi32>
    %add3A = arith.constant 1 : i32
    %add3A_13 = vector.broadcast %add3A : i32 to vector<8x16xi32>
    %add3A_14 = arith.addi %mul3A_12, %add3A_13 : vector<8x16xi32>
    %eq3A_15 = arith.cmpi eq, %iota3A_6, %add3A_14 : vector<8x16xi32>
    %convert_element_type3A_16 = arith.extui %eq3A_15 : vector<8x16xi1> to vector<8x16xi32>
    %convert_element_type3A_17 = arith.sitofp %convert_element_type3A_16 : vector<8x16xi32> to vector<8x16xf32>
    %get3A_18 = arith.constant 0 : index
    %get3A_19 = arith.constant 0 : index
    %get3A_20 = vector.load %arg0[%get3A_18, %get3A_19] : memref<512x4096xf32, #tpu.memory_space<vmem>>, vector<512x64xf32>
    %slice3A = vector.extract_strided_slice %get3A_20 {offsets = [0, 0], sizes = [512, 8], strides = [1, 1]} : vector<512x64xf32> to vector<512x8xf32>
    %dot_general3A = arith.constant dense<0.000000e+00> : vector<512x32xf32>
    %dot_general3A_21 = tpu.matmul %slice3A, %get3A_1, %dot_general3A {dimension_numbers = #tpu.dot_dimension_numbers<[1], [0], [0], [1], [0, 0, 1, 1], [], []>, transpose_lhs_hint = false} : vector<512x8xf32>, vector<8x32xf32>, vector<512x32xf32> -> vector<512x32xf32>
    %slice3A_22 = vector.extract_strided_slice %get3A_20 {offsets = [0, 4], sizes = [512, 8], strides = [1, 1]} : vector<512x64xf32> to vector<512x8xf32>
    %dot_general3A_23 = arith.constant dense<0.000000e+00> : vector<512x32xf32>
    %dot_general3A_24 = tpu.matmul %slice3A_22, %get3A_1, %dot_general3A_23 {dimension_numbers = #tpu.dot_dimension_numbers<[1], [0], [0], [1], [0, 0, 1, 1], [], []>, transpose_lhs_hint = false} : vector<512x8xf32>, vector<8x32xf32>, vector<512x32xf32> -> vector<512x32xf32>
    %slice3A_25 = vector.extract_strided_slice %get3A_20 {offsets = [0, 8], sizes = [512, 8], strides = [1, 1]} : vector<512x64xf32> to vector<512x8xf32>
    %dot_general3A_26 = arith.constant dense<0.000000e+00> : vector<512x32xf32>
    %dot_general3A_27 = tpu.matmul %slice3A_25, %get3A_1, %dot_general3A_26 {dimension_numbers = #tpu.dot_dimension_numbers<[1], [0], [0], [1], [0, 0, 1, 1], [], []>, transpose_lhs_hint = false} : vector<512x8xf32>, vector<8x32xf32>, vector<512x32xf32> -> vector<512x32xf32>
    %slice3A_28 = vector.extract_strided_slice %get3A_20 {offsets = [0, 12], sizes = [512, 8], strides = [1, 1]} : vector<512x64xf32> to vector<512x8xf32>
    %dot_general3A_29 = arith.constant dense<0.000000e+00> : vector<512x32xf32>
    %dot_general3A_30 = tpu.matmul %slice3A_28, %get3A_1, %dot_general3A_29 {dimension_numbers = #tpu.dot_dimension_numbers<[1], [0], [0], [1], [0, 0, 1, 1], [], []>, transpose_lhs_hint = false} : vector<512x8xf32>, vector<8x32xf32>, vector<512x32xf32> -> vector<512x32xf32>
    %slice3A_31 = vector.extract_strided_slice %get3A_20 {offsets = [0, 16], sizes = [512, 8], strides = [1, 1]} : vector<512x64xf32> to vector<512x8xf32>
    %dot_general3A_32 = arith.constant dense<0.000000e+00> : vector<512x32xf32>
    %dot_general3A_33 = tpu.matmul %slice3A_31, %get3A_1, %dot_general3A_32 {dimension_numbers = #tpu.dot_dimension_numbers<[1], [0], [0], [1], [0, 0, 1, 1], [], []>, transpose_lhs_hint = false} : vector<512x8xf32>, vector<8x32xf32>, vector<512x32xf32> -> vector<512x32xf32>
    %slice3A_34 = vector.extract_strided_slice %get3A_20 {offsets = [0, 20], sizes = [512, 8], strides = [1, 1]} : vector<512x64xf32> to vector<512x8xf32>
    %dot_general3A_35 = arith.constant dense<0.000000e+00> : vector<512x32xf32>
    %dot_general3A_36 = tpu.matmul %slice3A_34, %get3A_1, %dot_general3A_35 {dimension_numbers = #tpu.dot_dimension_numbers<[1], [0], [0], [1], [0, 0, 1, 1], [], []>, transpose_lhs_hint = false} : vector<512x8xf32>, vector<8x32xf32>, vector<512x32xf32> -> vector<512x32xf32>
    %slice3A_37 = vector.extract_strided_slice %get3A_20 {offsets = [0, 24], sizes = [512, 8], strides = [1, 1]} : vector<512x64xf32> to vector<512x8xf32>
    %dot_general3A_38 = arith.constant dense<0.000000e+00> : vector<512x32xf32>
    %dot_general3A_39 = tpu.matmul %slice3A_37, %get3A_1, %dot_general3A_38 {dimension_numbers = #tpu.dot_dimension_numbers<[1], [0], [0], [1], [0, 0, 1, 1], [], []>, transpose_lhs_hint = false} : vector<512x8xf32>, vector<8x32xf32>, vector<512x32xf32> -> vector<512x32xf32>
    %slice3A_40 = vector.extract_strided_slice %get3A_20 {offsets = [0, 28], sizes = [512, 8], strides = [1, 1]} : vector<512x64xf32> to vector<512x8xf32>
    %dot_general3A_41 = arith.constant dense<0.000000e+00> : vector<512x32xf32>
    %dot_general3A_42 = tpu.matmul %slice3A_40, %get3A_1, %dot_general3A_41 {dimension_numbers = #tpu.dot_dimension_numbers<[1], [0], [0], [1], [0, 0, 1, 1], [], []>, transpose_lhs_hint = false} : vector<512x8xf32>, vector<8x32xf32>, vector<512x32xf32> -> vector<512x32xf32>
    %slice3A_43 = vector.extract_strided_slice %get3A_20 {offsets = [0, 32], sizes = [512, 8], strides = [1, 1]} : vector<512x64xf32> to vector<512x8xf32>
    %dot_general3A_44 = arith.constant dense<0.000000e+00> : vector<512x32xf32>
    %dot_general3A_45 = tpu.matmul %slice3A_43, %get3A_1, %dot_general3A_44 {dimension_numbers = #tpu.dot_dimension_numbers<[1], [0], [0], [1], [0, 0, 1, 1], [], []>, transpose_lhs_hint = false} : vector<512x8xf32>, vector<8x32xf32>, vector<512x32xf32> -> vector<512x32xf32>
    %slice3A_46 = vector.extract_strided_slice %get3A_20 {offsets = [0, 36], sizes = [512, 8], strides = [1, 1]} : vector<512x64xf32> to vector<512x8xf32>
    %dot_general3A_47 = arith.constant dense<0.000000e+00> : vector<512x32xf32>
    %dot_general3A_48 = tpu.matmul %slice3A_46, %get3A_1, %dot_general3A_47 {dimension_numbers = #tpu.dot_dimension_numbers<[1], [0], [0], [1], [0, 0, 1, 1], [], []>, transpose_lhs_hint = false} : vector<512x8xf32>, vector<8x32xf32>, vector<512x32xf32> -> vector<512x32xf32>
    %slice3A_49 = vector.extract_strided_slice %get3A_20 {offsets = [0, 40], sizes = [512, 8], strides = [1, 1]} : vector<512x64xf32> to vector<512x8xf32>
    %dot_general3A_50 = arith.constant dense<0.000000e+00> : vector<512x32xf32>
    %dot_general3A_51 = tpu.matmul %slice3A_49, %get3A_1, %dot_general3A_50 {dimension_numbers = #tpu.dot_dimension_numbers<[1], [0], [0], [1], [0, 0, 1, 1], [], []>, transpose_lhs_hint = false} : vector<512x8xf32>, vector<8x32xf32>, vector<512x32xf32> -> vector<512x32xf32>
    %slice3A_52 = vector.extract_strided_slice %get3A_20 {offsets = [0, 44], sizes = [512, 8], strides = [1, 1]} : vector<512x64xf32> to vector<512x8xf32>
    %dot_general3A_53 = arith.constant dense<0.000000e+00> : vector<512x32xf32>
    %dot_general3A_54 = tpu.matmul %slice3A_52, %get3A_1, %dot_general3A_53 {dimension_numbers = #tpu.dot_dimension_numbers<[1], [0], [0], [1], [0, 0, 1, 1], [], []>, transpose_lhs_hint = false} : vector<512x8xf32>, vector<8x32xf32>, vector<512x32xf32> -> vector<512x32xf32>
    %slice3A_55 = vector.extract_strided_slice %get3A_20 {offsets = [0, 48], sizes = [512, 8], strides = [1, 1]} : vector<512x64xf32> to vector<512x8xf32>
    %dot_general3A_56 = arith.constant dense<0.000000e+00> : vector<512x32xf32>
    %dot_general3A_57 = tpu.matmul %slice3A_55, %get3A_1, %dot_general3A_56 {dimension_numbers = #tpu.dot_dimension_numbers<[1], [0], [0], [1], [0, 0, 1, 1], [], []>, transpose_lhs_hint = false} : vector<512x8xf32>, vector<8x32xf32>, vector<512x32xf32> -> vector<512x32xf32>
    %slice3A_58 = vector.extract_strided_slice %get3A_20 {offsets = [0, 52], sizes = [512, 8], strides = [1, 1]} : vector<512x64xf32> to vector<512x8xf32>
    %dot_general3A_59 = arith.constant dense<0.000000e+00> : vector<512x32xf32>
    %dot_general3A_60 = tpu.matmul %slice3A_58, %get3A_1, %dot_general3A_59 {dimension_numbers = #tpu.dot_dimension_numbers<[1], [0], [0], [1], [0, 0, 1, 1], [], []>, transpose_lhs_hint = false} : vector<512x8xf32>, vector<8x32xf32>, vector<512x32xf32> -> vector<512x32xf32>
    %slice3A_61 = vector.extract_strided_slice %get3A_20 {offsets = [0, 56], sizes = [512, 8], strides = [1, 1]} : vector<512x64xf32> to vector<512x8xf32>
    %dot_general3A_62 = arith.constant dense<0.000000e+00> : vector<512x32xf32>
    %dot_general3A_63 = tpu.matmul %slice3A_61, %get3A_1, %dot_general3A_62 {dimension_numbers = #tpu.dot_dimension_numbers<[1], [0], [0], [1], [0, 0, 1, 1], [], []>, transpose_lhs_hint = false} : vector<512x8xf32>, vector<8x32xf32>, vector<512x32xf32> -> vector<512x32xf32>
    %concatenate3A = tpu.concatenate %dot_general3A_21, %dot_general3A_24, %dot_general3A_27, %dot_general3A_30, %dot_general3A_33, %dot_general3A_36, %dot_general3A_39, %dot_general3A_42, %dot_general3A_45, %dot_general3A_48, %dot_general3A_51, %dot_general3A_54, %dot_general3A_57, %dot_general3A_60, %dot_general3A_63 in 0 : vector<512x32xf32>, vector<512x32xf32>, vector<512x32xf32>, vector<512x32xf32>, vector<512x32xf32>, vector<512x32xf32>, vector<512x32xf32>, vector<512x32xf32>, vector<512x32xf32>, vector<512x32xf32>, vector<512x32xf32>, vector<512x32xf32>, vector<512x32xf32>, vector<512x32xf32>, vector<512x32xf32> -> vector<7680x32xf32>
    %get3A_64 = arith.constant 0 : index
    %get3A_65 = arith.constant 0 : index
    %get3A_66 = vector.load %arg2[%get3A_64, %get3A_65] : memref<1x32xf32, #tpu.memory_space<vmem>>, vector<1x32xf32>
    %add3A_67 = vector.broadcast %get3A_66 : vector<1x32xf32> to vector<7680x32xf32>
    %add3A_68 = arith.addf %concatenate3A, %add3A_67 : vector<7680x32xf32>
    %max3A = arith.constant 0.000000e+00 : f32
    %max3A_69 = vector.broadcast %max3A : f32 to vector<7680x32xf32>
    %max3A_70 = arith.maximumf %add3A_68, %max3A_69 : vector<7680x32xf32>
    %reduce_sum3A = arith.constant dense<0.000000e+00> : vector<32xf32>
    %reduce_sum3A_71 = vector.multi_reduction <add>, %max3A_70, %reduce_sum3A [0] : vector<7680x32xf32> to vector<32xf32>
    %broadcast_in_dim3A = vector.shape_cast %reduce_sum3A_71 : vector<32xf32> to vector<1x32xf32>
    %div3A = arith.constant 7.680000e+03 : f32
    %div3A_72 = vector.broadcast %div3A : f32 to vector<1x32xf32>
    %div3A_73 = arith.divf %broadcast_in_dim3A, %div3A_72 : vector<1x32xf32>
    %sub3A = vector.broadcast %div3A_73 : vector<1x32xf32> to vector<7680x32xf32>
    %sub3A_74 = arith.subf %max3A_70, %sub3A : vector<7680x32xf32>
    %sub3A_75 = vector.broadcast %div3A_73 : vector<1x32xf32> to vector<7680x32xf32>
    %sub3A_76 = arith.subf %max3A_70, %sub3A_75 : vector<7680x32xf32>
    %mul3A_77 = arith.mulf %sub3A_74, %sub3A_76 : vector<7680x32xf32>
    %reduce_sum3A_78 = arith.constant dense<0.000000e+00> : vector<32xf32>
    %reduce_sum3A_79 = vector.multi_reduction <add>, %mul3A_77, %reduce_sum3A_78 [0] : vector<7680x32xf32> to vector<32xf32>
    %broadcast_in_dim3A_80 = vector.shape_cast %reduce_sum3A_79 : vector<32xf32> to vector<1x32xf32>
    %div3A_81 = arith.constant 7.680000e+03 : f32
    %div3A_82 = vector.broadcast %div3A_81 : f32 to vector<1x32xf32>
    %div3A_83 = arith.divf %broadcast_in_dim3A_80, %div3A_82 : vector<1x32xf32>
    %sub3A_84 = vector.broadcast %div3A_73 : vector<1x32xf32> to vector<7680x32xf32>
    %sub3A_85 = arith.subf %max3A_70, %sub3A_84 : vector<7680x32xf32>
    %add3A_86 = arith.constant 9.99999974E-6 : f32
    %add3A_87 = vector.broadcast %add3A_86 : f32 to vector<1x32xf32>
    %add3A_88 = arith.addf %div3A_83, %add3A_87 : vector<1x32xf32>
    %rsqrt3A = math.rsqrt %add3A_88 : vector<1x32xf32>
    %mul3A_89 = vector.broadcast %rsqrt3A : vector<1x32xf32> to vector<7680x32xf32>
    %mul3A_90 = arith.mulf %sub3A_85, %mul3A_89 : vector<7680x32xf32>
    %get3A_91 = arith.constant 0 : index
    %get3A_92 = arith.constant 0 : index
    %get3A_93 = vector.load %arg3[%get3A_91, %get3A_92] : memref<1x32xf32, #tpu.memory_space<vmem>>, vector<1x32xf32>
    %mul3A_94 = vector.broadcast %get3A_93 : vector<1x32xf32> to vector<7680x32xf32>
    %mul3A_95 = arith.mulf %mul3A_90, %mul3A_94 : vector<7680x32xf32>
    %get3A_96 = arith.constant 0 : index
    %get3A_97 = arith.constant 0 : index
    %get3A_98 = vector.load %arg4[%get3A_96, %get3A_97] : memref<1x32xf32, #tpu.memory_space<vmem>>, vector<1x32xf32>
    %add3A_99 = vector.broadcast %get3A_98 : vector<1x32xf32> to vector<7680x32xf32>
    %add3A_100 = arith.addf %mul3A_95, %add3A_99 : vector<7680x32xf32>
    %broadcast_in_dim3A_101 = arith.constant 0.000000e+00 : f32
    %broadcast_in_dim3A_102 = vector.broadcast %broadcast_in_dim3A_101 : f32 to vector<512x8xf32>
    %slice3A_103 = vector.extract_strided_slice %add3A_100 {offsets = [0, 0], sizes = [512, 32], strides = [1, 1]} : vector<7680x32xf32> to vector<512x32xf32>
    %slice3A_104 = vector.extract_strided_slice %get3A_5 {offsets = [0, 0, 0], sizes = [1, 32, 8], strides = [1, 1, 1]} : vector<8x32x8xf32> to vector<1x32x8xf32>
    %squeeze3A = vector.shape_cast %slice3A_104 : vector<1x32x8xf32> to vector<32x8xf32>
    %dot_general3A_105 = arith.constant dense<0.000000e+00> : vector<512x8xf32>
    %dot_general3A_106 = tpu.matmul %slice3A_103, %squeeze3A, %dot_general3A_105 {dimension_numbers = #tpu.dot_dimension_numbers<[1], [0], [0], [1], [0, 0, 1, 1], [], []>, transpose_lhs_hint = false} : vector<512x32xf32>, vector<32x8xf32>, vector<512x8xf32> -> vector<512x8xf32>
    %add3A_107 = arith.addf %broadcast_in_dim3A_102, %dot_general3A_106 : vector<512x8xf32>
    %slice3A_108 = vector.extract_strided_slice %add3A_100 {offsets = [512, 0], sizes = [512, 32], strides = [1, 1]} : vector<7680x32xf32> to vector<512x32xf32>
    %slice3A_109 = vector.extract_strided_slice %get3A_5 {offsets = [1, 0, 0], sizes = [1, 32, 8], strides = [1, 1, 1]} : vector<8x32x8xf32> to vector<1x32x8xf32>
    %squeeze3A_110 = vector.shape_cast %slice3A_109 : vector<1x32x8xf32> to vector<32x8xf32>
    %dot_general3A_111 = arith.constant dense<0.000000e+00> : vector<512x8xf32>
    %dot_general3A_112 = tpu.matmul %slice3A_108, %squeeze3A_110, %dot_general3A_111 {dimension_numbers = #tpu.dot_dimension_numbers<[1], [0], [0], [1], [0, 0, 1, 1], [], []>, transpose_lhs_hint = false} : vector<512x32xf32>, vector<32x8xf32>, vector<512x8xf32> -> vector<512x8xf32>
    %add3A_113 = arith.addf %add3A_107, %dot_general3A_112 : vector<512x8xf32>
    %slice3A_114 = vector.extract_strided_slice %add3A_100 {offsets = [1024, 0], sizes = [512, 32], strides = [1, 1]} : vector<7680x32xf32> to vector<512x32xf32>
    %slice3A_115 = vector.extract_strided_slice %get3A_5 {offsets = [2, 0, 0], sizes = [1, 32, 8], strides = [1, 1, 1]} : vector<8x32x8xf32> to vector<1x32x8xf32>
    %squeeze3A_116 = vector.shape_cast %slice3A_115 : vector<1x32x8xf32> to vector<32x8xf32>
    %dot_general3A_117 = arith.constant dense<0.000000e+00> : vector<512x8xf32>
    %dot_general3A_118 = tpu.matmul %slice3A_114, %squeeze3A_116, %dot_general3A_117 {dimension_numbers = #tpu.dot_dimension_numbers<[1], [0], [0], [1], [0, 0, 1, 1], [], []>, transpose_lhs_hint = false} : vector<512x32xf32>, vector<32x8xf32>, vector<512x8xf32> -> vector<512x8xf32>
    %add3A_119 = arith.addf %add3A_113, %dot_general3A_118 : vector<512x8xf32>
    %slice3A_120 = vector.extract_strided_slice %add3A_100 {offsets = [1536, 0], sizes = [512, 32], strides = [1, 1]} : vector<7680x32xf32> to vector<512x32xf32>
    %slice3A_121 = vector.extract_strided_slice %get3A_5 {offsets = [3, 0, 0], sizes = [1, 32, 8], strides = [1, 1, 1]} : vector<8x32x8xf32> to vector<1x32x8xf32>
    %squeeze3A_122 = vector.shape_cast %slice3A_121 : vector<1x32x8xf32> to vector<32x8xf32>
    %dot_general3A_123 = arith.constant dense<0.000000e+00> : vector<512x8xf32>
    %dot_general3A_124 = tpu.matmul %slice3A_120, %squeeze3A_122, %dot_general3A_123 {dimension_numbers = #tpu.dot_dimension_numbers<[1], [0], [0], [1], [0, 0, 1, 1], [], []>, transpose_lhs_hint = false} : vector<512x32xf32>, vector<32x8xf32>, vector<512x8xf32> -> vector<512x8xf32>
    %add3A_125 = arith.addf %add3A_119, %dot_general3A_124 : vector<512x8xf32>
    %slice3A_126 = vector.extract_strided_slice %add3A_100 {offsets = [2048, 0], sizes = [512, 32], strides = [1, 1]} : vector<7680x32xf32> to vector<512x32xf32>
    %slice3A_127 = vector.extract_strided_slice %get3A_5 {offsets = [4, 0, 0], sizes = [1, 32, 8], strides = [1, 1, 1]} : vector<8x32x8xf32> to vector<1x32x8xf32>
    %squeeze3A_128 = vector.shape_cast %slice3A_127 : vector<1x32x8xf32> to vector<32x8xf32>
    %dot_general3A_129 = arith.constant dense<0.000000e+00> : vector<512x8xf32>
    %dot_general3A_130 = tpu.matmul %slice3A_126, %squeeze3A_128, %dot_general3A_129 {dimension_numbers = #tpu.dot_dimension_numbers<[1], [0], [0], [1], [0, 0, 1, 1], [], []>, transpose_lhs_hint = false} : vector<512x32xf32>, vector<32x8xf32>, vector<512x8xf32> -> vector<512x8xf32>
    %add3A_131 = arith.addf %add3A_125, %dot_general3A_130 : vector<512x8xf32>
    %slice3A_132 = vector.extract_strided_slice %add3A_100 {offsets = [2560, 0], sizes = [512, 32], strides = [1, 1]} : vector<7680x32xf32> to vector<512x32xf32>
    %slice3A_133 = vector.extract_strided_slice %get3A_5 {offsets = [5, 0, 0], sizes = [1, 32, 8], strides = [1, 1, 1]} : vector<8x32x8xf32> to vector<1x32x8xf32>
    %squeeze3A_134 = vector.shape_cast %slice3A_133 : vector<1x32x8xf32> to vector<32x8xf32>
    %dot_general3A_135 = arith.constant dense<0.000000e+00> : vector<512x8xf32>
    %dot_general3A_136 = tpu.matmul %slice3A_132, %squeeze3A_134, %dot_general3A_135 {dimension_numbers = #tpu.dot_dimension_numbers<[1], [0], [0], [1], [0, 0, 1, 1], [], []>, transpose_lhs_hint = false} : vector<512x32xf32>, vector<32x8xf32>, vector<512x8xf32> -> vector<512x8xf32>
    %add3A_137 = arith.addf %add3A_131, %dot_general3A_136 : vector<512x8xf32>
    %slice3A_138 = vector.extract_strided_slice %add3A_100 {offsets = [3072, 0], sizes = [512, 32], strides = [1, 1]} : vector<7680x32xf32> to vector<512x32xf32>
    %slice3A_139 = vector.extract_strided_slice %get3A_5 {offsets = [6, 0, 0], sizes = [1, 32, 8], strides = [1, 1, 1]} : vector<8x32x8xf32> to vector<1x32x8xf32>
    %squeeze3A_140 = vector.shape_cast %slice3A_139 : vector<1x32x8xf32> to vector<32x8xf32>
    %dot_general3A_141 = arith.constant dense<0.000000e+00> : vector<512x8xf32>
    %dot_general3A_142 = tpu.matmul %slice3A_138, %squeeze3A_140, %dot_general3A_141 {dimension_numbers = #tpu.dot_dimension_numbers<[1], [0], [0], [1], [0, 0, 1, 1], [], []>, transpose_lhs_hint = false} : vector<512x32xf32>, vector<32x8xf32>, vector<512x8xf32> -> vector<512x8xf32>
    %add3A_143 = arith.addf %add3A_137, %dot_general3A_142 : vector<512x8xf32>
    %slice3A_144 = vector.extract_strided_slice %add3A_100 {offsets = [3584, 0], sizes = [512, 32], strides = [1, 1]} : vector<7680x32xf32> to vector<512x32xf32>
    %slice3A_145 = vector.extract_strided_slice %get3A_5 {offsets = [7, 0, 0], sizes = [1, 32, 8], strides = [1, 1, 1]} : vector<8x32x8xf32> to vector<1x32x8xf32>
    %squeeze3A_146 = vector.shape_cast %slice3A_145 : vector<1x32x8xf32> to vector<32x8xf32>
    %dot_general3A_147 = arith.constant dense<0.000000e+00> : vector<512x8xf32>
    %dot_general3A_148 = tpu.matmul %slice3A_144, %squeeze3A_146, %dot_general3A_147 {dimension_numbers = #tpu.dot_dimension_numbers<[1], [0], [0], [1], [0, 0, 1, 1], [], []>, transpose_lhs_hint = false} : vector<512x32xf32>, vector<32x8xf32>, vector<512x8xf32> -> vector<512x8xf32>
    %add3A_149 = arith.addf %add3A_143, %dot_general3A_148 : vector<512x8xf32>
    %broadcast_in_dim3A_150 = arith.constant 0.000000e+00 : f32
    %broadcast_in_dim3A_151 = vector.broadcast %broadcast_in_dim3A_150 : f32 to vector<512x8xf32>
    %slice3A_152 = vector.extract_strided_slice %add3A_100 {offsets = [2048, 0], sizes = [512, 32], strides = [1, 1]} : vector<7680x32xf32> to vector<512x32xf32>
    %slice3A_153 = vector.extract_strided_slice %get3A_5 {offsets = [0, 0, 0], sizes = [1, 32, 8], strides = [1, 1, 1]} : vector<8x32x8xf32> to vector<1x32x8xf32>
    %squeeze3A_154 = vector.shape_cast %slice3A_153 : vector<1x32x8xf32> to vector<32x8xf32>
    %dot_general3A_155 = arith.constant dense<0.000000e+00> : vector<512x8xf32>
    %dot_general3A_156 = tpu.matmul %slice3A_152, %squeeze3A_154, %dot_general3A_155 {dimension_numbers = #tpu.dot_dimension_numbers<[1], [0], [0], [1], [0, 0, 1, 1], [], []>, transpose_lhs_hint = false} : vector<512x32xf32>, vector<32x8xf32>, vector<512x8xf32> -> vector<512x8xf32>
    %add3A_157 = arith.addf %broadcast_in_dim3A_151, %dot_general3A_156 : vector<512x8xf32>
    %slice3A_158 = vector.extract_strided_slice %add3A_100 {offsets = [2560, 0], sizes = [512, 32], strides = [1, 1]} : vector<7680x32xf32> to vector<512x32xf32>
    %slice3A_159 = vector.extract_strided_slice %get3A_5 {offsets = [1, 0, 0], sizes = [1, 32, 8], strides = [1, 1, 1]} : vector<8x32x8xf32> to vector<1x32x8xf32>
    %squeeze3A_160 = vector.shape_cast %slice3A_159 : vector<1x32x8xf32> to vector<32x8xf32>
    %dot_general3A_161 = arith.constant dense<0.000000e+00> : vector<512x8xf32>
    %dot_general3A_162 = tpu.matmul %slice3A_158, %squeeze3A_160, %dot_general3A_161 {dimension_numbers = #tpu.dot_dimension_numbers<[1], [0], [0], [1], [0, 0, 1, 1], [], []>, transpose_lhs_hint = false} : vector<512x32xf32>, vector<32x8xf32>, vector<512x8xf32> -> vector<512x8xf32>
    %add3A_163 = arith.addf %add3A_157, %dot_general3A_162 : vector<512x8xf32>
    %slice3A_164 = vector.extract_strided_slice %add3A_100 {offsets = [3072, 0], sizes = [512, 32], strides = [1, 1]} : vector<7680x32xf32> to vector<512x32xf32>
    %slice3A_165 = vector.extract_strided_slice %get3A_5 {offsets = [2, 0, 0], sizes = [1, 32, 8], strides = [1, 1, 1]} : vector<8x32x8xf32> to vector<1x32x8xf32>
    %squeeze3A_166 = vector.shape_cast %slice3A_165 : vector<1x32x8xf32> to vector<32x8xf32>
    %dot_general3A_167 = arith.constant dense<0.000000e+00> : vector<512x8xf32>
    %dot_general3A_168 = tpu.matmul %slice3A_164, %squeeze3A_166, %dot_general3A_167 {dimension_numbers = #tpu.dot_dimension_numbers<[1], [0], [0], [1], [0, 0, 1, 1], [], []>, transpose_lhs_hint = false} : vector<512x32xf32>, vector<32x8xf32>, vector<512x8xf32> -> vector<512x8xf32>
    %add3A_169 = arith.addf %add3A_163, %dot_general3A_168 : vector<512x8xf32>
    %slice3A_170 = vector.extract_strided_slice %add3A_100 {offsets = [3584, 0], sizes = [512, 32], strides = [1, 1]} : vector<7680x32xf32> to vector<512x32xf32>
    %slice3A_171 = vector.extract_strided_slice %get3A_5 {offsets = [3, 0, 0], sizes = [1, 32, 8], strides = [1, 1, 1]} : vector<8x32x8xf32> to vector<1x32x8xf32>
    %squeeze3A_172 = vector.shape_cast %slice3A_171 : vector<1x32x8xf32> to vector<32x8xf32>
    %dot_general3A_173 = arith.constant dense<0.000000e+00> : vector<512x8xf32>
    %dot_general3A_174 = tpu.matmul %slice3A_170, %squeeze3A_172, %dot_general3A_173 {dimension_numbers = #tpu.dot_dimension_numbers<[1], [0], [0], [1], [0, 0, 1, 1], [], []>, transpose_lhs_hint = false} : vector<512x32xf32>, vector<32x8xf32>, vector<512x8xf32> -> vector<512x8xf32>
    %add3A_175 = arith.addf %add3A_169, %dot_general3A_174 : vector<512x8xf32>
    %slice3A_176 = vector.extract_strided_slice %add3A_100 {offsets = [4096, 0], sizes = [512, 32], strides = [1, 1]} : vector<7680x32xf32> to vector<512x32xf32>
    %slice3A_177 = vector.extract_strided_slice %get3A_5 {offsets = [4, 0, 0], sizes = [1, 32, 8], strides = [1, 1, 1]} : vector<8x32x8xf32> to vector<1x32x8xf32>
    %squeeze3A_178 = vector.shape_cast %slice3A_177 : vector<1x32x8xf32> to vector<32x8xf32>
    %dot_general3A_179 = arith.constant dense<0.000000e+00> : vector<512x8xf32>
    %dot_general3A_180 = tpu.matmul %slice3A_176, %squeeze3A_178, %dot_general3A_179 {dimension_numbers = #tpu.dot_dimension_numbers<[1], [0], [0], [1], [0, 0, 1, 1], [], []>, transpose_lhs_hint = false} : vector<512x32xf32>, vector<32x8xf32>, vector<512x8xf32> -> vector<512x8xf32>
    %add3A_181 = arith.addf %add3A_175, %dot_general3A_180 : vector<512x8xf32>
    %slice3A_182 = vector.extract_strided_slice %add3A_100 {offsets = [4608, 0], sizes = [512, 32], strides = [1, 1]} : vector<7680x32xf32> to vector<512x32xf32>
    %slice3A_183 = vector.extract_strided_slice %get3A_5 {offsets = [5, 0, 0], sizes = [1, 32, 8], strides = [1, 1, 1]} : vector<8x32x8xf32> to vector<1x32x8xf32>
    %squeeze3A_184 = vector.shape_cast %slice3A_183 : vector<1x32x8xf32> to vector<32x8xf32>
    %dot_general3A_185 = arith.constant dense<0.000000e+00> : vector<512x8xf32>
    %dot_general3A_186 = tpu.matmul %slice3A_182, %squeeze3A_184, %dot_general3A_185 {dimension_numbers = #tpu.dot_dimension_numbers<[1], [0], [0], [1], [0, 0, 1, 1], [], []>, transpose_lhs_hint = false} : vector<512x32xf32>, vector<32x8xf32>, vector<512x8xf32> -> vector<512x8xf32>
    %add3A_187 = arith.addf %add3A_181, %dot_general3A_186 : vector<512x8xf32>
    %slice3A_188 = vector.extract_strided_slice %add3A_100 {offsets = [5120, 0], sizes = [512, 32], strides = [1, 1]} : vector<7680x32xf32> to vector<512x32xf32>
    %slice3A_189 = vector.extract_strided_slice %get3A_5 {offsets = [6, 0, 0], sizes = [1, 32, 8], strides = [1, 1, 1]} : vector<8x32x8xf32> to vector<1x32x8xf32>
    %squeeze3A_190 = vector.shape_cast %slice3A_189 : vector<1x32x8xf32> to vector<32x8xf32>
    %dot_general3A_191 = arith.constant dense<0.000000e+00> : vector<512x8xf32>
    %dot_general3A_192 = tpu.matmul %slice3A_188, %squeeze3A_190, %dot_general3A_191 {dimension_numbers = #tpu.dot_dimension_numbers<[1], [0], [0], [1], [0, 0, 1, 1], [], []>, transpose_lhs_hint = false} : vector<512x32xf32>, vector<32x8xf32>, vector<512x8xf32> -> vector<512x8xf32>
    %add3A_193 = arith.addf %add3A_187, %dot_general3A_192 : vector<512x8xf32>
    %slice3A_194 = vector.extract_strided_slice %add3A_100 {offsets = [5632, 0], sizes = [512, 32], strides = [1, 1]} : vector<7680x32xf32> to vector<512x32xf32>
    %slice3A_195 = vector.extract_strided_slice %get3A_5 {offsets = [7, 0, 0], sizes = [1, 32, 8], strides = [1, 1, 1]} : vector<8x32x8xf32> to vector<1x32x8xf32>
    %squeeze3A_196 = vector.shape_cast %slice3A_195 : vector<1x32x8xf32> to vector<32x8xf32>
    %dot_general3A_197 = arith.constant dense<0.000000e+00> : vector<512x8xf32>
    %dot_general3A_198 = tpu.matmul %slice3A_194, %squeeze3A_196, %dot_general3A_197 {dimension_numbers = #tpu.dot_dimension_numbers<[1], [0], [0], [1], [0, 0, 1, 1], [], []>, transpose_lhs_hint = false} : vector<512x32xf32>, vector<32x8xf32>, vector<512x8xf32> -> vector<512x8xf32>
    %add3A_199 = arith.addf %add3A_193, %dot_general3A_198 : vector<512x8xf32>
    %concatenate3A_200 = tpu.concatenate %add3A_149, %add3A_199 in 0 : vector<512x8xf32>, vector<512x8xf32> -> vector<1024x8xf32>
    %get3A_201 = arith.constant 0 : index
    %get3A_202 = arith.constant 0 : index
    %get3A_203 = vector.load %arg6[%get3A_201, %get3A_202] : memref<1x8xf32, #tpu.memory_space<vmem>>, vector<1x8xf32>
    %add3A_204 = vector.broadcast %get3A_203 : vector<1x8xf32> to vector<1024x8xf32>
    %add3A_205 = arith.addf %concatenate3A_200, %add3A_204 : vector<1024x8xf32>
    %max3A_206 = arith.constant 0.000000e+00 : f32
    %max3A_207 = vector.broadcast %max3A_206 : f32 to vector<1024x8xf32>
    %max3A_208 = arith.maximumf %add3A_205, %max3A_207 : vector<1024x8xf32>
    %reduce_sum3A_209 = arith.constant dense<0.000000e+00> : vector<8xf32>
    %reduce_sum3A_210 = vector.multi_reduction <add>, %max3A_208, %reduce_sum3A_209 [0] : vector<1024x8xf32> to vector<8xf32>
    %broadcast_in_dim3A_211 = vector.shape_cast %reduce_sum3A_210 : vector<8xf32> to vector<1x8xf32>
    %div3A_212 = arith.constant 1.024000e+03 : f32
    %div3A_213 = vector.broadcast %div3A_212 : f32 to vector<1x8xf32>
    %div3A_214 = arith.divf %broadcast_in_dim3A_211, %div3A_213 : vector<1x8xf32>
    %sub3A_215 = vector.broadcast %div3A_214 : vector<1x8xf32> to vector<1024x8xf32>
    %sub3A_216 = arith.subf %max3A_208, %sub3A_215 : vector<1024x8xf32>
    %sub3A_217 = vector.broadcast %div3A_214 : vector<1x8xf32> to vector<1024x8xf32>
    %sub3A_218 = arith.subf %max3A_208, %sub3A_217 : vector<1024x8xf32>
    %mul3A_219 = arith.mulf %sub3A_216, %sub3A_218 : vector<1024x8xf32>
    %reduce_sum3A_220 = arith.constant dense<0.000000e+00> : vector<8xf32>
    %reduce_sum3A_221 = vector.multi_reduction <add>, %mul3A_219, %reduce_sum3A_220 [0] : vector<1024x8xf32> to vector<8xf32>
    %broadcast_in_dim3A_222 = vector.shape_cast %reduce_sum3A_221 : vector<8xf32> to vector<1x8xf32>
    %div3A_223 = arith.constant 1.024000e+03 : f32
    %div3A_224 = vector.broadcast %div3A_223 : f32 to vector<1x8xf32>
    %div3A_225 = arith.divf %broadcast_in_dim3A_222, %div3A_224 : vector<1x8xf32>
    %sub3A_226 = vector.broadcast %div3A_214 : vector<1x8xf32> to vector<1024x8xf32>
    %sub3A_227 = arith.subf %max3A_208, %sub3A_226 : vector<1024x8xf32>
    %add3A_228 = arith.constant 9.99999974E-6 : f32
    %add3A_229 = vector.broadcast %add3A_228 : f32 to vector<1x8xf32>
    %add3A_230 = arith.addf %div3A_225, %add3A_229 : vector<1x8xf32>
    %rsqrt3A_231 = math.rsqrt %add3A_230 : vector<1x8xf32>
    %mul3A_232 = vector.broadcast %rsqrt3A_231 : vector<1x8xf32> to vector<1024x8xf32>
    %mul3A_233 = arith.mulf %sub3A_227, %mul3A_232 : vector<1024x8xf32>
    %get3A_234 = arith.constant 0 : index
    %get3A_235 = arith.constant 0 : index
    %get3A_236 = vector.load %arg7[%get3A_234, %get3A_235] : memref<1x8xf32, #tpu.memory_space<vmem>>, vector<1x8xf32>
    %mul3A_237 = vector.broadcast %get3A_236 : vector<1x8xf32> to vector<1024x8xf32>
    %mul3A_238 = arith.mulf %mul3A_233, %mul3A_237 : vector<1024x8xf32>
    %get3A_239 = arith.constant 0 : index
    %get3A_240 = arith.constant 0 : index
    %get3A_241 = vector.load %arg8[%get3A_239, %get3A_240] : memref<1x8xf32, #tpu.memory_space<vmem>>, vector<1x8xf32>
    %add3A_242 = vector.broadcast %get3A_241 : vector<1x8xf32> to vector<1024x8xf32>
    %add3A_243 = arith.addf %mul3A_238, %add3A_242 : vector<1024x8xf32>
    %slice3A_244 = vector.extract_strided_slice %add3A_243 {offsets = [0, 0], sizes = [512, 8], strides = [1, 1]} : vector<1024x8xf32> to vector<512x8xf32>
    %dot_general3A_245 = arith.constant dense<0.000000e+00> : vector<512x16xf32>
    %dot_general3A_246 = tpu.matmul %slice3A_244, %convert_element_type3A_9, %dot_general3A_245 {dimension_numbers = #tpu.dot_dimension_numbers<[1], [0], [0], [1], [0, 0, 1, 1], [], []>, transpose_lhs_hint = false} : vector<512x8xf32>, vector<8x16xf32>, vector<512x16xf32> -> vector<512x16xf32>
    %slice3A_247 = vector.extract_strided_slice %add3A_243 {offsets = [512, 0], sizes = [512, 8], strides = [1, 1]} : vector<1024x8xf32> to vector<512x8xf32>
    %dot_general3A_248 = arith.constant dense<0.000000e+00> : vector<512x16xf32>
    %dot_general3A_249 = tpu.matmul %slice3A_247, %convert_element_type3A_17, %dot_general3A_248 {dimension_numbers = #tpu.dot_dimension_numbers<[1], [0], [0], [1], [0, 0, 1, 1], [], []>, transpose_lhs_hint = false} : vector<512x8xf32>, vector<8x16xf32>, vector<512x16xf32> -> vector<512x16xf32>
    %add3A_250 = arith.addf %dot_general3A_246, %dot_general3A_249 : vector<512x16xf32>
    %swap3A = arith.constant 0 : index
    %swap3A_251 = arith.constant 0 : index
    %swap3A_252 = vector.load %arg9[%swap3A, %swap3A_251] : memref<512x128xf32, #tpu.memory_space<vmem>>, vector<512x16xf32>
    tpu.vector_store %arg9[%swap3A, %swap3A_251], %add3A_250 {strides = array<i32>} : memref<512x128xf32, #tpu.memory_space<vmem>>, vector<512x16xf32>,
    %get3A_253 = arith.constant 0 : index
    %get3A_254 = arith.constant 512 : index
    %get3A_255 = vector.load %arg0[%get3A_253, %get3A_254] : memref<512x4096xf32, #tpu.memory_space<vmem>>, vector<512x64xf32>
    %slice3A_256 = vector.extract_strided_slice %get3A_255 {offsets = [0, 0], sizes = [512, 8], strides = [1, 1]} : vector<512x64xf32> to vector<512x8xf32>
    %dot_general3A_257 = arith.constant dense<0.000000e+00> : vector<512x32xf32>
    %dot_general3A_258 = tpu.matmul %slice3A_256, %get3A_1, %dot_general3A_257 {dimension_numbers = #tpu.dot_dimension_numbers<[1], [0], [0], [1], [0, 0, 1, 1], [], []>, transpose_lhs_hint = false} : vector<512x8xf32>, vector<8x32xf32>, vector<512x32xf32> -> vector<512x32xf32>
    %slice3A_259 = vector.extract_strided_slice %get3A_255 {offsets = [0, 4], sizes = [512, 8], strides = [1, 1]} : vector<512x64xf32> to vector<512x8xf32>
    %dot_general3A_260 = arith.constant dense<0.000000e+00> : vector<512x32xf32>
    %dot_general3A_261 = tpu.matmul %slice3A_259, %get3A_1, %dot_general3A_260 {dimension_numbers = #tpu.dot_dimension_numbers<[1], [0], [0], [1], [0, 0, 1, 1], [], []>, transpose_lhs_hint = false} : vector<512x8xf32>, vector<8x32xf32>, vector<512x32xf32> -> vector<512x32xf32>
    %slice3A_262 = vector.extract_strided_slice %get3A_255 {offsets = [0, 8], sizes = [512, 8], strides = [1, 1]} : vector<512x64xf32> to vector<512x8xf32>
    %dot_general3A_263 = arith.constant dense<0.000000e+00> : vector<512x32xf32>
    %dot_general3A_264 = tpu.matmul %slice3A_262, %get3A_1, %dot_general3A_263 {dimension_numbers = #tpu.dot_dimension_numbers<[1], [0], [0], [1], [0, 0, 1, 1], [], []>, transpose_lhs_hint = false} : vector<512x8xf32>, vector<8x32xf32>, vector<512x32xf32> -> vector<512x32xf32>
    %slice3A_265 = vector.extract_strided_slice %get3A_255 {offsets = [0, 12], sizes = [512, 8], strides = [1, 1]} : vector<512x64xf32> to vector<512x8xf32>
    %dot_general3A_266 = arith.constant dense<0.000000e+00> : vector<512x32xf32>
    %dot_general3A_267 = tpu.matmul %slice3A_265, %get3A_1, %dot_general3A_266 {dimension_numbers = #tpu.dot_dimension_numbers<[1], [0], [0], [1], [0, 0, 1, 1], [], []>, transpose_lhs_hint = false} : vector<512x8xf32>, vector<8x32xf32>, vector<512x32xf32> -> vector<512x32xf32>
    %slice3A_268 = vector.extract_strided_slice %get3A_255 {offsets = [0, 16], sizes = [512, 8], strides = [1, 1]} : vector<512x64xf32> to vector<512x8xf32>
    %dot_general3A_269 = arith.constant dense<0.000000e+00> : vector<512x32xf32>
    %dot_general3A_270 = tpu.matmul %slice3A_268, %get3A_1, %dot_general3A_269 {dimension_numbers = #tpu.dot_dimension_numbers<[1], [0], [0], [1], [0, 0, 1, 1], [], []>, transpose_lhs_hint = false} : vector<512x8xf32>, vector<8x32xf32>, vector<512x32xf32> -> vector<512x32xf32>
    %slice3A_271 = vector.extract_strided_slice %get3A_255 {offsets = [0, 20], sizes = [512, 8], strides = [1, 1]} : vector<512x64xf32> to vector<512x8xf32>
    %dot_general3A_272 = arith.constant dense<0.000000e+00> : vector<512x32xf32>
    %dot_general3A_273 = tpu.matmul %slice3A_271, %get3A_1, %dot_general3A_272 {dimension_numbers = #tpu.dot_dimension_numbers<[1], [0], [0], [1], [0, 0, 1, 1], [], []>, transpose_lhs_hint = false} : vector<512x8xf32>, vector<8x32xf32>, vector<512x32xf32> -> vector<512x32xf32>
    %slice3A_274 = vector.extract_strided_slice %get3A_255 {offsets = [0, 24], sizes = [512, 8], strides = [1, 1]} : vector<512x64xf32> to vector<512x8xf32>
    %dot_general3A_275 = arith.constant dense<0.000000e+00> : vector<512x32xf32>
    %dot_general3A_276 = tpu.matmul %slice3A_274, %get3A_1, %dot_general3A_275 {dimension_numbers = #tpu.dot_dimension_numbers<[1], [0], [0], [1], [0, 0, 1, 1], [], []>, transpose_lhs_hint = false} : vector<512x8xf32>, vector<8x32xf32>, vector<512x32xf32> -> vector<512x32xf32>
    %slice3A_277 = vector.extract_strided_slice %get3A_255 {offsets = [0, 28], sizes = [512, 8], strides = [1, 1]} : vector<512x64xf32> to vector<512x8xf32>
    %dot_general3A_278 = arith.constant dense<0.000000e+00> : vector<512x32xf32>
    %dot_general3A_279 = tpu.matmul %slice3A_277, %get3A_1, %dot_general3A_278 {dimension_numbers = #tpu.dot_dimension_numbers<[1], [0], [0], [1], [0, 0, 1, 1], [], []>, transpose_lhs_hint = false} : vector<512x8xf32>, vector<8x32xf32>, vector<512x32xf32> -> vector<512x32xf32>
    %slice3A_280 = vector.extract_strided_slice %get3A_255 {offsets = [0, 32], sizes = [512, 8], strides = [1, 1]} : vector<512x64xf32> to vector<512x8xf32>
    %dot_general3A_281 = arith.constant dense<0.000000e+00> : vector<512x32xf32>
    %dot_general3A_282 = tpu.matmul %slice3A_280, %get3A_1, %dot_general3A_281 {dimension_numbers = #tpu.dot_dimension_numbers<[1], [0], [0], [1], [0, 0, 1, 1], [], []>, transpose_lhs_hint = false} : vector<512x8xf32>, vector<8x32xf32>, vector<512x32xf32> -> vector<512x32xf32>
    %slice3A_283 = vector.extract_strided_slice %get3A_255 {offsets = [0, 36], sizes = [512, 8], strides = [1, 1]} : vector<512x64xf32> to vector<512x8xf32>
    %dot_general3A_284 = arith.constant dense<0.000000e+00> : vector<512x32xf32>
    %dot_general3A_285 = tpu.matmul %slice3A_283, %get3A_1, %dot_general3A_284 {dimension_numbers = #tpu.dot_dimension_numbers<[1], [0], [0], [1], [0, 0, 1, 1], [], []>, transpose_lhs_hint = false} : vector<512x8xf32>, vector<8x32xf32>, vector<512x32xf32> -> vector<512x32xf32>
    %slice3A_286 = vector.extract_strided_slice %get3A_255 {offsets = [0, 40], sizes = [512, 8], strides = [1, 1]} : vector<512x64xf32> to vector<512x8xf32>
    %dot_general3A_287 = arith.constant dense<0.000000e+00> : vector<512x32xf32>
    %dot_general3A_288 = tpu.matmul %slice3A_286, %get3A_1, %dot_general3A_287 {dimension_numbers = #tpu.dot_dimension_numbers<[1], [0], [0], [1], [0, 0, 1, 1], [], []>, transpose_lhs_hint = false} : vector<512x8xf32>, vector<8x32xf32>, vector<512x32xf32> -> vector<512x32xf32>
    %slice3A_289 = vector.extract_strided_slice %get3A_255 {offsets = [0, 44], sizes = [512, 8], strides = [1, 1]} : vector<512x64xf32> to vector<512x8xf32>
    %dot_general3A_290 = arith.constant dense<0.000000e+00> : vector<512x32xf32>
    %dot_general3A_291 = tpu.matmul %slice3A_289, %get3A_1, %dot_general3A_290 {dimension_numbers = #tpu.dot_dimension_numbers<[1], [0], [0], [1], [0, 0, 1, 1], [], []>, transpose_lhs_hint = false} : vector<512x8xf32>, vector<8x32xf32>, vector<512x32xf32> -> vector<512x32xf32>
    %slice3A_292 = vector.extract_strided_slice %get3A_255 {offsets = [0, 48], sizes = [512, 8], strides = [1, 1]} : vector<512x64xf32> to vector<512x8xf32>
    %dot_general3A_293 = arith.constant dense<0.000000e+00> : vector<512x32xf32>
    %dot_general3A_294 = tpu.matmul %slice3A_292, %get3A_1, %dot_general3A_293 {dimension_numbers = #tpu.dot_dimension_numbers<[1], [0], [0], [1], [0, 0, 1, 1], [], []>, transpose_lhs_hint = false} : vector<512x8xf32>, vector<8x32xf32>, vector<512x32xf32> -> vector<512x32xf32>
    %slice3A_295 = vector.extract_strided_slice %get3A_255 {offsets = [0, 52], sizes = [512, 8], strides = [1, 1]} : vector<512x64xf32> to vector<512x8xf32>
    %dot_general3A_296 = arith.constant dense<0.000000e+00> : vector<512x32xf32>
    %dot_general3A_297 = tpu.matmul %slice3A_295, %get3A_1, %dot_general3A_296 {dimension_numbers = #tpu.dot_dimension_numbers<[1], [0], [0], [1], [0, 0, 1, 1], [], []>, transpose_lhs_hint = false} : vector<512x8xf32>, vector<8x32xf32>, vector<512x32xf32> -> vector<512x32xf32>
    %slice3A_298 = vector.extract_strided_slice %get3A_255 {offsets = [0, 56], sizes = [512, 8], strides = [1, 1]} : vector<512x64xf32> to vector<512x8xf32>
    %dot_general3A_299 = arith.constant dense<0.000000e+00> : vector<512x32xf32>
    %dot_general3A_300 = tpu.matmul %slice3A_298, %get3A_1, %dot_general3A_299 {dimension_numbers = #tpu.dot_dimension_numbers<[1], [0], [0], [1], [0, 0, 1, 1], [], []>, transpose_lhs_hint = false} : vector<512x8xf32>, vector<8x32xf32>, vector<512x32xf32> -> vector<512x32xf32>
    %concatenate3A_301 = tpu.concatenate %dot_general3A_258, %dot_general3A_261, %dot_general3A_264, %dot_general3A_267, %dot_general3A_270, %dot_general3A_273, %dot_general3A_276, %dot_general3A_279, %dot_general3A_282, %dot_general3A_285, %dot_general3A_288, %dot_general3A_291, %dot_general3A_294, %dot_general3A_297, %dot_general3A_300 in 0 : vector<512x32xf32>, vector<512x32xf32>, vector<512x32xf32>, vector<512x32xf32>, vector<512x32xf32>, vector<512x32xf32>, vector<512x32xf32>, vector<512x32xf32>, vector<512x32xf32>, vector<512x32xf32>, vector<512x32xf32>, vector<512x32xf32>, vector<512x32xf32>, vector<512x32xf32>, vector<512x32xf32> -> vector<7680x32xf32>
    %get3A_302 = arith.constant 0 : index
    %get3A_303 = arith.constant 0 : index
    %get3A_304 = vector.load %arg2[%get3A_302, %get3A_303] : memref<1x32xf32, #tpu.memory_space<vmem>>, vector<1x32xf32>
    %add3A_305 = vector.broadcast %get3A_304 : vector<1x32xf32> to vector<7680x32xf32>
    %add3A_306 = arith.addf %concatenate3A_301, %add3A_305 : vector<7680x32xf32>
    %max3A_307 = arith.constant 0.000000e+00 : f32
    %max3A_308 = vector.broadcast %max3A_307 : f32 to vector<7680x32xf32>
    %max3A_309 = arith.maximumf %add3A_306, %max3A_308 : vector<7680x32xf32>
    %reduce_sum3A_310 = arith.constant dense<0.000000e+00> : vector<32xf32>
    %reduce_sum3A_311 = vector.multi_reduction <add>, %max3A_309, %reduce_sum3A_310 [0] : vector<7680x32xf32> to vector<32xf32>
    %broadcast_in_dim3A_312 = vector.shape_cast %reduce_sum3A_311 : vector<32xf32> to vector<1x32xf32>
    %div3A_313 = arith.constant 7.680000e+03 : f32
    %div3A_314 = vector.broadcast %div3A_313 : f32 to vector<1x32xf32>
    %div3A_315 = arith.divf %broadcast_in_dim3A_312, %div3A_314 : vector<1x32xf32>
    %sub3A_316 = vector.broadcast %div3A_315 : vector<1x32xf32> to vector<7680x32xf32>
    %sub3A_317 = arith.subf %max3A_309, %sub3A_316 : vector<7680x32xf32>
    %sub3A_318 = vector.broadcast %div3A_315 : vector<1x32xf32> to vector<7680x32xf32>
    %sub3A_319 = arith.subf %max3A_309, %sub3A_318 : vector<7680x32xf32>
    %mul3A_320 = arith.mulf %sub3A_317, %sub3A_319 : vector<7680x32xf32>
    %reduce_sum3A_321 = arith.constant dense<0.000000e+00> : vector<32xf32>
    %reduce_sum3A_322 = vector.multi_reduction <add>, %mul3A_320, %reduce_sum3A_321 [0] : vector<7680x32xf32> to vector<32xf32>
    %broadcast_in_dim3A_323 = vector.shape_cast %reduce_sum3A_322 : vector<32xf32> to vector<1x32xf32>
    %div3A_324 = arith.constant 7.680000e+03 : f32
    %div3A_325 = vector.broadcast %div3A_324 : f32 to vector<1x32xf32>
    %div3A_326 = arith.divf %broadcast_in_dim3A_323, %div3A_325 : vector<1x32xf32>
    %sub3A_327 = vector.broadcast %div3A_315 : vector<1x32xf32> to vector<7680x32xf32>
    %sub3A_328 = arith.subf %max3A_309, %sub3A_327 : vector<7680x32xf32>
    %add3A_329 = arith.constant 9.99999974E-6 : f32
    %add3A_330 = vector.broadcast %add3A_329 : f32 to vector<1x32xf32>
    %add3A_331 = arith.addf %div3A_326, %add3A_330 : vector<1x32xf32>
    %rsqrt3A_332 = math.rsqrt %add3A_331 : vector<1x32xf32>
    %mul3A_333 = vector.broadcast %rsqrt3A_332 : vector<1x32xf32> to vector<7680x32xf32>
    %mul3A_334 = arith.mulf %sub3A_328, %mul3A_333 : vector<7680x32xf32>
    %get3A_335 = arith.constant 0 : index
    %get3A_336 = arith.constant 0 : index
    %get3A_337 = vector.load %arg3[%get3A_335, %get3A_336] : memref<1x32xf32, #tpu.memory_space<vmem>>, vector<1x32xf32>
    %mul3A_338 = vector.broadcast %get3A_337 : vector<1x32xf32> to vector<7680x32xf32>
    %mul3A_339 = arith.mulf %mul3A_334, %mul3A_338 : vector<7680x32xf32>
    %get3A_340 = arith.constant 0 : index
    %get3A_341 = arith.constant 0 : index
    %get3A_342 = vector.load %arg4[%get3A_340, %get3A_341] : memref<1x32xf32, #tpu.memory_space<vmem>>, vector<1x32xf32>
    %add3A_343 = vector.broadcast %get3A_342 : vector<1x32xf32> to vector<7680x32xf32>
    %add3A_344 = arith.addf %mul3A_339, %add3A_343 : vector<7680x32xf32>
    %broadcast_in_dim3A_345 = arith.constant 0.000000e+00 : f32
    %broadcast_in_dim3A_346 = vector.broadcast %broadcast_in_dim3A_345 : f32 to vector<512x8xf32>
    %slice3A_347 = vector.extract_strided_slice %add3A_344 {offsets = [0, 0], sizes = [512, 32], strides = [1, 1]} : vector<7680x32xf32> to vector<512x32xf32>
    %slice3A_348 = vector.extract_strided_slice %get3A_5 {offsets = [0, 0, 0], sizes = [1, 32, 8], strides = [1, 1, 1]} : vector<8x32x8xf32> to vector<1x32x8xf32>
    %squeeze3A_349 = vector.shape_cast %slice3A_348 : vector<1x32x8xf32> to vector<32x8xf32>
    %dot_general3A_350 = arith.constant dense<0.000000e+00> : vector<512x8xf32>
    %dot_general3A_351 = tpu.matmul %slice3A_347, %squeeze3A_349, %dot_general3A_350 {dimension_numbers = #tpu.dot_dimension_numbers<[1], [0], [0], [1], [0, 0, 1, 1], [], []>, transpose_lhs_hint = false} : vector<512x32xf32>, vector<32x8xf32>, vector<512x8xf32> -> vector<512x8xf32>
    %add3A_352 = arith.addf %broadcast_in_dim3A_346, %dot_general3A_351 : vector<512x8xf32>
    %slice3A_353 = vector.extract_strided_slice %add3A_344 {offsets = [512, 0], sizes = [512, 32], strides = [1, 1]} : vector<7680x32xf32> to vector<512x32xf32>
    %slice3A_354 = vector.extract_strided_slice %get3A_5 {offsets = [1, 0, 0], sizes = [1, 32, 8], strides = [1, 1, 1]} : vector<8x32x8xf32> to vector<1x32x8xf32>
    %squeeze3A_355 = vector.shape_cast %slice3A_354 : vector<1x32x8xf32> to vector<32x8xf32>
    %dot_general3A_356 = arith.constant dense<0.000000e+00> : vector<512x8xf32>
    %dot_general3A_357 = tpu.matmul %slice3A_353, %squeeze3A_355, %dot_general3A_356 {dimension_numbers = #tpu.dot_dimension_numbers<[1], [0], [0], [1], [0, 0, 1, 1], [], []>, transpose_lhs_hint = false} : vector<512x32xf32>, vector<32x8xf32>, vector<512x8xf32> -> vector<512x8xf32>
    %add3A_358 = arith.addf %add3A_352, %dot_general3A_357 : vector<512x8xf32>
    %slice3A_359 = vector.extract_strided_slice %add3A_344 {offsets = [1024, 0], sizes = [512, 32], strides = [1, 1]} : vector<7680x32xf32> to vector<512x32xf32>
    %slice3A_360 = vector.extract_strided_slice %get3A_5 {offsets = [2, 0, 0], sizes = [1, 32, 8], strides = [1, 1, 1]} : vector<8x32x8xf32> to vector<1x32x8xf32>
    %squeeze3A_361 = vector.shape_cast %slice3A_360 : vector<1x32x8xf32> to vector<32x8xf32>
    %dot_general3A_362 = arith.constant dense<0.000000e+00> : vector<512x8xf32>
    %dot_general3A_363 = tpu.matmul %slice3A_359, %squeeze3A_361, %dot_general3A_362 {dimension_numbers = #tpu.dot_dimension_numbers<[1], [0], [0], [1], [0, 0, 1, 1], [], []>, transpose_lhs_hint = false} : vector<512x32xf32>, vector<32x8xf32>, vector<512x8xf32> -> vector<512x8xf32>
    %add3A_364 = arith.addf %add3A_358, %dot_general3A_363 : vector<512x8xf32>
    %slice3A_365 = vector.extract_strided_slice %add3A_344 {offsets = [1536, 0], sizes = [512, 32], strides = [1, 1]} : vector<7680x32xf32> to vector<512x32xf32>
    %slice3A_366 = vector.extract_strided_slice %get3A_5 {offsets = [3, 0, 0], sizes = [1, 32, 8], strides = [1, 1, 1]} : vector<8x32x8xf32> to vector<1x32x8xf32>
    %squeeze3A_367 = vector.shape_cast %slice3A_366 : vector<1x32x8xf32> to vector<32x8xf32>
    %dot_general3A_368 = arith.constant dense<0.000000e+00> : vector<512x8xf32>
    %dot_general3A_369 = tpu.matmul %slice3A_365, %squeeze3A_367, %dot_general3A_368 {dimension_numbers = #tpu.dot_dimension_numbers<[1], [0], [0], [1], [0, 0, 1, 1], [], []>, transpose_lhs_hint = false} : vector<512x32xf32>, vector<32x8xf32>, vector<512x8xf32> -> vector<512x8xf32>
    %add3A_370 = arith.addf %add3A_364, %dot_general3A_369 : vector<512x8xf32>
    %slice3A_371 = vector.extract_strided_slice %add3A_344 {offsets = [2048, 0], sizes = [512, 32], strides = [1, 1]} : vector<7680x32xf32> to vector<512x32xf32>
    %slice3A_372 = vector.extract_strided_slice %get3A_5 {offsets = [4, 0, 0], sizes = [1, 32, 8], strides = [1, 1, 1]} : vector<8x32x8xf32> to vector<1x32x8xf32>
    %squeeze3A_373 = vector.shape_cast %slice3A_372 : vector<1x32x8xf32> to vector<32x8xf32>
    %dot_general3A_374 = arith.constant dense<0.000000e+00> : vector<512x8xf32>
    %dot_general3A_375 = tpu.matmul %slice3A_371, %squeeze3A_373, %dot_general3A_374 {dimension_numbers = #tpu.dot_dimension_numbers<[1], [0], [0], [1], [0, 0, 1, 1], [], []>, transpose_lhs_hint = false} : vector<512x32xf32>, vector<32x8xf32>, vector<512x8xf32> -> vector<512x8xf32>
    %add3A_376 = arith.addf %add3A_370, %dot_general3A_375 : vector<512x8xf32>
    %slice3A_377 = vector.extract_strided_slice %add3A_344 {offsets = [2560, 0], sizes = [512, 32], strides = [1, 1]} : vector<7680x32xf32> to vector<512x32xf32>
    %slice3A_378 = vector.extract_strided_slice %get3A_5 {offsets = [5, 0, 0], sizes = [1, 32, 8], strides = [1, 1, 1]} : vector<8x32x8xf32> to vector<1x32x8xf32>
    %squeeze3A_379 = vector.shape_cast %slice3A_378 : vector<1x32x8xf32> to vector<32x8xf32>
    %dot_general3A_380 = arith.constant dense<0.000000e+00> : vector<512x8xf32>
    %dot_general3A_381 = tpu.matmul %slice3A_377, %squeeze3A_379, %dot_general3A_380 {dimension_numbers = #tpu.dot_dimension_numbers<[1], [0], [0], [1], [0, 0, 1, 1], [], []>, transpose_lhs_hint = false} : vector<512x32xf32>, vector<32x8xf32>, vector<512x8xf32> -> vector<512x8xf32>
    %add3A_382 = arith.addf %add3A_376, %dot_general3A_381 : vector<512x8xf32>
    %slice3A_383 = vector.extract_strided_slice %add3A_344 {offsets = [3072, 0], sizes = [512, 32], strides = [1, 1]} : vector<7680x32xf32> to vector<512x32xf32>
    %slice3A_384 = vector.extract_strided_slice %get3A_5 {offsets = [6, 0, 0], sizes = [1, 32, 8], strides = [1, 1, 1]} : vector<8x32x8xf32> to vector<1x32x8xf32>
    %squeeze3A_385 = vector.shape_cast %slice3A_384 : vector<1x32x8xf32> to vector<32x8xf32>
    %dot_general3A_386 = arith.constant dense<0.000000e+00> : vector<512x8xf32>
    %dot_general3A_387 = tpu.matmul %slice3A_383, %squeeze3A_385, %dot_general3A_386 {dimension_numbers = #tpu.dot_dimension_numbers<[1], [0], [0], [1], [0, 0, 1, 1], [], []>, transpose_lhs_hint = false} : vector<512x32xf32>, vector<32x8xf32>, vector<512x8xf32> -> vector<512x8xf32>
    %add3A_388 = arith.addf %add3A_382, %dot_general3A_387 : vector<512x8xf32>
    %slice3A_389 = vector.extract_strided_slice %add3A_344 {offsets = [3584, 0], sizes = [512, 32], strides = [1, 1]} : vector<7680x32xf32> to vector<512x32xf32>
    %slice3A_390 = vector.extract_strided_slice %get3A_5 {offsets = [7, 0, 0], sizes = [1, 32, 8], strides = [1, 1, 1]} : vector<8x32x8xf32> to vector<1x32x8xf32>
    %squeeze3A_391 = vector.shape_cast %slice3A_390 : vector<1x32x8xf32> to vector<32x8xf32>
    %dot_general3A_392 = arith.constant dense<0.000000e+00> : vector<512x8xf32>
    %dot_general3A_393 = tpu.matmul %slice3A_389, %squeeze3A_391, %dot_general3A_392 {dimension_numbers = #tpu.dot_dimension_numbers<[1], [0], [0], [1], [0, 0, 1, 1], [], []>, transpose_lhs_hint = false} : vector<512x32xf32>, vector<32x8xf32>, vector<512x8xf32> -> vector<512x8xf32>
    %add3A_394 = arith.addf %add3A_388, %dot_general3A_393 : vector<512x8xf32>
    %broadcast_in_dim3A_395 = arith.constant 0.000000e+00 : f32
    %broadcast_in_dim3A_396 = vector.broadcast %broadcast_in_dim3A_395 : f32 to vector<512x8xf32>
    %slice3A_397 = vector.extract_strided_slice %add3A_344 {offsets = [2048, 0], sizes = [512, 32], strides = [1, 1]} : vector<7680x32xf32> to vector<512x32xf32>
    %slice3A_398 = vector.extract_strided_slice %get3A_5 {offsets = [0, 0, 0], sizes = [1, 32, 8], strides = [1, 1, 1]} : vector<8x32x8xf32> to vector<1x32x8xf32>
    %squeeze3A_399 = vector.shape_cast %slice3A_398 : vector<1x32x8xf32> to vector<32x8xf32>
    %dot_general3A_400 = arith.constant dense<0.000000e+00> : vector<512x8xf32>
    %dot_general3A_401 = tpu.matmul %slice3A_397, %squeeze3A_399, %dot_general3A_400 {dimension_numbers = #tpu.dot_dimension_numbers<[1], [0], [0], [1], [0, 0, 1, 1], [], []>, transpose_lhs_hint = false} : vector<512x32xf32>, vector<32x8xf32>, vector<512x8xf32> -> vector<512x8xf32>
    %add3A_402 = arith.addf %broadcast_in_dim3A_396, %dot_general3A_401 : vector<512x8xf32>
    %slice3A_403 = vector.extract_strided_slice %add3A_344 {offsets = [2560, 0], sizes = [512, 32], strides = [1, 1]} : vector<7680x32xf32> to vector<512x32xf32>
    %slice3A_404 = vector.extract_strided_slice %get3A_5 {offsets = [1, 0, 0], sizes = [1, 32, 8], strides = [1, 1, 1]} : vector<8x32x8xf32> to vector<1x32x8xf32>
    %squeeze3A_405 = vector.shape_cast %slice3A_404 : vector<1x32x8xf32> to vector<32x8xf32>
    %dot_general3A_406 = arith.constant dense<0.000000e+00> : vector<512x8xf32>
    %dot_general3A_407 = tpu.matmul %slice3A_403, %squeeze3A_405, %dot_general3A_406 {dimension_numbers = #tpu.dot_dimension_numbers<[1], [0], [0], [1], [0, 0, 1, 1], [], []>, transpose_lhs_hint = false} : vector<512x32xf32>, vector<32x8xf32>, vector<512x8xf32> -> vector<512x8xf32>
    %add3A_408 = arith.addf %add3A_402, %dot_general3A_407 : vector<512x8xf32>
    %slice3A_409 = vector.extract_strided_slice %add3A_344 {offsets = [3072, 0], sizes = [512, 32], strides = [1, 1]} : vector<7680x32xf32> to vector<512x32xf32>
    %slice3A_410 = vector.extract_strided_slice %get3A_5 {offsets = [2, 0, 0], sizes = [1, 32, 8], strides = [1, 1, 1]} : vector<8x32x8xf32> to vector<1x32x8xf32>
    %squeeze3A_411 = vector.shape_cast %slice3A_410 : vector<1x32x8xf32> to vector<32x8xf32>
    %dot_general3A_412 = arith.constant dense<0.000000e+00> : vector<512x8xf32>
    %dot_general3A_413 = tpu.matmul %slice3A_409, %squeeze3A_411, %dot_general3A_412 {dimension_numbers = #tpu.dot_dimension_numbers<[1], [0], [0], [1], [0, 0, 1, 1], [], []>, transpose_lhs_hint = false} : vector<512x32xf32>, vector<32x8xf32>, vector<512x8xf32> -> vector<512x8xf32>
    %add3A_414 = arith.addf %add3A_408, %dot_general3A_413 : vector<512x8xf32>
    %slice3A_415 = vector.extract_strided_slice %add3A_344 {offsets = [3584, 0], sizes = [512, 32], strides = [1, 1]} : vector<7680x32xf32> to vector<512x32xf32>
    %slice3A_416 = vector.extract_strided_slice %get3A_5 {offsets = [3, 0, 0], sizes = [1, 32, 8], strides = [1, 1, 1]} : vector<8x32x8xf32> to vector<1x32x8xf32>
    %squeeze3A_417 = vector.shape_cast %slice3A_416 : vector<1x32x8xf32> to vector<32x8xf32>
    %dot_general3A_418 = arith.constant dense<0.000000e+00> : vector<512x8xf32>
    %dot_general3A_419 = tpu.matmul %slice3A_415, %squeeze3A_417, %dot_general3A_418 {dimension_numbers = #tpu.dot_dimension_numbers<[1], [0], [0], [1], [0, 0, 1, 1], [], []>, transpose_lhs_hint = false} : vector<512x32xf32>, vector<32x8xf32>, vector<512x8xf32> -> vector<512x8xf32>
    %add3A_420 = arith.addf %add3A_414, %dot_general3A_419 : vector<512x8xf32>
    %slice3A_421 = vector.extract_strided_slice %add3A_344 {offsets = [4096, 0], sizes = [512, 32], strides = [1, 1]} : vector<7680x32xf32> to vector<512x32xf32>
    %slice3A_422 = vector.extract_strided_slice %get3A_5 {offsets = [4, 0, 0], sizes = [1, 32, 8], strides = [1, 1, 1]} : vector<8x32x8xf32> to vector<1x32x8xf32>
    %squeeze3A_423 = vector.shape_cast %slice3A_422 : vector<1x32x8xf32> to vector<32x8xf32>
    %dot_general3A_424 = arith.constant dense<0.000000e+00> : vector<512x8xf32>
    %dot_general3A_425 = tpu.matmul %slice3A_421, %squeeze3A_423, %dot_general3A_424 {dimension_numbers = #tpu.dot_dimension_numbers<[1], [0], [0], [1], [0, 0, 1, 1], [], []>, transpose_lhs_hint = false} : vector<512x32xf32>, vector<32x8xf32>, vector<512x8xf32> -> vector<512x8xf32>
    %add3A_426 = arith.addf %add3A_420, %dot_general3A_425 : vector<512x8xf32>
    %slice3A_427 = vector.extract_strided_slice %add3A_344 {offsets = [4608, 0], sizes = [512, 32], strides = [1, 1]} : vector<7680x32xf32> to vector<512x32xf32>
    %slice3A_428 = vector.extract_strided_slice %get3A_5 {offsets = [5, 0, 0], sizes = [1, 32, 8], strides = [1, 1, 1]} : vector<8x32x8xf32> to vector<1x32x8xf32>
    %squeeze3A_429 = vector.shape_cast %slice3A_428 : vector<1x32x8xf32> to vector<32x8xf32>
    %dot_general3A_430 = arith.constant dense<0.000000e+00> : vector<512x8xf32>
    %dot_general3A_431 = tpu.matmul %slice3A_427, %squeeze3A_429, %dot_general3A_430 {dimension_numbers = #tpu.dot_dimension_numbers<[1], [0], [0], [1], [0, 0, 1, 1], [], []>, transpose_lhs_hint = false} : vector<512x32xf32>, vector<32x8xf32>, vector<512x8xf32> -> vector<512x8xf32>
    %add3A_432 = arith.addf %add3A_426, %dot_general3A_431 : vector<512x8xf32>
    %slice3A_433 = vector.extract_strided_slice %add3A_344 {offsets = [5120, 0], sizes = [512, 32], strides = [1, 1]} : vector<7680x32xf32> to vector<512x32xf32>
    %slice3A_434 = vector.extract_strided_slice %get3A_5 {offsets = [6, 0, 0], sizes = [1, 32, 8], strides = [1, 1, 1]} : vector<8x32x8xf32> to vector<1x32x8xf32>
    %squeeze3A_435 = vector.shape_cast %slice3A_434 : vector<1x32x8xf32> to vector<32x8xf32>
    %dot_general3A_436 = arith.constant dense<0.000000e+00> : vector<512x8xf32>
    %dot_general3A_437 = tpu.matmul %slice3A_433, %squeeze3A_435, %dot_general3A_436 {dimension_numbers = #tpu.dot_dimension_numbers<[1], [0], [0], [1], [0, 0, 1, 1], [], []>, transpose_lhs_hint = false} : vector<512x32xf32>, vector<32x8xf32>, vector<512x8xf32> -> vector<512x8xf32>
    %add3A_438 = arith.addf %add3A_432, %dot_general3A_437 : vector<512x8xf32>
    %slice3A_439 = vector.extract_strided_slice %add3A_344 {offsets = [5632, 0], sizes = [512, 32], strides = [1, 1]} : vector<7680x32xf32> to vector<512x32xf32>
    %slice3A_440 = vector.extract_strided_slice %get3A_5 {offsets = [7, 0, 0], sizes = [1, 32, 8], strides = [1, 1, 1]} : vector<8x32x8xf32> to vector<1x32x8xf32>
    %squeeze3A_441 = vector.shape_cast %slice3A_440 : vector<1x32x8xf32> to vector<32x8xf32>
    %dot_general3A_442 = arith.constant dense<0.000000e+00> : vector<512x8xf32>
    %dot_general3A_443 = tpu.matmul %slice3A_439, %squeeze3A_441, %dot_general3A_442 {dimension_numbers = #tpu.dot_dimension_numbers<[1], [0], [0], [1], [0, 0, 1, 1], [], []>, transpose_lhs_hint = false} : vector<512x32xf32>, vector<32x8xf32>, vector<512x8xf32> -> vector<512x8xf32>
    %add3A_444 = arith.addf %add3A_438, %dot_general3A_443 : vector<512x8xf32>
    %concatenate3A_445 = tpu.concatenate %add3A_394, %add3A_444 in 0 : vector<512x8xf32>, vector<512x8xf32> -> vector<1024x8xf32>
    %get3A_446 = arith.constant 0 : index
    %get3A_447 = arith.constant 0 : index
    %get3A_448 = vector.load %arg6[%get3A_446, %get3A_447] : memref<1x8xf32, #tpu.memory_space<vmem>>, vector<1x8xf32>
    %add3A_449 = vector.broadcast %get3A_448 : vector<1x8xf32> to vector<1024x8xf32>
    %add3A_450 = arith.addf %concatenate3A_445, %add3A_449 : vector<1024x8xf32>
    %max3A_451 = arith.constant 0.000000e+00 : f32
    %max3A_452 = vector.broadcast %max3A_451 : f32 to vector<1024x8xf32>
    %max3A_453 = arith.maximumf %add3A_450, %max3A_452 : vector<1024x8xf32>
    %reduce_sum3A_454 = arith.constant dense<0.000000e+00> : vector<8xf32>
    %reduce_sum3A_455 = vector.multi_reduction <add>, %max3A_453, %reduce_sum3A_454 [0] : vector<1024x8xf32> to vector<8xf32>
    %broadcast_in_dim3A_456 = vector.shape_cast %reduce_sum3A_455 : vector<8xf32> to vector<1x8xf32>
    %div3A_457 = arith.constant 1.024000e+03 : f32
    %div3A_458 = vector.broadcast %div3A_457 : f32 to vector<1x8xf32>
    %div3A_459 = arith.divf %broadcast_in_dim3A_456, %div3A_458 : vector<1x8xf32>
    %sub3A_460 = vector.broadcast %div3A_459 : vector<1x8xf32> to vector<1024x8xf32>
    %sub3A_461 = arith.subf %max3A_453, %sub3A_460 : vector<1024x8xf32>
    %sub3A_462 = vector.broadcast %div3A_459 : vector<1x8xf32> to vector<1024x8xf32>
    %sub3A_463 = arith.subf %max3A_453, %sub3A_462 : vector<1024x8xf32>
    %mul3A_464 = arith.mulf %sub3A_461, %sub3A_463 : vector<1024x8xf32>
    %reduce_sum3A_465 = arith.constant dense<0.000000e+00> : vector<8xf32>
    %reduce_sum3A_466 = vector.multi_reduction <add>, %mul3A_464, %reduce_sum3A_465 [0] : vector<1024x8xf32> to vector<8xf32>
    %broadcast_in_dim3A_467 = vector.shape_cast %reduce_sum3A_466 : vector<8xf32> to vector<1x8xf32>
    %div3A_468 = arith.constant 1.024000e+03 : f32
    %div3A_469 = vector.broadcast %div3A_468 : f32 to vector<1x8xf32>
    %div3A_470 = arith.divf %broadcast_in_dim3A_467, %div3A_469 : vector<1x8xf32>
    %sub3A_471 = vector.broadcast %div3A_459 : vector<1x8xf32> to vector<1024x8xf32>
    %sub3A_472 = arith.subf %max3A_453, %sub3A_471 : vector<1024x8xf32>
    %add3A_473 = arith.constant 9.99999974E-6 : f32
    %add3A_474 = vector.broadcast %add3A_473 : f32 to vector<1x8xf32>
    %add3A_475 = arith.addf %div3A_470, %add3A_474 : vector<1x8xf32>
    %rsqrt3A_476 = math.rsqrt %add3A_475 : vector<1x8xf32>
    %mul3A_477 = vector.broadcast %rsqrt3A_476 : vector<1x8xf32> to vector<1024x8xf32>
    %mul3A_478 = arith.mulf %sub3A_472, %mul3A_477 : vector<1024x8xf32>
    %get3A_479 = arith.constant 0 : index
    %get3A_480 = arith.constant 0 : index
    %get3A_481 = vector.load %arg7[%get3A_479, %get3A_480] : memref<1x8xf32, #tpu.memory_space<vmem>>, vector<1x8xf32>
    %mul3A_482 = vector.broadcast %get3A_481 : vector<1x8xf32> to vector<1024x8xf32>
    %mul3A_483 = arith.mulf %mul3A_478, %mul3A_482 : vector<1024x8xf32>
    %get3A_484 = arith.constant 0 : index
    %get3A_485 = arith.constant 0 : index
    %get3A_486 = vector.load %arg8[%get3A_484, %get3A_485] : memref<1x8xf32, #tpu.memory_space<vmem>>, vector<1x8xf32>
    %add3A_487 = vector.broadcast %get3A_486 : vector<1x8xf32> to vector<1024x8xf32>
    %add3A_488 = arith.addf %mul3A_483, %add3A_487 : vector<1024x8xf32>
    %slice3A_489 = vector.extract_strided_slice %add3A_488 {offsets = [0, 0], sizes = [512, 8], strides = [1, 1]} : vector<1024x8xf32> to vector<512x8xf32>
    %dot_general3A_490 = arith.constant dense<0.000000e+00> : vector<512x16xf32>
    %dot_general3A_491 = tpu.matmul %slice3A_489, %convert_element_type3A_9, %dot_general3A_490 {dimension_numbers = #tpu.dot_dimension_numbers<[1], [0], [0], [1], [0, 0, 1, 1], [], []>, transpose_lhs_hint = false} : vector<512x8xf32>, vector<8x16xf32>, vector<512x16xf32> -> vector<512x16xf32>
    %slice3A_492 = vector.extract_strided_slice %add3A_488 {offsets = [512, 0], sizes = [512, 8], strides = [1, 1]} : vector<1024x8xf32> to vector<512x8xf32>
    %dot_general3A_493 = arith.constant dense<0.000000e+00> : vector<512x16xf32>
    %dot_general3A_494 = tpu.matmul %slice3A_492, %convert_element_type3A_17, %dot_general3A_493 {dimension_numbers = #tpu.dot_dimension_numbers<[1], [0], [0], [1], [0, 0, 1, 1], [], []>, transpose_lhs_hint = false} : vector<512x8xf32>, vector<8x16xf32>, vector<512x16xf32> -> vector<512x16xf32>
    %add3A_495 = arith.addf %dot_general3A_491, %dot_general3A_494 : vector<512x16xf32>
    %swap3A_496 = arith.constant 0 : index
    %swap3A_497 = arith.constant 16 : index
    %swap3A_498 = vector.load %arg9[%swap3A_496, %swap3A_497] : memref<512x128xf32, #tpu.memory_space<vmem>>, vector<512x16xf32>
    tpu.vector_store %arg9[%swap3A_496, %swap3A_497], %add3A_495 {strides = array<i32>} : memref<512x128xf32, #tpu.memory_space<vmem>>, vector<512x16xf32>,
    %get3A_499 = arith.constant 0 : index
    %get3A_500 = arith.constant 1024 : index
    %get3A_501 = vector.load %arg0[%get3A_499, %get3A_500] : memref<512x4096xf32, #tpu.memory_space<vmem>>, vector<512x64xf32>
    %slice3A_502 = vector.extract_strided_slice %get3A_501 {offsets = [0, 0], sizes = [512, 8], strides = [1, 1]} : vector<512x64xf32> to vector<512x8xf32>
    %dot_general3A_503 = arith.constant dense<0.000000e+00> : vector<512x32xf32>
    %dot_general3A_504 = tpu.matmul %slice3A_502, %get3A_1, %dot_general3A_503 {dimension_numbers = #tpu.dot_dimension_numbers<[1], [0], [0], [1], [0, 0, 1, 1], [], []>, transpose_lhs_hint = false} : vector<512x8xf32>, vector<8x32xf32>, vector<512x32xf32> -> vector<512x32xf32>
    %slice3A_505 = vector.extract_strided_slice %get3A_501 {offsets = [0, 4], sizes = [512, 8], strides = [1, 1]} : vector<512x64xf32> to vector<512x8xf32>
    %dot_general3A_506 = arith.constant dense<0.000000e+00> : vector<512x32xf32>
    %dot_general3A_507 = tpu.matmul %slice3A_505, %get3A_1, %dot_general3A_506 {dimension_numbers = #tpu.dot_dimension_numbers<[1], [0], [0], [1], [0, 0, 1, 1], [], []>, transpose_lhs_hint = false} : vector<512x8xf32>, vector<8x32xf32>, vector<512x32xf32> -> vector<512x32xf32>
    %slice3A_508 = vector.extract_strided_slice %get3A_501 {offsets = [0, 8], sizes = [512, 8], strides = [1, 1]} : vector<512x64xf32> to vector<512x8xf32>
    %dot_general3A_509 = arith.constant dense<0.000000e+00> : vector<512x32xf32>
    %dot_general3A_510 = tpu.matmul %slice3A_508, %get3A_1, %dot_general3A_509 {dimension_numbers = #tpu.dot_dimension_numbers<[1], [0], [0], [1], [0, 0, 1, 1], [], []>, transpose_lhs_hint = false} : vector<512x8xf32>, vector<8x32xf32>, vector<512x32xf32> -> vector<512x32xf32>
    %slice3A_511 = vector.extract_strided_slice %get3A_501 {offsets = [0, 12], sizes = [512, 8], strides = [1, 1]} : vector<512x64xf32> to vector<512x8xf32>
    %dot_general3A_512 = arith.constant dense<0.000000e+00> : vector<512x32xf32>
    %dot_general3A_513 = tpu.matmul %slice3A_511, %get3A_1, %dot_general3A_512 {dimension_numbers = #tpu.dot_dimension_numbers<[1], [0], [0], [1], [0, 0, 1, 1], [], []>, transpose_lhs_hint = false} : vector<512x8xf32>, vector<8x32xf32>, vector<512x32xf32> -> vector<512x32xf32>
    %slice3A_514 = vector.extract_strided_slice %get3A_501 {offsets = [0, 16], sizes = [512, 8], strides = [1, 1]} : vector<512x64xf32> to vector<512x8xf32>
    %dot_general3A_515 = arith.constant dense<0.000000e+00> : vector<512x32xf32>
    %dot_general3A_516 = tpu.matmul %slice3A_514, %get3A_1, %dot_general3A_515 {dimension_numbers = #tpu.dot_dimension_numbers<[1], [0], [0], [1], [0, 0, 1, 1], [], []>, transpose_lhs_hint = false} : vector<512x8xf32>, vector<8x32xf32>, vector<512x32xf32> -> vector<512x32xf32>
    %slice3A_517 = vector.extract_strided_slice %get3A_501 {offsets = [0, 20], sizes = [512, 8], strides = [1, 1]} : vector<512x64xf32> to vector<512x8xf32>
    %dot_general3A_518 = arith.constant dense<0.000000e+00> : vector<512x32xf32>
    %dot_general3A_519 = tpu.matmul %slice3A_517, %get3A_1, %dot_general3A_518 {dimension_numbers = #tpu.dot_dimension_numbers<[1], [0], [0], [1], [0, 0, 1, 1], [], []>, transpose_lhs_hint = false} : vector<512x8xf32>, vector<8x32xf32>, vector<512x32xf32> -> vector<512x32xf32>
    %slice3A_520 = vector.extract_strided_slice %get3A_501 {offsets = [0, 24], sizes = [512, 8], strides = [1, 1]} : vector<512x64xf32> to vector<512x8xf32>
    %dot_general3A_521 = arith.constant dense<0.000000e+00> : vector<512x32xf32>
    %dot_general3A_522 = tpu.matmul %slice3A_520, %get3A_1, %dot_general3A_521 {dimension_numbers = #tpu.dot_dimension_numbers<[1], [0], [0], [1], [0, 0, 1, 1], [], []>, transpose_lhs_hint = false} : vector<512x8xf32>, vector<8x32xf32>, vector<512x32xf32> -> vector<512x32xf32>
    %slice3A_523 = vector.extract_strided_slice %get3A_501 {offsets = [0, 28], sizes = [512, 8], strides = [1, 1]} : vector<512x64xf32> to vector<512x8xf32>
    %dot_general3A_524 = arith.constant dense<0.000000e+00> : vector<512x32xf32>
    %dot_general3A_525 = tpu.matmul %slice3A_523, %get3A_1, %dot_general3A_524 {dimension_numbers = #tpu.dot_dimension_numbers<[1], [0], [0], [1], [0, 0, 1, 1], [], []>, transpose_lhs_hint = false} : vector<512x8xf32>, vector<8x32xf32>, vector<512x32xf32> -> vector<512x32xf32>
    %slice3A_526 = vector.extract_strided_slice %get3A_501 {offsets = [0, 32], sizes = [512, 8], strides = [1, 1]} : vector<512x64xf32> to vector<512x8xf32>
    %dot_general3A_527 = arith.constant dense<0.000000e+00> : vector<512x32xf32>
    %dot_general3A_528 = tpu.matmul %slice3A_526, %get3A_1, %dot_general3A_527 {dimension_numbers = #tpu.dot_dimension_numbers<[1], [0], [0], [1], [0, 0, 1, 1], [], []>, transpose_lhs_hint = false} : vector<512x8xf32>, vector<8x32xf32>, vector<512x32xf32> -> vector<512x32xf32>
    %slice3A_529 = vector.extract_strided_slice %get3A_501 {offsets = [0, 36], sizes = [512, 8], strides = [1, 1]} : vector<512x64xf32> to vector<512x8xf32>
    %dot_general3A_530 = arith.constant dense<0.000000e+00> : vector<512x32xf32>
    %dot_general3A_531 = tpu.matmul %slice3A_529, %get3A_1, %dot_general3A_530 {dimension_numbers = #tpu.dot_dimension_numbers<[1], [0], [0], [1], [0, 0, 1, 1], [], []>, transpose_lhs_hint = false} : vector<512x8xf32>, vector<8x32xf32>, vector<512x32xf32> -> vector<512x32xf32>
    %slice3A_532 = vector.extract_strided_slice %get3A_501 {offsets = [0, 40], sizes = [512, 8], strides = [1, 1]} : vector<512x64xf32> to vector<512x8xf32>
    %dot_general3A_533 = arith.constant dense<0.000000e+00> : vector<512x32xf32>
    %dot_general3A_534 = tpu.matmul %slice3A_532, %get3A_1, %dot_general3A_533 {dimension_numbers = #tpu.dot_dimension_numbers<[1], [0], [0], [1], [0, 0, 1, 1], [], []>, transpose_lhs_hint = false} : vector<512x8xf32>, vector<8x32xf32>, vector<512x32xf32> -> vector<512x32xf32>
    %slice3A_535 = vector.extract_strided_slice %get3A_501 {offsets = [0, 44], sizes = [512, 8], strides = [1, 1]} : vector<512x64xf32> to vector<512x8xf32>
    %dot_general3A_536 = arith.constant dense<0.000000e+00> : vector<512x32xf32>
    %dot_general3A_537 = tpu.matmul %slice3A_535, %get3A_1, %dot_general3A_536 {dimension_numbers = #tpu.dot_dimension_numbers<[1], [0], [0], [1], [0, 0, 1, 1], [], []>, transpose_lhs_hint = false} : vector<512x8xf32>, vector<8x32xf32>, vector<512x32xf32> -> vector<512x32xf32>
    %slice3A_538 = vector.extract_strided_slice %get3A_501 {offsets = [0, 48], sizes = [512, 8], strides = [1, 1]} : vector<512x64xf32> to vector<512x8xf32>
    %dot_general3A_539 = arith.constant dense<0.000000e+00> : vector<512x32xf32>
    %dot_general3A_540 = tpu.matmul %slice3A_538, %get3A_1, %dot_general3A_539 {dimension_numbers = #tpu.dot_dimension_numbers<[1], [0], [0], [1], [0, 0, 1, 1], [], []>, transpose_lhs_hint = false} : vector<512x8xf32>, vector<8x32xf32>, vector<512x32xf32> -> vector<512x32xf32>
    %slice3A_541 = vector.extract_strided_slice %get3A_501 {offsets = [0, 52], sizes = [512, 8], strides = [1, 1]} : vector<512x64xf32> to vector<512x8xf32>
    %dot_general3A_542 = arith.constant dense<0.000000e+00> : vector<512x32xf32>
    %dot_general3A_543 = tpu.matmul %slice3A_541, %get3A_1, %dot_general3A_542 {dimension_numbers = #tpu.dot_dimension_numbers<[1], [0], [0], [1], [0, 0, 1, 1], [], []>, transpose_lhs_hint = false} : vector<512x8xf32>, vector<8x32xf32>, vector<512x32xf32> -> vector<512x32xf32>
    %slice3A_544 = vector.extract_strided_slice %get3A_501 {offsets = [0, 56], sizes = [512, 8], strides = [1, 1]} : vector<512x64xf32> to vector<512x8xf32>
    %dot_general3A_545 = arith.constant dense<0.000000e+00> : vector<512x32xf32>
    %dot_general3A_546 = tpu.matmul %slice3A_544, %get3A_1, %dot_general3A_545 {dimension_numbers = #tpu.dot_dimension_numbers<[1], [0], [0], [1], [0, 0, 1, 1], [], []>, transpose_lhs_hint = false} : vector<512x8xf32>, vector<8x32xf32>, vector<512x32xf32> -> vector<512x32xf32>
    %concatenate3A_547 = tpu.concatenate %dot_general3A_504, %dot_general3A_507, %dot_general3A_510, %dot_general3A_513, %dot_general3A_516, %dot_general3A_519, %dot_general3A_522, %dot_general3A_525, %dot_general3A_528, %dot_general3A_531, %dot_general3A_534, %dot_general3A_537, %dot_general3A_540, %dot_general3A_543, %dot_general3A_546 in 0 : vector<512x32xf32>, vector<512x32xf32>, vector<512x32xf32>, vector<512x32xf32>, vector<512x32xf32>, vector<512x32xf32>, vector<512x32xf32>, vector<512x32xf32>, vector<512x32xf32>, vector<512x32xf32>, vector<512x32xf32>, vector<512x32xf32>, vector<512x32xf32>, vector<512x32xf32>, vector<512x32xf32> -> vector<7680x32xf32>
    %get3A_548 = arith.constant 0 : index
    %get3A_549 = arith.constant 0 : index
    %get3A_550 = vector.load %arg2[%get3A_548, %get3A_549] : memref<1x32xf32, #tpu.memory_space<vmem>>, vector<1x32xf32>
    %add3A_551 = vector.broadcast %get3A_550 : vector<1x32xf32> to vector<7680x32xf32>
    %add3A_552 = arith.addf %concatenate3A_547, %add3A_551 : vector<7680x32xf32>
    %max3A_553 = arith.constant 0.000000e+00 : f32
    %max3A_554 = vector.broadcast %max3A_553 : f32 to vector<7680x32xf32>
    %max3A_555 = arith.maximumf %add3A_552, %max3A_554 : vector<7680x32xf32>
    %reduce_sum3A_556 = arith.constant dense<0.000000e+00> : vector<32xf32>
    %reduce_sum3A_557 = vector.multi_reduction <add>, %max3A_555, %reduce_sum3A_556 [0] : vector<7680x32xf32> to vector<32xf32>
    %broadcast_in_dim3A_558 = vector.shape_cast %reduce_sum3A_557 : vector<32xf32> to vector<1x32xf32>
    %div3A_559 = arith.constant 7.680000e+03 : f32
    %div3A_560 = vector.broadcast %div3A_559 : f32 to vector<1x32xf32>
    %div3A_561 = arith.divf %broadcast_in_dim3A_558, %div3A_560 : vector<1x32xf32>
    %sub3A_562 = vector.broadcast %div3A_561 : vector<1x32xf32> to vector<7680x32xf32>
    %sub3A_563 = arith.subf %max3A_555, %sub3A_562 : vector<7680x32xf32>
    %sub3A_564 = vector.broadcast %div3A_561 : vector<1x32xf32> to vector<7680x32xf32>
    %sub3A_565 = arith.subf %max3A_555, %sub3A_564 : vector<7680x32xf32>
    %mul3A_566 = arith.mulf %sub3A_563, %sub3A_565 : vector<7680x32xf32>
    %reduce_sum3A_567 = arith.constant dense<0.000000e+00> : vector<32xf32>
    %reduce_sum3A_568 = vector.multi_reduction <add>, %mul3A_566, %reduce_sum3A_567 [0] : vector<7680x32xf32> to vector<32xf32>
    %broadcast_in_dim3A_569 = vector.shape_cast %reduce_sum3A_568 : vector<32xf32> to vector<1x32xf32>
    %div3A_570 = arith.constant 7.680000e+03 : f32
    %div3A_571 = vector.broadcast %div3A_570 : f32 to vector<1x32xf32>
    %div3A_572 = arith.divf %broadcast_in_dim3A_569, %div3A_571 : vector<1x32xf32>
    %sub3A_573 = vector.broadcast %div3A_561 : vector<1x32xf32> to vector<7680x32xf32>
    %sub3A_574 = arith.subf %max3A_555, %sub3A_573 : vector<7680x32xf32>
    %add3A_575 = arith.constant 9.99999974E-6 : f32
    %add3A_576 = vector.broadcast %add3A_575 : f32 to vector<1x32xf32>
    %add3A_577 = arith.addf %div3A_572, %add3A_576 : vector<1x32xf32>
    %rsqrt3A_578 = math.rsqrt %add3A_577 : vector<1x32xf32>
    %mul3A_579 = vector.broadcast %rsqrt3A_578 : vector<1x32xf32> to vector<7680x32xf32>
    %mul3A_580 = arith.mulf %sub3A_574, %mul3A_579 : vector<7680x32xf32>
    %get3A_581 = arith.constant 0 : index
    %get3A_582 = arith.constant 0 : index
    %get3A_583 = vector.load %arg3[%get3A_581, %get3A_582] : memref<1x32xf32, #tpu.memory_space<vmem>>, vector<1x32xf32>
    %mul3A_584 = vector.broadcast %get3A_583 : vector<1x32xf32> to vector<7680x32xf32>
    %mul3A_585 = arith.mulf %mul3A_580, %mul3A_584 : vector<7680x32xf32>
    %get3A_586 = arith.constant 0 : index
    %get3A_587 = arith.constant 0 : index
    %get3A_588 = vector.load %arg4[%get3A_586, %get3A_587] : memref<1x32xf32, #tpu.memory_space<vmem>>, vector<1x32xf32>
    %add3A_589 = vector.broadcast %get3A_588 : vector<1x32xf32> to vector<7680x32xf32>
    %add3A_590 = arith.addf %mul3A_585, %add3A_589 : vector<7680x32xf32>
    %broadcast_in_dim3A_591 = arith.constant 0.000000e+00 : f32
    %broadcast_in_dim3A_592 = vector.broadcast %broadcast_in_dim3A_591 : f32 to vector<512x8xf32>
    %slice3A_593 = vector.extract_strided_slice %add3A_590 {offsets = [0, 0], sizes = [512, 32], strides = [1, 1]} : vector<7680x32xf32> to vector<512x32xf32>
    %slice3A_594 = vector.extract_strided_slice %get3A_5 {offsets = [0, 0, 0], sizes = [1, 32, 8], strides = [1, 1, 1]} : vector<8x32x8xf32> to vector<1x32x8xf32>
    %squeeze3A_595 = vector.shape_cast %slice3A_594 : vector<1x32x8xf32> to vector<32x8xf32>
    %dot_general3A_596 = arith.constant dense<0.000000e+00> : vector<512x8xf32>
    %dot_general3A_597 = tpu.matmul %slice3A_593, %squeeze3A_595, %dot_general3A_596 {dimension_numbers = #tpu.dot_dimension_numbers<[1], [0], [0], [1], [0, 0, 1, 1], [], []>, transpose_lhs_hint = false} : vector<512x32xf32>, vector<32x8xf32>, vector<512x8xf32> -> vector<512x8xf32>
    %add3A_598 = arith.addf %broadcast_in_dim3A_592, %dot_general3A_597 : vector<512x8xf32>
    %slice3A_599 = vector.extract_strided_slice %add3A_590 {offsets = [512, 0], sizes = [512, 32], strides = [1, 1]} : vector<7680x32xf32> to vector<512x32xf32>
    %slice3A_600 = vector.extract_strided_slice %get3A_5 {offsets = [1, 0, 0], sizes = [1, 32, 8], strides = [1, 1, 1]} : vector<8x32x8xf32> to vector<1x32x8xf32>
    %squeeze3A_601 = vector.shape_cast %slice3A_600 : vector<1x32x8xf32> to vector<32x8xf32>
    %dot_general3A_602 = arith.constant dense<0.000000e+00> : vector<512x8xf32>
    %dot_general3A_603 = tpu.matmul %slice3A_599, %squeeze3A_601, %dot_general3A_602 {dimension_numbers = #tpu.dot_dimension_numbers<[1], [0], [0], [1], [0, 0, 1, 1], [], []>, transpose_lhs_hint = false} : vector<512x32xf32>, vector<32x8xf32>, vector<512x8xf32> -> vector<512x8xf32>
    %add3A_604 = arith.addf %add3A_598, %dot_general3A_603 : vector<512x8xf32>
    %slice3A_605 = vector.extract_strided_slice %add3A_590 {offsets = [1024, 0], sizes = [512, 32], strides = [1, 1]} : vector<7680x32xf32> to vector<512x32xf32>
    %slice3A_606 = vector.extract_strided_slice %get3A_5 {offsets = [2, 0, 0], sizes = [1, 32, 8], strides = [1, 1, 1]} : vector<8x32x8xf32> to vector<1x32x8xf32>
    %squeeze3A_607 = vector.shape_cast %slice3A_606 : vector<1x32x8xf32> to vector<32x8xf32>
    %dot_general3A_608 = arith.constant dense<0.000000e+00> : vector<512x8xf32>
    %dot_general3A_609 = tpu.matmul %slice3A_605, %squeeze3A_607, %dot_general3A_608 {dimension_numbers = #tpu.dot_dimension_numbers<[1], [0], [0], [1], [0, 0, 1, 1], [], []>, transpose_lhs_hint = false} : vector<512x32xf32>, vector<32x8xf32>, vector<512x8xf32> -> vector<512x8xf32>
    %add3A_610 = arith.addf %add3A_604, %dot_general3A_609 : vector<512x8xf32>
    %slice3A_611 = vector.extract_strided_slice %add3A_590 {offsets = [1536, 0], sizes = [512, 32], strides = [1, 1]} : vector<7680x32xf32> to vector<512x32xf32>
    %slice3A_612 = vector.extract_strided_slice %get3A_5 {offsets = [3, 0, 0], sizes = [1, 32, 8], strides = [1, 1, 1]} : vector<8x32x8xf32> to vector<1x32x8xf32>
    %squeeze3A_613 = vector.shape_cast %slice3A_612 : vector<1x32x8xf32> to vector<32x8xf32>
    %dot_general3A_614 = arith.constant dense<0.000000e+00> : vector<512x8xf32>
    %dot_general3A_615 = tpu.matmul %slice3A_611, %squeeze3A_613, %dot_general3A_614 {dimension_numbers = #tpu.dot_dimension_numbers<[1], [0], [0], [1], [0, 0, 1, 1], [], []>, transpose_lhs_hint = false} : vector<512x32xf32>, vector<32x8xf32>, vector<512x8xf32> -> vector<512x8xf32>
    %add3A_616 = arith.addf %add3A_610, %dot_general3A_615 : vector<512x8xf32>
    %slice3A_617 = vector.extract_strided_slice %add3A_590 {offsets = [2048, 0], sizes = [512, 32], strides = [1, 1]} : vector<7680x32xf32> to vector<512x32xf32>
    %slice3A_618 = vector.extract_strided_slice %get3A_5 {offsets = [4, 0, 0], sizes = [1, 32, 8], strides = [1, 1, 1]} : vector<8x32x8xf32> to vector<1x32x8xf32>
    %squeeze3A_619 = vector.shape_cast %slice3A_618 : vector<1x32x8xf32> to vector<32x8xf32>
    %dot_general3A_620 = arith.constant dense<0.000000e+00> : vector<512x8xf32>
    %dot_general3A_621 = tpu.matmul %slice3A_617, %squeeze3A_619, %dot_general3A_620 {dimension_numbers = #tpu.dot_dimension_numbers<[1], [0], [0], [1], [0, 0, 1, 1], [], []>, transpose_lhs_hint = false} : vector<512x32xf32>, vector<32x8xf32>, vector<512x8xf32> -> vector<512x8xf32>
    %add3A_622 = arith.addf %add3A_616, %dot_general3A_621 : vector<512x8xf32>
    %slice3A_623 = vector.extract_strided_slice %add3A_590 {offsets = [2560, 0], sizes = [512, 32], strides = [1, 1]} : vector<7680x32xf32> to vector<512x32xf32>
    %slice3A_624 = vector.extract_strided_slice %get3A_5 {offsets = [5, 0, 0], sizes = [1, 32, 8], strides = [1, 1, 1]} : vector<8x32x8xf32> to vector<1x32x8xf32>
    %squeeze3A_625 = vector.shape_cast %slice3A_624 : vector<1x32x8xf32> to vector<32x8xf32>
    %dot_general3A_626 = arith.constant dense<0.000000e+00> : vector<512x8xf32>
    %dot_general3A_627 = tpu.matmul %slice3A_623, %squeeze3A_625, %dot_general3A_626 {dimension_numbers = #tpu.dot_dimension_numbers<[1], [0], [0], [1], [0, 0, 1, 1], [], []>, transpose_lhs_hint = false} : vector<512x32xf32>, vector<32x8xf32>, vector<512x8xf32> -> vector<512x8xf32>
    %add3A_628 = arith.addf %add3A_622, %dot_general3A_627 : vector<512x8xf32>
    %slice3A_629 = vector.extract_strided_slice %add3A_590 {offsets = [3072, 0], sizes = [512, 32], strides = [1, 1]} : vector<7680x32xf32> to vector<512x32xf32>
    %slice3A_630 = vector.extract_strided_slice %get3A_5 {offsets = [6, 0, 0], sizes = [1, 32, 8], strides = [1, 1, 1]} : vector<8x32x8xf32> to vector<1x32x8xf32>
    %squeeze3A_631 = vector.shape_cast %slice3A_630 : vector<1x32x8xf32> to vector<32x8xf32>
    %dot_general3A_632 = arith.constant dense<0.000000e+00> : vector<512x8xf32>
    %dot_general3A_633 = tpu.matmul %slice3A_629, %squeeze3A_631, %dot_general3A_632 {dimension_numbers = #tpu.dot_dimension_numbers<[1], [0], [0], [1], [0, 0, 1, 1], [], []>, transpose_lhs_hint = false} : vector<512x32xf32>, vector<32x8xf32>, vector<512x8xf32> -> vector<512x8xf32>
    %add3A_634 = arith.addf %add3A_628, %dot_general3A_633 : vector<512x8xf32>
    %slice3A_635 = vector.extract_strided_slice %add3A_590 {offsets = [3584, 0], sizes = [512, 32], strides = [1, 1]} : vector<7680x32xf32> to vector<512x32xf32>
    %slice3A_636 = vector.extract_strided_slice %get3A_5 {offsets = [7, 0, 0], sizes = [1, 32, 8], strides = [1, 1, 1]} : vector<8x32x8xf32> to vector<1x32x8xf32>
    %squeeze3A_637 = vector.shape_cast %slice3A_636 : vector<1x32x8xf32> to vector<32x8xf32>
    %dot_general3A_638 = arith.constant dense<0.000000e+00> : vector<512x8xf32>
    %dot_general3A_639 = tpu.matmul %slice3A_635, %squeeze3A_637, %dot_general3A_638 {dimension_numbers = #tpu.dot_dimension_numbers<[1], [0], [0], [1], [0, 0, 1, 1], [], []>, transpose_lhs_hint = false} : vector<512x32xf32>, vector<32x8xf32>, vector<512x8xf32> -> vector<512x8xf32>
    %add3A_640 = arith.addf %add3A_634, %dot_general3A_639 : vector<512x8xf32>
    %broadcast_in_dim3A_641 = arith.constant 0.000000e+00 : f32
    %broadcast_in_dim3A_642 = vector.broadcast %broadcast_in_dim3A_641 : f32 to vector<512x8xf32>
    %slice3A_643 = vector.extract_strided_slice %add3A_590 {offsets = [2048, 0], sizes = [512, 32], strides = [1, 1]} : vector<7680x32xf32> to vector<512x32xf32>
    %slice3A_644 = vector.extract_strided_slice %get3A_5 {offsets = [0, 0, 0], sizes = [1, 32, 8], strides = [1, 1, 1]} : vector<8x32x8xf32> to vector<1x32x8xf32>
    %squeeze3A_645 = vector.shape_cast %slice3A_644 : vector<1x32x8xf32> to vector<32x8xf32>
    %dot_general3A_646 = arith.constant dense<0.000000e+00> : vector<512x8xf32>
    %dot_general3A_647 = tpu.matmul %slice3A_643, %squeeze3A_645, %dot_general3A_646 {dimension_numbers = #tpu.dot_dimension_numbers<[1], [0], [0], [1], [0, 0, 1, 1], [], []>, transpose_lhs_hint = false} : vector<512x32xf32>, vector<32x8xf32>, vector<512x8xf32> -> vector<512x8xf32>
    %add3A_648 = arith.addf %broadcast_in_dim3A_642, %dot_general3A_647 : vector<512x8xf32>
    %slice3A_649 = vector.extract_strided_slice %add3A_590 {offsets = [2560, 0], sizes = [512, 32], strides = [1, 1]} : vector<7680x32xf32> to vector<512x32xf32>
    %slice3A_650 = vector.extract_strided_slice %get3A_5 {offsets = [1, 0, 0], sizes = [1, 32, 8], strides = [1, 1, 1]} : vector<8x32x8xf32> to vector<1x32x8xf32>
    %squeeze3A_651 = vector.shape_cast %slice3A_650 : vector<1x32x8xf32> to vector<32x8xf32>
    %dot_general3A_652 = arith.constant dense<0.000000e+00> : vector<512x8xf32>
    %dot_general3A_653 = tpu.matmul %slice3A_649, %squeeze3A_651, %dot_general3A_652 {dimension_numbers = #tpu.dot_dimension_numbers<[1], [0], [0], [1], [0, 0, 1, 1], [], []>, transpose_lhs_hint = false} : vector<512x32xf32>, vector<32x8xf32>, vector<512x8xf32> -> vector<512x8xf32>
    %add3A_654 = arith.addf %add3A_648, %dot_general3A_653 : vector<512x8xf32>
    %slice3A_655 = vector.extract_strided_slice %add3A_590 {offsets = [3072, 0], sizes = [512, 32], strides = [1, 1]} : vector<7680x32xf32> to vector<512x32xf32>
    %slice3A_656 = vector.extract_strided_slice %get3A_5 {offsets = [2, 0, 0], sizes = [1, 32, 8], strides = [1, 1, 1]} : vector<8x32x8xf32> to vector<1x32x8xf32>
    %squeeze3A_657 = vector.shape_cast %slice3A_656 : vector<1x32x8xf32> to vector<32x8xf32>
    %dot_general3A_658 = arith.constant dense<0.000000e+00> : vector<512x8xf32>
    %dot_general3A_659 = tpu.matmul %slice3A_655, %squeeze3A_657, %dot_general3A_658 {dimension_numbers = #tpu.dot_dimension_numbers<[1], [0], [0], [1], [0, 0, 1, 1], [], []>, transpose_lhs_hint = false} : vector<512x32xf32>, vector<32x8xf32>, vector<512x8xf32> -> vector<512x8xf32>
    %add3A_660 = arith.addf %add3A_654, %dot_general3A_659 : vector<512x8xf32>
    %slice3A_661 = vector.extract_strided_slice %add3A_590 {offsets = [3584, 0], sizes = [512, 32], strides = [1, 1]} : vector<7680x32xf32> to vector<512x32xf32>
    %slice3A_662 = vector.extract_strided_slice %get3A_5 {offsets = [3, 0, 0], sizes = [1, 32, 8], strides = [1, 1, 1]} : vector<8x32x8xf32> to vector<1x32x8xf32>
    %squeeze3A_663 = vector.shape_cast %slice3A_662 : vector<1x32x8xf32> to vector<32x8xf32>
    %dot_general3A_664 = arith.constant dense<0.000000e+00> : vector<512x8xf32>
    %dot_general3A_665 = tpu.matmul %slice3A_661, %squeeze3A_663, %dot_general3A_664 {dimension_numbers = #tpu.dot_dimension_numbers<[1], [0], [0], [1], [0, 0, 1, 1], [], []>, transpose_lhs_hint = false} : vector<512x32xf32>, vector<32x8xf32>, vector<512x8xf32> -> vector<512x8xf32>
    %add3A_666 = arith.addf %add3A_660, %dot_general3A_665 : vector<512x8xf32>
    %slice3A_667 = vector.extract_strided_slice %add3A_590 {offsets = [4096, 0], sizes = [512, 32], strides = [1, 1]} : vector<7680x32xf32> to vector<512x32xf32>
    %slice3A_668 = vector.extract_strided_slice %get3A_5 {offsets = [4, 0, 0], sizes = [1, 32, 8], strides = [1, 1, 1]} : vector<8x32x8xf32> to vector<1x32x8xf32>
    %squeeze3A_669 = vector.shape_cast %slice3A_668 : vector<1x32x8xf32> to vector<32x8xf32>
    %dot_general3A_670 = arith.constant dense<0.000000e+00> : vector<512x8xf32>
    %dot_general3A_671 = tpu.matmul %slice3A_667, %squeeze3A_669, %dot_general3A_670 {dimension_numbers = #tpu.dot_dimension_numbers<[1], [0], [0], [1], [0, 0, 1, 1], [], []>, transpose_lhs_hint = false} : vector<512x32xf32>, vector<32x8xf32>, vector<512x8xf32> -> vector<512x8xf32>
    %add3A_672 = arith.addf %add3A_666, %dot_general3A_671 : vector<512x8xf32>
    %slice3A_673 = vector.extract_strided_slice %add3A_590 {offsets = [4608, 0], sizes = [512, 32], strides = [1, 1]} : vector<7680x32xf32> to vector<512x32xf32>
    %slice3A_674 = vector.extract_strided_slice %get3A_5 {offsets = [5, 0, 0], sizes = [1, 32, 8], strides = [1, 1, 1]} : vector<8x32x8xf32> to vector<1x32x8xf32>
    %squeeze3A_675 = vector.shape_cast %slice3A_674 : vector<1x32x8xf32> to vector<32x8xf32>
    %dot_general3A_676 = arith.constant dense<0.000000e+00> : vector<512x8xf32>
    %dot_general3A_677 = tpu.matmul %slice3A_673, %squeeze3A_675, %dot_general3A_676 {dimension_numbers = #tpu.dot_dimension_numbers<[1], [0], [0], [1], [0, 0, 1, 1], [], []>, transpose_lhs_hint = false} : vector<512x32xf32>, vector<32x8xf32>, vector<512x8xf32> -> vector<512x8xf32>
    %add3A_678 = arith.addf %add3A_672, %dot_general3A_677 : vector<512x8xf32>
    %slice3A_679 = vector.extract_strided_slice %add3A_590 {offsets = [5120, 0], sizes = [512, 32], strides = [1, 1]} : vector<7680x32xf32> to vector<512x32xf32>
    %slice3A_680 = vector.extract_strided_slice %get3A_5 {offsets = [6, 0, 0], sizes = [1, 32, 8], strides = [1, 1, 1]} : vector<8x32x8xf32> to vector<1x32x8xf32>
    %squeeze3A_681 = vector.shape_cast %slice3A_680 : vector<1x32x8xf32> to vector<32x8xf32>
    %dot_general3A_682 = arith.constant dense<0.000000e+00> : vector<512x8xf32>
    %dot_general3A_683 = tpu.matmul %slice3A_679, %squeeze3A_681, %dot_general3A_682 {dimension_numbers = #tpu.dot_dimension_numbers<[1], [0], [0], [1], [0, 0, 1, 1], [], []>, transpose_lhs_hint = false} : vector<512x32xf32>, vector<32x8xf32>, vector<512x8xf32> -> vector<512x8xf32>
    %add3A_684 = arith.addf %add3A_678, %dot_general3A_683 : vector<512x8xf32>
    %slice3A_685 = vector.extract_strided_slice %add3A_590 {offsets = [5632, 0], sizes = [512, 32], strides = [1, 1]} : vector<7680x32xf32> to vector<512x32xf32>
    %slice3A_686 = vector.extract_strided_slice %get3A_5 {offsets = [7, 0, 0], sizes = [1, 32, 8], strides = [1, 1, 1]} : vector<8x32x8xf32> to vector<1x32x8xf32>
    %squeeze3A_687 = vector.shape_cast %slice3A_686 : vector<1x32x8xf32> to vector<32x8xf32>
    %dot_general3A_688 = arith.constant dense<0.000000e+00> : vector<512x8xf32>
    %dot_general3A_689 = tpu.matmul %slice3A_685, %squeeze3A_687, %dot_general3A_688 {dimension_numbers = #tpu.dot_dimension_numbers<[1], [0], [0], [1], [0, 0, 1, 1], [], []>, transpose_lhs_hint = false} : vector<512x32xf32>, vector<32x8xf32>, vector<512x8xf32> -> vector<512x8xf32>
    %add3A_690 = arith.addf %add3A_684, %dot_general3A_689 : vector<512x8xf32>
    %concatenate3A_691 = tpu.concatenate %add3A_640, %add3A_690 in 0 : vector<512x8xf32>, vector<512x8xf32> -> vector<1024x8xf32>
    %get3A_692 = arith.constant 0 : index
    %get3A_693 = arith.constant 0 : index
    %get3A_694 = vector.load %arg6[%get3A_692, %get3A_693] : memref<1x8xf32, #tpu.memory_space<vmem>>, vector<1x8xf32>
    %add3A_695 = vector.broadcast %get3A_694 : vector<1x8xf32> to vector<1024x8xf32>
    %add3A_696 = arith.addf %concatenate3A_691, %add3A_695 : vector<1024x8xf32>
    %max3A_697 = arith.constant 0.000000e+00 : f32
    %max3A_698 = vector.broadcast %max3A_697 : f32 to vector<1024x8xf32>
    %max3A_699 = arith.maximumf %add3A_696, %max3A_698 : vector<1024x8xf32>
    %reduce_sum3A_700 = arith.constant dense<0.000000e+00> : vector<8xf32>
    %reduce_sum3A_701 = vector.multi_reduction <add>, %max3A_699, %reduce_sum3A_700 [0] : vector<1024x8xf32> to vector<8xf32>
    %broadcast_in_dim3A_702 = vector.shape_cast %reduce_sum3A_701 : vector<8xf32> to vector<1x8xf32>
    %div3A_703 = arith.constant 1.024000e+03 : f32
    %div3A_704 = vector.broadcast %div3A_703 : f32 to vector<1x8xf32>
    %div3A_705 = arith.divf %broadcast_in_dim3A_702, %div3A_704 : vector<1x8xf32>
    %sub3A_706 = vector.broadcast %div3A_705 : vector<1x8xf32> to vector<1024x8xf32>
    %sub3A_707 = arith.subf %max3A_699, %sub3A_706 : vector<1024x8xf32>
    %sub3A_708 = vector.broadcast %div3A_705 : vector<1x8xf32> to vector<1024x8xf32>
    %sub3A_709 = arith.subf %max3A_699, %sub3A_708 : vector<1024x8xf32>
    %mul3A_710 = arith.mulf %sub3A_707, %sub3A_709 : vector<1024x8xf32>
    %reduce_sum3A_711 = arith.constant dense<0.000000e+00> : vector<8xf32>
    %reduce_sum3A_712 = vector.multi_reduction <add>, %mul3A_710, %reduce_sum3A_711 [0] : vector<1024x8xf32> to vector<8xf32>
    %broadcast_in_dim3A_713 = vector.shape_cast %reduce_sum3A_712 : vector<8xf32> to vector<1x8xf32>
    %div3A_714 = arith.constant 1.024000e+03 : f32
    %div3A_715 = vector.broadcast %div3A_714 : f32 to vector<1x8xf32>
    %div3A_716 = arith.divf %broadcast_in_dim3A_713, %div3A_715 : vector<1x8xf32>
    %sub3A_717 = vector.broadcast %div3A_705 : vector<1x8xf32> to vector<1024x8xf32>
    %sub3A_718 = arith.subf %max3A_699, %sub3A_717 : vector<1024x8xf32>
    %add3A_719 = arith.constant 9.99999974E-6 : f32
    %add3A_720 = vector.broadcast %add3A_719 : f32 to vector<1x8xf32>
    %add3A_721 = arith.addf %div3A_716, %add3A_720 : vector<1x8xf32>
    %rsqrt3A_722 = math.rsqrt %add3A_721 : vector<1x8xf32>
    %mul3A_723 = vector.broadcast %rsqrt3A_722 : vector<1x8xf32> to vector<1024x8xf32>
    %mul3A_724 = arith.mulf %sub3A_718, %mul3A_723 : vector<1024x8xf32>
    %get3A_725 = arith.constant 0 : index
    %get3A_726 = arith.constant 0 : index
    %get3A_727 = vector.load %arg7[%get3A_725, %get3A_726] : memref<1x8xf32, #tpu.memory_space<vmem>>, vector<1x8xf32>
    %mul3A_728 = vector.broadcast %get3A_727 : vector<1x8xf32> to vector<1024x8xf32>
    %mul3A_729 = arith.mulf %mul3A_724, %mul3A_728 : vector<1024x8xf32>
    %get3A_730 = arith.constant 0 : index
    %get3A_731 = arith.constant 0 : index
    %get3A_732 = vector.load %arg8[%get3A_730, %get3A_731] : memref<1x8xf32, #tpu.memory_space<vmem>>, vector<1x8xf32>
    %add3A_733 = vector.broadcast %get3A_732 : vector<1x8xf32> to vector<1024x8xf32>
    %add3A_734 = arith.addf %mul3A_729, %add3A_733 : vector<1024x8xf32>
    %slice3A_735 = vector.extract_strided_slice %add3A_734 {offsets = [0, 0], sizes = [512, 8], strides = [1, 1]} : vector<1024x8xf32> to vector<512x8xf32>
    %dot_general3A_736 = arith.constant dense<0.000000e+00> : vector<512x16xf32>
    %dot_general3A_737 = tpu.matmul %slice3A_735, %convert_element_type3A_9, %dot_general3A_736 {dimension_numbers = #tpu.dot_dimension_numbers<[1], [0], [0], [1], [0, 0, 1, 1], [], []>, transpose_lhs_hint = false} : vector<512x8xf32>, vector<8x16xf32>, vector<512x16xf32> -> vector<512x16xf32>
    %slice3A_738 = vector.extract_strided_slice %add3A_734 {offsets = [512, 0], sizes = [512, 8], strides = [1, 1]} : vector<1024x8xf32> to vector<512x8xf32>
    %dot_general3A_739 = arith.constant dense<0.000000e+00> : vector<512x16xf32>
    %dot_general3A_740 = tpu.matmul %slice3A_738, %convert_element_type3A_17, %dot_general3A_739 {dimension_numbers = #tpu.dot_dimension_numbers<[1], [0], [0], [1], [0, 0, 1, 1], [], []>, transpose_lhs_hint = false} : vector<512x8xf32>, vector<8x16xf32>, vector<512x16xf32> -> vector<512x16xf32>
    %add3A_741 = arith.addf %dot_general3A_737, %dot_general3A_740 : vector<512x16xf32>
    %swap3A_742 = arith.constant 0 : index
    %swap3A_743 = arith.constant 32 : index
    %swap3A_744 = vector.load %arg9[%swap3A_742, %swap3A_743] : memref<512x128xf32, #tpu.memory_space<vmem>>, vector<512x16xf32>
    tpu.vector_store %arg9[%swap3A_742, %swap3A_743], %add3A_741 {strides = array<i32>} : memref<512x128xf32, #tpu.memory_space<vmem>>, vector<512x16xf32>,
    %get3A_745 = arith.constant 0 : index
    %get3A_746 = arith.constant 1536 : index
    %get3A_747 = vector.load %arg0[%get3A_745, %get3A_746] : memref<512x4096xf32, #tpu.memory_space<vmem>>, vector<512x64xf32>
    %slice3A_748 = vector.extract_strided_slice %get3A_747 {offsets = [0, 0], sizes = [512, 8], strides = [1, 1]} : vector<512x64xf32> to vector<512x8xf32>
    %dot_general3A_749 = arith.constant dense<0.000000e+00> : vector<512x32xf32>
    %dot_general3A_750 = tpu.matmul %slice3A_748, %get3A_1, %dot_general3A_749 {dimension_numbers = #tpu.dot_dimension_numbers<[1], [0], [0], [1], [0, 0, 1, 1], [], []>, transpose_lhs_hint = false} : vector<512x8xf32>, vector<8x32xf32>, vector<512x32xf32> -> vector<512x32xf32>
    %slice3A_751 = vector.extract_strided_slice %get3A_747 {offsets = [0, 4], sizes = [512, 8], strides = [1, 1]} : vector<512x64xf32> to vector<512x8xf32>
    %dot_general3A_752 = arith.constant dense<0.000000e+00> : vector<512x32xf32>
    %dot_general3A_753 = tpu.matmul %slice3A_751, %get3A_1, %dot_general3A_752 {dimension_numbers = #tpu.dot_dimension_numbers<[1], [0], [0], [1], [0, 0, 1, 1], [], []>, transpose_lhs_hint = false} : vector<512x8xf32>, vector<8x32xf32>, vector<512x32xf32> -> vector<512x32xf32>
    %slice3A_754 = vector.extract_strided_slice %get3A_747 {offsets = [0, 8], sizes = [512, 8], strides = [1, 1]} : vector<512x64xf32> to vector<512x8xf32>
    %dot_general3A_755 = arith.constant dense<0.000000e+00> : vector<512x32xf32>
    %dot_general3A_756 = tpu.matmul %slice3A_754, %get3A_1, %dot_general3A_755 {dimension_numbers = #tpu.dot_dimension_numbers<[1], [0], [0], [1], [0, 0, 1, 1], [], []>, transpose_lhs_hint = false} : vector<512x8xf32>, vector<8x32xf32>, vector<512x32xf32> -> vector<512x32xf32>
    %slice3A_757 = vector.extract_strided_slice %get3A_747 {offsets = [0, 12], sizes = [512, 8], strides = [1, 1]} : vector<512x64xf32> to vector<512x8xf32>
    %dot_general3A_758 = arith.constant dense<0.000000e+00> : vector<512x32xf32>
    %dot_general3A_759 = tpu.matmul %slice3A_757, %get3A_1, %dot_general3A_758 {dimension_numbers = #tpu.dot_dimension_numbers<[1], [0], [0], [1], [0, 0, 1, 1], [], []>, transpose_lhs_hint = false} : vector<512x8xf32>, vector<8x32xf32>, vector<512x32xf32> -> vector<512x32xf32>
    %slice3A_760 = vector.extract_strided_slice %get3A_747 {offsets = [0, 16], sizes = [512, 8], strides = [1, 1]} : vector<512x64xf32> to vector<512x8xf32>
    %dot_general3A_761 = arith.constant dense<0.000000e+00> : vector<512x32xf32>
    %dot_general3A_762 = tpu.matmul %slice3A_760, %get3A_1, %dot_general3A_761 {dimension_numbers = #tpu.dot_dimension_numbers<[1], [0], [0], [1], [0, 0, 1, 1], [], []>, transpose_lhs_hint = false} : vector<512x8xf32>, vector<8x32xf32>, vector<512x32xf32> -> vector<512x32xf32>
    %slice3A_763 = vector.extract_strided_slice %get3A_747 {offsets = [0, 20], sizes = [512, 8], strides = [1, 1]} : vector<512x64xf32> to vector<512x8xf32>
    %dot_general3A_764 = arith.constant dense<0.000000e+00> : vector<512x32xf32>
    %dot_general3A_765 = tpu.matmul %slice3A_763, %get3A_1, %dot_general3A_764 {dimension_numbers = #tpu.dot_dimension_numbers<[1], [0], [0], [1], [0, 0, 1, 1], [], []>, transpose_lhs_hint = false} : vector<512x8xf32>, vector<8x32xf32>, vector<512x32xf32> -> vector<512x32xf32>
    %slice3A_766 = vector.extract_strided_slice %get3A_747 {offsets = [0, 24], sizes = [512, 8], strides = [1, 1]} : vector<512x64xf32> to vector<512x8xf32>
    %dot_general3A_767 = arith.constant dense<0.000000e+00> : vector<512x32xf32>
    %dot_general3A_768 = tpu.matmul %slice3A_766, %get3A_1, %dot_general3A_767 {dimension_numbers = #tpu.dot_dimension_numbers<[1], [0], [0], [1], [0, 0, 1, 1], [], []>, transpose_lhs_hint = false} : vector<512x8xf32>, vector<8x32xf32>, vector<512x32xf32> -> vector<512x32xf32>
    %slice3A_769 = vector.extract_strided_slice %get3A_747 {offsets = [0, 28], sizes = [512, 8], strides = [1, 1]} : vector<512x64xf32> to vector<512x8xf32>
    %dot_general3A_770 = arith.constant dense<0.000000e+00> : vector<512x32xf32>
    %dot_general3A_771 = tpu.matmul %slice3A_769, %get3A_1, %dot_general3A_770 {dimension_numbers = #tpu.dot_dimension_numbers<[1], [0], [0], [1], [0, 0, 1, 1], [], []>, transpose_lhs_hint = false} : vector<512x8xf32>, vector<8x32xf32>, vector<512x32xf32> -> vector<512x32xf32>
    %slice3A_772 = vector.extract_strided_slice %get3A_747 {offsets = [0, 32], sizes = [512, 8], strides = [1, 1]} : vector<512x64xf32> to vector<512x8xf32>
    %dot_general3A_773 = arith.constant dense<0.000000e+00> : vector<512x32xf32>
    %dot_general3A_774 = tpu.matmul %slice3A_772, %get3A_1, %dot_general3A_773 {dimension_numbers = #tpu.dot_dimension_numbers<[1], [0], [0], [1], [0, 0, 1, 1], [], []>, transpose_lhs_hint = false} : vector<512x8xf32>, vector<8x32xf32>, vector<512x32xf32> -> vector<512x32xf32>
    %slice3A_775 = vector.extract_strided_slice %get3A_747 {offsets = [0, 36], sizes = [512, 8], strides = [1, 1]} : vector<512x64xf32> to vector<512x8xf32>
    %dot_general3A_776 = arith.constant dense<0.000000e+00> : vector<512x32xf32>
    %dot_general3A_777 = tpu.matmul %slice3A_775, %get3A_1, %dot_general3A_776 {dimension_numbers = #tpu.dot_dimension_numbers<[1], [0], [0], [1], [0, 0, 1, 1], [], []>, transpose_lhs_hint = false} : vector<512x8xf32>, vector<8x32xf32>, vector<512x32xf32> -> vector<512x32xf32>
    %slice3A_778 = vector.extract_strided_slice %get3A_747 {offsets = [0, 40], sizes = [512, 8], strides = [1, 1]} : vector<512x64xf32> to vector<512x8xf32>
    %dot_general3A_779 = arith.constant dense<0.000000e+00> : vector<512x32xf32>
    %dot_general3A_780 = tpu.matmul %slice3A_778, %get3A_1, %dot_general3A_779 {dimension_numbers = #tpu.dot_dimension_numbers<[1], [0], [0], [1], [0, 0, 1, 1], [], []>, transpose_lhs_hint = false} : vector<512x8xf32>, vector<8x32xf32>, vector<512x32xf32> -> vector<512x32xf32>
    %slice3A_781 = vector.extract_strided_slice %get3A_747 {offsets = [0, 44], sizes = [512, 8], strides = [1, 1]} : vector<512x64xf32> to vector<512x8xf32>
    %dot_general3A_782 = arith.constant dense<0.000000e+00> : vector<512x32xf32>
    %dot_general3A_783 = tpu.matmul %slice3A_781, %get3A_1, %dot_general3A_782 {dimension_numbers = #tpu.dot_dimension_numbers<[1], [0], [0], [1], [0, 0, 1, 1], [], []>, transpose_lhs_hint = false} : vector<512x8xf32>, vector<8x32xf32>, vector<512x32xf32> -> vector<512x32xf32>
    %slice3A_784 = vector.extract_strided_slice %get3A_747 {offsets = [0, 48], sizes = [512, 8], strides = [1, 1]} : vector<512x64xf32> to vector<512x8xf32>
    %dot_general3A_785 = arith.constant dense<0.000000e+00> : vector<512x32xf32>
    %dot_general3A_786 = tpu.matmul %slice3A_784, %get3A_1, %dot_general3A_785 {dimension_numbers = #tpu.dot_dimension_numbers<[1], [0], [0], [1], [0, 0, 1, 1], [], []>, transpose_lhs_hint = false} : vector<512x8xf32>, vector<8x32xf32>, vector<512x32xf32> -> vector<512x32xf32>
    %slice3A_787 = vector.extract_strided_slice %get3A_747 {offsets = [0, 52], sizes = [512, 8], strides = [1, 1]} : vector<512x64xf32> to vector<512x8xf32>
    %dot_general3A_788 = arith.constant dense<0.000000e+00> : vector<512x32xf32>
    %dot_general3A_789 = tpu.matmul %slice3A_787, %get3A_1, %dot_general3A_788 {dimension_numbers = #tpu.dot_dimension_numbers<[1], [0], [0], [1], [0, 0, 1, 1], [], []>, transpose_lhs_hint = false} : vector<512x8xf32>, vector<8x32xf32>, vector<512x32xf32> -> vector<512x32xf32>
    %slice3A_790 = vector.extract_strided_slice %get3A_747 {offsets = [0, 56], sizes = [512, 8], strides = [1, 1]} : vector<512x64xf32> to vector<512x8xf32>
    %dot_general3A_791 = arith.constant dense<0.000000e+00> : vector<512x32xf32>
    %dot_general3A_792 = tpu.matmul %slice3A_790, %get3A_1, %dot_general3A_791 {dimension_numbers = #tpu.dot_dimension_numbers<[1], [0], [0], [1], [0, 0, 1, 1], [], []>, transpose_lhs_hint = false} : vector<512x8xf32>, vector<8x32xf32>, vector<512x32xf32> -> vector<512x32xf32>
    %concatenate3A_793 = tpu.concatenate %dot_general3A_750, %dot_general3A_753, %dot_general3A_756, %dot_general3A_759, %dot_general3A_762, %dot_general3A_765, %dot_general3A_768, %dot_general3A_771, %dot_general3A_774, %dot_general3A_777, %dot_general3A_780, %dot_general3A_783, %dot_general3A_786, %dot_general3A_789, %dot_general3A_792 in 0 : vector<512x32xf32>, vector<512x32xf32>, vector<512x32xf32>, vector<512x32xf32>, vector<512x32xf32>, vector<512x32xf32>, vector<512x32xf32>, vector<512x32xf32>, vector<512x32xf32>, vector<512x32xf32>, vector<512x32xf32>, vector<512x32xf32>, vector<512x32xf32>, vector<512x32xf32>, vector<512x32xf32> -> vector<7680x32xf32>
    %get3A_794 = arith.constant 0 : index
    %get3A_795 = arith.constant 0 : index
    %get3A_796 = vector.load %arg2[%get3A_794, %get3A_795] : memref<1x32xf32, #tpu.memory_space<vmem>>, vector<1x32xf32>
    %add3A_797 = vector.broadcast %get3A_796 : vector<1x32xf32> to vector<7680x32xf32>
    %add3A_798 = arith.addf %concatenate3A_793, %add3A_797 : vector<7680x32xf32>
    %max3A_799 = arith.constant 0.000000e+00 : f32
    %max3A_800 = vector.broadcast %max3A_799 : f32 to vector<7680x32xf32>
    %max3A_801 = arith.maximumf %add3A_798, %max3A_800 : vector<7680x32xf32>
    %reduce_sum3A_802 = arith.constant dense<0.000000e+00> : vector<32xf32>
    %reduce_sum3A_803 = vector.multi_reduction <add>, %max3A_801, %reduce_sum3A_802 [0] : vector<7680x32xf32> to vector<32xf32>
    %broadcast_in_dim3A_804 = vector.shape_cast %reduce_sum3A_803 : vector<32xf32> to vector<1x32xf32>
    %div3A_805 = arith.constant 7.680000e+03 : f32
    %div3A_806 = vector.broadcast %div3A_805 : f32 to vector<1x32xf32>
    %div3A_807 = arith.divf %broadcast_in_dim3A_804, %div3A_806 : vector<1x32xf32>
    %sub3A_808 = vector.broadcast %div3A_807 : vector<1x32xf32> to vector<7680x32xf32>
    %sub3A_809 = arith.subf %max3A_801, %sub3A_808 : vector<7680x32xf32>
    %sub3A_810 = vector.broadcast %div3A_807 : vector<1x32xf32> to vector<7680x32xf32>
    %sub3A_811 = arith.subf %max3A_801, %sub3A_810 : vector<7680x32xf32>
    %mul3A_812 = arith.mulf %sub3A_809, %sub3A_811 : vector<7680x32xf32>
    %reduce_sum3A_813 = arith.constant dense<0.000000e+00> : vector<32xf32>
    %reduce_sum3A_814 = vector.multi_reduction <add>, %mul3A_812, %reduce_sum3A_813 [0] : vector<7680x32xf32> to vector<32xf32>
    %broadcast_in_dim3A_815 = vector.shape_cast %reduce_sum3A_814 : vector<32xf32> to vector<1x32xf32>
    %div3A_816 = arith.constant 7.680000e+03 : f32
    %div3A_817 = vector.broadcast %div3A_816 : f32 to vector<1x32xf32>
    %div3A_818 = arith.divf %broadcast_in_dim3A_815, %div3A_817 : vector<1x32xf32>
    %sub3A_819 = vector.broadcast %div3A_807 : vector<1x32xf32> to vector<7680x32xf32>
    %sub3A_820 = arith.subf %max3A_801, %sub3A_819 : vector<7680x32xf32>
    %add3A_821 = arith.constant 9.99999974E-6 : f32
    %add3A_822 = vector.broadcast %add3A_821 : f32 to vector<1x32xf32>
    %add3A_823 = arith.addf %div3A_818, %add3A_822 : vector<1x32xf32>
    %rsqrt3A_824 = math.rsqrt %add3A_823 : vector<1x32xf32>
    %mul3A_825 = vector.broadcast %rsqrt3A_824 : vector<1x32xf32> to vector<7680x32xf32>
    %mul3A_826 = arith.mulf %sub3A_820, %mul3A_825 : vector<7680x32xf32>
    %get3A_827 = arith.constant 0 : index
    %get3A_828 = arith.constant 0 : index
    %get3A_829 = vector.load %arg3[%get3A_827, %get3A_828] : memref<1x32xf32, #tpu.memory_space<vmem>>, vector<1x32xf32>
    %mul3A_830 = vector.broadcast %get3A_829 : vector<1x32xf32> to vector<7680x32xf32>
    %mul3A_831 = arith.mulf %mul3A_826, %mul3A_830 : vector<7680x32xf32>
    %get3A_832 = arith.constant 0 : index
    %get3A_833 = arith.constant 0 : index
    %get3A_834 = vector.load %arg4[%get3A_832, %get3A_833] : memref<1x32xf32, #tpu.memory_space<vmem>>, vector<1x32xf32>
    %add3A_835 = vector.broadcast %get3A_834 : vector<1x32xf32> to vector<7680x32xf32>
    %add3A_836 = arith.addf %mul3A_831, %add3A_835 : vector<7680x32xf32>
    %broadcast_in_dim3A_837 = arith.constant 0.000000e+00 : f32
    %broadcast_in_dim3A_838 = vector.broadcast %broadcast_in_dim3A_837 : f32 to vector<512x8xf32>
    %slice3A_839 = vector.extract_strided_slice %add3A_836 {offsets = [0, 0], sizes = [512, 32], strides = [1, 1]} : vector<7680x32xf32> to vector<512x32xf32>
    %slice3A_840 = vector.extract_strided_slice %get3A_5 {offsets = [0, 0, 0], sizes = [1, 32, 8], strides = [1, 1, 1]} : vector<8x32x8xf32> to vector<1x32x8xf32>
    %squeeze3A_841 = vector.shape_cast %slice3A_840 : vector<1x32x8xf32> to vector<32x8xf32>
    %dot_general3A_842 = arith.constant dense<0.000000e+00> : vector<512x8xf32>
    %dot_general3A_843 = tpu.matmul %slice3A_839, %squeeze3A_841, %dot_general3A_842 {dimension_numbers = #tpu.dot_dimension_numbers<[1], [0], [0], [1], [0, 0, 1, 1], [], []>, transpose_lhs_hint = false} : vector<512x32xf32>, vector<32x8xf32>, vector<512x8xf32> -> vector<512x8xf32>
    %add3A_844 = arith.addf %broadcast_in_dim3A_838, %dot_general3A_843 : vector<512x8xf32>
    %slice3A_845 = vector.extract_strided_slice %add3A_836 {offsets = [512, 0], sizes = [512, 32], strides = [1, 1]} : vector<7680x32xf32> to vector<512x32xf32>
    %slice3A_846 = vector.extract_strided_slice %get3A_5 {offsets = [1, 0, 0], sizes = [1, 32, 8], strides = [1, 1, 1]} : vector<8x32x8xf32> to vector<1x32x8xf32>
    %squeeze3A_847 = vector.shape_cast %slice3A_846 : vector<1x32x8xf32> to vector<32x8xf32>
    %dot_general3A_848 = arith.constant dense<0.000000e+00> : vector<512x8xf32>
    %dot_general3A_849 = tpu.matmul %slice3A_845, %squeeze3A_847, %dot_general3A_848 {dimension_numbers = #tpu.dot_dimension_numbers<[1], [0], [0], [1], [0, 0, 1, 1], [], []>, transpose_lhs_hint = false} : vector<512x32xf32>, vector<32x8xf32>, vector<512x8xf32> -> vector<512x8xf32>
    %add3A_850 = arith.addf %add3A_844, %dot_general3A_849 : vector<512x8xf32>
    %slice3A_851 = vector.extract_strided_slice %add3A_836 {offsets = [1024, 0], sizes = [512, 32], strides = [1, 1]} : vector<7680x32xf32> to vector<512x32xf32>
    %slice3A_852 = vector.extract_strided_slice %get3A_5 {offsets = [2, 0, 0], sizes = [1, 32, 8], strides = [1, 1, 1]} : vector<8x32x8xf32> to vector<1x32x8xf32>
    %squeeze3A_853 = vector.shape_cast %slice3A_852 : vector<1x32x8xf32> to vector<32x8xf32>
    %dot_general3A_854 = arith.constant dense<0.000000e+00> : vector<512x8xf32>
    %dot_general3A_855 = tpu.matmul %slice3A_851, %squeeze3A_853, %dot_general3A_854 {dimension_numbers = #tpu.dot_dimension_numbers<[1], [0], [0], [1], [0, 0, 1, 1], [], []>, transpose_lhs_hint = false} : vector<512x32xf32>, vector<32x8xf32>, vector<512x8xf32> -> vector<512x8xf32>
    %add3A_856 = arith.addf %add3A_850, %dot_general3A_855 : vector<512x8xf32>
    %slice3A_857 = vector.extract_strided_slice %add3A_836 {offsets = [1536, 0], sizes = [512, 32], strides = [1, 1]} : vector<7680x32xf32> to vector<512x32xf32>
    %slice3A_858 = vector.extract_strided_slice %get3A_5 {offsets = [3, 0, 0], sizes = [1, 32, 8], strides = [1, 1, 1]} : vector<8x32x8xf32> to vector<1x32x8xf32>
    %squeeze3A_859 = vector.shape_cast %slice3A_858 : vector<1x32x8xf32> to vector<32x8xf32>
    %dot_general3A_860 = arith.constant dense<0.000000e+00> : vector<512x8xf32>
    %dot_general3A_861 = tpu.matmul %slice3A_857, %squeeze3A_859, %dot_general3A_860 {dimension_numbers = #tpu.dot_dimension_numbers<[1], [0], [0], [1], [0, 0, 1, 1], [], []>, transpose_lhs_hint = false} : vector<512x32xf32>, vector<32x8xf32>, vector<512x8xf32> -> vector<512x8xf32>
    %add3A_862 = arith.addf %add3A_856, %dot_general3A_861 : vector<512x8xf32>
    %slice3A_863 = vector.extract_strided_slice %add3A_836 {offsets = [2048, 0], sizes = [512, 32], strides = [1, 1]} : vector<7680x32xf32> to vector<512x32xf32>
    %slice3A_864 = vector.extract_strided_slice %get3A_5 {offsets = [4, 0, 0], sizes = [1, 32, 8], strides = [1, 1, 1]} : vector<8x32x8xf32> to vector<1x32x8xf32>
    %squeeze3A_865 = vector.shape_cast %slice3A_864 : vector<1x32x8xf32> to vector<32x8xf32>
    %dot_general3A_866 = arith.constant dense<0.000000e+00> : vector<512x8xf32>
    %dot_general3A_867 = tpu.matmul %slice3A_863, %squeeze3A_865, %dot_general3A_866 {dimension_numbers = #tpu.dot_dimension_numbers<[1], [0], [0], [1], [0, 0, 1, 1], [], []>, transpose_lhs_hint = false} : vector<512x32xf32>, vector<32x8xf32>, vector<512x8xf32> -> vector<512x8xf32>
    %add3A_868 = arith.addf %add3A_862, %dot_general3A_867 : vector<512x8xf32>
    %slice3A_869 = vector.extract_strided_slice %add3A_836 {offsets = [2560, 0], sizes = [512, 32], strides = [1, 1]} : vector<7680x32xf32> to vector<512x32xf32>
    %slice3A_870 = vector.extract_strided_slice %get3A_5 {offsets = [5, 0, 0], sizes = [1, 32, 8], strides = [1, 1, 1]} : vector<8x32x8xf32> to vector<1x32x8xf32>
    %squeeze3A_871 = vector.shape_cast %slice3A_870 : vector<1x32x8xf32> to vector<32x8xf32>
    %dot_general3A_872 = arith.constant dense<0.000000e+00> : vector<512x8xf32>
    %dot_general3A_873 = tpu.matmul %slice3A_869, %squeeze3A_871, %dot_general3A_872 {dimension_numbers = #tpu.dot_dimension_numbers<[1], [0], [0], [1], [0, 0, 1, 1], [], []>, transpose_lhs_hint = false} : vector<512x32xf32>, vector<32x8xf32>, vector<512x8xf32> -> vector<512x8xf32>
    %add3A_874 = arith.addf %add3A_868, %dot_general3A_873 : vector<512x8xf32>
    %slice3A_875 = vector.extract_strided_slice %add3A_836 {offsets = [3072, 0], sizes = [512, 32], strides = [1, 1]} : vector<7680x32xf32> to vector<512x32xf32>
    %slice3A_876 = vector.extract_strided_slice %get3A_5 {offsets = [6, 0, 0], sizes = [1, 32, 8], strides = [1, 1, 1]} : vector<8x32x8xf32> to vector<1x32x8xf32>
    %squeeze3A_877 = vector.shape_cast %slice3A_876 : vector<1x32x8xf32> to vector<32x8xf32>
    %dot_general3A_878 = arith.constant dense<0.000000e+00> : vector<512x8xf32>
    %dot_general3A_879 = tpu.matmul %slice3A_875, %squeeze3A_877, %dot_general3A_878 {dimension_numbers = #tpu.dot_dimension_numbers<[1], [0], [0], [1], [0, 0, 1, 1], [], []>, transpose_lhs_hint = false} : vector<512x32xf32>, vector<32x8xf32>, vector<512x8xf32> -> vector<512x8xf32>
    %add3A_880 = arith.addf %add3A_874, %dot_general3A_879 : vector<512x8xf32>
    %slice3A_881 = vector.extract_strided_slice %add3A_836 {offsets = [3584, 0], sizes = [512, 32], strides = [1, 1]} : vector<7680x32xf32> to vector<512x32xf32>
    %slice3A_882 = vector.extract_strided_slice %get3A_5 {offsets = [7, 0, 0], sizes = [1, 32, 8], strides = [1, 1, 1]} : vector<8x32x8xf32> to vector<1x32x8xf32>
    %squeeze3A_883 = vector.shape_cast %slice3A_882 : vector<1x32x8xf32> to vector<32x8xf32>
    %dot_general3A_884 = arith.constant dense<0.000000e+00> : vector<512x8xf32>
    %dot_general3A_885 = tpu.matmul %slice3A_881, %squeeze3A_883, %dot_general3A_884 {dimension_numbers = #tpu.dot_dimension_numbers<[1], [0], [0], [1], [0, 0, 1, 1], [], []>, transpose_lhs_hint = false} : vector<512x32xf32>, vector<32x8xf32>, vector<512x8xf32> -> vector<512x8xf32>
    %add3A_886 = arith.addf %add3A_880, %dot_general3A_885 : vector<512x8xf32>
    %broadcast_in_dim3A_887 = arith.constant 0.000000e+00 : f32
    %broadcast_in_dim3A_888 = vector.broadcast %broadcast_in_dim3A_887 : f32 to vector<512x8xf32>
    %slice3A_889 = vector.extract_strided_slice %add3A_836 {offsets = [2048, 0], sizes = [512, 32], strides = [1, 1]} : vector<7680x32xf32> to vector<512x32xf32>
    %slice3A_890 = vector.extract_strided_slice %get3A_5 {offsets = [0, 0, 0], sizes = [1, 32, 8], strides = [1, 1, 1]} : vector<8x32x8xf32> to vector<1x32x8xf32>
    %squeeze3A_891 = vector.shape_cast %slice3A_890 : vector<1x32x8xf32> to vector<32x8xf32>
    %dot_general3A_892 = arith.constant dense<0.000000e+00> : vector<512x8xf32>
    %dot_general3A_893 = tpu.matmul %slice3A_889, %squeeze3A_891, %dot_general3A_892 {dimension_numbers = #tpu.dot_dimension_numbers<[1], [0], [0], [1], [0, 0, 1, 1], [], []>, transpose_lhs_hint = false} : vector<512x32xf32>, vector<32x8xf32>, vector<512x8xf32> -> vector<512x8xf32>
    %add3A_894 = arith.addf %broadcast_in_dim3A_888, %dot_general3A_893 : vector<512x8xf32>
    %slice3A_895 = vector.extract_strided_slice %add3A_836 {offsets = [2560, 0], sizes = [512, 32], strides = [1, 1]} : vector<7680x32xf32> to vector<512x32xf32>
    %slice3A_896 = vector.extract_strided_slice %get3A_5 {offsets = [1, 0, 0], sizes = [1, 32, 8], strides = [1, 1, 1]} : vector<8x32x8xf32> to vector<1x32x8xf32>
    %squeeze3A_897 = vector.shape_cast %slice3A_896 : vector<1x32x8xf32> to vector<32x8xf32>
    %dot_general3A_898 = arith.constant dense<0.000000e+00> : vector<512x8xf32>
    %dot_general3A_899 = tpu.matmul %slice3A_895, %squeeze3A_897, %dot_general3A_898 {dimension_numbers = #tpu.dot_dimension_numbers<[1], [0], [0], [1], [0, 0, 1, 1], [], []>, transpose_lhs_hint = false} : vector<512x32xf32>, vector<32x8xf32>, vector<512x8xf32> -> vector<512x8xf32>
    %add3A_900 = arith.addf %add3A_894, %dot_general3A_899 : vector<512x8xf32>
    %slice3A_901 = vector.extract_strided_slice %add3A_836 {offsets = [3072, 0], sizes = [512, 32], strides = [1, 1]} : vector<7680x32xf32> to vector<512x32xf32>
    %slice3A_902 = vector.extract_strided_slice %get3A_5 {offsets = [2, 0, 0], sizes = [1, 32, 8], strides = [1, 1, 1]} : vector<8x32x8xf32> to vector<1x32x8xf32>
    %squeeze3A_903 = vector.shape_cast %slice3A_902 : vector<1x32x8xf32> to vector<32x8xf32>
    %dot_general3A_904 = arith.constant dense<0.000000e+00> : vector<512x8xf32>
    %dot_general3A_905 = tpu.matmul %slice3A_901, %squeeze3A_903, %dot_general3A_904 {dimension_numbers = #tpu.dot_dimension_numbers<[1], [0], [0], [1], [0, 0, 1, 1], [], []>, transpose_lhs_hint = false} : vector<512x32xf32>, vector<32x8xf32>, vector<512x8xf32> -> vector<512x8xf32>
    %add3A_906 = arith.addf %add3A_900, %dot_general3A_905 : vector<512x8xf32>
    %slice3A_907 = vector.extract_strided_slice %add3A_836 {offsets = [3584, 0], sizes = [512, 32], strides = [1, 1]} : vector<7680x32xf32> to vector<512x32xf32>
    %slice3A_908 = vector.extract_strided_slice %get3A_5 {offsets = [3, 0, 0], sizes = [1, 32, 8], strides = [1, 1, 1]} : vector<8x32x8xf32> to vector<1x32x8xf32>
    %squeeze3A_909 = vector.shape_cast %slice3A_908 : vector<1x32x8xf32> to vector<32x8xf32>
    %dot_general3A_910 = arith.constant dense<0.000000e+00> : vector<512x8xf32>
    %dot_general3A_911 = tpu.matmul %slice3A_907, %squeeze3A_909, %dot_general3A_910 {dimension_numbers = #tpu.dot_dimension_numbers<[1], [0], [0], [1], [0, 0, 1, 1], [], []>, transpose_lhs_hint = false} : vector<512x32xf32>, vector<32x8xf32>, vector<512x8xf32> -> vector<512x8xf32>
    %add3A_912 = arith.addf %add3A_906, %dot_general3A_911 : vector<512x8xf32>
    %slice3A_913 = vector.extract_strided_slice %add3A_836 {offsets = [4096, 0], sizes = [512, 32], strides = [1, 1]} : vector<7680x32xf32> to vector<512x32xf32>
    %slice3A_914 = vector.extract_strided_slice %get3A_5 {offsets = [4, 0, 0], sizes = [1, 32, 8], strides = [1, 1, 1]} : vector<8x32x8xf32> to vector<1x32x8xf32>
    %squeeze3A_915 = vector.shape_cast %slice3A_914 : vector<1x32x8xf32> to vector<32x8xf32>
    %dot_general3A_916 = arith.constant dense<0.000000e+00> : vector<512x8xf32>
    %dot_general3A_917 = tpu.matmul %slice3A_913, %squeeze3A_915, %dot_general3A_916 {dimension_numbers = #tpu.dot_dimension_numbers<[1], [0], [0], [1], [0, 0, 1, 1], [], []>, transpose_lhs_hint = false} : vector<512x32xf32>, vector<32x8xf32>, vector<512x8xf32> -> vector<512x8xf32>
    %add3A_918 = arith.addf %add3A_912, %dot_general3A_917 : vector<512x8xf32>
    %slice3A_919 = vector.extract_strided_slice %add3A_836 {offsets = [4608, 0], sizes = [512, 32], strides = [1, 1]} : vector<7680x32xf32> to vector<512x32xf32>
    %slice3A_920 = vector.extract_strided_slice %get3A_5 {offsets = [5, 0, 0], sizes = [1, 32, 8], strides = [1, 1, 1]} : vector<8x32x8xf32> to vector<1x32x8xf32>
    %squeeze3A_921 = vector.shape_cast %slice3A_920 : vector<1x32x8xf32> to vector<32x8xf32>
    %dot_general3A_922 = arith.constant dense<0.000000e+00> : vector<512x8xf32>
    %dot_general3A_923 = tpu.matmul %slice3A_919, %squeeze3A_921, %dot_general3A_922 {dimension_numbers = #tpu.dot_dimension_numbers<[1], [0], [0], [1], [0, 0, 1, 1], [], []>, transpose_lhs_hint = false} : vector<512x32xf32>, vector<32x8xf32>, vector<512x8xf32> -> vector<512x8xf32>
    %add3A_924 = arith.addf %add3A_918, %dot_general3A_923 : vector<512x8xf32>
    %slice3A_925 = vector.extract_strided_slice %add3A_836 {offsets = [5120, 0], sizes = [512, 32], strides = [1, 1]} : vector<7680x32xf32> to vector<512x32xf32>
    %slice3A_926 = vector.extract_strided_slice %get3A_5 {offsets = [6, 0, 0], sizes = [1, 32, 8], strides = [1, 1, 1]} : vector<8x32x8xf32> to vector<1x32x8xf32>
    %squeeze3A_927 = vector.shape_cast %slice3A_926 : vector<1x32x8xf32> to vector<32x8xf32>
    %dot_general3A_928 = arith.constant dense<0.000000e+00> : vector<512x8xf32>
    %dot_general3A_929 = tpu.matmul %slice3A_925, %squeeze3A_927, %dot_general3A_928 {dimension_numbers = #tpu.dot_dimension_numbers<[1], [0], [0], [1], [0, 0, 1, 1], [], []>, transpose_lhs_hint = false} : vector<512x32xf32>, vector<32x8xf32>, vector<512x8xf32> -> vector<512x8xf32>
    %add3A_930 = arith.addf %add3A_924, %dot_general3A_929 : vector<512x8xf32>
    %slice3A_931 = vector.extract_strided_slice %add3A_836 {offsets = [5632, 0], sizes = [512, 32], strides = [1, 1]} : vector<7680x32xf32> to vector<512x32xf32>
    %slice3A_932 = vector.extract_strided_slice %get3A_5 {offsets = [7, 0, 0], sizes = [1, 32, 8], strides = [1, 1, 1]} : vector<8x32x8xf32> to vector<1x32x8xf32>
    %squeeze3A_933 = vector.shape_cast %slice3A_932 : vector<1x32x8xf32> to vector<32x8xf32>
    %dot_general3A_934 = arith.constant dense<0.000000e+00> : vector<512x8xf32>
    %dot_general3A_935 = tpu.matmul %slice3A_931, %squeeze3A_933, %dot_general3A_934 {dimension_numbers = #tpu.dot_dimension_numbers<[1], [0], [0], [1], [0, 0, 1, 1], [], []>, transpose_lhs_hint = false} : vector<512x32xf32>, vector<32x8xf32>, vector<512x8xf32> -> vector<512x8xf32>
    %add3A_936 = arith.addf %add3A_930, %dot_general3A_935 : vector<512x8xf32>
    %concatenate3A_937 = tpu.concatenate %add3A_886, %add3A_936 in 0 : vector<512x8xf32>, vector<512x8xf32> -> vector<1024x8xf32>
    %get3A_938 = arith.constant 0 : index
    %get3A_939 = arith.constant 0 : index
    %get3A_940 = vector.load %arg6[%get3A_938, %get3A_939] : memref<1x8xf32, #tpu.memory_space<vmem>>, vector<1x8xf32>
    %add3A_941 = vector.broadcast %get3A_940 : vector<1x8xf32> to vector<1024x8xf32>
    %add3A_942 = arith.addf %concatenate3A_937, %add3A_941 : vector<1024x8xf32>
    %max3A_943 = arith.constant 0.000000e+00 : f32
    %max3A_944 = vector.broadcast %max3A_943 : f32 to vector<1024x8xf32>
    %max3A_945 = arith.maximumf %add3A_942, %max3A_944 : vector<1024x8xf32>
    %reduce_sum3A_946 = arith.constant dense<0.000000e+00> : vector<8xf32>
    %reduce_sum3A_947 = vector.multi_reduction <add>, %max3A_945, %reduce_sum3A_946 [0] : vector<1024x8xf32> to vector<8xf32>
    %broadcast_in_dim3A_948 = vector.shape_cast %reduce_sum3A_947 : vector<8xf32> to vector<1x8xf32>
    %div3A_949 = arith.constant 1.024000e+03 : f32
    %div3A_950 = vector.broadcast %div3A_949 : f32 to vector<1x8xf32>
    %div3A_951 = arith.divf %broadcast_in_dim3A_948, %div3A_950 : vector<1x8xf32>
    %sub3A_952 = vector.broadcast %div3A_951 : vector<1x8xf32> to vector<1024x8xf32>
    %sub3A_953 = arith.subf %max3A_945, %sub3A_952 : vector<1024x8xf32>
    %sub3A_954 = vector.broadcast %div3A_951 : vector<1x8xf32> to vector<1024x8xf32>
    %sub3A_955 = arith.subf %max3A_945, %sub3A_954 : vector<1024x8xf32>
    %mul3A_956 = arith.mulf %sub3A_953, %sub3A_955 : vector<1024x8xf32>
    %reduce_sum3A_957 = arith.constant dense<0.000000e+00> : vector<8xf32>
    %reduce_sum3A_958 = vector.multi_reduction <add>, %mul3A_956, %reduce_sum3A_957 [0] : vector<1024x8xf32> to vector<8xf32>
    %broadcast_in_dim3A_959 = vector.shape_cast %reduce_sum3A_958 : vector<8xf32> to vector<1x8xf32>
    %div3A_960 = arith.constant 1.024000e+03 : f32
    %div3A_961 = vector.broadcast %div3A_960 : f32 to vector<1x8xf32>
    %div3A_962 = arith.divf %broadcast_in_dim3A_959, %div3A_961 : vector<1x8xf32>
    %sub3A_963 = vector.broadcast %div3A_951 : vector<1x8xf32> to vector<1024x8xf32>
    %sub3A_964 = arith.subf %max3A_945, %sub3A_963 : vector<1024x8xf32>
    %add3A_965 = arith.constant 9.99999974E-6 : f32
    %add3A_966 = vector.broadcast %add3A_965 : f32 to vector<1x8xf32>
    %add3A_967 = arith.addf %div3A_962, %add3A_966 : vector<1x8xf32>
    %rsqrt3A_968 = math.rsqrt %add3A_967 : vector<1x8xf32>
    %mul3A_969 = vector.broadcast %rsqrt3A_968 : vector<1x8xf32> to vector<1024x8xf32>
    %mul3A_970 = arith.mulf %sub3A_964, %mul3A_969 : vector<1024x8xf32>
    %get3A_971 = arith.constant 0 : index
    %get3A_972 = arith.constant 0 : index
    %get3A_973 = vector.load %arg7[%get3A_971, %get3A_972] : memref<1x8xf32, #tpu.memory_space<vmem>>, vector<1x8xf32>
    %mul3A_974 = vector.broadcast %get3A_973 : vector<1x8xf32> to vector<1024x8xf32>
    %mul3A_975 = arith.mulf %mul3A_970, %mul3A_974 : vector<1024x8xf32>
    %get3A_976 = arith.constant 0 : index
    %get3A_977 = arith.constant 0 : index
    %get3A_978 = vector.load %arg8[%get3A_976, %get3A_977] : memref<1x8xf32, #tpu.memory_space<vmem>>, vector<1x8xf32>
    %add3A_979 = vector.broadcast %get3A_978 : vector<1x8xf32> to vector<1024x8xf32>
    %add3A_980 = arith.addf %mul3A_975, %add3A_979 : vector<1024x8xf32>
    %slice3A_981 = vector.extract_strided_slice %add3A_980 {offsets = [0, 0], sizes = [512, 8], strides = [1, 1]} : vector<1024x8xf32> to vector<512x8xf32>
    %dot_general3A_982 = arith.constant dense<0.000000e+00> : vector<512x16xf32>
    %dot_general3A_983 = tpu.matmul %slice3A_981, %convert_element_type3A_9, %dot_general3A_982 {dimension_numbers = #tpu.dot_dimension_numbers<[1], [0], [0], [1], [0, 0, 1, 1], [], []>, transpose_lhs_hint = false} : vector<512x8xf32>, vector<8x16xf32>, vector<512x16xf32> -> vector<512x16xf32>
    %slice3A_984 = vector.extract_strided_slice %add3A_980 {offsets = [512, 0], sizes = [512, 8], strides = [1, 1]} : vector<1024x8xf32> to vector<512x8xf32>
    %dot_general3A_985 = arith.constant dense<0.000000e+00> : vector<512x16xf32>
    %dot_general3A_986 = tpu.matmul %slice3A_984, %convert_element_type3A_17, %dot_general3A_985 {dimension_numbers = #tpu.dot_dimension_numbers<[1], [0], [0], [1], [0, 0, 1, 1], [], []>, transpose_lhs_hint = false} : vector<512x8xf32>, vector<8x16xf32>, vector<512x16xf32> -> vector<512x16xf32>
    %add3A_987 = arith.addf %dot_general3A_983, %dot_general3A_986 : vector<512x16xf32>
    %swap3A_988 = arith.constant 0 : index
    %swap3A_989 = arith.constant 48 : index
    %swap3A_990 = vector.load %arg9[%swap3A_988, %swap3A_989] : memref<512x128xf32, #tpu.memory_space<vmem>>, vector<512x16xf32>
    tpu.vector_store %arg9[%swap3A_988, %swap3A_989], %add3A_987 {strides = array<i32>} : memref<512x128xf32, #tpu.memory_space<vmem>>, vector<512x16xf32>,
    %get3A_991 = arith.constant 0 : index
    %get3A_992 = arith.constant 2048 : index
    %get3A_993 = vector.load %arg0[%get3A_991, %get3A_992] : memref<512x4096xf32, #tpu.memory_space<vmem>>, vector<512x64xf32>
    %slice3A_994 = vector.extract_strided_slice %get3A_993 {offsets = [0, 0], sizes = [512, 8], strides = [1, 1]} : vector<512x64xf32> to vector<512x8xf32>
    %dot_general3A_995 = arith.constant dense<0.000000e+00> : vector<512x32xf32>
    %dot_general3A_996 = tpu.matmul %slice3A_994, %get3A_1, %dot_general3A_995 {dimension_numbers = #tpu.dot_dimension_numbers<[1], [0], [0], [1], [0, 0, 1, 1], [], []>, transpose_lhs_hint = false} : vector<512x8xf32>, vector<8x32xf32>, vector<512x32xf32> -> vector<512x32xf32>
    %slice3A_997 = vector.extract_strided_slice %get3A_993 {offsets = [0, 4], sizes = [512, 8], strides = [1, 1]} : vector<512x64xf32> to vector<512x8xf32>
    %dot_general3A_998 = arith.constant dense<0.000000e+00> : vector<512x32xf32>
    %dot_general3A_999 = tpu.matmul %slice3A_997, %get3A_1, %dot_general3A_998 {dimension_numbers = #tpu.dot_dimension_numbers<[1], [0], [0], [1], [0, 0, 1, 1], [], []>, transpose_lhs_hint = false} : vector<512x8xf32>, vector<8x32xf32>, vector<512x32xf32> -> vector<512x32xf32>
    %slice3A_1000 = vector.extract_strided_slice %get3A_993 {offsets = [0, 8], sizes = [512, 8], strides = [1, 1]} : vector<512x64xf32> to vector<512x8xf32>
    %dot_general3A_1001 = arith.constant dense<0.000000e+00> : vector<512x32xf32>
    %dot_general3A_1002 = tpu.matmul %slice3A_1000, %get3A_1, %dot_general3A_1001 {dimension_numbers = #tpu.dot_dimension_numbers<[1], [0], [0], [1], [0, 0, 1, 1], [], []>, transpose_lhs_hint = false} : vector<512x8xf32>, vector<8x32xf32>, vector<512x32xf32> -> vector<512x32xf32>
    %slice3A_1003 = vector.extract_strided_slice %get3A_993 {offsets = [0, 12], sizes = [512, 8], strides = [1, 1]} : vector<512x64xf32> to vector<512x8xf32>
    %dot_general3A_1004 = arith.constant dense<0.000000e+00> : vector<512x32xf32>
    %dot_general3A_1005 = tpu.matmul %slice3A_1003, %get3A_1, %dot_general3A_1004 {dimension_numbers = #tpu.dot_dimension_numbers<[1], [0], [0], [1], [0, 0, 1, 1], [], []>, transpose_lhs_hint = false} : vector<512x8xf32>, vector<8x32xf32>, vector<512x32xf32> -> vector<512x32xf32>
    %slice3A_1006 = vector.extract_strided_slice %get3A_993 {offsets = [0, 16], sizes = [512, 8], strides = [1, 1]} : vector<512x64xf32> to vector<512x8xf32>
    %dot_general3A_1007 = arith.constant dense<0.000000e+00> : vector<512x32xf32>
    %dot_general3A_1008 = tpu.matmul %slice3A_1006, %get3A_1, %dot_general3A_1007 {dimension_numbers = #tpu.dot_dimension_numbers<[1], [0], [0], [1], [0, 0, 1, 1], [], []>, transpose_lhs_hint = false} : vector<512x8xf32>, vector<8x32xf32>, vector<512x32xf32> -> vector<512x32xf32>
    %slice3A_1009 = vector.extract_strided_slice %get3A_993 {offsets = [0, 20], sizes = [512, 8], strides = [1, 1]} : vector<512x64xf32> to vector<512x8xf32>
    %dot_general3A_1010 = arith.constant dense<0.000000e+00> : vector<512x32xf32>
    %dot_general3A_1011 = tpu.matmul %slice3A_1009, %get3A_1, %dot_general3A_1010 {dimension_numbers = #tpu.dot_dimension_numbers<[1], [0], [0], [1], [0, 0, 1, 1], [], []>, transpose_lhs_hint = false} : vector<512x8xf32>, vector<8x32xf32>, vector<512x32xf32> -> vector<512x32xf32>
    %slice3A_1012 = vector.extract_strided_slice %get3A_993 {offsets = [0, 24], sizes = [512, 8], strides = [1, 1]} : vector<512x64xf32> to vector<512x8xf32>
    %dot_general3A_1013 = arith.constant dense<0.000000e+00> : vector<512x32xf32>
    %dot_general3A_1014 = tpu.matmul %slice3A_1012, %get3A_1, %dot_general3A_1013 {dimension_numbers = #tpu.dot_dimension_numbers<[1], [0], [0], [1], [0, 0, 1, 1], [], []>, transpose_lhs_hint = false} : vector<512x8xf32>, vector<8x32xf32>, vector<512x32xf32> -> vector<512x32xf32>
    %slice3A_1015 = vector.extract_strided_slice %get3A_993 {offsets = [0, 28], sizes = [512, 8], strides = [1, 1]} : vector<512x64xf32> to vector<512x8xf32>
    %dot_general3A_1016 = arith.constant dense<0.000000e+00> : vector<512x32xf32>
    %dot_general3A_1017 = tpu.matmul %slice3A_1015, %get3A_1, %dot_general3A_1016 {dimension_numbers = #tpu.dot_dimension_numbers<[1], [0], [0], [1], [0, 0, 1, 1], [], []>, transpose_lhs_hint = false} : vector<512x8xf32>, vector<8x32xf32>, vector<512x32xf32> -> vector<512x32xf32>
    %slice3A_1018 = vector.extract_strided_slice %get3A_993 {offsets = [0, 32], sizes = [512, 8], strides = [1, 1]} : vector<512x64xf32> to vector<512x8xf32>
    %dot_general3A_1019 = arith.constant dense<0.000000e+00> : vector<512x32xf32>
    %dot_general3A_1020 = tpu.matmul %slice3A_1018, %get3A_1, %dot_general3A_1019 {dimension_numbers = #tpu.dot_dimension_numbers<[1], [0], [0], [1], [0, 0, 1, 1], [], []>, transpose_lhs_hint = false} : vector<512x8xf32>, vector<8x32xf32>, vector<512x32xf32> -> vector<512x32xf32>
    %slice3A_1021 = vector.extract_strided_slice %get3A_993 {offsets = [0, 36], sizes = [512, 8], strides = [1, 1]} : vector<512x64xf32> to vector<512x8xf32>
    %dot_general3A_1022 = arith.constant dense<0.000000e+00> : vector<512x32xf32>
    %dot_general3A_1023 = tpu.matmul %slice3A_1021, %get3A_1, %dot_general3A_1022 {dimension_numbers = #tpu.dot_dimension_numbers<[1], [0], [0], [1], [0, 0, 1, 1], [], []>, transpose_lhs_hint = false} : vector<512x8xf32>, vector<8x32xf32>, vector<512x32xf32> -> vector<512x32xf32>
    %slice3A_1024 = vector.extract_strided_slice %get3A_993 {offsets = [0, 40], sizes = [512, 8], strides = [1, 1]} : vector<512x64xf32> to vector<512x8xf32>
    %dot_general3A_1025 = arith.constant dense<0.000000e+00> : vector<512x32xf32>
    %dot_general3A_1026 = tpu.matmul %slice3A_1024, %get3A_1, %dot_general3A_1025 {dimension_numbers = #tpu.dot_dimension_numbers<[1], [0], [0], [1], [0, 0, 1, 1], [], []>, transpose_lhs_hint = false} : vector<512x8xf32>, vector<8x32xf32>, vector<512x32xf32> -> vector<512x32xf32>
    %slice3A_1027 = vector.extract_strided_slice %get3A_993 {offsets = [0, 44], sizes = [512, 8], strides = [1, 1]} : vector<512x64xf32> to vector<512x8xf32>
    %dot_general3A_1028 = arith.constant dense<0.000000e+00> : vector<512x32xf32>
    %dot_general3A_1029 = tpu.matmul %slice3A_1027, %get3A_1, %dot_general3A_1028 {dimension_numbers = #tpu.dot_dimension_numbers<[1], [0], [0], [1], [0, 0, 1, 1], [], []>, transpose_lhs_hint = false} : vector<512x8xf32>, vector<8x32xf32>, vector<512x32xf32> -> vector<512x32xf32>
    %slice3A_1030 = vector.extract_strided_slice %get3A_993 {offsets = [0, 48], sizes = [512, 8], strides = [1, 1]} : vector<512x64xf32> to vector<512x8xf32>
    %dot_general3A_1031 = arith.constant dense<0.000000e+00> : vector<512x32xf32>
    %dot_general3A_1032 = tpu.matmul %slice3A_1030, %get3A_1, %dot_general3A_1031 {dimension_numbers = #tpu.dot_dimension_numbers<[1], [0], [0], [1], [0, 0, 1, 1], [], []>, transpose_lhs_hint = false} : vector<512x8xf32>, vector<8x32xf32>, vector<512x32xf32> -> vector<512x32xf32>
    %slice3A_1033 = vector.extract_strided_slice %get3A_993 {offsets = [0, 52], sizes = [512, 8], strides = [1, 1]} : vector<512x64xf32> to vector<512x8xf32>
    %dot_general3A_1034 = arith.constant dense<0.000000e+00> : vector<512x32xf32>
    %dot_general3A_1035 = tpu.matmul %slice3A_1033, %get3A_1, %dot_general3A_1034 {dimension_numbers = #tpu.dot_dimension_numbers<[1], [0], [0], [1], [0, 0, 1, 1], [], []>, transpose_lhs_hint = false} : vector<512x8xf32>, vector<8x32xf32>, vector<512x32xf32> -> vector<512x32xf32>
    %slice3A_1036 = vector.extract_strided_slice %get3A_993 {offsets = [0, 56], sizes = [512, 8], strides = [1, 1]} : vector<512x64xf32> to vector<512x8xf32>
    %dot_general3A_1037 = arith.constant dense<0.000000e+00> : vector<512x32xf32>
    %dot_general3A_1038 = tpu.matmul %slice3A_1036, %get3A_1, %dot_general3A_1037 {dimension_numbers = #tpu.dot_dimension_numbers<[1], [0], [0], [1], [0, 0, 1, 1], [], []>, transpose_lhs_hint = false} : vector<512x8xf32>, vector<8x32xf32>, vector<512x32xf32> -> vector<512x32xf32>
    %concatenate3A_1039 = tpu.concatenate %dot_general3A_996, %dot_general3A_999, %dot_general3A_1002, %dot_general3A_1005, %dot_general3A_1008, %dot_general3A_1011, %dot_general3A_1014, %dot_general3A_1017, %dot_general3A_1020, %dot_general3A_1023, %dot_general3A_1026, %dot_general3A_1029, %dot_general3A_1032, %dot_general3A_1035, %dot_general3A_1038 in 0 : vector<512x32xf32>, vector<512x32xf32>, vector<512x32xf32>, vector<512x32xf32>, vector<512x32xf32>, vector<512x32xf32>, vector<512x32xf32>, vector<512x32xf32>, vector<512x32xf32>, vector<512x32xf32>, vector<512x32xf32>, vector<512x32xf32>, vector<512x32xf32>, vector<512x32xf32>, vector<512x32xf32> -> vector<7680x32xf32>
    %get3A_1040 = arith.constant 0 : index
    %get3A_1041 = arith.constant 0 : index
    %get3A_1042 = vector.load %arg2[%get3A_1040, %get3A_1041] : memref<1x32xf32, #tpu.memory_space<vmem>>, vector<1x32xf32>
    %add3A_1043 = vector.broadcast %get3A_1042 : vector<1x32xf32> to vector<7680x32xf32>
    %add3A_1044 = arith.addf %concatenate3A_1039, %add3A_1043 : vector<7680x32xf32>
    %max3A_1045 = arith.constant 0.000000e+00 : f32
    %max3A_1046 = vector.broadcast %max3A_1045 : f32 to vector<7680x32xf32>
    %max3A_1047 = arith.maximumf %add3A_1044, %max3A_1046 : vector<7680x32xf32>
    %reduce_sum3A_1048 = arith.constant dense<0.000000e+00> : vector<32xf32>
    %reduce_sum3A_1049 = vector.multi_reduction <add>, %max3A_1047, %reduce_sum3A_1048 [0] : vector<7680x32xf32> to vector<32xf32>
    %broadcast_in_dim3A_1050 = vector.shape_cast %reduce_sum3A_1049 : vector<32xf32> to vector<1x32xf32>
    %div3A_1051 = arith.constant 7.680000e+03 : f32
    %div3A_1052 = vector.broadcast %div3A_1051 : f32 to vector<1x32xf32>
    %div3A_1053 = arith.divf %broadcast_in_dim3A_1050, %div3A_1052 : vector<1x32xf32>
    %sub3A_1054 = vector.broadcast %div3A_1053 : vector<1x32xf32> to vector<7680x32xf32>
    %sub3A_1055 = arith.subf %max3A_1047, %sub3A_1054 : vector<7680x32xf32>
    %sub3A_1056 = vector.broadcast %div3A_1053 : vector<1x32xf32> to vector<7680x32xf32>
    %sub3A_1057 = arith.subf %max3A_1047, %sub3A_1056 : vector<7680x32xf32>
    %mul3A_1058 = arith.mulf %sub3A_1055, %sub3A_1057 : vector<7680x32xf32>
    %reduce_sum3A_1059 = arith.constant dense<0.000000e+00> : vector<32xf32>
    %reduce_sum3A_1060 = vector.multi_reduction <add>, %mul3A_1058, %reduce_sum3A_1059 [0] : vector<7680x32xf32> to vector<32xf32>
    %broadcast_in_dim3A_1061 = vector.shape_cast %reduce_sum3A_1060 : vector<32xf32> to vector<1x32xf32>
    %div3A_1062 = arith.constant 7.680000e+03 : f32
    %div3A_1063 = vector.broadcast %div3A_1062 : f32 to vector<1x32xf32>
    %div3A_1064 = arith.divf %broadcast_in_dim3A_1061, %div3A_1063 : vector<1x32xf32>
    %sub3A_1065 = vector.broadcast %div3A_1053 : vector<1x32xf32> to vector<7680x32xf32>
    %sub3A_1066 = arith.subf %max3A_1047, %sub3A_1065 : vector<7680x32xf32>
    %add3A_1067 = arith.constant 9.99999974E-6 : f32
    %add3A_1068 = vector.broadcast %add3A_1067 : f32 to vector<1x32xf32>
    %add3A_1069 = arith.addf %div3A_1064, %add3A_1068 : vector<1x32xf32>
    %rsqrt3A_1070 = math.rsqrt %add3A_1069 : vector<1x32xf32>
    %mul3A_1071 = vector.broadcast %rsqrt3A_1070 : vector<1x32xf32> to vector<7680x32xf32>
    %mul3A_1072 = arith.mulf %sub3A_1066, %mul3A_1071 : vector<7680x32xf32>
    %get3A_1073 = arith.constant 0 : index
    %get3A_1074 = arith.constant 0 : index
    %get3A_1075 = vector.load %arg3[%get3A_1073, %get3A_1074] : memref<1x32xf32, #tpu.memory_space<vmem>>, vector<1x32xf32>
    %mul3A_1076 = vector.broadcast %get3A_1075 : vector<1x32xf32> to vector<7680x32xf32>
    %mul3A_1077 = arith.mulf %mul3A_1072, %mul3A_1076 : vector<7680x32xf32>
    %get3A_1078 = arith.constant 0 : index
    %get3A_1079 = arith.constant 0 : index
    %get3A_1080 = vector.load %arg4[%get3A_1078, %get3A_1079] : memref<1x32xf32, #tpu.memory_space<vmem>>, vector<1x32xf32>
    %add3A_1081 = vector.broadcast %get3A_1080 : vector<1x32xf32> to vector<7680x32xf32>
    %add3A_1082 = arith.addf %mul3A_1077, %add3A_1081 : vector<7680x32xf32>
    %broadcast_in_dim3A_1083 = arith.constant 0.000000e+00 : f32
    %broadcast_in_dim3A_1084 = vector.broadcast %broadcast_in_dim3A_1083 : f32 to vector<512x8xf32>
    %slice3A_1085 = vector.extract_strided_slice %add3A_1082 {offsets = [0, 0], sizes = [512, 32], strides = [1, 1]} : vector<7680x32xf32> to vector<512x32xf32>
    %slice3A_1086 = vector.extract_strided_slice %get3A_5 {offsets = [0, 0, 0], sizes = [1, 32, 8], strides = [1, 1, 1]} : vector<8x32x8xf32> to vector<1x32x8xf32>
    %squeeze3A_1087 = vector.shape_cast %slice3A_1086 : vector<1x32x8xf32> to vector<32x8xf32>
    %dot_general3A_1088 = arith.constant dense<0.000000e+00> : vector<512x8xf32>
    %dot_general3A_1089 = tpu.matmul %slice3A_1085, %squeeze3A_1087, %dot_general3A_1088 {dimension_numbers = #tpu.dot_dimension_numbers<[1], [0], [0], [1], [0, 0, 1, 1], [], []>, transpose_lhs_hint = false} : vector<512x32xf32>, vector<32x8xf32>, vector<512x8xf32> -> vector<512x8xf32>
    %add3A_1090 = arith.addf %broadcast_in_dim3A_1084, %dot_general3A_1089 : vector<512x8xf32>
    %slice3A_1091 = vector.extract_strided_slice %add3A_1082 {offsets = [512, 0], sizes = [512, 32], strides = [1, 1]} : vector<7680x32xf32> to vector<512x32xf32>
    %slice3A_1092 = vector.extract_strided_slice %get3A_5 {offsets = [1, 0, 0], sizes = [1, 32, 8], strides = [1, 1, 1]} : vector<8x32x8xf32> to vector<1x32x8xf32>
    %squeeze3A_1093 = vector.shape_cast %slice3A_1092 : vector<1x32x8xf32> to vector<32x8xf32>
    %dot_general3A_1094 = arith.constant dense<0.000000e+00> : vector<512x8xf32>
    %dot_general3A_1095 = tpu.matmul %slice3A_1091, %squeeze3A_1093, %dot_general3A_1094 {dimension_numbers = #tpu.dot_dimension_numbers<[1], [0], [0], [1], [0, 0, 1, 1], [], []>, transpose_lhs_hint = false} : vector<512x32xf32>, vector<32x8xf32>, vector<512x8xf32> -> vector<512x8xf32>
    %add3A_1096 = arith.addf %add3A_1090, %dot_general3A_1095 : vector<512x8xf32>
    %slice3A_1097 = vector.extract_strided_slice %add3A_1082 {offsets = [1024, 0], sizes = [512, 32], strides = [1, 1]} : vector<7680x32xf32> to vector<512x32xf32>
    %slice3A_1098 = vector.extract_strided_slice %get3A_5 {offsets = [2, 0, 0], sizes = [1, 32, 8], strides = [1, 1, 1]} : vector<8x32x8xf32> to vector<1x32x8xf32>
    %squeeze3A_1099 = vector.shape_cast %slice3A_1098 : vector<1x32x8xf32> to vector<32x8xf32>
    %dot_general3A_1100 = arith.constant dense<0.000000e+00> : vector<512x8xf32>
    %dot_general3A_1101 = tpu.matmul %slice3A_1097, %squeeze3A_1099, %dot_general3A_1100 {dimension_numbers = #tpu.dot_dimension_numbers<[1], [0], [0], [1], [0, 0, 1, 1], [], []>, transpose_lhs_hint = false} : vector<512x32xf32>, vector<32x8xf32>, vector<512x8xf32> -> vector<512x8xf32>
    %add3A_1102 = arith.addf %add3A_1096, %dot_general3A_1101 : vector<512x8xf32>
    %slice3A_1103 = vector.extract_strided_slice %add3A_1082 {offsets = [1536, 0], sizes = [512, 32], strides = [1, 1]} : vector<7680x32xf32> to vector<512x32xf32>
    %slice3A_1104 = vector.extract_strided_slice %get3A_5 {offsets = [3, 0, 0], sizes = [1, 32, 8], strides = [1, 1, 1]} : vector<8x32x8xf32> to vector<1x32x8xf32>
    %squeeze3A_1105 = vector.shape_cast %slice3A_1104 : vector<1x32x8xf32> to vector<32x8xf32>
    %dot_general3A_1106 = arith.constant dense<0.000000e+00> : vector<512x8xf32>
    %dot_general3A_1107 = tpu.matmul %slice3A_1103, %squeeze3A_1105, %dot_general3A_1106 {dimension_numbers = #tpu.dot_dimension_numbers<[1], [0], [0], [1], [0, 0, 1, 1], [], []>, transpose_lhs_hint = false} : vector<512x32xf32>, vector<32x8xf32>, vector<512x8xf32> -> vector<512x8xf32>
    %add3A_1108 = arith.addf %add3A_1102, %dot_general3A_1107 : vector<512x8xf32>
    %slice3A_1109 = vector.extract_strided_slice %add3A_1082 {offsets = [2048, 0], sizes = [512, 32], strides = [1, 1]} : vector<7680x32xf32> to vector<512x32xf32>
    %slice3A_1110 = vector.extract_strided_slice %get3A_5 {offsets = [4, 0, 0], sizes = [1, 32, 8], strides = [1, 1, 1]} : vector<8x32x8xf32> to vector<1x32x8xf32>
    %squeeze3A_1111 = vector.shape_cast %slice3A_1110 : vector<1x32x8xf32> to vector<32x8xf32>
    %dot_general3A_1112 = arith.constant dense<0.000000e+00> : vector<512x8xf32>
    %dot_general3A_1113 = tpu.matmul %slice3A_1109, %squeeze3A_1111, %dot_general3A_1112 {dimension_numbers = #tpu.dot_dimension_numbers<[1], [0], [0], [1], [0, 0, 1, 1], [], []>, transpose_lhs_hint = false} : vector<512x32xf32>, vector<32x8xf32>, vector<512x8xf32> -> vector<512x8xf32>
    %add3A_1114 = arith.addf %add3A_1108, %dot_general3A_1113 : vector<512x8xf32>
    %slice3A_1115 = vector.extract_strided_slice %add3A_1082 {offsets = [2560, 0], sizes = [512, 32], strides = [1, 1]} : vector<7680x32xf32> to vector<512x32xf32>
    %slice3A_1116 = vector.extract_strided_slice %get3A_5 {offsets = [5, 0, 0], sizes = [1, 32, 8], strides = [1, 1, 1]} : vector<8x32x8xf32> to vector<1x32x8xf32>
    %squeeze3A_1117 = vector.shape_cast %slice3A_1116 : vector<1x32x8xf32> to vector<32x8xf32>
    %dot_general3A_1118 = arith.constant dense<0.000000e+00> : vector<512x8xf32>
    %dot_general3A_1119 = tpu.matmul %slice3A_1115, %squeeze3A_1117, %dot_general3A_1118 {dimension_numbers = #tpu.dot_dimension_numbers<[1], [0], [0], [1], [0, 0, 1, 1], [], []>, transpose_lhs_hint = false} : vector<512x32xf32>, vector<32x8xf32>, vector<512x8xf32> -> vector<512x8xf32>
    %add3A_1120 = arith.addf %add3A_1114, %dot_general3A_1119 : vector<512x8xf32>
    %slice3A_1121 = vector.extract_strided_slice %add3A_1082 {offsets = [3072, 0], sizes = [512, 32], strides = [1, 1]} : vector<7680x32xf32> to vector<512x32xf32>
    %slice3A_1122 = vector.extract_strided_slice %get3A_5 {offsets = [6, 0, 0], sizes = [1, 32, 8], strides = [1, 1, 1]} : vector<8x32x8xf32> to vector<1x32x8xf32>
    %squeeze3A_1123 = vector.shape_cast %slice3A_1122 : vector<1x32x8xf32> to vector<32x8xf32>
    %dot_general3A_1124 = arith.constant dense<0.000000e+00> : vector<512x8xf32>
    %dot_general3A_1125 = tpu.matmul %slice3A_1121, %squeeze3A_1123, %dot_general3A_1124 {dimension_numbers = #tpu.dot_dimension_numbers<[1], [0], [0], [1], [0, 0, 1, 1], [], []>, transpose_lhs_hint = false} : vector<512x32xf32>, vector<32x8xf32>, vector<512x8xf32> -> vector<512x8xf32>
    %add3A_1126 = arith.addf %add3A_1120, %dot_general3A_1125 : vector<512x8xf32>
    %slice3A_1127 = vector.extract_strided_slice %add3A_1082 {offsets = [3584, 0], sizes = [512, 32], strides = [1, 1]} : vector<7680x32xf32> to vector<512x32xf32>
    %slice3A_1128 = vector.extract_strided_slice %get3A_5 {offsets = [7, 0, 0], sizes = [1, 32, 8], strides = [1, 1, 1]} : vector<8x32x8xf32> to vector<1x32x8xf32>
    %squeeze3A_1129 = vector.shape_cast %slice3A_1128 : vector<1x32x8xf32> to vector<32x8xf32>
    %dot_general3A_1130 = arith.constant dense<0.000000e+00> : vector<512x8xf32>
    %dot_general3A_1131 = tpu.matmul %slice3A_1127, %squeeze3A_1129, %dot_general3A_1130 {dimension_numbers = #tpu.dot_dimension_numbers<[1], [0], [0], [1], [0, 0, 1, 1], [], []>, transpose_lhs_hint = false} : vector<512x32xf32>, vector<32x8xf32>, vector<512x8xf32> -> vector<512x8xf32>
    %add3A_1132 = arith.addf %add3A_1126, %dot_general3A_1131 : vector<512x8xf32>
    %broadcast_in_dim3A_1133 = arith.constant 0.000000e+00 : f32
    %broadcast_in_dim3A_1134 = vector.broadcast %broadcast_in_dim3A_1133 : f32 to vector<512x8xf32>
    %slice3A_1135 = vector.extract_strided_slice %add3A_1082 {offsets = [2048, 0], sizes = [512, 32], strides = [1, 1]} : vector<7680x32xf32> to vector<512x32xf32>
    %slice3A_1136 = vector.extract_strided_slice %get3A_5 {offsets = [0, 0, 0], sizes = [1, 32, 8], strides = [1, 1, 1]} : vector<8x32x8xf32> to vector<1x32x8xf32>
    %squeeze3A_1137 = vector.shape_cast %slice3A_1136 : vector<1x32x8xf32> to vector<32x8xf32>
    %dot_general3A_1138 = arith.constant dense<0.000000e+00> : vector<512x8xf32>
    %dot_general3A_1139 = tpu.matmul %slice3A_1135, %squeeze3A_1137, %dot_general3A_1138 {dimension_numbers = #tpu.dot_dimension_numbers<[1], [0], [0], [1], [0, 0, 1, 1], [], []>, transpose_lhs_hint = false} : vector<512x32xf32>, vector<32x8xf32>, vector<512x8xf32> -> vector<512x8xf32>
    %add3A_1140 = arith.addf %broadcast_in_dim3A_1134, %dot_general3A_1139 : vector<512x8xf32>
    %slice3A_1141 = vector.extract_strided_slice %add3A_1082 {offsets = [2560, 0], sizes = [512, 32], strides = [1, 1]} : vector<7680x32xf32> to vector<512x32xf32>
    %slice3A_1142 = vector.extract_strided_slice %get3A_5 {offsets = [1, 0, 0], sizes = [1, 32, 8], strides = [1, 1, 1]} : vector<8x32x8xf32> to vector<1x32x8xf32>
    %squeeze3A_1143 = vector.shape_cast %slice3A_1142 : vector<1x32x8xf32> to vector<32x8xf32>
    %dot_general3A_1144 = arith.constant dense<0.000000e+00> : vector<512x8xf32>
    %dot_general3A_1145 = tpu.matmul %slice3A_1141, %squeeze3A_1143, %dot_general3A_1144 {dimension_numbers = #tpu.dot_dimension_numbers<[1], [0], [0], [1], [0, 0, 1, 1], [], []>, transpose_lhs_hint = false} : vector<512x32xf32>, vector<32x8xf32>, vector<512x8xf32> -> vector<512x8xf32>
    %add3A_1146 = arith.addf %add3A_1140, %dot_general3A_1145 : vector<512x8xf32>
    %slice3A_1147 = vector.extract_strided_slice %add3A_1082 {offsets = [3072, 0], sizes = [512, 32], strides = [1, 1]} : vector<7680x32xf32> to vector<512x32xf32>
    %slice3A_1148 = vector.extract_strided_slice %get3A_5 {offsets = [2, 0, 0], sizes = [1, 32, 8], strides = [1, 1, 1]} : vector<8x32x8xf32> to vector<1x32x8xf32>
    %squeeze3A_1149 = vector.shape_cast %slice3A_1148 : vector<1x32x8xf32> to vector<32x8xf32>
    %dot_general3A_1150 = arith.constant dense<0.000000e+00> : vector<512x8xf32>
    %dot_general3A_1151 = tpu.matmul %slice3A_1147, %squeeze3A_1149, %dot_general3A_1150 {dimension_numbers = #tpu.dot_dimension_numbers<[1], [0], [0], [1], [0, 0, 1, 1], [], []>, transpose_lhs_hint = false} : vector<512x32xf32>, vector<32x8xf32>, vector<512x8xf32> -> vector<512x8xf32>
    %add3A_1152 = arith.addf %add3A_1146, %dot_general3A_1151 : vector<512x8xf32>
    %slice3A_1153 = vector.extract_strided_slice %add3A_1082 {offsets = [3584, 0], sizes = [512, 32], strides = [1, 1]} : vector<7680x32xf32> to vector<512x32xf32>
    %slice3A_1154 = vector.extract_strided_slice %get3A_5 {offsets = [3, 0, 0], sizes = [1, 32, 8], strides = [1, 1, 1]} : vector<8x32x8xf32> to vector<1x32x8xf32>
    %squeeze3A_1155 = vector.shape_cast %slice3A_1154 : vector<1x32x8xf32> to vector<32x8xf32>
    %dot_general3A_1156 = arith.constant dense<0.000000e+00> : vector<512x8xf32>
    %dot_general3A_1157 = tpu.matmul %slice3A_1153, %squeeze3A_1155, %dot_general3A_1156 {dimension_numbers = #tpu.dot_dimension_numbers<[1], [0], [0], [1], [0, 0, 1, 1], [], []>, transpose_lhs_hint = false} : vector<512x32xf32>, vector<32x8xf32>, vector<512x8xf32> -> vector<512x8xf32>
    %add3A_1158 = arith.addf %add3A_1152, %dot_general3A_1157 : vector<512x8xf32>
    %slice3A_1159 = vector.extract_strided_slice %add3A_1082 {offsets = [4096, 0], sizes = [512, 32], strides = [1, 1]} : vector<7680x32xf32> to vector<512x32xf32>
    %slice3A_1160 = vector.extract_strided_slice %get3A_5 {offsets = [4, 0, 0], sizes = [1, 32, 8], strides = [1, 1, 1]} : vector<8x32x8xf32> to vector<1x32x8xf32>
    %squeeze3A_1161 = vector.shape_cast %slice3A_1160 : vector<1x32x8xf32> to vector<32x8xf32>
    %dot_general3A_1162 = arith.constant dense<0.000000e+00> : vector<512x8xf32>
    %dot_general3A_1163 = tpu.matmul %slice3A_1159, %squeeze3A_1161, %dot_general3A_1162 {dimension_numbers = #tpu.dot_dimension_numbers<[1], [0], [0], [1], [0, 0, 1, 1], [], []>, transpose_lhs_hint = false} : vector<512x32xf32>, vector<32x8xf32>, vector<512x8xf32> -> vector<512x8xf32>
    %add3A_1164 = arith.addf %add3A_1158, %dot_general3A_1163 : vector<512x8xf32>
    %slice3A_1165 = vector.extract_strided_slice %add3A_1082 {offsets = [4608, 0], sizes = [512, 32], strides = [1, 1]} : vector<7680x32xf32> to vector<512x32xf32>
    %slice3A_1166 = vector.extract_strided_slice %get3A_5 {offsets = [5, 0, 0], sizes = [1, 32, 8], strides = [1, 1, 1]} : vector<8x32x8xf32> to vector<1x32x8xf32>
    %squeeze3A_1167 = vector.shape_cast %slice3A_1166 : vector<1x32x8xf32> to vector<32x8xf32>
    %dot_general3A_1168 = arith.constant dense<0.000000e+00> : vector<512x8xf32>
    %dot_general3A_1169 = tpu.matmul %slice3A_1165, %squeeze3A_1167, %dot_general3A_1168 {dimension_numbers = #tpu.dot_dimension_numbers<[1], [0], [0], [1], [0, 0, 1, 1], [], []>, transpose_lhs_hint = false} : vector<512x32xf32>, vector<32x8xf32>, vector<512x8xf32> -> vector<512x8xf32>
    %add3A_1170 = arith.addf %add3A_1164, %dot_general3A_1169 : vector<512x8xf32>
    %slice3A_1171 = vector.extract_strided_slice %add3A_1082 {offsets = [5120, 0], sizes = [512, 32], strides = [1, 1]} : vector<7680x32xf32> to vector<512x32xf32>
    %slice3A_1172 = vector.extract_strided_slice %get3A_5 {offsets = [6, 0, 0], sizes = [1, 32, 8], strides = [1, 1, 1]} : vector<8x32x8xf32> to vector<1x32x8xf32>
    %squeeze3A_1173 = vector.shape_cast %slice3A_1172 : vector<1x32x8xf32> to vector<32x8xf32>
    %dot_general3A_1174 = arith.constant dense<0.000000e+00> : vector<512x8xf32>
    %dot_general3A_1175 = tpu.matmul %slice3A_1171, %squeeze3A_1173, %dot_general3A_1174 {dimension_numbers = #tpu.dot_dimension_numbers<[1], [0], [0], [1], [0, 0, 1, 1], [], []>, transpose_lhs_hint = false} : vector<512x32xf32>, vector<32x8xf32>, vector<512x8xf32> -> vector<512x8xf32>
    %add3A_1176 = arith.addf %add3A_1170, %dot_general3A_1175 : vector<512x8xf32>
    %slice3A_1177 = vector.extract_strided_slice %add3A_1082 {offsets = [5632, 0], sizes = [512, 32], strides = [1, 1]} : vector<7680x32xf32> to vector<512x32xf32>
    %slice3A_1178 = vector.extract_strided_slice %get3A_5 {offsets = [7, 0, 0], sizes = [1, 32, 8], strides = [1, 1, 1]} : vector<8x32x8xf32> to vector<1x32x8xf32>
    %squeeze3A_1179 = vector.shape_cast %slice3A_1178 : vector<1x32x8xf32> to vector<32x8xf32>
    %dot_general3A_1180 = arith.constant dense<0.000000e+00> : vector<512x8xf32>
    %dot_general3A_1181 = tpu.matmul %slice3A_1177, %squeeze3A_1179, %dot_general3A_1180 {dimension_numbers = #tpu.dot_dimension_numbers<[1], [0], [0], [1], [0, 0, 1, 1], [], []>, transpose_lhs_hint = false} : vector<512x32xf32>, vector<32x8xf32>, vector<512x8xf32> -> vector<512x8xf32>
    %add3A_1182 = arith.addf %add3A_1176, %dot_general3A_1181 : vector<512x8xf32>
    %concatenate3A_1183 = tpu.concatenate %add3A_1132, %add3A_1182 in 0 : vector<512x8xf32>, vector<512x8xf32> -> vector<1024x8xf32>
    %get3A_1184 = arith.constant 0 : index
    %get3A_1185 = arith.constant 0 : index
    %get3A_1186 = vector.load %arg6[%get3A_1184, %get3A_1185] : memref<1x8xf32, #tpu.memory_space<vmem>>, vector<1x8xf32>
    %add3A_1187 = vector.broadcast %get3A_1186 : vector<1x8xf32> to vector<1024x8xf32>
    %add3A_1188 = arith.addf %concatenate3A_1183, %add3A_1187 : vector<1024x8xf32>
    %max3A_1189 = arith.constant 0.000000e+00 : f32
    %max3A_1190 = vector.broadcast %max3A_1189 : f32 to vector<1024x8xf32>
    %max3A_1191 = arith.maximumf %add3A_1188, %max3A_1190 : vector<1024x8xf32>
    %reduce_sum3A_1192 = arith.constant dense<0.000000e+00> : vector<8xf32>
    %reduce_sum3A_1193 = vector.multi_reduction <add>, %max3A_1191, %reduce_sum3A_1192 [0] : vector<1024x8xf32> to vector<8xf32>
    %broadcast_in_dim3A_1194 = vector.shape_cast %reduce_sum3A_1193 : vector<8xf32> to vector<1x8xf32>
    %div3A_1195 = arith.constant 1.024000e+03 : f32
    %div3A_1196 = vector.broadcast %div3A_1195 : f32 to vector<1x8xf32>
    %div3A_1197 = arith.divf %broadcast_in_dim3A_1194, %div3A_1196 : vector<1x8xf32>
    %sub3A_1198 = vector.broadcast %div3A_1197 : vector<1x8xf32> to vector<1024x8xf32>
    %sub3A_1199 = arith.subf %max3A_1191, %sub3A_1198 : vector<1024x8xf32>
    %sub3A_1200 = vector.broadcast %div3A_1197 : vector<1x8xf32> to vector<1024x8xf32>
    %sub3A_1201 = arith.subf %max3A_1191, %sub3A_1200 : vector<1024x8xf32>
    %mul3A_1202 = arith.mulf %sub3A_1199, %sub3A_1201 : vector<1024x8xf32>
    %reduce_sum3A_1203 = arith.constant dense<0.000000e+00> : vector<8xf32>
    %reduce_sum3A_1204 = vector.multi_reduction <add>, %mul3A_1202, %reduce_sum3A_1203 [0] : vector<1024x8xf32> to vector<8xf32>
    %broadcast_in_dim3A_1205 = vector.shape_cast %reduce_sum3A_1204 : vector<8xf32> to vector<1x8xf32>
    %div3A_1206 = arith.constant 1.024000e+03 : f32
    %div3A_1207 = vector.broadcast %div3A_1206 : f32 to vector<1x8xf32>
    %div3A_1208 = arith.divf %broadcast_in_dim3A_1205, %div3A_1207 : vector<1x8xf32>
    %sub3A_1209 = vector.broadcast %div3A_1197 : vector<1x8xf32> to vector<1024x8xf32>
    %sub3A_1210 = arith.subf %max3A_1191, %sub3A_1209 : vector<1024x8xf32>
    %add3A_1211 = arith.constant 9.99999974E-6 : f32
    %add3A_1212 = vector.broadcast %add3A_1211 : f32 to vector<1x8xf32>
    %add3A_1213 = arith.addf %div3A_1208, %add3A_1212 : vector<1x8xf32>
    %rsqrt3A_1214 = math.rsqrt %add3A_1213 : vector<1x8xf32>
    %mul3A_1215 = vector.broadcast %rsqrt3A_1214 : vector<1x8xf32> to vector<1024x8xf32>
    %mul3A_1216 = arith.mulf %sub3A_1210, %mul3A_1215 : vector<1024x8xf32>
    %get3A_1217 = arith.constant 0 : index
    %get3A_1218 = arith.constant 0 : index
    %get3A_1219 = vector.load %arg7[%get3A_1217, %get3A_1218] : memref<1x8xf32, #tpu.memory_space<vmem>>, vector<1x8xf32>
    %mul3A_1220 = vector.broadcast %get3A_1219 : vector<1x8xf32> to vector<1024x8xf32>
    %mul3A_1221 = arith.mulf %mul3A_1216, %mul3A_1220 : vector<1024x8xf32>
    %get3A_1222 = arith.constant 0 : index
    %get3A_1223 = arith.constant 0 : index
    %get3A_1224 = vector.load %arg8[%get3A_1222, %get3A_1223] : memref<1x8xf32, #tpu.memory_space<vmem>>, vector<1x8xf32>
    %add3A_1225 = vector.broadcast %get3A_1224 : vector<1x8xf32> to vector<1024x8xf32>
    %add3A_1226 = arith.addf %mul3A_1221, %add3A_1225 : vector<1024x8xf32>
    %slice3A_1227 = vector.extract_strided_slice %add3A_1226 {offsets = [0, 0], sizes = [512, 8], strides = [1, 1]} : vector<1024x8xf32> to vector<512x8xf32>
    %dot_general3A_1228 = arith.constant dense<0.000000e+00> : vector<512x16xf32>
    %dot_general3A_1229 = tpu.matmul %slice3A_1227, %convert_element_type3A_9, %dot_general3A_1228 {dimension_numbers = #tpu.dot_dimension_numbers<[1], [0], [0], [1], [0, 0, 1, 1], [], []>, transpose_lhs_hint = false} : vector<512x8xf32>, vector<8x16xf32>, vector<512x16xf32> -> vector<512x16xf32>
    %slice3A_1230 = vector.extract_strided_slice %add3A_1226 {offsets = [512, 0], sizes = [512, 8], strides = [1, 1]} : vector<1024x8xf32> to vector<512x8xf32>
    %dot_general3A_1231 = arith.constant dense<0.000000e+00> : vector<512x16xf32>
    %dot_general3A_1232 = tpu.matmul %slice3A_1230, %convert_element_type3A_17, %dot_general3A_1231 {dimension_numbers = #tpu.dot_dimension_numbers<[1], [0], [0], [1], [0, 0, 1, 1], [], []>, transpose_lhs_hint = false} : vector<512x8xf32>, vector<8x16xf32>, vector<512x16xf32> -> vector<512x16xf32>
    %add3A_1233 = arith.addf %dot_general3A_1229, %dot_general3A_1232 : vector<512x16xf32>
    %swap3A_1234 = arith.constant 0 : index
    %swap3A_1235 = arith.constant 64 : index
    %swap3A_1236 = vector.load %arg9[%swap3A_1234, %swap3A_1235] : memref<512x128xf32, #tpu.memory_space<vmem>>, vector<512x16xf32>
    tpu.vector_store %arg9[%swap3A_1234, %swap3A_1235], %add3A_1233 {strides = array<i32>} : memref<512x128xf32, #tpu.memory_space<vmem>>, vector<512x16xf32>,
    %get3A_1237 = arith.constant 0 : index
    %get3A_1238 = arith.constant 2560 : index
    %get3A_1239 = vector.load %arg0[%get3A_1237, %get3A_1238] : memref<512x4096xf32, #tpu.memory_space<vmem>>, vector<512x64xf32>
    %slice3A_1240 = vector.extract_strided_slice %get3A_1239 {offsets = [0, 0], sizes = [512, 8], strides = [1, 1]} : vector<512x64xf32> to vector<512x8xf32>
    %dot_general3A_1241 = arith.constant dense<0.000000e+00> : vector<512x32xf32>
    %dot_general3A_1242 = tpu.matmul %slice3A_1240, %get3A_1, %dot_general3A_1241 {dimension_numbers = #tpu.dot_dimension_numbers<[1], [0], [0], [1], [0, 0, 1, 1], [], []>, transpose_lhs_hint = false} : vector<512x8xf32>, vector<8x32xf32>, vector<512x32xf32> -> vector<512x32xf32>
    %slice3A_1243 = vector.extract_strided_slice %get3A_1239 {offsets = [0, 4], sizes = [512, 8], strides = [1, 1]} : vector<512x64xf32> to vector<512x8xf32>
    %dot_general3A_1244 = arith.constant dense<0.000000e+00> : vector<512x32xf32>
    %dot_general3A_1245 = tpu.matmul %slice3A_1243, %get3A_1, %dot_general3A_1244 {dimension_numbers = #tpu.dot_dimension_numbers<[1], [0], [0], [1], [0, 0, 1, 1], [], []>, transpose_lhs_hint = false} : vector<512x8xf32>, vector<8x32xf32>, vector<512x32xf32> -> vector<512x32xf32>
    %slice3A_1246 = vector.extract_strided_slice %get3A_1239 {offsets = [0, 8], sizes = [512, 8], strides = [1, 1]} : vector<512x64xf32> to vector<512x8xf32>
    %dot_general3A_1247 = arith.constant dense<0.000000e+00> : vector<512x32xf32>
    %dot_general3A_1248 = tpu.matmul %slice3A_1246, %get3A_1, %dot_general3A_1247 {dimension_numbers = #tpu.dot_dimension_numbers<[1], [0], [0], [1], [0, 0, 1, 1], [], []>, transpose_lhs_hint = false} : vector<512x8xf32>, vector<8x32xf32>, vector<512x32xf32> -> vector<512x32xf32>
    %slice3A_1249 = vector.extract_strided_slice %get3A_1239 {offsets = [0, 12], sizes = [512, 8], strides = [1, 1]} : vector<512x64xf32> to vector<512x8xf32>
    %dot_general3A_1250 = arith.constant dense<0.000000e+00> : vector<512x32xf32>
    %dot_general3A_1251 = tpu.matmul %slice3A_1249, %get3A_1, %dot_general3A_1250 {dimension_numbers = #tpu.dot_dimension_numbers<[1], [0], [0], [1], [0, 0, 1, 1], [], []>, transpose_lhs_hint = false} : vector<512x8xf32>, vector<8x32xf32>, vector<512x32xf32> -> vector<512x32xf32>
    %slice3A_1252 = vector.extract_strided_slice %get3A_1239 {offsets = [0, 16], sizes = [512, 8], strides = [1, 1]} : vector<512x64xf32> to vector<512x8xf32>
    %dot_general3A_1253 = arith.constant dense<0.000000e+00> : vector<512x32xf32>
    %dot_general3A_1254 = tpu.matmul %slice3A_1252, %get3A_1, %dot_general3A_1253 {dimension_numbers = #tpu.dot_dimension_numbers<[1], [0], [0], [1], [0, 0, 1, 1], [], []>, transpose_lhs_hint = false} : vector<512x8xf32>, vector<8x32xf32>, vector<512x32xf32> -> vector<512x32xf32>
    %slice3A_1255 = vector.extract_strided_slice %get3A_1239 {offsets = [0, 20], sizes = [512, 8], strides = [1, 1]} : vector<512x64xf32> to vector<512x8xf32>
    %dot_general3A_1256 = arith.constant dense<0.000000e+00> : vector<512x32xf32>
    %dot_general3A_1257 = tpu.matmul %slice3A_1255, %get3A_1, %dot_general3A_1256 {dimension_numbers = #tpu.dot_dimension_numbers<[1], [0], [0], [1], [0, 0, 1, 1], [], []>, transpose_lhs_hint = false} : vector<512x8xf32>, vector<8x32xf32>, vector<512x32xf32> -> vector<512x32xf32>
    %slice3A_1258 = vector.extract_strided_slice %get3A_1239 {offsets = [0, 24], sizes = [512, 8], strides = [1, 1]} : vector<512x64xf32> to vector<512x8xf32>
    %dot_general3A_1259 = arith.constant dense<0.000000e+00> : vector<512x32xf32>
    %dot_general3A_1260 = tpu.matmul %slice3A_1258, %get3A_1, %dot_general3A_1259 {dimension_numbers = #tpu.dot_dimension_numbers<[1], [0], [0], [1], [0, 0, 1, 1], [], []>, transpose_lhs_hint = false} : vector<512x8xf32>, vector<8x32xf32>, vector<512x32xf32> -> vector<512x32xf32>
    %slice3A_1261 = vector.extract_strided_slice %get3A_1239 {offsets = [0, 28], sizes = [512, 8], strides = [1, 1]} : vector<512x64xf32> to vector<512x8xf32>
    %dot_general3A_1262 = arith.constant dense<0.000000e+00> : vector<512x32xf32>
    %dot_general3A_1263 = tpu.matmul %slice3A_1261, %get3A_1, %dot_general3A_1262 {dimension_numbers = #tpu.dot_dimension_numbers<[1], [0], [0], [1], [0, 0, 1, 1], [], []>, transpose_lhs_hint = false} : vector<512x8xf32>, vector<8x32xf32>, vector<512x32xf32> -> vector<512x32xf32>
    %slice3A_1264 = vector.extract_strided_slice %get3A_1239 {offsets = [0, 32], sizes = [512, 8], strides = [1, 1]} : vector<512x64xf32> to vector<512x8xf32>
    %dot_general3A_1265 = arith.constant dense<0.000000e+00> : vector<512x32xf32>
    %dot_general3A_1266 = tpu.matmul %slice3A_1264, %get3A_1, %dot_general3A_1265 {dimension_numbers = #tpu.dot_dimension_numbers<[1], [0], [0], [1], [0, 0, 1, 1], [], []>, transpose_lhs_hint = false} : vector<512x8xf32>, vector<8x32xf32>, vector<512x32xf32> -> vector<512x32xf32>
    %slice3A_1267 = vector.extract_strided_slice %get3A_1239 {offsets = [0, 36], sizes = [512, 8], strides = [1, 1]} : vector<512x64xf32> to vector<512x8xf32>
    %dot_general3A_1268 = arith.constant dense<0.000000e+00> : vector<512x32xf32>
    %dot_general3A_1269 = tpu.matmul %slice3A_1267, %get3A_1, %dot_general3A_1268 {dimension_numbers = #tpu.dot_dimension_numbers<[1], [0], [0], [1], [0, 0, 1, 1], [], []>, transpose_lhs_hint = false} : vector<512x8xf32>, vector<8x32xf32>, vector<512x32xf32> -> vector<512x32xf32>
    %slice3A_1270 = vector.extract_strided_slice %get3A_1239 {offsets = [0, 40], sizes = [512, 8], strides = [1, 1]} : vector<512x64xf32> to vector<512x8xf32>
    %dot_general3A_1271 = arith.constant dense<0.000000e+00> : vector<512x32xf32>
    %dot_general3A_1272 = tpu.matmul %slice3A_1270, %get3A_1, %dot_general3A_1271 {dimension_numbers = #tpu.dot_dimension_numbers<[1], [0], [0], [1], [0, 0, 1, 1], [], []>, transpose_lhs_hint = false} : vector<512x8xf32>, vector<8x32xf32>, vector<512x32xf32> -> vector<512x32xf32>
    %slice3A_1273 = vector.extract_strided_slice %get3A_1239 {offsets = [0, 44], sizes = [512, 8], strides = [1, 1]} : vector<512x64xf32> to vector<512x8xf32>
    %dot_general3A_1274 = arith.constant dense<0.000000e+00> : vector<512x32xf32>
    %dot_general3A_1275 = tpu.matmul %slice3A_1273, %get3A_1, %dot_general3A_1274 {dimension_numbers = #tpu.dot_dimension_numbers<[1], [0], [0], [1], [0, 0, 1, 1], [], []>, transpose_lhs_hint = false} : vector<512x8xf32>, vector<8x32xf32>, vector<512x32xf32> -> vector<512x32xf32>
    %slice3A_1276 = vector.extract_strided_slice %get3A_1239 {offsets = [0, 48], sizes = [512, 8], strides = [1, 1]} : vector<512x64xf32> to vector<512x8xf32>
    %dot_general3A_1277 = arith.constant dense<0.000000e+00> : vector<512x32xf32>
    %dot_general3A_1278 = tpu.matmul %slice3A_1276, %get3A_1, %dot_general3A_1277 {dimension_numbers = #tpu.dot_dimension_numbers<[1], [0], [0], [1], [0, 0, 1, 1], [], []>, transpose_lhs_hint = false} : vector<512x8xf32>, vector<8x32xf32>, vector<512x32xf32> -> vector<512x32xf32>
    %slice3A_1279 = vector.extract_strided_slice %get3A_1239 {offsets = [0, 52], sizes = [512, 8], strides = [1, 1]} : vector<512x64xf32> to vector<512x8xf32>
    %dot_general3A_1280 = arith.constant dense<0.000000e+00> : vector<512x32xf32>
    %dot_general3A_1281 = tpu.matmul %slice3A_1279, %get3A_1, %dot_general3A_1280 {dimension_numbers = #tpu.dot_dimension_numbers<[1], [0], [0], [1], [0, 0, 1, 1], [], []>, transpose_lhs_hint = false} : vector<512x8xf32>, vector<8x32xf32>, vector<512x32xf32> -> vector<512x32xf32>
    %slice3A_1282 = vector.extract_strided_slice %get3A_1239 {offsets = [0, 56], sizes = [512, 8], strides = [1, 1]} : vector<512x64xf32> to vector<512x8xf32>
    %dot_general3A_1283 = arith.constant dense<0.000000e+00> : vector<512x32xf32>
    %dot_general3A_1284 = tpu.matmul %slice3A_1282, %get3A_1, %dot_general3A_1283 {dimension_numbers = #tpu.dot_dimension_numbers<[1], [0], [0], [1], [0, 0, 1, 1], [], []>, transpose_lhs_hint = false} : vector<512x8xf32>, vector<8x32xf32>, vector<512x32xf32> -> vector<512x32xf32>
    %concatenate3A_1285 = tpu.concatenate %dot_general3A_1242, %dot_general3A_1245, %dot_general3A_1248, %dot_general3A_1251, %dot_general3A_1254, %dot_general3A_1257, %dot_general3A_1260, %dot_general3A_1263, %dot_general3A_1266, %dot_general3A_1269, %dot_general3A_1272, %dot_general3A_1275, %dot_general3A_1278, %dot_general3A_1281, %dot_general3A_1284 in 0 : vector<512x32xf32>, vector<512x32xf32>, vector<512x32xf32>, vector<512x32xf32>, vector<512x32xf32>, vector<512x32xf32>, vector<512x32xf32>, vector<512x32xf32>, vector<512x32xf32>, vector<512x32xf32>, vector<512x32xf32>, vector<512x32xf32>, vector<512x32xf32>, vector<512x32xf32>, vector<512x32xf32> -> vector<7680x32xf32>
    %get3A_1286 = arith.constant 0 : index
    %get3A_1287 = arith.constant 0 : index
    %get3A_1288 = vector.load %arg2[%get3A_1286, %get3A_1287] : memref<1x32xf32, #tpu.memory_space<vmem>>, vector<1x32xf32>
    %add3A_1289 = vector.broadcast %get3A_1288 : vector<1x32xf32> to vector<7680x32xf32>
    %add3A_1290 = arith.addf %concatenate3A_1285, %add3A_1289 : vector<7680x32xf32>
    %max3A_1291 = arith.constant 0.000000e+00 : f32
    %max3A_1292 = vector.broadcast %max3A_1291 : f32 to vector<7680x32xf32>
    %max3A_1293 = arith.maximumf %add3A_1290, %max3A_1292 : vector<7680x32xf32>
    %reduce_sum3A_1294 = arith.constant dense<0.000000e+00> : vector<32xf32>
    %reduce_sum3A_1295 = vector.multi_reduction <add>, %max3A_1293, %reduce_sum3A_1294 [0] : vector<7680x32xf32> to vector<32xf32>
    %broadcast_in_dim3A_1296 = vector.shape_cast %reduce_sum3A_1295 : vector<32xf32> to vector<1x32xf32>
    %div3A_1297 = arith.constant 7.680000e+03 : f32
    %div3A_1298 = vector.broadcast %div3A_1297 : f32 to vector<1x32xf32>
    %div3A_1299 = arith.divf %broadcast_in_dim3A_1296, %div3A_1298 : vector<1x32xf32>
    %sub3A_1300 = vector.broadcast %div3A_1299 : vector<1x32xf32> to vector<7680x32xf32>
    %sub3A_1301 = arith.subf %max3A_1293, %sub3A_1300 : vector<7680x32xf32>
    %sub3A_1302 = vector.broadcast %div3A_1299 : vector<1x32xf32> to vector<7680x32xf32>
    %sub3A_1303 = arith.subf %max3A_1293, %sub3A_1302 : vector<7680x32xf32>
    %mul3A_1304 = arith.mulf %sub3A_1301, %sub3A_1303 : vector<7680x32xf32>
    %reduce_sum3A_1305 = arith.constant dense<0.000000e+00> : vector<32xf32>
    %reduce_sum3A_1306 = vector.multi_reduction <add>, %mul3A_1304, %reduce_sum3A_1305 [0] : vector<7680x32xf32> to vector<32xf32>
    %broadcast_in_dim3A_1307 = vector.shape_cast %reduce_sum3A_1306 : vector<32xf32> to vector<1x32xf32>
    %div3A_1308 = arith.constant 7.680000e+03 : f32
    %div3A_1309 = vector.broadcast %div3A_1308 : f32 to vector<1x32xf32>
    %div3A_1310 = arith.divf %broadcast_in_dim3A_1307, %div3A_1309 : vector<1x32xf32>
    %sub3A_1311 = vector.broadcast %div3A_1299 : vector<1x32xf32> to vector<7680x32xf32>
    %sub3A_1312 = arith.subf %max3A_1293, %sub3A_1311 : vector<7680x32xf32>
    %add3A_1313 = arith.constant 9.99999974E-6 : f32
    %add3A_1314 = vector.broadcast %add3A_1313 : f32 to vector<1x32xf32>
    %add3A_1315 = arith.addf %div3A_1310, %add3A_1314 : vector<1x32xf32>
    %rsqrt3A_1316 = math.rsqrt %add3A_1315 : vector<1x32xf32>
    %mul3A_1317 = vector.broadcast %rsqrt3A_1316 : vector<1x32xf32> to vector<7680x32xf32>
    %mul3A_1318 = arith.mulf %sub3A_1312, %mul3A_1317 : vector<7680x32xf32>
    %get3A_1319 = arith.constant 0 : index
    %get3A_1320 = arith.constant 0 : index
    %get3A_1321 = vector.load %arg3[%get3A_1319, %get3A_1320] : memref<1x32xf32, #tpu.memory_space<vmem>>, vector<1x32xf32>
    %mul3A_1322 = vector.broadcast %get3A_1321 : vector<1x32xf32> to vector<7680x32xf32>
    %mul3A_1323 = arith.mulf %mul3A_1318, %mul3A_1322 : vector<7680x32xf32>
    %get3A_1324 = arith.constant 0 : index
    %get3A_1325 = arith.constant 0 : index
    %get3A_1326 = vector.load %arg4[%get3A_1324, %get3A_1325] : memref<1x32xf32, #tpu.memory_space<vmem>>, vector<1x32xf32>
    %add3A_1327 = vector.broadcast %get3A_1326 : vector<1x32xf32> to vector<7680x32xf32>
    %add3A_1328 = arith.addf %mul3A_1323, %add3A_1327 : vector<7680x32xf32>
    %broadcast_in_dim3A_1329 = arith.constant 0.000000e+00 : f32
    %broadcast_in_dim3A_1330 = vector.broadcast %broadcast_in_dim3A_1329 : f32 to vector<512x8xf32>
    %slice3A_1331 = vector.extract_strided_slice %add3A_1328 {offsets = [0, 0], sizes = [512, 32], strides = [1, 1]} : vector<7680x32xf32> to vector<512x32xf32>
    %slice3A_1332 = vector.extract_strided_slice %get3A_5 {offsets = [0, 0, 0], sizes = [1, 32, 8], strides = [1, 1, 1]} : vector<8x32x8xf32> to vector<1x32x8xf32>
    %squeeze3A_1333 = vector.shape_cast %slice3A_1332 : vector<1x32x8xf32> to vector<32x8xf32>
    %dot_general3A_1334 = arith.constant dense<0.000000e+00> : vector<512x8xf32>
    %dot_general3A_1335 = tpu.matmul %slice3A_1331, %squeeze3A_1333, %dot_general3A_1334 {dimension_numbers = #tpu.dot_dimension_numbers<[1], [0], [0], [1], [0, 0, 1, 1], [], []>, transpose_lhs_hint = false} : vector<512x32xf32>, vector<32x8xf32>, vector<512x8xf32> -> vector<512x8xf32>
    %add3A_1336 = arith.addf %broadcast_in_dim3A_1330, %dot_general3A_1335 : vector<512x8xf32>
    %slice3A_1337 = vector.extract_strided_slice %add3A_1328 {offsets = [512, 0], sizes = [512, 32], strides = [1, 1]} : vector<7680x32xf32> to vector<512x32xf32>
    %slice3A_1338 = vector.extract_strided_slice %get3A_5 {offsets = [1, 0, 0], sizes = [1, 32, 8], strides = [1, 1, 1]} : vector<8x32x8xf32> to vector<1x32x8xf32>
    %squeeze3A_1339 = vector.shape_cast %slice3A_1338 : vector<1x32x8xf32> to vector<32x8xf32>
    %dot_general3A_1340 = arith.constant dense<0.000000e+00> : vector<512x8xf32>
    %dot_general3A_1341 = tpu.matmul %slice3A_1337, %squeeze3A_1339, %dot_general3A_1340 {dimension_numbers = #tpu.dot_dimension_numbers<[1], [0], [0], [1], [0, 0, 1, 1], [], []>, transpose_lhs_hint = false} : vector<512x32xf32>, vector<32x8xf32>, vector<512x8xf32> -> vector<512x8xf32>
    %add3A_1342 = arith.addf %add3A_1336, %dot_general3A_1341 : vector<512x8xf32>
    %slice3A_1343 = vector.extract_strided_slice %add3A_1328 {offsets = [1024, 0], sizes = [512, 32], strides = [1, 1]} : vector<7680x32xf32> to vector<512x32xf32>
    %slice3A_1344 = vector.extract_strided_slice %get3A_5 {offsets = [2, 0, 0], sizes = [1, 32, 8], strides = [1, 1, 1]} : vector<8x32x8xf32> to vector<1x32x8xf32>
    %squeeze3A_1345 = vector.shape_cast %slice3A_1344 : vector<1x32x8xf32> to vector<32x8xf32>
    %dot_general3A_1346 = arith.constant dense<0.000000e+00> : vector<512x8xf32>
    %dot_general3A_1347 = tpu.matmul %slice3A_1343, %squeeze3A_1345, %dot_general3A_1346 {dimension_numbers = #tpu.dot_dimension_numbers<[1], [0], [0], [1], [0, 0, 1, 1], [], []>, transpose_lhs_hint = false} : vector<512x32xf32>, vector<32x8xf32>, vector<512x8xf32> -> vector<512x8xf32>
    %add3A_1348 = arith.addf %add3A_1342, %dot_general3A_1347 : vector<512x8xf32>
    %slice3A_1349 = vector.extract_strided_slice %add3A_1328 {offsets = [1536, 0], sizes = [512, 32], strides = [1, 1]} : vector<7680x32xf32> to vector<512x32xf32>
    %slice3A_1350 = vector.extract_strided_slice %get3A_5 {offsets = [3, 0, 0], sizes = [1, 32, 8], strides = [1, 1, 1]} : vector<8x32x8xf32> to vector<1x32x8xf32>
    %squeeze3A_1351 = vector.shape_cast %slice3A_1350 : vector<1x32x8xf32> to vector<32x8xf32>
    %dot_general3A_1352 = arith.constant dense<0.000000e+00> : vector<512x8xf32>
    %dot_general3A_1353 = tpu.matmul %slice3A_1349, %squeeze3A_1351, %dot_general3A_1352 {dimension_numbers = #tpu.dot_dimension_numbers<[1], [0], [0], [1], [0, 0, 1, 1], [], []>, transpose_lhs_hint = false} : vector<512x32xf32>, vector<32x8xf32>, vector<512x8xf32> -> vector<512x8xf32>
    %add3A_1354 = arith.addf %add3A_1348, %dot_general3A_1353 : vector<512x8xf32>
    %slice3A_1355 = vector.extract_strided_slice %add3A_1328 {offsets = [2048, 0], sizes = [512, 32], strides = [1, 1]} : vector<7680x32xf32> to vector<512x32xf32>
    %slice3A_1356 = vector.extract_strided_slice %get3A_5 {offsets = [4, 0, 0], sizes = [1, 32, 8], strides = [1, 1, 1]} : vector<8x32x8xf32> to vector<1x32x8xf32>
    %squeeze3A_1357 = vector.shape_cast %slice3A_1356 : vector<1x32x8xf32> to vector<32x8xf32>
    %dot_general3A_1358 = arith.constant dense<0.000000e+00> : vector<512x8xf32>
    %dot_general3A_1359 = tpu.matmul %slice3A_1355, %squeeze3A_1357, %dot_general3A_1358 {dimension_numbers = #tpu.dot_dimension_numbers<[1], [0], [0], [1], [0, 0, 1, 1], [], []>, transpose_lhs_hint = false} : vector<512x32xf32>, vector<32x8xf32>, vector<512x8xf32> -> vector<512x8xf32>
    %add3A_1360 = arith.addf %add3A_1354, %dot_general3A_1359 : vector<512x8xf32>
    %slice3A_1361 = vector.extract_strided_slice %add3A_1328 {offsets = [2560, 0], sizes = [512, 32], strides = [1, 1]} : vector<7680x32xf32> to vector<512x32xf32>
    %slice3A_1362 = vector.extract_strided_slice %get3A_5 {offsets = [5, 0, 0], sizes = [1, 32, 8], strides = [1, 1, 1]} : vector<8x32x8xf32> to vector<1x32x8xf32>
    %squeeze3A_1363 = vector.shape_cast %slice3A_1362 : vector<1x32x8xf32> to vector<32x8xf32>
    %dot_general3A_1364 = arith.constant dense<0.000000e+00> : vector<512x8xf32>
    %dot_general3A_1365 = tpu.matmul %slice3A_1361, %squeeze3A_1363, %dot_general3A_1364 {dimension_numbers = #tpu.dot_dimension_numbers<[1], [0], [0], [1], [0, 0, 1, 1], [], []>, transpose_lhs_hint = false} : vector<512x32xf32>, vector<32x8xf32>, vector<512x8xf32> -> vector<512x8xf32>
    %add3A_1366 = arith.addf %add3A_1360, %dot_general3A_1365 : vector<512x8xf32>
    %slice3A_1367 = vector.extract_strided_slice %add3A_1328 {offsets = [3072, 0], sizes = [512, 32], strides = [1, 1]} : vector<7680x32xf32> to vector<512x32xf32>
    %slice3A_1368 = vector.extract_strided_slice %get3A_5 {offsets = [6, 0, 0], sizes = [1, 32, 8], strides = [1, 1, 1]} : vector<8x32x8xf32> to vector<1x32x8xf32>
    %squeeze3A_1369 = vector.shape_cast %slice3A_1368 : vector<1x32x8xf32> to vector<32x8xf32>
    %dot_general3A_1370 = arith.constant dense<0.000000e+00> : vector<512x8xf32>
    %dot_general3A_1371 = tpu.matmul %slice3A_1367, %squeeze3A_1369, %dot_general3A_1370 {dimension_numbers = #tpu.dot_dimension_numbers<[1], [0], [0], [1], [0, 0, 1, 1], [], []>, transpose_lhs_hint = false} : vector<512x32xf32>, vector<32x8xf32>, vector<512x8xf32> -> vector<512x8xf32>
    %add3A_1372 = arith.addf %add3A_1366, %dot_general3A_1371 : vector<512x8xf32>
    %slice3A_1373 = vector.extract_strided_slice %add3A_1328 {offsets = [3584, 0], sizes = [512, 32], strides = [1, 1]} : vector<7680x32xf32> to vector<512x32xf32>
    %slice3A_1374 = vector.extract_strided_slice %get3A_5 {offsets = [7, 0, 0], sizes = [1, 32, 8], strides = [1, 1, 1]} : vector<8x32x8xf32> to vector<1x32x8xf32>
    %squeeze3A_1375 = vector.shape_cast %slice3A_1374 : vector<1x32x8xf32> to vector<32x8xf32>
    %dot_general3A_1376 = arith.constant dense<0.000000e+00> : vector<512x8xf32>
    %dot_general3A_1377 = tpu.matmul %slice3A_1373, %squeeze3A_1375, %dot_general3A_1376 {dimension_numbers = #tpu.dot_dimension_numbers<[1], [0], [0], [1], [0, 0, 1, 1], [], []>, transpose_lhs_hint = false} : vector<512x32xf32>, vector<32x8xf32>, vector<512x8xf32> -> vector<512x8xf32>
    %add3A_1378 = arith.addf %add3A_1372, %dot_general3A_1377 : vector<512x8xf32>
    %broadcast_in_dim3A_1379 = arith.constant 0.000000e+00 : f32
    %broadcast_in_dim3A_1380 = vector.broadcast %broadcast_in_dim3A_1379 : f32 to vector<512x8xf32>
    %slice3A_1381 = vector.extract_strided_slice %add3A_1328 {offsets = [2048, 0], sizes = [512, 32], strides = [1, 1]} : vector<7680x32xf32> to vector<512x32xf32>
    %slice3A_1382 = vector.extract_strided_slice %get3A_5 {offsets = [0, 0, 0], sizes = [1, 32, 8], strides = [1, 1, 1]} : vector<8x32x8xf32> to vector<1x32x8xf32>
    %squeeze3A_1383 = vector.shape_cast %slice3A_1382 : vector<1x32x8xf32> to vector<32x8xf32>
    %dot_general3A_1384 = arith.constant dense<0.000000e+00> : vector<512x8xf32>
    %dot_general3A_1385 = tpu.matmul %slice3A_1381, %squeeze3A_1383, %dot_general3A_1384 {dimension_numbers = #tpu.dot_dimension_numbers<[1], [0], [0], [1], [0, 0, 1, 1], [], []>, transpose_lhs_hint = false} : vector<512x32xf32>, vector<32x8xf32>, vector<512x8xf32> -> vector<512x8xf32>
    %add3A_1386 = arith.addf %broadcast_in_dim3A_1380, %dot_general3A_1385 : vector<512x8xf32>
    %slice3A_1387 = vector.extract_strided_slice %add3A_1328 {offsets = [2560, 0], sizes = [512, 32], strides = [1, 1]} : vector<7680x32xf32> to vector<512x32xf32>
    %slice3A_1388 = vector.extract_strided_slice %get3A_5 {offsets = [1, 0, 0], sizes = [1, 32, 8], strides = [1, 1, 1]} : vector<8x32x8xf32> to vector<1x32x8xf32>
    %squeeze3A_1389 = vector.shape_cast %slice3A_1388 : vector<1x32x8xf32> to vector<32x8xf32>
    %dot_general3A_1390 = arith.constant dense<0.000000e+00> : vector<512x8xf32>
    %dot_general3A_1391 = tpu.matmul %slice3A_1387, %squeeze3A_1389, %dot_general3A_1390 {dimension_numbers = #tpu.dot_dimension_numbers<[1], [0], [0], [1], [0, 0, 1, 1], [], []>, transpose_lhs_hint = false} : vector<512x32xf32>, vector<32x8xf32>, vector<512x8xf32> -> vector<512x8xf32>
    %add3A_1392 = arith.addf %add3A_1386, %dot_general3A_1391 : vector<512x8xf32>
    %slice3A_1393 = vector.extract_strided_slice %add3A_1328 {offsets = [3072, 0], sizes = [512, 32], strides = [1, 1]} : vector<7680x32xf32> to vector<512x32xf32>
    %slice3A_1394 = vector.extract_strided_slice %get3A_5 {offsets = [2, 0, 0], sizes = [1, 32, 8], strides = [1, 1, 1]} : vector<8x32x8xf32> to vector<1x32x8xf32>
    %squeeze3A_1395 = vector.shape_cast %slice3A_1394 : vector<1x32x8xf32> to vector<32x8xf32>
    %dot_general3A_1396 = arith.constant dense<0.000000e+00> : vector<512x8xf32>
    %dot_general3A_1397 = tpu.matmul %slice3A_1393, %squeeze3A_1395, %dot_general3A_1396 {dimension_numbers = #tpu.dot_dimension_numbers<[1], [0], [0], [1], [0, 0, 1, 1], [], []>, transpose_lhs_hint = false} : vector<512x32xf32>, vector<32x8xf32>, vector<512x8xf32> -> vector<512x8xf32>
    %add3A_1398 = arith.addf %add3A_1392, %dot_general3A_1397 : vector<512x8xf32>
    %slice3A_1399 = vector.extract_strided_slice %add3A_1328 {offsets = [3584, 0], sizes = [512, 32], strides = [1, 1]} : vector<7680x32xf32> to vector<512x32xf32>
    %slice3A_1400 = vector.extract_strided_slice %get3A_5 {offsets = [3, 0, 0], sizes = [1, 32, 8], strides = [1, 1, 1]} : vector<8x32x8xf32> to vector<1x32x8xf32>
    %squeeze3A_1401 = vector.shape_cast %slice3A_1400 : vector<1x32x8xf32> to vector<32x8xf32>
    %dot_general3A_1402 = arith.constant dense<0.000000e+00> : vector<512x8xf32>
    %dot_general3A_1403 = tpu.matmul %slice3A_1399, %squeeze3A_1401, %dot_general3A_1402 {dimension_numbers = #tpu.dot_dimension_numbers<[1], [0], [0], [1], [0, 0, 1, 1], [], []>, transpose_lhs_hint = false} : vector<512x32xf32>, vector<32x8xf32>, vector<512x8xf32> -> vector<512x8xf32>
    %add3A_1404 = arith.addf %add3A_1398, %dot_general3A_1403 : vector<512x8xf32>
    %slice3A_1405 = vector.extract_strided_slice %add3A_1328 {offsets = [4096, 0], sizes = [512, 32], strides = [1, 1]} : vector<7680x32xf32> to vector<512x32xf32>
    %slice3A_1406 = vector.extract_strided_slice %get3A_5 {offsets = [4, 0, 0], sizes = [1, 32, 8], strides = [1, 1, 1]} : vector<8x32x8xf32> to vector<1x32x8xf32>
    %squeeze3A_1407 = vector.shape_cast %slice3A_1406 : vector<1x32x8xf32> to vector<32x8xf32>
    %dot_general3A_1408 = arith.constant dense<0.000000e+00> : vector<512x8xf32>
    %dot_general3A_1409 = tpu.matmul %slice3A_1405, %squeeze3A_1407, %dot_general3A_1408 {dimension_numbers = #tpu.dot_dimension_numbers<[1], [0], [0], [1], [0, 0, 1, 1], [], []>, transpose_lhs_hint = false} : vector<512x32xf32>, vector<32x8xf32>, vector<512x8xf32> -> vector<512x8xf32>
    %add3A_1410 = arith.addf %add3A_1404, %dot_general3A_1409 : vector<512x8xf32>
    %slice3A_1411 = vector.extract_strided_slice %add3A_1328 {offsets = [4608, 0], sizes = [512, 32], strides = [1, 1]} : vector<7680x32xf32> to vector<512x32xf32>
    %slice3A_1412 = vector.extract_strided_slice %get3A_5 {offsets = [5, 0, 0], sizes = [1, 32, 8], strides = [1, 1, 1]} : vector<8x32x8xf32> to vector<1x32x8xf32>
    %squeeze3A_1413 = vector.shape_cast %slice3A_1412 : vector<1x32x8xf32> to vector<32x8xf32>
    %dot_general3A_1414 = arith.constant dense<0.000000e+00> : vector<512x8xf32>
    %dot_general3A_1415 = tpu.matmul %slice3A_1411, %squeeze3A_1413, %dot_general3A_1414 {dimension_numbers = #tpu.dot_dimension_numbers<[1], [0], [0], [1], [0, 0, 1, 1], [], []>, transpose_lhs_hint = false} : vector<512x32xf32>, vector<32x8xf32>, vector<512x8xf32> -> vector<512x8xf32>
    %add3A_1416 = arith.addf %add3A_1410, %dot_general3A_1415 : vector<512x8xf32>
    %slice3A_1417 = vector.extract_strided_slice %add3A_1328 {offsets = [5120, 0], sizes = [512, 32], strides = [1, 1]} : vector<7680x32xf32> to vector<512x32xf32>
    %slice3A_1418 = vector.extract_strided_slice %get3A_5 {offsets = [6, 0, 0], sizes = [1, 32, 8], strides = [1, 1, 1]} : vector<8x32x8xf32> to vector<1x32x8xf32>
    %squeeze3A_1419 = vector.shape_cast %slice3A_1418 : vector<1x32x8xf32> to vector<32x8xf32>
    %dot_general3A_1420 = arith.constant dense<0.000000e+00> : vector<512x8xf32>
    %dot_general3A_1421 = tpu.matmul %slice3A_1417, %squeeze3A_1419, %dot_general3A_1420 {dimension_numbers = #tpu.dot_dimension_numbers<[1], [0], [0], [1], [0, 0, 1, 1], [], []>, transpose_lhs_hint = false} : vector<512x32xf32>, vector<32x8xf32>, vector<512x8xf32> -> vector<512x8xf32>
    %add3A_1422 = arith.addf %add3A_1416, %dot_general3A_1421 : vector<512x8xf32>
    %slice3A_1423 = vector.extract_strided_slice %add3A_1328 {offsets = [5632, 0], sizes = [512, 32], strides = [1, 1]} : vector<7680x32xf32> to vector<512x32xf32>
    %slice3A_1424 = vector.extract_strided_slice %get3A_5 {offsets = [7, 0, 0], sizes = [1, 32, 8], strides = [1, 1, 1]} : vector<8x32x8xf32> to vector<1x32x8xf32>
    %squeeze3A_1425 = vector.shape_cast %slice3A_1424 : vector<1x32x8xf32> to vector<32x8xf32>
    %dot_general3A_1426 = arith.constant dense<0.000000e+00> : vector<512x8xf32>
    %dot_general3A_1427 = tpu.matmul %slice3A_1423, %squeeze3A_1425, %dot_general3A_1426 {dimension_numbers = #tpu.dot_dimension_numbers<[1], [0], [0], [1], [0, 0, 1, 1], [], []>, transpose_lhs_hint = false} : vector<512x32xf32>, vector<32x8xf32>, vector<512x8xf32> -> vector<512x8xf32>
    %add3A_1428 = arith.addf %add3A_1422, %dot_general3A_1427 : vector<512x8xf32>
    %concatenate3A_1429 = tpu.concatenate %add3A_1378, %add3A_1428 in 0 : vector<512x8xf32>, vector<512x8xf32> -> vector<1024x8xf32>
    %get3A_1430 = arith.constant 0 : index
    %get3A_1431 = arith.constant 0 : index
    %get3A_1432 = vector.load %arg6[%get3A_1430, %get3A_1431] : memref<1x8xf32, #tpu.memory_space<vmem>>, vector<1x8xf32>
    %add3A_1433 = vector.broadcast %get3A_1432 : vector<1x8xf32> to vector<1024x8xf32>
    %add3A_1434 = arith.addf %concatenate3A_1429, %add3A_1433 : vector<1024x8xf32>
    %max3A_1435 = arith.constant 0.000000e+00 : f32
    %max3A_1436 = vector.broadcast %max3A_1435 : f32 to vector<1024x8xf32>
    %max3A_1437 = arith.maximumf %add3A_1434, %max3A_1436 : vector<1024x8xf32>
    %reduce_sum3A_1438 = arith.constant dense<0.000000e+00> : vector<8xf32>
    %reduce_sum3A_1439 = vector.multi_reduction <add>, %max3A_1437, %reduce_sum3A_1438 [0] : vector<1024x8xf32> to vector<8xf32>
    %broadcast_in_dim3A_1440 = vector.shape_cast %reduce_sum3A_1439 : vector<8xf32> to vector<1x8xf32>
    %div3A_1441 = arith.constant 1.024000e+03 : f32
    %div3A_1442 = vector.broadcast %div3A_1441 : f32 to vector<1x8xf32>
    %div3A_1443 = arith.divf %broadcast_in_dim3A_1440, %div3A_1442 : vector<1x8xf32>
    %sub3A_1444 = vector.broadcast %div3A_1443 : vector<1x8xf32> to vector<1024x8xf32>
    %sub3A_1445 = arith.subf %max3A_1437, %sub3A_1444 : vector<1024x8xf32>
    %sub3A_1446 = vector.broadcast %div3A_1443 : vector<1x8xf32> to vector<1024x8xf32>
    %sub3A_1447 = arith.subf %max3A_1437, %sub3A_1446 : vector<1024x8xf32>
    %mul3A_1448 = arith.mulf %sub3A_1445, %sub3A_1447 : vector<1024x8xf32>
    %reduce_sum3A_1449 = arith.constant dense<0.000000e+00> : vector<8xf32>
    %reduce_sum3A_1450 = vector.multi_reduction <add>, %mul3A_1448, %reduce_sum3A_1449 [0] : vector<1024x8xf32> to vector<8xf32>
    %broadcast_in_dim3A_1451 = vector.shape_cast %reduce_sum3A_1450 : vector<8xf32> to vector<1x8xf32>
    %div3A_1452 = arith.constant 1.024000e+03 : f32
    %div3A_1453 = vector.broadcast %div3A_1452 : f32 to vector<1x8xf32>
    %div3A_1454 = arith.divf %broadcast_in_dim3A_1451, %div3A_1453 : vector<1x8xf32>
    %sub3A_1455 = vector.broadcast %div3A_1443 : vector<1x8xf32> to vector<1024x8xf32>
    %sub3A_1456 = arith.subf %max3A_1437, %sub3A_1455 : vector<1024x8xf32>
    %add3A_1457 = arith.constant 9.99999974E-6 : f32
    %add3A_1458 = vector.broadcast %add3A_1457 : f32 to vector<1x8xf32>
    %add3A_1459 = arith.addf %div3A_1454, %add3A_1458 : vector<1x8xf32>
    %rsqrt3A_1460 = math.rsqrt %add3A_1459 : vector<1x8xf32>
    %mul3A_1461 = vector.broadcast %rsqrt3A_1460 : vector<1x8xf32> to vector<1024x8xf32>
    %mul3A_1462 = arith.mulf %sub3A_1456, %mul3A_1461 : vector<1024x8xf32>
    %get3A_1463 = arith.constant 0 : index
    %get3A_1464 = arith.constant 0 : index
    %get3A_1465 = vector.load %arg7[%get3A_1463, %get3A_1464] : memref<1x8xf32, #tpu.memory_space<vmem>>, vector<1x8xf32>
    %mul3A_1466 = vector.broadcast %get3A_1465 : vector<1x8xf32> to vector<1024x8xf32>
    %mul3A_1467 = arith.mulf %mul3A_1462, %mul3A_1466 : vector<1024x8xf32>
    %get3A_1468 = arith.constant 0 : index
    %get3A_1469 = arith.constant 0 : index
    %get3A_1470 = vector.load %arg8[%get3A_1468, %get3A_1469] : memref<1x8xf32, #tpu.memory_space<vmem>>, vector<1x8xf32>
    %add3A_1471 = vector.broadcast %get3A_1470 : vector<1x8xf32> to vector<1024x8xf32>
    %add3A_1472 = arith.addf %mul3A_1467, %add3A_1471 : vector<1024x8xf32>
    %slice3A_1473 = vector.extract_strided_slice %add3A_1472 {offsets = [0, 0], sizes = [512, 8], strides = [1, 1]} : vector<1024x8xf32> to vector<512x8xf32>
    %dot_general3A_1474 = arith.constant dense<0.000000e+00> : vector<512x16xf32>
    %dot_general3A_1475 = tpu.matmul %slice3A_1473, %convert_element_type3A_9, %dot_general3A_1474 {dimension_numbers = #tpu.dot_dimension_numbers<[1], [0], [0], [1], [0, 0, 1, 1], [], []>, transpose_lhs_hint = false} : vector<512x8xf32>, vector<8x16xf32>, vector<512x16xf32> -> vector<512x16xf32>
    %slice3A_1476 = vector.extract_strided_slice %add3A_1472 {offsets = [512, 0], sizes = [512, 8], strides = [1, 1]} : vector<1024x8xf32> to vector<512x8xf32>
    %dot_general3A_1477 = arith.constant dense<0.000000e+00> : vector<512x16xf32>
    %dot_general3A_1478 = tpu.matmul %slice3A_1476, %convert_element_type3A_17, %dot_general3A_1477 {dimension_numbers = #tpu.dot_dimension_numbers<[1], [0], [0], [1], [0, 0, 1, 1], [], []>, transpose_lhs_hint = false} : vector<512x8xf32>, vector<8x16xf32>, vector<512x16xf32> -> vector<512x16xf32>
    %add3A_1479 = arith.addf %dot_general3A_1475, %dot_general3A_1478 : vector<512x16xf32>
    %swap3A_1480 = arith.constant 0 : index
    %swap3A_1481 = arith.constant 80 : index
    %swap3A_1482 = vector.load %arg9[%swap3A_1480, %swap3A_1481] : memref<512x128xf32, #tpu.memory_space<vmem>>, vector<512x16xf32>
    tpu.vector_store %arg9[%swap3A_1480, %swap3A_1481], %add3A_1479 {strides = array<i32>} : memref<512x128xf32, #tpu.memory_space<vmem>>, vector<512x16xf32>,
    %get3A_1483 = arith.constant 0 : index
    %get3A_1484 = arith.constant 3072 : index
    %get3A_1485 = vector.load %arg0[%get3A_1483, %get3A_1484] : memref<512x4096xf32, #tpu.memory_space<vmem>>, vector<512x64xf32>
    %slice3A_1486 = vector.extract_strided_slice %get3A_1485 {offsets = [0, 0], sizes = [512, 8], strides = [1, 1]} : vector<512x64xf32> to vector<512x8xf32>
    %dot_general3A_1487 = arith.constant dense<0.000000e+00> : vector<512x32xf32>
    %dot_general3A_1488 = tpu.matmul %slice3A_1486, %get3A_1, %dot_general3A_1487 {dimension_numbers = #tpu.dot_dimension_numbers<[1], [0], [0], [1], [0, 0, 1, 1], [], []>, transpose_lhs_hint = false} : vector<512x8xf32>, vector<8x32xf32>, vector<512x32xf32> -> vector<512x32xf32>
    %slice3A_1489 = vector.extract_strided_slice %get3A_1485 {offsets = [0, 4], sizes = [512, 8], strides = [1, 1]} : vector<512x64xf32> to vector<512x8xf32>
    %dot_general3A_1490 = arith.constant dense<0.000000e+00> : vector<512x32xf32>
    %dot_general3A_1491 = tpu.matmul %slice3A_1489, %get3A_1, %dot_general3A_1490 {dimension_numbers = #tpu.dot_dimension_numbers<[1], [0], [0], [1], [0, 0, 1, 1], [], []>, transpose_lhs_hint = false} : vector<512x8xf32>, vector<8x32xf32>, vector<512x32xf32> -> vector<512x32xf32>
    %slice3A_1492 = vector.extract_strided_slice %get3A_1485 {offsets = [0, 8], sizes = [512, 8], strides = [1, 1]} : vector<512x64xf32> to vector<512x8xf32>
    %dot_general3A_1493 = arith.constant dense<0.000000e+00> : vector<512x32xf32>
    %dot_general3A_1494 = tpu.matmul %slice3A_1492, %get3A_1, %dot_general3A_1493 {dimension_numbers = #tpu.dot_dimension_numbers<[1], [0], [0], [1], [0, 0, 1, 1], [], []>, transpose_lhs_hint = false} : vector<512x8xf32>, vector<8x32xf32>, vector<512x32xf32> -> vector<512x32xf32>
    %slice3A_1495 = vector.extract_strided_slice %get3A_1485 {offsets = [0, 12], sizes = [512, 8], strides = [1, 1]} : vector<512x64xf32> to vector<512x8xf32>
    %dot_general3A_1496 = arith.constant dense<0.000000e+00> : vector<512x32xf32>
    %dot_general3A_1497 = tpu.matmul %slice3A_1495, %get3A_1, %dot_general3A_1496 {dimension_numbers = #tpu.dot_dimension_numbers<[1], [0], [0], [1], [0, 0, 1, 1], [], []>, transpose_lhs_hint = false} : vector<512x8xf32>, vector<8x32xf32>, vector<512x32xf32> -> vector<512x32xf32>
    %slice3A_1498 = vector.extract_strided_slice %get3A_1485 {offsets = [0, 16], sizes = [512, 8], strides = [1, 1]} : vector<512x64xf32> to vector<512x8xf32>
    %dot_general3A_1499 = arith.constant dense<0.000000e+00> : vector<512x32xf32>
    %dot_general3A_1500 = tpu.matmul %slice3A_1498, %get3A_1, %dot_general3A_1499 {dimension_numbers = #tpu.dot_dimension_numbers<[1], [0], [0], [1], [0, 0, 1, 1], [], []>, transpose_lhs_hint = false} : vector<512x8xf32>, vector<8x32xf32>, vector<512x32xf32> -> vector<512x32xf32>
    %slice3A_1501 = vector.extract_strided_slice %get3A_1485 {offsets = [0, 20], sizes = [512, 8], strides = [1, 1]} : vector<512x64xf32> to vector<512x8xf32>
    %dot_general3A_1502 = arith.constant dense<0.000000e+00> : vector<512x32xf32>
    %dot_general3A_1503 = tpu.matmul %slice3A_1501, %get3A_1, %dot_general3A_1502 {dimension_numbers = #tpu.dot_dimension_numbers<[1], [0], [0], [1], [0, 0, 1, 1], [], []>, transpose_lhs_hint = false} : vector<512x8xf32>, vector<8x32xf32>, vector<512x32xf32> -> vector<512x32xf32>
    %slice3A_1504 = vector.extract_strided_slice %get3A_1485 {offsets = [0, 24], sizes = [512, 8], strides = [1, 1]} : vector<512x64xf32> to vector<512x8xf32>
    %dot_general3A_1505 = arith.constant dense<0.000000e+00> : vector<512x32xf32>
    %dot_general3A_1506 = tpu.matmul %slice3A_1504, %get3A_1, %dot_general3A_1505 {dimension_numbers = #tpu.dot_dimension_numbers<[1], [0], [0], [1], [0, 0, 1, 1], [], []>, transpose_lhs_hint = false} : vector<512x8xf32>, vector<8x32xf32>, vector<512x32xf32> -> vector<512x32xf32>
    %slice3A_1507 = vector.extract_strided_slice %get3A_1485 {offsets = [0, 28], sizes = [512, 8], strides = [1, 1]} : vector<512x64xf32> to vector<512x8xf32>
    %dot_general3A_1508 = arith.constant dense<0.000000e+00> : vector<512x32xf32>
    %dot_general3A_1509 = tpu.matmul %slice3A_1507, %get3A_1, %dot_general3A_1508 {dimension_numbers = #tpu.dot_dimension_numbers<[1], [0], [0], [1], [0, 0, 1, 1], [], []>, transpose_lhs_hint = false} : vector<512x8xf32>, vector<8x32xf32>, vector<512x32xf32> -> vector<512x32xf32>
    %slice3A_1510 = vector.extract_strided_slice %get3A_1485 {offsets = [0, 32], sizes = [512, 8], strides = [1, 1]} : vector<512x64xf32> to vector<512x8xf32>
    %dot_general3A_1511 = arith.constant dense<0.000000e+00> : vector<512x32xf32>
    %dot_general3A_1512 = tpu.matmul %slice3A_1510, %get3A_1, %dot_general3A_1511 {dimension_numbers = #tpu.dot_dimension_numbers<[1], [0], [0], [1], [0, 0, 1, 1], [], []>, transpose_lhs_hint = false} : vector<512x8xf32>, vector<8x32xf32>, vector<512x32xf32> -> vector<512x32xf32>
    %slice3A_1513 = vector.extract_strided_slice %get3A_1485 {offsets = [0, 36], sizes = [512, 8], strides = [1, 1]} : vector<512x64xf32> to vector<512x8xf32>
    %dot_general3A_1514 = arith.constant dense<0.000000e+00> : vector<512x32xf32>
    %dot_general3A_1515 = tpu.matmul %slice3A_1513, %get3A_1, %dot_general3A_1514 {dimension_numbers = #tpu.dot_dimension_numbers<[1], [0], [0], [1], [0, 0, 1, 1], [], []>, transpose_lhs_hint = false} : vector<512x8xf32>, vector<8x32xf32>, vector<512x32xf32> -> vector<512x32xf32>
    %slice3A_1516 = vector.extract_strided_slice %get3A_1485 {offsets = [0, 40], sizes = [512, 8], strides = [1, 1]} : vector<512x64xf32> to vector<512x8xf32>
    %dot_general3A_1517 = arith.constant dense<0.000000e+00> : vector<512x32xf32>
    %dot_general3A_1518 = tpu.matmul %slice3A_1516, %get3A_1, %dot_general3A_1517 {dimension_numbers = #tpu.dot_dimension_numbers<[1], [0], [0], [1], [0, 0, 1, 1], [], []>, transpose_lhs_hint = false} : vector<512x8xf32>, vector<8x32xf32>, vector<512x32xf32> -> vector<512x32xf32>
    %slice3A_1519 = vector.extract_strided_slice %get3A_1485 {offsets = [0, 44], sizes = [512, 8], strides = [1, 1]} : vector<512x64xf32> to vector<512x8xf32>
    %dot_general3A_1520 = arith.constant dense<0.000000e+00> : vector<512x32xf32>
    %dot_general3A_1521 = tpu.matmul %slice3A_1519, %get3A_1, %dot_general3A_1520 {dimension_numbers = #tpu.dot_dimension_numbers<[1], [0], [0], [1], [0, 0, 1, 1], [], []>, transpose_lhs_hint = false} : vector<512x8xf32>, vector<8x32xf32>, vector<512x32xf32> -> vector<512x32xf32>
    %slice3A_1522 = vector.extract_strided_slice %get3A_1485 {offsets = [0, 48], sizes = [512, 8], strides = [1, 1]} : vector<512x64xf32> to vector<512x8xf32>
    %dot_general3A_1523 = arith.constant dense<0.000000e+00> : vector<512x32xf32>
    %dot_general3A_1524 = tpu.matmul %slice3A_1522, %get3A_1, %dot_general3A_1523 {dimension_numbers = #tpu.dot_dimension_numbers<[1], [0], [0], [1], [0, 0, 1, 1], [], []>, transpose_lhs_hint = false} : vector<512x8xf32>, vector<8x32xf32>, vector<512x32xf32> -> vector<512x32xf32>
    %slice3A_1525 = vector.extract_strided_slice %get3A_1485 {offsets = [0, 52], sizes = [512, 8], strides = [1, 1]} : vector<512x64xf32> to vector<512x8xf32>
    %dot_general3A_1526 = arith.constant dense<0.000000e+00> : vector<512x32xf32>
    %dot_general3A_1527 = tpu.matmul %slice3A_1525, %get3A_1, %dot_general3A_1526 {dimension_numbers = #tpu.dot_dimension_numbers<[1], [0], [0], [1], [0, 0, 1, 1], [], []>, transpose_lhs_hint = false} : vector<512x8xf32>, vector<8x32xf32>, vector<512x32xf32> -> vector<512x32xf32>
    %slice3A_1528 = vector.extract_strided_slice %get3A_1485 {offsets = [0, 56], sizes = [512, 8], strides = [1, 1]} : vector<512x64xf32> to vector<512x8xf32>
    %dot_general3A_1529 = arith.constant dense<0.000000e+00> : vector<512x32xf32>
    %dot_general3A_1530 = tpu.matmul %slice3A_1528, %get3A_1, %dot_general3A_1529 {dimension_numbers = #tpu.dot_dimension_numbers<[1], [0], [0], [1], [0, 0, 1, 1], [], []>, transpose_lhs_hint = false} : vector<512x8xf32>, vector<8x32xf32>, vector<512x32xf32> -> vector<512x32xf32>
    %concatenate3A_1531 = tpu.concatenate %dot_general3A_1488, %dot_general3A_1491, %dot_general3A_1494, %dot_general3A_1497, %dot_general3A_1500, %dot_general3A_1503, %dot_general3A_1506, %dot_general3A_1509, %dot_general3A_1512, %dot_general3A_1515, %dot_general3A_1518, %dot_general3A_1521, %dot_general3A_1524, %dot_general3A_1527, %dot_general3A_1530 in 0 : vector<512x32xf32>, vector<512x32xf32>, vector<512x32xf32>, vector<512x32xf32>, vector<512x32xf32>, vector<512x32xf32>, vector<512x32xf32>, vector<512x32xf32>, vector<512x32xf32>, vector<512x32xf32>, vector<512x32xf32>, vector<512x32xf32>, vector<512x32xf32>, vector<512x32xf32>, vector<512x32xf32> -> vector<7680x32xf32>
    %get3A_1532 = arith.constant 0 : index
    %get3A_1533 = arith.constant 0 : index
    %get3A_1534 = vector.load %arg2[%get3A_1532, %get3A_1533] : memref<1x32xf32, #tpu.memory_space<vmem>>, vector<1x32xf32>
    %add3A_1535 = vector.broadcast %get3A_1534 : vector<1x32xf32> to vector<7680x32xf32>
    %add3A_1536 = arith.addf %concatenate3A_1531, %add3A_1535 : vector<7680x32xf32>
    %max3A_1537 = arith.constant 0.000000e+00 : f32
    %max3A_1538 = vector.broadcast %max3A_1537 : f32 to vector<7680x32xf32>
    %max3A_1539 = arith.maximumf %add3A_1536, %max3A_1538 : vector<7680x32xf32>
    %reduce_sum3A_1540 = arith.constant dense<0.000000e+00> : vector<32xf32>
    %reduce_sum3A_1541 = vector.multi_reduction <add>, %max3A_1539, %reduce_sum3A_1540 [0] : vector<7680x32xf32> to vector<32xf32>
    %broadcast_in_dim3A_1542 = vector.shape_cast %reduce_sum3A_1541 : vector<32xf32> to vector<1x32xf32>
    %div3A_1543 = arith.constant 7.680000e+03 : f32
    %div3A_1544 = vector.broadcast %div3A_1543 : f32 to vector<1x32xf32>
    %div3A_1545 = arith.divf %broadcast_in_dim3A_1542, %div3A_1544 : vector<1x32xf32>
    %sub3A_1546 = vector.broadcast %div3A_1545 : vector<1x32xf32> to vector<7680x32xf32>
    %sub3A_1547 = arith.subf %max3A_1539, %sub3A_1546 : vector<7680x32xf32>
    %sub3A_1548 = vector.broadcast %div3A_1545 : vector<1x32xf32> to vector<7680x32xf32>
    %sub3A_1549 = arith.subf %max3A_1539, %sub3A_1548 : vector<7680x32xf32>
    %mul3A_1550 = arith.mulf %sub3A_1547, %sub3A_1549 : vector<7680x32xf32>
    %reduce_sum3A_1551 = arith.constant dense<0.000000e+00> : vector<32xf32>
    %reduce_sum3A_1552 = vector.multi_reduction <add>, %mul3A_1550, %reduce_sum3A_1551 [0] : vector<7680x32xf32> to vector<32xf32>
    %broadcast_in_dim3A_1553 = vector.shape_cast %reduce_sum3A_1552 : vector<32xf32> to vector<1x32xf32>
    %div3A_1554 = arith.constant 7.680000e+03 : f32
    %div3A_1555 = vector.broadcast %div3A_1554 : f32 to vector<1x32xf32>
    %div3A_1556 = arith.divf %broadcast_in_dim3A_1553, %div3A_1555 : vector<1x32xf32>
    %sub3A_1557 = vector.broadcast %div3A_1545 : vector<1x32xf32> to vector<7680x32xf32>
    %sub3A_1558 = arith.subf %max3A_1539, %sub3A_1557 : vector<7680x32xf32>
    %add3A_1559 = arith.constant 9.99999974E-6 : f32
    %add3A_1560 = vector.broadcast %add3A_1559 : f32 to vector<1x32xf32>
    %add3A_1561 = arith.addf %div3A_1556, %add3A_1560 : vector<1x32xf32>
    %rsqrt3A_1562 = math.rsqrt %add3A_1561 : vector<1x32xf32>
    %mul3A_1563 = vector.broadcast %rsqrt3A_1562 : vector<1x32xf32> to vector<7680x32xf32>
    %mul3A_1564 = arith.mulf %sub3A_1558, %mul3A_1563 : vector<7680x32xf32>
    %get3A_1565 = arith.constant 0 : index
    %get3A_1566 = arith.constant 0 : index
    %get3A_1567 = vector.load %arg3[%get3A_1565, %get3A_1566] : memref<1x32xf32, #tpu.memory_space<vmem>>, vector<1x32xf32>
    %mul3A_1568 = vector.broadcast %get3A_1567 : vector<1x32xf32> to vector<7680x32xf32>
    %mul3A_1569 = arith.mulf %mul3A_1564, %mul3A_1568 : vector<7680x32xf32>
    %get3A_1570 = arith.constant 0 : index
    %get3A_1571 = arith.constant 0 : index
    %get3A_1572 = vector.load %arg4[%get3A_1570, %get3A_1571] : memref<1x32xf32, #tpu.memory_space<vmem>>, vector<1x32xf32>
    %add3A_1573 = vector.broadcast %get3A_1572 : vector<1x32xf32> to vector<7680x32xf32>
    %add3A_1574 = arith.addf %mul3A_1569, %add3A_1573 : vector<7680x32xf32>
    %broadcast_in_dim3A_1575 = arith.constant 0.000000e+00 : f32
    %broadcast_in_dim3A_1576 = vector.broadcast %broadcast_in_dim3A_1575 : f32 to vector<512x8xf32>
    %slice3A_1577 = vector.extract_strided_slice %add3A_1574 {offsets = [0, 0], sizes = [512, 32], strides = [1, 1]} : vector<7680x32xf32> to vector<512x32xf32>
    %slice3A_1578 = vector.extract_strided_slice %get3A_5 {offsets = [0, 0, 0], sizes = [1, 32, 8], strides = [1, 1, 1]} : vector<8x32x8xf32> to vector<1x32x8xf32>
    %squeeze3A_1579 = vector.shape_cast %slice3A_1578 : vector<1x32x8xf32> to vector<32x8xf32>
    %dot_general3A_1580 = arith.constant dense<0.000000e+00> : vector<512x8xf32>
    %dot_general3A_1581 = tpu.matmul %slice3A_1577, %squeeze3A_1579, %dot_general3A_1580 {dimension_numbers = #tpu.dot_dimension_numbers<[1], [0], [0], [1], [0, 0, 1, 1], [], []>, transpose_lhs_hint = false} : vector<512x32xf32>, vector<32x8xf32>, vector<512x8xf32> -> vector<512x8xf32>
    %add3A_1582 = arith.addf %broadcast_in_dim3A_1576, %dot_general3A_1581 : vector<512x8xf32>
    %slice3A_1583 = vector.extract_strided_slice %add3A_1574 {offsets = [512, 0], sizes = [512, 32], strides = [1, 1]} : vector<7680x32xf32> to vector<512x32xf32>
    %slice3A_1584 = vector.extract_strided_slice %get3A_5 {offsets = [1, 0, 0], sizes = [1, 32, 8], strides = [1, 1, 1]} : vector<8x32x8xf32> to vector<1x32x8xf32>
    %squeeze3A_1585 = vector.shape_cast %slice3A_1584 : vector<1x32x8xf32> to vector<32x8xf32>
    %dot_general3A_1586 = arith.constant dense<0.000000e+00> : vector<512x8xf32>
    %dot_general3A_1587 = tpu.matmul %slice3A_1583, %squeeze3A_1585, %dot_general3A_1586 {dimension_numbers = #tpu.dot_dimension_numbers<[1], [0], [0], [1], [0, 0, 1, 1], [], []>, transpose_lhs_hint = false} : vector<512x32xf32>, vector<32x8xf32>, vector<512x8xf32> -> vector<512x8xf32>
    %add3A_1588 = arith.addf %add3A_1582, %dot_general3A_1587 : vector<512x8xf32>
    %slice3A_1589 = vector.extract_strided_slice %add3A_1574 {offsets = [1024, 0], sizes = [512, 32], strides = [1, 1]} : vector<7680x32xf32> to vector<512x32xf32>
    %slice3A_1590 = vector.extract_strided_slice %get3A_5 {offsets = [2, 0, 0], sizes = [1, 32, 8], strides = [1, 1, 1]} : vector<8x32x8xf32> to vector<1x32x8xf32>
    %squeeze3A_1591 = vector.shape_cast %slice3A_1590 : vector<1x32x8xf32> to vector<32x8xf32>
    %dot_general3A_1592 = arith.constant dense<0.000000e+00> : vector<512x8xf32>
    %dot_general3A_1593 = tpu.matmul %slice3A_1589, %squeeze3A_1591, %dot_general3A_1592 {dimension_numbers = #tpu.dot_dimension_numbers<[1], [0], [0], [1], [0, 0, 1, 1], [], []>, transpose_lhs_hint = false} : vector<512x32xf32>, vector<32x8xf32>, vector<512x8xf32> -> vector<512x8xf32>
    %add3A_1594 = arith.addf %add3A_1588, %dot_general3A_1593 : vector<512x8xf32>
    %slice3A_1595 = vector.extract_strided_slice %add3A_1574 {offsets = [1536, 0], sizes = [512, 32], strides = [1, 1]} : vector<7680x32xf32> to vector<512x32xf32>
    %slice3A_1596 = vector.extract_strided_slice %get3A_5 {offsets = [3, 0, 0], sizes = [1, 32, 8], strides = [1, 1, 1]} : vector<8x32x8xf32> to vector<1x32x8xf32>
    %squeeze3A_1597 = vector.shape_cast %slice3A_1596 : vector<1x32x8xf32> to vector<32x8xf32>
    %dot_general3A_1598 = arith.constant dense<0.000000e+00> : vector<512x8xf32>
    %dot_general3A_1599 = tpu.matmul %slice3A_1595, %squeeze3A_1597, %dot_general3A_1598 {dimension_numbers = #tpu.dot_dimension_numbers<[1], [0], [0], [1], [0, 0, 1, 1], [], []>, transpose_lhs_hint = false} : vector<512x32xf32>, vector<32x8xf32>, vector<512x8xf32> -> vector<512x8xf32>
    %add3A_1600 = arith.addf %add3A_1594, %dot_general3A_1599 : vector<512x8xf32>
    %slice3A_1601 = vector.extract_strided_slice %add3A_1574 {offsets = [2048, 0], sizes = [512, 32], strides = [1, 1]} : vector<7680x32xf32> to vector<512x32xf32>
    %slice3A_1602 = vector.extract_strided_slice %get3A_5 {offsets = [4, 0, 0], sizes = [1, 32, 8], strides = [1, 1, 1]} : vector<8x32x8xf32> to vector<1x32x8xf32>
    %squeeze3A_1603 = vector.shape_cast %slice3A_1602 : vector<1x32x8xf32> to vector<32x8xf32>
    %dot_general3A_1604 = arith.constant dense<0.000000e+00> : vector<512x8xf32>
    %dot_general3A_1605 = tpu.matmul %slice3A_1601, %squeeze3A_1603, %dot_general3A_1604 {dimension_numbers = #tpu.dot_dimension_numbers<[1], [0], [0], [1], [0, 0, 1, 1], [], []>, transpose_lhs_hint = false} : vector<512x32xf32>, vector<32x8xf32>, vector<512x8xf32> -> vector<512x8xf32>
    %add3A_1606 = arith.addf %add3A_1600, %dot_general3A_1605 : vector<512x8xf32>
    %slice3A_1607 = vector.extract_strided_slice %add3A_1574 {offsets = [2560, 0], sizes = [512, 32], strides = [1, 1]} : vector<7680x32xf32> to vector<512x32xf32>
    %slice3A_1608 = vector.extract_strided_slice %get3A_5 {offsets = [5, 0, 0], sizes = [1, 32, 8], strides = [1, 1, 1]} : vector<8x32x8xf32> to vector<1x32x8xf32>
    %squeeze3A_1609 = vector.shape_cast %slice3A_1608 : vector<1x32x8xf32> to vector<32x8xf32>
    %dot_general3A_1610 = arith.constant dense<0.000000e+00> : vector<512x8xf32>
    %dot_general3A_1611 = tpu.matmul %slice3A_1607, %squeeze3A_1609, %dot_general3A_1610 {dimension_numbers = #tpu.dot_dimension_numbers<[1], [0], [0], [1], [0, 0, 1, 1], [], []>, transpose_lhs_hint = false} : vector<512x32xf32>, vector<32x8xf32>, vector<512x8xf32> -> vector<512x8xf32>
    %add3A_1612 = arith.addf %add3A_1606, %dot_general3A_1611 : vector<512x8xf32>
    %slice3A_1613 = vector.extract_strided_slice %add3A_1574 {offsets = [3072, 0], sizes = [512, 32], strides = [1, 1]} : vector<7680x32xf32> to vector<512x32xf32>
    %slice3A_1614 = vector.extract_strided_slice %get3A_5 {offsets = [6, 0, 0], sizes = [1, 32, 8], strides = [1, 1, 1]} : vector<8x32x8xf32> to vector<1x32x8xf32>
    %squeeze3A_1615 = vector.shape_cast %slice3A_1614 : vector<1x32x8xf32> to vector<32x8xf32>
    %dot_general3A_1616 = arith.constant dense<0.000000e+00> : vector<512x8xf32>
    %dot_general3A_1617 = tpu.matmul %slice3A_1613, %squeeze3A_1615, %dot_general3A_1616 {dimension_numbers = #tpu.dot_dimension_numbers<[1], [0], [0], [1], [0, 0, 1, 1], [], []>, transpose_lhs_hint = false} : vector<512x32xf32>, vector<32x8xf32>, vector<512x8xf32> -> vector<512x8xf32>
    %add3A_1618 = arith.addf %add3A_1612, %dot_general3A_1617 : vector<512x8xf32>
    %slice3A_1619 = vector.extract_strided_slice %add3A_1574 {offsets = [3584, 0], sizes = [512, 32], strides = [1, 1]} : vector<7680x32xf32> to vector<512x32xf32>
    %slice3A_1620 = vector.extract_strided_slice %get3A_5 {offsets = [7, 0, 0], sizes = [1, 32, 8], strides = [1, 1, 1]} : vector<8x32x8xf32> to vector<1x32x8xf32>
    %squeeze3A_1621 = vector.shape_cast %slice3A_1620 : vector<1x32x8xf32> to vector<32x8xf32>
    %dot_general3A_1622 = arith.constant dense<0.000000e+00> : vector<512x8xf32>
    %dot_general3A_1623 = tpu.matmul %slice3A_1619, %squeeze3A_1621, %dot_general3A_1622 {dimension_numbers = #tpu.dot_dimension_numbers<[1], [0], [0], [1], [0, 0, 1, 1], [], []>, transpose_lhs_hint = false} : vector<512x32xf32>, vector<32x8xf32>, vector<512x8xf32> -> vector<512x8xf32>
    %add3A_1624 = arith.addf %add3A_1618, %dot_general3A_1623 : vector<512x8xf32>
    %broadcast_in_dim3A_1625 = arith.constant 0.000000e+00 : f32
    %broadcast_in_dim3A_1626 = vector.broadcast %broadcast_in_dim3A_1625 : f32 to vector<512x8xf32>
    %slice3A_1627 = vector.extract_strided_slice %add3A_1574 {offsets = [2048, 0], sizes = [512, 32], strides = [1, 1]} : vector<7680x32xf32> to vector<512x32xf32>
    %slice3A_1628 = vector.extract_strided_slice %get3A_5 {offsets = [0, 0, 0], sizes = [1, 32, 8], strides = [1, 1, 1]} : vector<8x32x8xf32> to vector<1x32x8xf32>
    %squeeze3A_1629 = vector.shape_cast %slice3A_1628 : vector<1x32x8xf32> to vector<32x8xf32>
    %dot_general3A_1630 = arith.constant dense<0.000000e+00> : vector<512x8xf32>
    %dot_general3A_1631 = tpu.matmul %slice3A_1627, %squeeze3A_1629, %dot_general3A_1630 {dimension_numbers = #tpu.dot_dimension_numbers<[1], [0], [0], [1], [0, 0, 1, 1], [], []>, transpose_lhs_hint = false} : vector<512x32xf32>, vector<32x8xf32>, vector<512x8xf32> -> vector<512x8xf32>
    %add3A_1632 = arith.addf %broadcast_in_dim3A_1626, %dot_general3A_1631 : vector<512x8xf32>
    %slice3A_1633 = vector.extract_strided_slice %add3A_1574 {offsets = [2560, 0], sizes = [512, 32], strides = [1, 1]} : vector<7680x32xf32> to vector<512x32xf32>
    %slice3A_1634 = vector.extract_strided_slice %get3A_5 {offsets = [1, 0, 0], sizes = [1, 32, 8], strides = [1, 1, 1]} : vector<8x32x8xf32> to vector<1x32x8xf32>
    %squeeze3A_1635 = vector.shape_cast %slice3A_1634 : vector<1x32x8xf32> to vector<32x8xf32>
    %dot_general3A_1636 = arith.constant dense<0.000000e+00> : vector<512x8xf32>
    %dot_general3A_1637 = tpu.matmul %slice3A_1633, %squeeze3A_1635, %dot_general3A_1636 {dimension_numbers = #tpu.dot_dimension_numbers<[1], [0], [0], [1], [0, 0, 1, 1], [], []>, transpose_lhs_hint = false} : vector<512x32xf32>, vector<32x8xf32>, vector<512x8xf32> -> vector<512x8xf32>
    %add3A_1638 = arith.addf %add3A_1632, %dot_general3A_1637 : vector<512x8xf32>
    %slice3A_1639 = vector.extract_strided_slice %add3A_1574 {offsets = [3072, 0], sizes = [512, 32], strides = [1, 1]} : vector<7680x32xf32> to vector<512x32xf32>
    %slice3A_1640 = vector.extract_strided_slice %get3A_5 {offsets = [2, 0, 0], sizes = [1, 32, 8], strides = [1, 1, 1]} : vector<8x32x8xf32> to vector<1x32x8xf32>
    %squeeze3A_1641 = vector.shape_cast %slice3A_1640 : vector<1x32x8xf32> to vector<32x8xf32>
    %dot_general3A_1642 = arith.constant dense<0.000000e+00> : vector<512x8xf32>
    %dot_general3A_1643 = tpu.matmul %slice3A_1639, %squeeze3A_1641, %dot_general3A_1642 {dimension_numbers = #tpu.dot_dimension_numbers<[1], [0], [0], [1], [0, 0, 1, 1], [], []>, transpose_lhs_hint = false} : vector<512x32xf32>, vector<32x8xf32>, vector<512x8xf32> -> vector<512x8xf32>
    %add3A_1644 = arith.addf %add3A_1638, %dot_general3A_1643 : vector<512x8xf32>
    %slice3A_1645 = vector.extract_strided_slice %add3A_1574 {offsets = [3584, 0], sizes = [512, 32], strides = [1, 1]} : vector<7680x32xf32> to vector<512x32xf32>
    %slice3A_1646 = vector.extract_strided_slice %get3A_5 {offsets = [3, 0, 0], sizes = [1, 32, 8], strides = [1, 1, 1]} : vector<8x32x8xf32> to vector<1x32x8xf32>
    %squeeze3A_1647 = vector.shape_cast %slice3A_1646 : vector<1x32x8xf32> to vector<32x8xf32>
    %dot_general3A_1648 = arith.constant dense<0.000000e+00> : vector<512x8xf32>
    %dot_general3A_1649 = tpu.matmul %slice3A_1645, %squeeze3A_1647, %dot_general3A_1648 {dimension_numbers = #tpu.dot_dimension_numbers<[1], [0], [0], [1], [0, 0, 1, 1], [], []>, transpose_lhs_hint = false} : vector<512x32xf32>, vector<32x8xf32>, vector<512x8xf32> -> vector<512x8xf32>
    %add3A_1650 = arith.addf %add3A_1644, %dot_general3A_1649 : vector<512x8xf32>
    %slice3A_1651 = vector.extract_strided_slice %add3A_1574 {offsets = [4096, 0], sizes = [512, 32], strides = [1, 1]} : vector<7680x32xf32> to vector<512x32xf32>
    %slice3A_1652 = vector.extract_strided_slice %get3A_5 {offsets = [4, 0, 0], sizes = [1, 32, 8], strides = [1, 1, 1]} : vector<8x32x8xf32> to vector<1x32x8xf32>
    %squeeze3A_1653 = vector.shape_cast %slice3A_1652 : vector<1x32x8xf32> to vector<32x8xf32>
    %dot_general3A_1654 = arith.constant dense<0.000000e+00> : vector<512x8xf32>
    %dot_general3A_1655 = tpu.matmul %slice3A_1651, %squeeze3A_1653, %dot_general3A_1654 {dimension_numbers = #tpu.dot_dimension_numbers<[1], [0], [0], [1], [0, 0, 1, 1], [], []>, transpose_lhs_hint = false} : vector<512x32xf32>, vector<32x8xf32>, vector<512x8xf32> -> vector<512x8xf32>
    %add3A_1656 = arith.addf %add3A_1650, %dot_general3A_1655 : vector<512x8xf32>
    %slice3A_1657 = vector.extract_strided_slice %add3A_1574 {offsets = [4608, 0], sizes = [512, 32], strides = [1, 1]} : vector<7680x32xf32> to vector<512x32xf32>
    %slice3A_1658 = vector.extract_strided_slice %get3A_5 {offsets = [5, 0, 0], sizes = [1, 32, 8], strides = [1, 1, 1]} : vector<8x32x8xf32> to vector<1x32x8xf32>
    %squeeze3A_1659 = vector.shape_cast %slice3A_1658 : vector<1x32x8xf32> to vector<32x8xf32>
    %dot_general3A_1660 = arith.constant dense<0.000000e+00> : vector<512x8xf32>
    %dot_general3A_1661 = tpu.matmul %slice3A_1657, %squeeze3A_1659, %dot_general3A_1660 {dimension_numbers = #tpu.dot_dimension_numbers<[1], [0], [0], [1], [0, 0, 1, 1], [], []>, transpose_lhs_hint = false} : vector<512x32xf32>, vector<32x8xf32>, vector<512x8xf32> -> vector<512x8xf32>
    %add3A_1662 = arith.addf %add3A_1656, %dot_general3A_1661 : vector<512x8xf32>
    %slice3A_1663 = vector.extract_strided_slice %add3A_1574 {offsets = [5120, 0], sizes = [512, 32], strides = [1, 1]} : vector<7680x32xf32> to vector<512x32xf32>
    %slice3A_1664 = vector.extract_strided_slice %get3A_5 {offsets = [6, 0, 0], sizes = [1, 32, 8], strides = [1, 1, 1]} : vector<8x32x8xf32> to vector<1x32x8xf32>
    %squeeze3A_1665 = vector.shape_cast %slice3A_1664 : vector<1x32x8xf32> to vector<32x8xf32>
    %dot_general3A_1666 = arith.constant dense<0.000000e+00> : vector<512x8xf32>
    %dot_general3A_1667 = tpu.matmul %slice3A_1663, %squeeze3A_1665, %dot_general3A_1666 {dimension_numbers = #tpu.dot_dimension_numbers<[1], [0], [0], [1], [0, 0, 1, 1], [], []>, transpose_lhs_hint = false} : vector<512x32xf32>, vector<32x8xf32>, vector<512x8xf32> -> vector<512x8xf32>
    %add3A_1668 = arith.addf %add3A_1662, %dot_general3A_1667 : vector<512x8xf32>
    %slice3A_1669 = vector.extract_strided_slice %add3A_1574 {offsets = [5632, 0], sizes = [512, 32], strides = [1, 1]} : vector<7680x32xf32> to vector<512x32xf32>
    %slice3A_1670 = vector.extract_strided_slice %get3A_5 {offsets = [7, 0, 0], sizes = [1, 32, 8], strides = [1, 1, 1]} : vector<8x32x8xf32> to vector<1x32x8xf32>
    %squeeze3A_1671 = vector.shape_cast %slice3A_1670 : vector<1x32x8xf32> to vector<32x8xf32>
    %dot_general3A_1672 = arith.constant dense<0.000000e+00> : vector<512x8xf32>
    %dot_general3A_1673 = tpu.matmul %slice3A_1669, %squeeze3A_1671, %dot_general3A_1672 {dimension_numbers = #tpu.dot_dimension_numbers<[1], [0], [0], [1], [0, 0, 1, 1], [], []>, transpose_lhs_hint = false} : vector<512x32xf32>, vector<32x8xf32>, vector<512x8xf32> -> vector<512x8xf32>
    %add3A_1674 = arith.addf %add3A_1668, %dot_general3A_1673 : vector<512x8xf32>
    %concatenate3A_1675 = tpu.concatenate %add3A_1624, %add3A_1674 in 0 : vector<512x8xf32>, vector<512x8xf32> -> vector<1024x8xf32>
    %get3A_1676 = arith.constant 0 : index
    %get3A_1677 = arith.constant 0 : index
    %get3A_1678 = vector.load %arg6[%get3A_1676, %get3A_1677] : memref<1x8xf32, #tpu.memory_space<vmem>>, vector<1x8xf32>
    %add3A_1679 = vector.broadcast %get3A_1678 : vector<1x8xf32> to vector<1024x8xf32>
    %add3A_1680 = arith.addf %concatenate3A_1675, %add3A_1679 : vector<1024x8xf32>
    %max3A_1681 = arith.constant 0.000000e+00 : f32
    %max3A_1682 = vector.broadcast %max3A_1681 : f32 to vector<1024x8xf32>
    %max3A_1683 = arith.maximumf %add3A_1680, %max3A_1682 : vector<1024x8xf32>
    %reduce_sum3A_1684 = arith.constant dense<0.000000e+00> : vector<8xf32>
    %reduce_sum3A_1685 = vector.multi_reduction <add>, %max3A_1683, %reduce_sum3A_1684 [0] : vector<1024x8xf32> to vector<8xf32>
    %broadcast_in_dim3A_1686 = vector.shape_cast %reduce_sum3A_1685 : vector<8xf32> to vector<1x8xf32>
    %div3A_1687 = arith.constant 1.024000e+03 : f32
    %div3A_1688 = vector.broadcast %div3A_1687 : f32 to vector<1x8xf32>
    %div3A_1689 = arith.divf %broadcast_in_dim3A_1686, %div3A_1688 : vector<1x8xf32>
    %sub3A_1690 = vector.broadcast %div3A_1689 : vector<1x8xf32> to vector<1024x8xf32>
    %sub3A_1691 = arith.subf %max3A_1683, %sub3A_1690 : vector<1024x8xf32>
    %sub3A_1692 = vector.broadcast %div3A_1689 : vector<1x8xf32> to vector<1024x8xf32>
    %sub3A_1693 = arith.subf %max3A_1683, %sub3A_1692 : vector<1024x8xf32>
    %mul3A_1694 = arith.mulf %sub3A_1691, %sub3A_1693 : vector<1024x8xf32>
    %reduce_sum3A_1695 = arith.constant dense<0.000000e+00> : vector<8xf32>
    %reduce_sum3A_1696 = vector.multi_reduction <add>, %mul3A_1694, %reduce_sum3A_1695 [0] : vector<1024x8xf32> to vector<8xf32>
    %broadcast_in_dim3A_1697 = vector.shape_cast %reduce_sum3A_1696 : vector<8xf32> to vector<1x8xf32>
    %div3A_1698 = arith.constant 1.024000e+03 : f32
    %div3A_1699 = vector.broadcast %div3A_1698 : f32 to vector<1x8xf32>
    %div3A_1700 = arith.divf %broadcast_in_dim3A_1697, %div3A_1699 : vector<1x8xf32>
    %sub3A_1701 = vector.broadcast %div3A_1689 : vector<1x8xf32> to vector<1024x8xf32>
    %sub3A_1702 = arith.subf %max3A_1683, %sub3A_1701 : vector<1024x8xf32>
    %add3A_1703 = arith.constant 9.99999974E-6 : f32
    %add3A_1704 = vector.broadcast %add3A_1703 : f32 to vector<1x8xf32>
    %add3A_1705 = arith.addf %div3A_1700, %add3A_1704 : vector<1x8xf32>
    %rsqrt3A_1706 = math.rsqrt %add3A_1705 : vector<1x8xf32>
    %mul3A_1707 = vector.broadcast %rsqrt3A_1706 : vector<1x8xf32> to vector<1024x8xf32>
    %mul3A_1708 = arith.mulf %sub3A_1702, %mul3A_1707 : vector<1024x8xf32>
    %get3A_1709 = arith.constant 0 : index
    %get3A_1710 = arith.constant 0 : index
    %get3A_1711 = vector.load %arg7[%get3A_1709, %get3A_1710] : memref<1x8xf32, #tpu.memory_space<vmem>>, vector<1x8xf32>
    %mul3A_1712 = vector.broadcast %get3A_1711 : vector<1x8xf32> to vector<1024x8xf32>
    %mul3A_1713 = arith.mulf %mul3A_1708, %mul3A_1712 : vector<1024x8xf32>
    %get3A_1714 = arith.constant 0 : index
    %get3A_1715 = arith.constant 0 : index
    %get3A_1716 = vector.load %arg8[%get3A_1714, %get3A_1715] : memref<1x8xf32, #tpu.memory_space<vmem>>, vector<1x8xf32>
    %add3A_1717 = vector.broadcast %get3A_1716 : vector<1x8xf32> to vector<1024x8xf32>
    %add3A_1718 = arith.addf %mul3A_1713, %add3A_1717 : vector<1024x8xf32>
    %slice3A_1719 = vector.extract_strided_slice %add3A_1718 {offsets = [0, 0], sizes = [512, 8], strides = [1, 1]} : vector<1024x8xf32> to vector<512x8xf32>
    %dot_general3A_1720 = arith.constant dense<0.000000e+00> : vector<512x16xf32>
    %dot_general3A_1721 = tpu.matmul %slice3A_1719, %convert_element_type3A_9, %dot_general3A_1720 {dimension_numbers = #tpu.dot_dimension_numbers<[1], [0], [0], [1], [0, 0, 1, 1], [], []>, transpose_lhs_hint = false} : vector<512x8xf32>, vector<8x16xf32>, vector<512x16xf32> -> vector<512x16xf32>
    %slice3A_1722 = vector.extract_strided_slice %add3A_1718 {offsets = [512, 0], sizes = [512, 8], strides = [1, 1]} : vector<1024x8xf32> to vector<512x8xf32>
    %dot_general3A_1723 = arith.constant dense<0.000000e+00> : vector<512x16xf32>
    %dot_general3A_1724 = tpu.matmul %slice3A_1722, %convert_element_type3A_17, %dot_general3A_1723 {dimension_numbers = #tpu.dot_dimension_numbers<[1], [0], [0], [1], [0, 0, 1, 1], [], []>, transpose_lhs_hint = false} : vector<512x8xf32>, vector<8x16xf32>, vector<512x16xf32> -> vector<512x16xf32>
    %add3A_1725 = arith.addf %dot_general3A_1721, %dot_general3A_1724 : vector<512x16xf32>
    %swap3A_1726 = arith.constant 0 : index
    %swap3A_1727 = arith.constant 96 : index
    %swap3A_1728 = vector.load %arg9[%swap3A_1726, %swap3A_1727] : memref<512x128xf32, #tpu.memory_space<vmem>>, vector<512x16xf32>
    tpu.vector_store %arg9[%swap3A_1726, %swap3A_1727], %add3A_1725 {strides = array<i32>} : memref<512x128xf32, #tpu.memory_space<vmem>>, vector<512x16xf32>,
    %get3A_1729 = arith.constant 0 : index
    %get3A_1730 = arith.constant 3584 : index
    %get3A_1731 = vector.load %arg0[%get3A_1729, %get3A_1730] : memref<512x4096xf32, #tpu.memory_space<vmem>>, vector<512x64xf32>
    %slice3A_1732 = vector.extract_strided_slice %get3A_1731 {offsets = [0, 0], sizes = [512, 8], strides = [1, 1]} : vector<512x64xf32> to vector<512x8xf32>
    %dot_general3A_1733 = arith.constant dense<0.000000e+00> : vector<512x32xf32>
    %dot_general3A_1734 = tpu.matmul %slice3A_1732, %get3A_1, %dot_general3A_1733 {dimension_numbers = #tpu.dot_dimension_numbers<[1], [0], [0], [1], [0, 0, 1, 1], [], []>, transpose_lhs_hint = false} : vector<512x8xf32>, vector<8x32xf32>, vector<512x32xf32> -> vector<512x32xf32>
    %slice3A_1735 = vector.extract_strided_slice %get3A_1731 {offsets = [0, 4], sizes = [512, 8], strides = [1, 1]} : vector<512x64xf32> to vector<512x8xf32>
    %dot_general3A_1736 = arith.constant dense<0.000000e+00> : vector<512x32xf32>
    %dot_general3A_1737 = tpu.matmul %slice3A_1735, %get3A_1, %dot_general3A_1736 {dimension_numbers = #tpu.dot_dimension_numbers<[1], [0], [0], [1], [0, 0, 1, 1], [], []>, transpose_lhs_hint = false} : vector<512x8xf32>, vector<8x32xf32>, vector<512x32xf32> -> vector<512x32xf32>
    %slice3A_1738 = vector.extract_strided_slice %get3A_1731 {offsets = [0, 8], sizes = [512, 8], strides = [1, 1]} : vector<512x64xf32> to vector<512x8xf32>
    %dot_general3A_1739 = arith.constant dense<0.000000e+00> : vector<512x32xf32>
    %dot_general3A_1740 = tpu.matmul %slice3A_1738, %get3A_1, %dot_general3A_1739 {dimension_numbers = #tpu.dot_dimension_numbers<[1], [0], [0], [1], [0, 0, 1, 1], [], []>, transpose_lhs_hint = false} : vector<512x8xf32>, vector<8x32xf32>, vector<512x32xf32> -> vector<512x32xf32>
    %slice3A_1741 = vector.extract_strided_slice %get3A_1731 {offsets = [0, 12], sizes = [512, 8], strides = [1, 1]} : vector<512x64xf32> to vector<512x8xf32>
    %dot_general3A_1742 = arith.constant dense<0.000000e+00> : vector<512x32xf32>
    %dot_general3A_1743 = tpu.matmul %slice3A_1741, %get3A_1, %dot_general3A_1742 {dimension_numbers = #tpu.dot_dimension_numbers<[1], [0], [0], [1], [0, 0, 1, 1], [], []>, transpose_lhs_hint = false} : vector<512x8xf32>, vector<8x32xf32>, vector<512x32xf32> -> vector<512x32xf32>
    %slice3A_1744 = vector.extract_strided_slice %get3A_1731 {offsets = [0, 16], sizes = [512, 8], strides = [1, 1]} : vector<512x64xf32> to vector<512x8xf32>
    %dot_general3A_1745 = arith.constant dense<0.000000e+00> : vector<512x32xf32>
    %dot_general3A_1746 = tpu.matmul %slice3A_1744, %get3A_1, %dot_general3A_1745 {dimension_numbers = #tpu.dot_dimension_numbers<[1], [0], [0], [1], [0, 0, 1, 1], [], []>, transpose_lhs_hint = false} : vector<512x8xf32>, vector<8x32xf32>, vector<512x32xf32> -> vector<512x32xf32>
    %slice3A_1747 = vector.extract_strided_slice %get3A_1731 {offsets = [0, 20], sizes = [512, 8], strides = [1, 1]} : vector<512x64xf32> to vector<512x8xf32>
    %dot_general3A_1748 = arith.constant dense<0.000000e+00> : vector<512x32xf32>
    %dot_general3A_1749 = tpu.matmul %slice3A_1747, %get3A_1, %dot_general3A_1748 {dimension_numbers = #tpu.dot_dimension_numbers<[1], [0], [0], [1], [0, 0, 1, 1], [], []>, transpose_lhs_hint = false} : vector<512x8xf32>, vector<8x32xf32>, vector<512x32xf32> -> vector<512x32xf32>
    %slice3A_1750 = vector.extract_strided_slice %get3A_1731 {offsets = [0, 24], sizes = [512, 8], strides = [1, 1]} : vector<512x64xf32> to vector<512x8xf32>
    %dot_general3A_1751 = arith.constant dense<0.000000e+00> : vector<512x32xf32>
    %dot_general3A_1752 = tpu.matmul %slice3A_1750, %get3A_1, %dot_general3A_1751 {dimension_numbers = #tpu.dot_dimension_numbers<[1], [0], [0], [1], [0, 0, 1, 1], [], []>, transpose_lhs_hint = false} : vector<512x8xf32>, vector<8x32xf32>, vector<512x32xf32> -> vector<512x32xf32>
    %slice3A_1753 = vector.extract_strided_slice %get3A_1731 {offsets = [0, 28], sizes = [512, 8], strides = [1, 1]} : vector<512x64xf32> to vector<512x8xf32>
    %dot_general3A_1754 = arith.constant dense<0.000000e+00> : vector<512x32xf32>
    %dot_general3A_1755 = tpu.matmul %slice3A_1753, %get3A_1, %dot_general3A_1754 {dimension_numbers = #tpu.dot_dimension_numbers<[1], [0], [0], [1], [0, 0, 1, 1], [], []>, transpose_lhs_hint = false} : vector<512x8xf32>, vector<8x32xf32>, vector<512x32xf32> -> vector<512x32xf32>
    %slice3A_1756 = vector.extract_strided_slice %get3A_1731 {offsets = [0, 32], sizes = [512, 8], strides = [1, 1]} : vector<512x64xf32> to vector<512x8xf32>
    %dot_general3A_1757 = arith.constant dense<0.000000e+00> : vector<512x32xf32>
    %dot_general3A_1758 = tpu.matmul %slice3A_1756, %get3A_1, %dot_general3A_1757 {dimension_numbers = #tpu.dot_dimension_numbers<[1], [0], [0], [1], [0, 0, 1, 1], [], []>, transpose_lhs_hint = false} : vector<512x8xf32>, vector<8x32xf32>, vector<512x32xf32> -> vector<512x32xf32>
    %slice3A_1759 = vector.extract_strided_slice %get3A_1731 {offsets = [0, 36], sizes = [512, 8], strides = [1, 1]} : vector<512x64xf32> to vector<512x8xf32>
    %dot_general3A_1760 = arith.constant dense<0.000000e+00> : vector<512x32xf32>
    %dot_general3A_1761 = tpu.matmul %slice3A_1759, %get3A_1, %dot_general3A_1760 {dimension_numbers = #tpu.dot_dimension_numbers<[1], [0], [0], [1], [0, 0, 1, 1], [], []>, transpose_lhs_hint = false} : vector<512x8xf32>, vector<8x32xf32>, vector<512x32xf32> -> vector<512x32xf32>
    %slice3A_1762 = vector.extract_strided_slice %get3A_1731 {offsets = [0, 40], sizes = [512, 8], strides = [1, 1]} : vector<512x64xf32> to vector<512x8xf32>
    %dot_general3A_1763 = arith.constant dense<0.000000e+00> : vector<512x32xf32>
    %dot_general3A_1764 = tpu.matmul %slice3A_1762, %get3A_1, %dot_general3A_1763 {dimension_numbers = #tpu.dot_dimension_numbers<[1], [0], [0], [1], [0, 0, 1, 1], [], []>, transpose_lhs_hint = false} : vector<512x8xf32>, vector<8x32xf32>, vector<512x32xf32> -> vector<512x32xf32>
    %slice3A_1765 = vector.extract_strided_slice %get3A_1731 {offsets = [0, 44], sizes = [512, 8], strides = [1, 1]} : vector<512x64xf32> to vector<512x8xf32>
    %dot_general3A_1766 = arith.constant dense<0.000000e+00> : vector<512x32xf32>
    %dot_general3A_1767 = tpu.matmul %slice3A_1765, %get3A_1, %dot_general3A_1766 {dimension_numbers = #tpu.dot_dimension_numbers<[1], [0], [0], [1], [0, 0, 1, 1], [], []>, transpose_lhs_hint = false} : vector<512x8xf32>, vector<8x32xf32>, vector<512x32xf32> -> vector<512x32xf32>
    %slice3A_1768 = vector.extract_strided_slice %get3A_1731 {offsets = [0, 48], sizes = [512, 8], strides = [1, 1]} : vector<512x64xf32> to vector<512x8xf32>
    %dot_general3A_1769 = arith.constant dense<0.000000e+00> : vector<512x32xf32>
    %dot_general3A_1770 = tpu.matmul %slice3A_1768, %get3A_1, %dot_general3A_1769 {dimension_numbers = #tpu.dot_dimension_numbers<[1], [0], [0], [1], [0, 0, 1, 1], [], []>, transpose_lhs_hint = false} : vector<512x8xf32>, vector<8x32xf32>, vector<512x32xf32> -> vector<512x32xf32>
    %slice3A_1771 = vector.extract_strided_slice %get3A_1731 {offsets = [0, 52], sizes = [512, 8], strides = [1, 1]} : vector<512x64xf32> to vector<512x8xf32>
    %dot_general3A_1772 = arith.constant dense<0.000000e+00> : vector<512x32xf32>
    %dot_general3A_1773 = tpu.matmul %slice3A_1771, %get3A_1, %dot_general3A_1772 {dimension_numbers = #tpu.dot_dimension_numbers<[1], [0], [0], [1], [0, 0, 1, 1], [], []>, transpose_lhs_hint = false} : vector<512x8xf32>, vector<8x32xf32>, vector<512x32xf32> -> vector<512x32xf32>
    %slice3A_1774 = vector.extract_strided_slice %get3A_1731 {offsets = [0, 56], sizes = [512, 8], strides = [1, 1]} : vector<512x64xf32> to vector<512x8xf32>
    %dot_general3A_1775 = arith.constant dense<0.000000e+00> : vector<512x32xf32>
    %dot_general3A_1776 = tpu.matmul %slice3A_1774, %get3A_1, %dot_general3A_1775 {dimension_numbers = #tpu.dot_dimension_numbers<[1], [0], [0], [1], [0, 0, 1, 1], [], []>, transpose_lhs_hint = false} : vector<512x8xf32>, vector<8x32xf32>, vector<512x32xf32> -> vector<512x32xf32>
    %concatenate3A_1777 = tpu.concatenate %dot_general3A_1734, %dot_general3A_1737, %dot_general3A_1740, %dot_general3A_1743, %dot_general3A_1746, %dot_general3A_1749, %dot_general3A_1752, %dot_general3A_1755, %dot_general3A_1758, %dot_general3A_1761, %dot_general3A_1764, %dot_general3A_1767, %dot_general3A_1770, %dot_general3A_1773, %dot_general3A_1776 in 0 : vector<512x32xf32>, vector<512x32xf32>, vector<512x32xf32>, vector<512x32xf32>, vector<512x32xf32>, vector<512x32xf32>, vector<512x32xf32>, vector<512x32xf32>, vector<512x32xf32>, vector<512x32xf32>, vector<512x32xf32>, vector<512x32xf32>, vector<512x32xf32>, vector<512x32xf32>, vector<512x32xf32> -> vector<7680x32xf32>
    %get3A_1778 = arith.constant 0 : index
    %get3A_1779 = arith.constant 0 : index
    %get3A_1780 = vector.load %arg2[%get3A_1778, %get3A_1779] : memref<1x32xf32, #tpu.memory_space<vmem>>, vector<1x32xf32>
    %add3A_1781 = vector.broadcast %get3A_1780 : vector<1x32xf32> to vector<7680x32xf32>
    %add3A_1782 = arith.addf %concatenate3A_1777, %add3A_1781 : vector<7680x32xf32>
    %max3A_1783 = arith.constant 0.000000e+00 : f32
    %max3A_1784 = vector.broadcast %max3A_1783 : f32 to vector<7680x32xf32>
    %max3A_1785 = arith.maximumf %add3A_1782, %max3A_1784 : vector<7680x32xf32>
    %reduce_sum3A_1786 = arith.constant dense<0.000000e+00> : vector<32xf32>
    %reduce_sum3A_1787 = vector.multi_reduction <add>, %max3A_1785, %reduce_sum3A_1786 [0] : vector<7680x32xf32> to vector<32xf32>
    %broadcast_in_dim3A_1788 = vector.shape_cast %reduce_sum3A_1787 : vector<32xf32> to vector<1x32xf32>
    %div3A_1789 = arith.constant 7.680000e+03 : f32
    %div3A_1790 = vector.broadcast %div3A_1789 : f32 to vector<1x32xf32>
    %div3A_1791 = arith.divf %broadcast_in_dim3A_1788, %div3A_1790 : vector<1x32xf32>
    %sub3A_1792 = vector.broadcast %div3A_1791 : vector<1x32xf32> to vector<7680x32xf32>
    %sub3A_1793 = arith.subf %max3A_1785, %sub3A_1792 : vector<7680x32xf32>
    %sub3A_1794 = vector.broadcast %div3A_1791 : vector<1x32xf32> to vector<7680x32xf32>
    %sub3A_1795 = arith.subf %max3A_1785, %sub3A_1794 : vector<7680x32xf32>
    %mul3A_1796 = arith.mulf %sub3A_1793, %sub3A_1795 : vector<7680x32xf32>
    %reduce_sum3A_1797 = arith.constant dense<0.000000e+00> : vector<32xf32>
    %reduce_sum3A_1798 = vector.multi_reduction <add>, %mul3A_1796, %reduce_sum3A_1797 [0] : vector<7680x32xf32> to vector<32xf32>
    %broadcast_in_dim3A_1799 = vector.shape_cast %reduce_sum3A_1798 : vector<32xf32> to vector<1x32xf32>
    %div3A_1800 = arith.constant 7.680000e+03 : f32
    %div3A_1801 = vector.broadcast %div3A_1800 : f32 to vector<1x32xf32>
    %div3A_1802 = arith.divf %broadcast_in_dim3A_1799, %div3A_1801 : vector<1x32xf32>
    %sub3A_1803 = vector.broadcast %div3A_1791 : vector<1x32xf32> to vector<7680x32xf32>
    %sub3A_1804 = arith.subf %max3A_1785, %sub3A_1803 : vector<7680x32xf32>
    %add3A_1805 = arith.constant 9.99999974E-6 : f32
    %add3A_1806 = vector.broadcast %add3A_1805 : f32 to vector<1x32xf32>
    %add3A_1807 = arith.addf %div3A_1802, %add3A_1806 : vector<1x32xf32>
    %rsqrt3A_1808 = math.rsqrt %add3A_1807 : vector<1x32xf32>
    %mul3A_1809 = vector.broadcast %rsqrt3A_1808 : vector<1x32xf32> to vector<7680x32xf32>
    %mul3A_1810 = arith.mulf %sub3A_1804, %mul3A_1809 : vector<7680x32xf32>
    %get3A_1811 = arith.constant 0 : index
    %get3A_1812 = arith.constant 0 : index
    %get3A_1813 = vector.load %arg3[%get3A_1811, %get3A_1812] : memref<1x32xf32, #tpu.memory_space<vmem>>, vector<1x32xf32>
    %mul3A_1814 = vector.broadcast %get3A_1813 : vector<1x32xf32> to vector<7680x32xf32>
    %mul3A_1815 = arith.mulf %mul3A_1810, %mul3A_1814 : vector<7680x32xf32>
    %get3A_1816 = arith.constant 0 : index
    %get3A_1817 = arith.constant 0 : index
    %get3A_1818 = vector.load %arg4[%get3A_1816, %get3A_1817] : memref<1x32xf32, #tpu.memory_space<vmem>>, vector<1x32xf32>
    %add3A_1819 = vector.broadcast %get3A_1818 : vector<1x32xf32> to vector<7680x32xf32>
    %add3A_1820 = arith.addf %mul3A_1815, %add3A_1819 : vector<7680x32xf32>
    %broadcast_in_dim3A_1821 = arith.constant 0.000000e+00 : f32
    %broadcast_in_dim3A_1822 = vector.broadcast %broadcast_in_dim3A_1821 : f32 to vector<512x8xf32>
    %slice3A_1823 = vector.extract_strided_slice %add3A_1820 {offsets = [0, 0], sizes = [512, 32], strides = [1, 1]} : vector<7680x32xf32> to vector<512x32xf32>
    %slice3A_1824 = vector.extract_strided_slice %get3A_5 {offsets = [0, 0, 0], sizes = [1, 32, 8], strides = [1, 1, 1]} : vector<8x32x8xf32> to vector<1x32x8xf32>
    %squeeze3A_1825 = vector.shape_cast %slice3A_1824 : vector<1x32x8xf32> to vector<32x8xf32>
    %dot_general3A_1826 = arith.constant dense<0.000000e+00> : vector<512x8xf32>
    %dot_general3A_1827 = tpu.matmul %slice3A_1823, %squeeze3A_1825, %dot_general3A_1826 {dimension_numbers = #tpu.dot_dimension_numbers<[1], [0], [0], [1], [0, 0, 1, 1], [], []>, transpose_lhs_hint = false} : vector<512x32xf32>, vector<32x8xf32>, vector<512x8xf32> -> vector<512x8xf32>
    %add3A_1828 = arith.addf %broadcast_in_dim3A_1822, %dot_general3A_1827 : vector<512x8xf32>
    %slice3A_1829 = vector.extract_strided_slice %add3A_1820 {offsets = [512, 0], sizes = [512, 32], strides = [1, 1]} : vector<7680x32xf32> to vector<512x32xf32>
    %slice3A_1830 = vector.extract_strided_slice %get3A_5 {offsets = [1, 0, 0], sizes = [1, 32, 8], strides = [1, 1, 1]} : vector<8x32x8xf32> to vector<1x32x8xf32>
    %squeeze3A_1831 = vector.shape_cast %slice3A_1830 : vector<1x32x8xf32> to vector<32x8xf32>
    %dot_general3A_1832 = arith.constant dense<0.000000e+00> : vector<512x8xf32>
    %dot_general3A_1833 = tpu.matmul %slice3A_1829, %squeeze3A_1831, %dot_general3A_1832 {dimension_numbers = #tpu.dot_dimension_numbers<[1], [0], [0], [1], [0, 0, 1, 1], [], []>, transpose_lhs_hint = false} : vector<512x32xf32>, vector<32x8xf32>, vector<512x8xf32> -> vector<512x8xf32>
    %add3A_1834 = arith.addf %add3A_1828, %dot_general3A_1833 : vector<512x8xf32>
    %slice3A_1835 = vector.extract_strided_slice %add3A_1820 {offsets = [1024, 0], sizes = [512, 32], strides = [1, 1]} : vector<7680x32xf32> to vector<512x32xf32>
    %slice3A_1836 = vector.extract_strided_slice %get3A_5 {offsets = [2, 0, 0], sizes = [1, 32, 8], strides = [1, 1, 1]} : vector<8x32x8xf32> to vector<1x32x8xf32>
    %squeeze3A_1837 = vector.shape_cast %slice3A_1836 : vector<1x32x8xf32> to vector<32x8xf32>
    %dot_general3A_1838 = arith.constant dense<0.000000e+00> : vector<512x8xf32>
    %dot_general3A_1839 = tpu.matmul %slice3A_1835, %squeeze3A_1837, %dot_general3A_1838 {dimension_numbers = #tpu.dot_dimension_numbers<[1], [0], [0], [1], [0, 0, 1, 1], [], []>, transpose_lhs_hint = false} : vector<512x32xf32>, vector<32x8xf32>, vector<512x8xf32> -> vector<512x8xf32>
    %add3A_1840 = arith.addf %add3A_1834, %dot_general3A_1839 : vector<512x8xf32>
    %slice3A_1841 = vector.extract_strided_slice %add3A_1820 {offsets = [1536, 0], sizes = [512, 32], strides = [1, 1]} : vector<7680x32xf32> to vector<512x32xf32>
    %slice3A_1842 = vector.extract_strided_slice %get3A_5 {offsets = [3, 0, 0], sizes = [1, 32, 8], strides = [1, 1, 1]} : vector<8x32x8xf32> to vector<1x32x8xf32>
    %squeeze3A_1843 = vector.shape_cast %slice3A_1842 : vector<1x32x8xf32> to vector<32x8xf32>
    %dot_general3A_1844 = arith.constant dense<0.000000e+00> : vector<512x8xf32>
    %dot_general3A_1845 = tpu.matmul %slice3A_1841, %squeeze3A_1843, %dot_general3A_1844 {dimension_numbers = #tpu.dot_dimension_numbers<[1], [0], [0], [1], [0, 0, 1, 1], [], []>, transpose_lhs_hint = false} : vector<512x32xf32>, vector<32x8xf32>, vector<512x8xf32> -> vector<512x8xf32>
    %add3A_1846 = arith.addf %add3A_1840, %dot_general3A_1845 : vector<512x8xf32>
    %slice3A_1847 = vector.extract_strided_slice %add3A_1820 {offsets = [2048, 0], sizes = [512, 32], strides = [1, 1]} : vector<7680x32xf32> to vector<512x32xf32>
    %slice3A_1848 = vector.extract_strided_slice %get3A_5 {offsets = [4, 0, 0], sizes = [1, 32, 8], strides = [1, 1, 1]} : vector<8x32x8xf32> to vector<1x32x8xf32>
    %squeeze3A_1849 = vector.shape_cast %slice3A_1848 : vector<1x32x8xf32> to vector<32x8xf32>
    %dot_general3A_1850 = arith.constant dense<0.000000e+00> : vector<512x8xf32>
    %dot_general3A_1851 = tpu.matmul %slice3A_1847, %squeeze3A_1849, %dot_general3A_1850 {dimension_numbers = #tpu.dot_dimension_numbers<[1], [0], [0], [1], [0, 0, 1, 1], [], []>, transpose_lhs_hint = false} : vector<512x32xf32>, vector<32x8xf32>, vector<512x8xf32> -> vector<512x8xf32>
    %add3A_1852 = arith.addf %add3A_1846, %dot_general3A_1851 : vector<512x8xf32>
    %slice3A_1853 = vector.extract_strided_slice %add3A_1820 {offsets = [2560, 0], sizes = [512, 32], strides = [1, 1]} : vector<7680x32xf32> to vector<512x32xf32>
    %slice3A_1854 = vector.extract_strided_slice %get3A_5 {offsets = [5, 0, 0], sizes = [1, 32, 8], strides = [1, 1, 1]} : vector<8x32x8xf32> to vector<1x32x8xf32>
    %squeeze3A_1855 = vector.shape_cast %slice3A_1854 : vector<1x32x8xf32> to vector<32x8xf32>
    %dot_general3A_1856 = arith.constant dense<0.000000e+00> : vector<512x8xf32>
    %dot_general3A_1857 = tpu.matmul %slice3A_1853, %squeeze3A_1855, %dot_general3A_1856 {dimension_numbers = #tpu.dot_dimension_numbers<[1], [0], [0], [1], [0, 0, 1, 1], [], []>, transpose_lhs_hint = false} : vector<512x32xf32>, vector<32x8xf32>, vector<512x8xf32> -> vector<512x8xf32>
    %add3A_1858 = arith.addf %add3A_1852, %dot_general3A_1857 : vector<512x8xf32>
    %slice3A_1859 = vector.extract_strided_slice %add3A_1820 {offsets = [3072, 0], sizes = [512, 32], strides = [1, 1]} : vector<7680x32xf32> to vector<512x32xf32>
    %slice3A_1860 = vector.extract_strided_slice %get3A_5 {offsets = [6, 0, 0], sizes = [1, 32, 8], strides = [1, 1, 1]} : vector<8x32x8xf32> to vector<1x32x8xf32>
    %squeeze3A_1861 = vector.shape_cast %slice3A_1860 : vector<1x32x8xf32> to vector<32x8xf32>
    %dot_general3A_1862 = arith.constant dense<0.000000e+00> : vector<512x8xf32>
    %dot_general3A_1863 = tpu.matmul %slice3A_1859, %squeeze3A_1861, %dot_general3A_1862 {dimension_numbers = #tpu.dot_dimension_numbers<[1], [0], [0], [1], [0, 0, 1, 1], [], []>, transpose_lhs_hint = false} : vector<512x32xf32>, vector<32x8xf32>, vector<512x8xf32> -> vector<512x8xf32>
    %add3A_1864 = arith.addf %add3A_1858, %dot_general3A_1863 : vector<512x8xf32>
    %slice3A_1865 = vector.extract_strided_slice %add3A_1820 {offsets = [3584, 0], sizes = [512, 32], strides = [1, 1]} : vector<7680x32xf32> to vector<512x32xf32>
    %slice3A_1866 = vector.extract_strided_slice %get3A_5 {offsets = [7, 0, 0], sizes = [1, 32, 8], strides = [1, 1, 1]} : vector<8x32x8xf32> to vector<1x32x8xf32>
    %squeeze3A_1867 = vector.shape_cast %slice3A_1866 : vector<1x32x8xf32> to vector<32x8xf32>
    %dot_general3A_1868 = arith.constant dense<0.000000e+00> : vector<512x8xf32>
    %dot_general3A_1869 = tpu.matmul %slice3A_1865, %squeeze3A_1867, %dot_general3A_1868 {dimension_numbers = #tpu.dot_dimension_numbers<[1], [0], [0], [1], [0, 0, 1, 1], [], []>, transpose_lhs_hint = false} : vector<512x32xf32>, vector<32x8xf32>, vector<512x8xf32> -> vector<512x8xf32>
    %add3A_1870 = arith.addf %add3A_1864, %dot_general3A_1869 : vector<512x8xf32>
    %broadcast_in_dim3A_1871 = arith.constant 0.000000e+00 : f32
    %broadcast_in_dim3A_1872 = vector.broadcast %broadcast_in_dim3A_1871 : f32 to vector<512x8xf32>
    %slice3A_1873 = vector.extract_strided_slice %add3A_1820 {offsets = [2048, 0], sizes = [512, 32], strides = [1, 1]} : vector<7680x32xf32> to vector<512x32xf32>
    %slice3A_1874 = vector.extract_strided_slice %get3A_5 {offsets = [0, 0, 0], sizes = [1, 32, 8], strides = [1, 1, 1]} : vector<8x32x8xf32> to vector<1x32x8xf32>
    %squeeze3A_1875 = vector.shape_cast %slice3A_1874 : vector<1x32x8xf32> to vector<32x8xf32>
    %dot_general3A_1876 = arith.constant dense<0.000000e+00> : vector<512x8xf32>
    %dot_general3A_1877 = tpu.matmul %slice3A_1873, %squeeze3A_1875, %dot_general3A_1876 {dimension_numbers = #tpu.dot_dimension_numbers<[1], [0], [0], [1], [0, 0, 1, 1], [], []>, transpose_lhs_hint = false} : vector<512x32xf32>, vector<32x8xf32>, vector<512x8xf32> -> vector<512x8xf32>
    %add3A_1878 = arith.addf %broadcast_in_dim3A_1872, %dot_general3A_1877 : vector<512x8xf32>
    %slice3A_1879 = vector.extract_strided_slice %add3A_1820 {offsets = [2560, 0], sizes = [512, 32], strides = [1, 1]} : vector<7680x32xf32> to vector<512x32xf32>
    %slice3A_1880 = vector.extract_strided_slice %get3A_5 {offsets = [1, 0, 0], sizes = [1, 32, 8], strides = [1, 1, 1]} : vector<8x32x8xf32> to vector<1x32x8xf32>
    %squeeze3A_1881 = vector.shape_cast %slice3A_1880 : vector<1x32x8xf32> to vector<32x8xf32>
    %dot_general3A_1882 = arith.constant dense<0.000000e+00> : vector<512x8xf32>
    %dot_general3A_1883 = tpu.matmul %slice3A_1879, %squeeze3A_1881, %dot_general3A_1882 {dimension_numbers = #tpu.dot_dimension_numbers<[1], [0], [0], [1], [0, 0, 1, 1], [], []>, transpose_lhs_hint = false} : vector<512x32xf32>, vector<32x8xf32>, vector<512x8xf32> -> vector<512x8xf32>
    %add3A_1884 = arith.addf %add3A_1878, %dot_general3A_1883 : vector<512x8xf32>
    %slice3A_1885 = vector.extract_strided_slice %add3A_1820 {offsets = [3072, 0], sizes = [512, 32], strides = [1, 1]} : vector<7680x32xf32> to vector<512x32xf32>
    %slice3A_1886 = vector.extract_strided_slice %get3A_5 {offsets = [2, 0, 0], sizes = [1, 32, 8], strides = [1, 1, 1]} : vector<8x32x8xf32> to vector<1x32x8xf32>
    %squeeze3A_1887 = vector.shape_cast %slice3A_1886 : vector<1x32x8xf32> to vector<32x8xf32>
    %dot_general3A_1888 = arith.constant dense<0.000000e+00> : vector<512x8xf32>
    %dot_general3A_1889 = tpu.matmul %slice3A_1885, %squeeze3A_1887, %dot_general3A_1888 {dimension_numbers = #tpu.dot_dimension_numbers<[1], [0], [0], [1], [0, 0, 1, 1], [], []>, transpose_lhs_hint = false} : vector<512x32xf32>, vector<32x8xf32>, vector<512x8xf32> -> vector<512x8xf32>
    %add3A_1890 = arith.addf %add3A_1884, %dot_general3A_1889 : vector<512x8xf32>
    %slice3A_1891 = vector.extract_strided_slice %add3A_1820 {offsets = [3584, 0], sizes = [512, 32], strides = [1, 1]} : vector<7680x32xf32> to vector<512x32xf32>
    %slice3A_1892 = vector.extract_strided_slice %get3A_5 {offsets = [3, 0, 0], sizes = [1, 32, 8], strides = [1, 1, 1]} : vector<8x32x8xf32> to vector<1x32x8xf32>
    %squeeze3A_1893 = vector.shape_cast %slice3A_1892 : vector<1x32x8xf32> to vector<32x8xf32>
    %dot_general3A_1894 = arith.constant dense<0.000000e+00> : vector<512x8xf32>
    %dot_general3A_1895 = tpu.matmul %slice3A_1891, %squeeze3A_1893, %dot_general3A_1894 {dimension_numbers = #tpu.dot_dimension_numbers<[1], [0], [0], [1], [0, 0, 1, 1], [], []>, transpose_lhs_hint = false} : vector<512x32xf32>, vector<32x8xf32>, vector<512x8xf32> -> vector<512x8xf32>
    %add3A_1896 = arith.addf %add3A_1890, %dot_general3A_1895 : vector<512x8xf32>
    %slice3A_1897 = vector.extract_strided_slice %add3A_1820 {offsets = [4096, 0], sizes = [512, 32], strides = [1, 1]} : vector<7680x32xf32> to vector<512x32xf32>
    %slice3A_1898 = vector.extract_strided_slice %get3A_5 {offsets = [4, 0, 0], sizes = [1, 32, 8], strides = [1, 1, 1]} : vector<8x32x8xf32> to vector<1x32x8xf32>
    %squeeze3A_1899 = vector.shape_cast %slice3A_1898 : vector<1x32x8xf32> to vector<32x8xf32>
    %dot_general3A_1900 = arith.constant dense<0.000000e+00> : vector<512x8xf32>
    %dot_general3A_1901 = tpu.matmul %slice3A_1897, %squeeze3A_1899, %dot_general3A_1900 {dimension_numbers = #tpu.dot_dimension_numbers<[1], [0], [0], [1], [0, 0, 1, 1], [], []>, transpose_lhs_hint = false} : vector<512x32xf32>, vector<32x8xf32>, vector<512x8xf32> -> vector<512x8xf32>
    %add3A_1902 = arith.addf %add3A_1896, %dot_general3A_1901 : vector<512x8xf32>
    %slice3A_1903 = vector.extract_strided_slice %add3A_1820 {offsets = [4608, 0], sizes = [512, 32], strides = [1, 1]} : vector<7680x32xf32> to vector<512x32xf32>
    %slice3A_1904 = vector.extract_strided_slice %get3A_5 {offsets = [5, 0, 0], sizes = [1, 32, 8], strides = [1, 1, 1]} : vector<8x32x8xf32> to vector<1x32x8xf32>
    %squeeze3A_1905 = vector.shape_cast %slice3A_1904 : vector<1x32x8xf32> to vector<32x8xf32>
    %dot_general3A_1906 = arith.constant dense<0.000000e+00> : vector<512x8xf32>
    %dot_general3A_1907 = tpu.matmul %slice3A_1903, %squeeze3A_1905, %dot_general3A_1906 {dimension_numbers = #tpu.dot_dimension_numbers<[1], [0], [0], [1], [0, 0, 1, 1], [], []>, transpose_lhs_hint = false} : vector<512x32xf32>, vector<32x8xf32>, vector<512x8xf32> -> vector<512x8xf32>
    %add3A_1908 = arith.addf %add3A_1902, %dot_general3A_1907 : vector<512x8xf32>
    %slice3A_1909 = vector.extract_strided_slice %add3A_1820 {offsets = [5120, 0], sizes = [512, 32], strides = [1, 1]} : vector<7680x32xf32> to vector<512x32xf32>
    %slice3A_1910 = vector.extract_strided_slice %get3A_5 {offsets = [6, 0, 0], sizes = [1, 32, 8], strides = [1, 1, 1]} : vector<8x32x8xf32> to vector<1x32x8xf32>
    %squeeze3A_1911 = vector.shape_cast %slice3A_1910 : vector<1x32x8xf32> to vector<32x8xf32>
    %dot_general3A_1912 = arith.constant dense<0.000000e+00> : vector<512x8xf32>
    %dot_general3A_1913 = tpu.matmul %slice3A_1909, %squeeze3A_1911, %dot_general3A_1912 {dimension_numbers = #tpu.dot_dimension_numbers<[1], [0], [0], [1], [0, 0, 1, 1], [], []>, transpose_lhs_hint = false} : vector<512x32xf32>, vector<32x8xf32>, vector<512x8xf32> -> vector<512x8xf32>
    %add3A_1914 = arith.addf %add3A_1908, %dot_general3A_1913 : vector<512x8xf32>
    %slice3A_1915 = vector.extract_strided_slice %add3A_1820 {offsets = [5632, 0], sizes = [512, 32], strides = [1, 1]} : vector<7680x32xf32> to vector<512x32xf32>
    %slice3A_1916 = vector.extract_strided_slice %get3A_5 {offsets = [7, 0, 0], sizes = [1, 32, 8], strides = [1, 1, 1]} : vector<8x32x8xf32> to vector<1x32x8xf32>
    %squeeze3A_1917 = vector.shape_cast %slice3A_1916 : vector<1x32x8xf32> to vector<32x8xf32>
    %dot_general3A_1918 = arith.constant dense<0.000000e+00> : vector<512x8xf32>
    %dot_general3A_1919 = tpu.matmul %slice3A_1915, %squeeze3A_1917, %dot_general3A_1918 {dimension_numbers = #tpu.dot_dimension_numbers<[1], [0], [0], [1], [0, 0, 1, 1], [], []>, transpose_lhs_hint = false} : vector<512x32xf32>, vector<32x8xf32>, vector<512x8xf32> -> vector<512x8xf32>
    %add3A_1920 = arith.addf %add3A_1914, %dot_general3A_1919 : vector<512x8xf32>
    %concatenate3A_1921 = tpu.concatenate %add3A_1870, %add3A_1920 in 0 : vector<512x8xf32>, vector<512x8xf32> -> vector<1024x8xf32>
    %get3A_1922 = arith.constant 0 : index
    %get3A_1923 = arith.constant 0 : index
    %get3A_1924 = vector.load %arg6[%get3A_1922, %get3A_1923] : memref<1x8xf32, #tpu.memory_space<vmem>>, vector<1x8xf32>
    %add3A_1925 = vector.broadcast %get3A_1924 : vector<1x8xf32> to vector<1024x8xf32>
    %add3A_1926 = arith.addf %concatenate3A_1921, %add3A_1925 : vector<1024x8xf32>
    %max3A_1927 = arith.constant 0.000000e+00 : f32
    %max3A_1928 = vector.broadcast %max3A_1927 : f32 to vector<1024x8xf32>
    %max3A_1929 = arith.maximumf %add3A_1926, %max3A_1928 : vector<1024x8xf32>
    %reduce_sum3A_1930 = arith.constant dense<0.000000e+00> : vector<8xf32>
    %reduce_sum3A_1931 = vector.multi_reduction <add>, %max3A_1929, %reduce_sum3A_1930 [0] : vector<1024x8xf32> to vector<8xf32>
    %broadcast_in_dim3A_1932 = vector.shape_cast %reduce_sum3A_1931 : vector<8xf32> to vector<1x8xf32>
    %div3A_1933 = arith.constant 1.024000e+03 : f32
    %div3A_1934 = vector.broadcast %div3A_1933 : f32 to vector<1x8xf32>
    %div3A_1935 = arith.divf %broadcast_in_dim3A_1932, %div3A_1934 : vector<1x8xf32>
    %sub3A_1936 = vector.broadcast %div3A_1935 : vector<1x8xf32> to vector<1024x8xf32>
    %sub3A_1937 = arith.subf %max3A_1929, %sub3A_1936 : vector<1024x8xf32>
    %sub3A_1938 = vector.broadcast %div3A_1935 : vector<1x8xf32> to vector<1024x8xf32>
    %sub3A_1939 = arith.subf %max3A_1929, %sub3A_1938 : vector<1024x8xf32>
    %mul3A_1940 = arith.mulf %sub3A_1937, %sub3A_1939 : vector<1024x8xf32>
    %reduce_sum3A_1941 = arith.constant dense<0.000000e+00> : vector<8xf32>
    %reduce_sum3A_1942 = vector.multi_reduction <add>, %mul3A_1940, %reduce_sum3A_1941 [0] : vector<1024x8xf32> to vector<8xf32>
    %broadcast_in_dim3A_1943 = vector.shape_cast %reduce_sum3A_1942 : vector<8xf32> to vector<1x8xf32>
    %div3A_1944 = arith.constant 1.024000e+03 : f32
    %div3A_1945 = vector.broadcast %div3A_1944 : f32 to vector<1x8xf32>
    %div3A_1946 = arith.divf %broadcast_in_dim3A_1943, %div3A_1945 : vector<1x8xf32>
    %sub3A_1947 = vector.broadcast %div3A_1935 : vector<1x8xf32> to vector<1024x8xf32>
    %sub3A_1948 = arith.subf %max3A_1929, %sub3A_1947 : vector<1024x8xf32>
    %add3A_1949 = arith.constant 9.99999974E-6 : f32
    %add3A_1950 = vector.broadcast %add3A_1949 : f32 to vector<1x8xf32>
    %add3A_1951 = arith.addf %div3A_1946, %add3A_1950 : vector<1x8xf32>
    %rsqrt3A_1952 = math.rsqrt %add3A_1951 : vector<1x8xf32>
    %mul3A_1953 = vector.broadcast %rsqrt3A_1952 : vector<1x8xf32> to vector<1024x8xf32>
    %mul3A_1954 = arith.mulf %sub3A_1948, %mul3A_1953 : vector<1024x8xf32>
    %get3A_1955 = arith.constant 0 : index
    %get3A_1956 = arith.constant 0 : index
    %get3A_1957 = vector.load %arg7[%get3A_1955, %get3A_1956] : memref<1x8xf32, #tpu.memory_space<vmem>>, vector<1x8xf32>
    %mul3A_1958 = vector.broadcast %get3A_1957 : vector<1x8xf32> to vector<1024x8xf32>
    %mul3A_1959 = arith.mulf %mul3A_1954, %mul3A_1958 : vector<1024x8xf32>
    %get3A_1960 = arith.constant 0 : index
    %get3A_1961 = arith.constant 0 : index
    %get3A_1962 = vector.load %arg8[%get3A_1960, %get3A_1961] : memref<1x8xf32, #tpu.memory_space<vmem>>, vector<1x8xf32>
    %add3A_1963 = vector.broadcast %get3A_1962 : vector<1x8xf32> to vector<1024x8xf32>
    %add3A_1964 = arith.addf %mul3A_1959, %add3A_1963 : vector<1024x8xf32>
    %slice3A_1965 = vector.extract_strided_slice %add3A_1964 {offsets = [0, 0], sizes = [512, 8], strides = [1, 1]} : vector<1024x8xf32> to vector<512x8xf32>
    %dot_general3A_1966 = arith.constant dense<0.000000e+00> : vector<512x16xf32>
    %dot_general3A_1967 = tpu.matmul %slice3A_1965, %convert_element_type3A_9, %dot_general3A_1966 {dimension_numbers = #tpu.dot_dimension_numbers<[1], [0], [0], [1], [0, 0, 1, 1], [], []>, transpose_lhs_hint = false} : vector<512x8xf32>, vector<8x16xf32>, vector<512x16xf32> -> vector<512x16xf32>
    %slice3A_1968 = vector.extract_strided_slice %add3A_1964 {offsets = [512, 0], sizes = [512, 8], strides = [1, 1]} : vector<1024x8xf32> to vector<512x8xf32>
    %dot_general3A_1969 = arith.constant dense<0.000000e+00> : vector<512x16xf32>
    %dot_general3A_1970 = tpu.matmul %slice3A_1968, %convert_element_type3A_17, %dot_general3A_1969 {dimension_numbers = #tpu.dot_dimension_numbers<[1], [0], [0], [1], [0, 0, 1, 1], [], []>, transpose_lhs_hint = false} : vector<512x8xf32>, vector<8x16xf32>, vector<512x16xf32> -> vector<512x16xf32>
    %add3A_1971 = arith.addf %dot_general3A_1967, %dot_general3A_1970 : vector<512x16xf32>
    %swap3A_1972 = arith.constant 0 : index
    %swap3A_1973 = arith.constant 112 : index
    %swap3A_1974 = vector.load %arg9[%swap3A_1972, %swap3A_1973] : memref<512x128xf32, #tpu.memory_space<vmem>>, vector<512x16xf32>
    tpu.vector_store %arg9[%swap3A_1972, %swap3A_1973], %add3A_1971 {strides = array<i32>} : memref<512x128xf32, #tpu.memory_space<vmem>>, vector<512x16xf32>,
    return
  }
}

module attributes {stable_mosaic.version = 14 : i64} {
  func.func @_gru_body(%arg0: memref<512x128xf32, #tpu.memory_space<vmem>>, %arg1: memref<512x512xf32, #tpu.memory_space<vmem>>, %arg2: memref<512x512xf32, #tpu.memory_space<vmem>>, %arg3: memref<32x16xf32, #tpu.memory_space<vmem>>, %arg4: memref<32x16xf32, #tpu.memory_space<vmem>>, %arg5: memref<32x16xf32, #tpu.memory_space<vmem>>, %arg6: memref<1x16xf32, #tpu.memory_space<vmem>>, %arg7: memref<32x16xf32, #tpu.memory_space<vmem>>, %arg8: memref<32x16xf32, #tpu.memory_space<vmem>>, %arg9: memref<32x16xf32, #tpu.memory_space<vmem>>, %arg10: memref<1x16xf32, #tpu.memory_space<vmem>>, %arg11: memref<32x16xf32, #tpu.memory_space<vmem>>, %arg12: memref<32x16xf32, #tpu.memory_space<vmem>>, %arg13: memref<32x16xf32, #tpu.memory_space<vmem>>, %arg14: memref<1x16xf32, #tpu.memory_space<vmem>>, %arg15: memref<512x16xf32, #tpu.memory_space<vmem>>) attributes {dimension_semantics = [], scalar_prefetch = 0 : i64, scratch_operands = 0 : i64, tpu.core_type = #tpu.core_type<tc>} {
    %get3A = arith.constant 0 : index
    %get3A_0 = arith.constant 0 : index
    %get3A_1 = vector.load %arg1[%get3A, %get3A_0] : memref<512x512xf32, #tpu.memory_space<vmem>>, vector<512x512xf32>
    %get3A_2 = arith.constant 0 : index
    %get3A_3 = arith.constant 0 : index
    %get3A_4 = vector.load %arg2[%get3A_2, %get3A_3] : memref<512x512xf32, #tpu.memory_space<vmem>>, vector<512x512xf32>
    %reduce_sum3A = arith.constant dense<0.000000e+00> : vector<512xf32>
    %reduce_sum3A_5 = vector.multi_reduction <add>, %get3A_1, %reduce_sum3A [0] : vector<512x512xf32> to vector<512xf32>
    %broadcast_in_dim3A = vector.shape_cast %reduce_sum3A_5 : vector<512xf32> to vector<1x512xf32>
    %reduce_sum3A_6 = arith.constant dense<0.000000e+00> : vector<512xf32>
    %reduce_sum3A_7 = vector.multi_reduction <add>, %get3A_1, %reduce_sum3A_6 [1] : vector<512x512xf32> to vector<512xf32>
    %broadcast_in_dim3A_8 = vector.shape_cast %reduce_sum3A_7 : vector<512xf32> to vector<512x1xf32>
    %gt3A = arith.constant 0.000000e+00 : f32
    %gt3A_9 = vector.broadcast %gt3A : f32 to vector<1x512xf32>
    %gt3A_10 = arith.cmpf ogt, %broadcast_in_dim3A, %gt3A_9 : vector<1x512xf32>
    %div3A = arith.constant 1.000000e+00 : f32
    %div3A_11 = vector.broadcast %div3A : f32 to vector<1x512xf32>
    %div3A_12 = arith.divf %div3A_11, %broadcast_in_dim3A : vector<1x512xf32>
    %jit3A = arith.constant 0.000000e+00 : f32
    %broadcast_in_dim3A_13 = vector.broadcast %jit3A : f32 to vector<1x512xf32>
    %select_n3A = arith.select %gt3A_10, %div3A_12, %broadcast_in_dim3A_13 : vector<1x512xi1>, vector<1x512xf32>
    %gt3A_14 = arith.constant 0.000000e+00 : f32
    %gt3A_15 = vector.broadcast %gt3A_14 : f32 to vector<512x1xf32>
    %gt3A_16 = arith.cmpf ogt, %broadcast_in_dim3A_8, %gt3A_15 : vector<512x1xf32>
    %div3A_17 = arith.constant 1.000000e+00 : f32
    %div3A_18 = vector.broadcast %div3A_17 : f32 to vector<512x1xf32>
    %div3A_19 = arith.divf %div3A_18, %broadcast_in_dim3A_8 : vector<512x1xf32>
    %jit3A_20 = arith.constant 0.000000e+00 : f32
    %broadcast_in_dim3A_21 = vector.broadcast %jit3A_20 : f32 to vector<512x1xf32>
    %select_n3A_22 = arith.select %gt3A_16, %div3A_19, %broadcast_in_dim3A_21 : vector<512x1xi1>, vector<512x1xf32>
    %mul3A = vector.broadcast %select_n3A : vector<1x512xf32> to vector<512x512xf32>
    %mul3A_23 = arith.mulf %get3A_1, %mul3A : vector<512x512xf32>
    %mul3A_24 = vector.broadcast %select_n3A_22 : vector<512x1xf32> to vector<512x512xf32>
    %mul3A_25 = arith.mulf %get3A_4, %mul3A_24 : vector<512x512xf32>
    %broadcast_in_dim3A_26 = arith.constant 0.000000e+00 : f32
    %broadcast_in_dim3A_27 = vector.broadcast %broadcast_in_dim3A_26 : f32 to vector<512x16xf32>
    %get3A_28 = arith.constant 0 : index
    %get3A_29 = arith.constant 0 : index
    %get3A_30 = vector.load %arg0[%get3A_28, %get3A_29] : memref<512x128xf32, #tpu.memory_space<vmem>>, vector<512x16xf32>
    %concatenate3A = tpu.concatenate %get3A_30, %broadcast_in_dim3A_27 in 1 : vector<512x16xf32>, vector<512x16xf32> -> vector<512x32xf32>
    %get3A_31 = arith.constant 0 : index
    %get3A_32 = arith.constant 0 : index
    %get3A_33 = vector.load %arg3[%get3A_31, %get3A_32] : memref<32x16xf32, #tpu.memory_space<vmem>>, vector<32x16xf32>
    %get3A_34 = arith.constant 0 : index
    %get3A_35 = arith.constant 0 : index
    %get3A_36 = vector.load %arg4[%get3A_34, %get3A_35] : memref<32x16xf32, #tpu.memory_space<vmem>>, vector<32x16xf32>
    %get3A_37 = arith.constant 0 : index
    %get3A_38 = arith.constant 0 : index
    %get3A_39 = vector.load %arg5[%get3A_37, %get3A_38] : memref<32x16xf32, #tpu.memory_space<vmem>>, vector<32x16xf32>
    %get3A_40 = arith.constant 0 : index
    %get3A_41 = arith.constant 0 : index
    %get3A_42 = vector.load %arg6[%get3A_40, %get3A_41] : memref<1x16xf32, #tpu.memory_space<vmem>>, vector<1x16xf32>
    %dot_general3A = arith.constant dense<0.000000e+00> : vector<512x32xf32>
    %dot_general3A_43 = tpu.matmul %mul3A_23, %concatenate3A, %dot_general3A {dimension_numbers = #tpu.dot_dimension_numbers<[1], [0], [0], [1], [0, 0, 1, 1], [], []>, transpose_lhs_hint = false} : vector<512x512xf32>, vector<512x32xf32>, vector<512x32xf32> -> vector<512x32xf32>
    %dot_general3A_44 = arith.constant dense<0.000000e+00> : vector<512x32xf32>
    %dot_general3A_45 = tpu.matmul %mul3A_25, %concatenate3A, %dot_general3A_44 {dimension_numbers = #tpu.dot_dimension_numbers<[1], [0], [0], [1], [0, 0, 1, 1], [], []>, transpose_lhs_hint = false} : vector<512x512xf32>, vector<512x32xf32>, vector<512x32xf32> -> vector<512x32xf32>
    %dot_general3A_46 = arith.constant dense<0.000000e+00> : vector<512x16xf32>
    %dot_general3A_47 = tpu.matmul %concatenate3A, %get3A_33, %dot_general3A_46 {dimension_numbers = #tpu.dot_dimension_numbers<[1], [0], [0], [1], [0, 0, 1, 1], [], []>, transpose_lhs_hint = false} : vector<512x32xf32>, vector<32x16xf32>, vector<512x16xf32> -> vector<512x16xf32>
    %dot_general3A_48 = arith.constant dense<0.000000e+00> : vector<512x16xf32>
    %dot_general3A_49 = tpu.matmul %dot_general3A_43, %get3A_36, %dot_general3A_48 {dimension_numbers = #tpu.dot_dimension_numbers<[1], [0], [0], [1], [0, 0, 1, 1], [], []>, transpose_lhs_hint = false} : vector<512x32xf32>, vector<32x16xf32>, vector<512x16xf32> -> vector<512x16xf32>
    %add3A = arith.addf %dot_general3A_47, %dot_general3A_49 : vector<512x16xf32>
    %dot_general3A_50 = arith.constant dense<0.000000e+00> : vector<512x16xf32>
    %dot_general3A_51 = tpu.matmul %dot_general3A_45, %get3A_39, %dot_general3A_50 {dimension_numbers = #tpu.dot_dimension_numbers<[1], [0], [0], [1], [0, 0, 1, 1], [], []>, transpose_lhs_hint = false} : vector<512x32xf32>, vector<32x16xf32>, vector<512x16xf32> -> vector<512x16xf32>
    %add3A_52 = arith.addf %add3A, %dot_general3A_51 : vector<512x16xf32>
    %add3A_53 = vector.broadcast %get3A_42 : vector<1x16xf32> to vector<512x16xf32>
    %add3A_54 = arith.addf %add3A_52, %add3A_53 : vector<512x16xf32>
    %neg3A = arith.constant 0.000000e+00 : f32
    %neg3A_55 = vector.broadcast %neg3A : f32 to vector<512x16xf32>
    %neg3A_56 = arith.subf %neg3A_55, %add3A_54 : vector<512x16xf32>
    %exp3A = math.exp %neg3A_56 : vector<512x16xf32>
    %add3A_57 = arith.constant 1.000000e+00 : f32
    %add3A_58 = vector.broadcast %add3A_57 : f32 to vector<512x16xf32>
    %add3A_59 = arith.addf %add3A_58, %exp3A : vector<512x16xf32>
    %div3A_60 = arith.constant 1.000000e+00 : f32
    %div3A_61 = vector.broadcast %div3A_60 : f32 to vector<512x16xf32>
    %div3A_62 = arith.divf %div3A_61, %add3A_59 : vector<512x16xf32>
    %get3A_63 = arith.constant 0 : index
    %get3A_64 = arith.constant 0 : index
    %get3A_65 = vector.load %arg7[%get3A_63, %get3A_64] : memref<32x16xf32, #tpu.memory_space<vmem>>, vector<32x16xf32>
    %get3A_66 = arith.constant 0 : index
    %get3A_67 = arith.constant 0 : index
    %get3A_68 = vector.load %arg8[%get3A_66, %get3A_67] : memref<32x16xf32, #tpu.memory_space<vmem>>, vector<32x16xf32>
    %get3A_69 = arith.constant 0 : index
    %get3A_70 = arith.constant 0 : index
    %get3A_71 = vector.load %arg9[%get3A_69, %get3A_70] : memref<32x16xf32, #tpu.memory_space<vmem>>, vector<32x16xf32>
    %get3A_72 = arith.constant 0 : index
    %get3A_73 = arith.constant 0 : index
    %get3A_74 = vector.load %arg10[%get3A_72, %get3A_73] : memref<1x16xf32, #tpu.memory_space<vmem>>, vector<1x16xf32>
    %dot_general3A_75 = arith.constant dense<0.000000e+00> : vector<512x32xf32>
    %dot_general3A_76 = tpu.matmul %mul3A_23, %concatenate3A, %dot_general3A_75 {dimension_numbers = #tpu.dot_dimension_numbers<[1], [0], [0], [1], [0, 0, 1, 1], [], []>, transpose_lhs_hint = false} : vector<512x512xf32>, vector<512x32xf32>, vector<512x32xf32> -> vector<512x32xf32>
    %dot_general3A_77 = arith.constant dense<0.000000e+00> : vector<512x32xf32>
    %dot_general3A_78 = tpu.matmul %mul3A_25, %concatenate3A, %dot_general3A_77 {dimension_numbers = #tpu.dot_dimension_numbers<[1], [0], [0], [1], [0, 0, 1, 1], [], []>, transpose_lhs_hint = false} : vector<512x512xf32>, vector<512x32xf32>, vector<512x32xf32> -> vector<512x32xf32>
    %dot_general3A_79 = arith.constant dense<0.000000e+00> : vector<512x16xf32>
    %dot_general3A_80 = tpu.matmul %concatenate3A, %get3A_65, %dot_general3A_79 {dimension_numbers = #tpu.dot_dimension_numbers<[1], [0], [0], [1], [0, 0, 1, 1], [], []>, transpose_lhs_hint = false} : vector<512x32xf32>, vector<32x16xf32>, vector<512x16xf32> -> vector<512x16xf32>
    %dot_general3A_81 = arith.constant dense<0.000000e+00> : vector<512x16xf32>
    %dot_general3A_82 = tpu.matmul %dot_general3A_76, %get3A_68, %dot_general3A_81 {dimension_numbers = #tpu.dot_dimension_numbers<[1], [0], [0], [1], [0, 0, 1, 1], [], []>, transpose_lhs_hint = false} : vector<512x32xf32>, vector<32x16xf32>, vector<512x16xf32> -> vector<512x16xf32>
    %add3A_83 = arith.addf %dot_general3A_80, %dot_general3A_82 : vector<512x16xf32>
    %dot_general3A_84 = arith.constant dense<0.000000e+00> : vector<512x16xf32>
    %dot_general3A_85 = tpu.matmul %dot_general3A_78, %get3A_71, %dot_general3A_84 {dimension_numbers = #tpu.dot_dimension_numbers<[1], [0], [0], [1], [0, 0, 1, 1], [], []>, transpose_lhs_hint = false} : vector<512x32xf32>, vector<32x16xf32>, vector<512x16xf32> -> vector<512x16xf32>
    %add3A_86 = arith.addf %add3A_83, %dot_general3A_85 : vector<512x16xf32>
    %add3A_87 = vector.broadcast %get3A_74 : vector<1x16xf32> to vector<512x16xf32>
    %add3A_88 = arith.addf %add3A_86, %add3A_87 : vector<512x16xf32>
    %neg3A_89 = arith.constant 0.000000e+00 : f32
    %neg3A_90 = vector.broadcast %neg3A_89 : f32 to vector<512x16xf32>
    %neg3A_91 = arith.subf %neg3A_90, %add3A_88 : vector<512x16xf32>
    %exp3A_92 = math.exp %neg3A_91 : vector<512x16xf32>
    %add3A_93 = arith.constant 1.000000e+00 : f32
    %add3A_94 = vector.broadcast %add3A_93 : f32 to vector<512x16xf32>
    %add3A_95 = arith.addf %add3A_94, %exp3A_92 : vector<512x16xf32>
    %div3A_96 = arith.constant 1.000000e+00 : f32
    %div3A_97 = vector.broadcast %div3A_96 : f32 to vector<512x16xf32>
    %div3A_98 = arith.divf %div3A_97, %add3A_95 : vector<512x16xf32>
    %mul3A_99 = arith.mulf %div3A_98, %broadcast_in_dim3A_27 : vector<512x16xf32>
    %concatenate3A_100 = tpu.concatenate %get3A_30, %mul3A_99 in 1 : vector<512x16xf32>, vector<512x16xf32> -> vector<512x32xf32>
    %get3A_101 = arith.constant 0 : index
    %get3A_102 = arith.constant 0 : index
    %get3A_103 = vector.load %arg11[%get3A_101, %get3A_102] : memref<32x16xf32, #tpu.memory_space<vmem>>, vector<32x16xf32>
    %get3A_104 = arith.constant 0 : index
    %get3A_105 = arith.constant 0 : index
    %get3A_106 = vector.load %arg12[%get3A_104, %get3A_105] : memref<32x16xf32, #tpu.memory_space<vmem>>, vector<32x16xf32>
    %get3A_107 = arith.constant 0 : index
    %get3A_108 = arith.constant 0 : index
    %get3A_109 = vector.load %arg13[%get3A_107, %get3A_108] : memref<32x16xf32, #tpu.memory_space<vmem>>, vector<32x16xf32>
    %get3A_110 = arith.constant 0 : index
    %get3A_111 = arith.constant 0 : index
    %get3A_112 = vector.load %arg14[%get3A_110, %get3A_111] : memref<1x16xf32, #tpu.memory_space<vmem>>, vector<1x16xf32>
    %dot_general3A_113 = arith.constant dense<0.000000e+00> : vector<512x32xf32>
    %dot_general3A_114 = tpu.matmul %mul3A_23, %concatenate3A_100, %dot_general3A_113 {dimension_numbers = #tpu.dot_dimension_numbers<[1], [0], [0], [1], [0, 0, 1, 1], [], []>, transpose_lhs_hint = false} : vector<512x512xf32>, vector<512x32xf32>, vector<512x32xf32> -> vector<512x32xf32>
    %dot_general3A_115 = arith.constant dense<0.000000e+00> : vector<512x32xf32>
    %dot_general3A_116 = tpu.matmul %mul3A_25, %concatenate3A_100, %dot_general3A_115 {dimension_numbers = #tpu.dot_dimension_numbers<[1], [0], [0], [1], [0, 0, 1, 1], [], []>, transpose_lhs_hint = false} : vector<512x512xf32>, vector<512x32xf32>, vector<512x32xf32> -> vector<512x32xf32>
    %dot_general3A_117 = arith.constant dense<0.000000e+00> : vector<512x16xf32>
    %dot_general3A_118 = tpu.matmul %concatenate3A_100, %get3A_103, %dot_general3A_117 {dimension_numbers = #tpu.dot_dimension_numbers<[1], [0], [0], [1], [0, 0, 1, 1], [], []>, transpose_lhs_hint = false} : vector<512x32xf32>, vector<32x16xf32>, vector<512x16xf32> -> vector<512x16xf32>
    %dot_general3A_119 = arith.constant dense<0.000000e+00> : vector<512x16xf32>
    %dot_general3A_120 = tpu.matmul %dot_general3A_114, %get3A_106, %dot_general3A_119 {dimension_numbers = #tpu.dot_dimension_numbers<[1], [0], [0], [1], [0, 0, 1, 1], [], []>, transpose_lhs_hint = false} : vector<512x32xf32>, vector<32x16xf32>, vector<512x16xf32> -> vector<512x16xf32>
    %add3A_121 = arith.addf %dot_general3A_118, %dot_general3A_120 : vector<512x16xf32>
    %dot_general3A_122 = arith.constant dense<0.000000e+00> : vector<512x16xf32>
    %dot_general3A_123 = tpu.matmul %dot_general3A_116, %get3A_109, %dot_general3A_122 {dimension_numbers = #tpu.dot_dimension_numbers<[1], [0], [0], [1], [0, 0, 1, 1], [], []>, transpose_lhs_hint = false} : vector<512x32xf32>, vector<32x16xf32>, vector<512x16xf32> -> vector<512x16xf32>
    %add3A_124 = arith.addf %add3A_121, %dot_general3A_123 : vector<512x16xf32>
    %add3A_125 = vector.broadcast %get3A_112 : vector<1x16xf32> to vector<512x16xf32>
    %add3A_126 = arith.addf %add3A_124, %add3A_125 : vector<512x16xf32>
    %tanh3A = math.tanh %add3A_126 : vector<512x16xf32>
    %mul3A_127 = arith.mulf %div3A_62, %broadcast_in_dim3A_27 : vector<512x16xf32>
    %sub3A = arith.constant 1.000000e+00 : f32
    %sub3A_128 = vector.broadcast %sub3A : f32 to vector<512x16xf32>
    %sub3A_129 = arith.subf %sub3A_128, %div3A_62 : vector<512x16xf32>
    %mul3A_130 = arith.mulf %sub3A_129, %tanh3A : vector<512x16xf32>
    %add3A_131 = arith.addf %mul3A_127, %mul3A_130 : vector<512x16xf32>
    %max3A = arith.constant 0.000000e+00 : f32
    %max3A_132 = vector.broadcast %max3A : f32 to vector<512x16xf32>
    %max3A_133 = arith.maximumf %add3A_131, %max3A_132 : vector<512x16xf32>
    %get3A_134 = arith.constant 0 : index
    %get3A_135 = arith.constant 16 : index
    %get3A_136 = vector.load %arg0[%get3A_134, %get3A_135] : memref<512x128xf32, #tpu.memory_space<vmem>>, vector<512x16xf32>
    %concatenate3A_137 = tpu.concatenate %get3A_136, %max3A_133 in 1 : vector<512x16xf32>, vector<512x16xf32> -> vector<512x32xf32>
    %get3A_138 = arith.constant 0 : index
    %get3A_139 = arith.constant 0 : index
    %get3A_140 = vector.load %arg3[%get3A_138, %get3A_139] : memref<32x16xf32, #tpu.memory_space<vmem>>, vector<32x16xf32>
    %get3A_141 = arith.constant 0 : index
    %get3A_142 = arith.constant 0 : index
    %get3A_143 = vector.load %arg4[%get3A_141, %get3A_142] : memref<32x16xf32, #tpu.memory_space<vmem>>, vector<32x16xf32>
    %get3A_144 = arith.constant 0 : index
    %get3A_145 = arith.constant 0 : index
    %get3A_146 = vector.load %arg5[%get3A_144, %get3A_145] : memref<32x16xf32, #tpu.memory_space<vmem>>, vector<32x16xf32>
    %get3A_147 = arith.constant 0 : index
    %get3A_148 = arith.constant 0 : index
    %get3A_149 = vector.load %arg6[%get3A_147, %get3A_148] : memref<1x16xf32, #tpu.memory_space<vmem>>, vector<1x16xf32>
    %dot_general3A_150 = arith.constant dense<0.000000e+00> : vector<512x32xf32>
    %dot_general3A_151 = tpu.matmul %mul3A_23, %concatenate3A_137, %dot_general3A_150 {dimension_numbers = #tpu.dot_dimension_numbers<[1], [0], [0], [1], [0, 0, 1, 1], [], []>, transpose_lhs_hint = false} : vector<512x512xf32>, vector<512x32xf32>, vector<512x32xf32> -> vector<512x32xf32>
    %dot_general3A_152 = arith.constant dense<0.000000e+00> : vector<512x32xf32>
    %dot_general3A_153 = tpu.matmul %mul3A_25, %concatenate3A_137, %dot_general3A_152 {dimension_numbers = #tpu.dot_dimension_numbers<[1], [0], [0], [1], [0, 0, 1, 1], [], []>, transpose_lhs_hint = false} : vector<512x512xf32>, vector<512x32xf32>, vector<512x32xf32> -> vector<512x32xf32>
    %dot_general3A_154 = arith.constant dense<0.000000e+00> : vector<512x16xf32>
    %dot_general3A_155 = tpu.matmul %concatenate3A_137, %get3A_140, %dot_general3A_154 {dimension_numbers = #tpu.dot_dimension_numbers<[1], [0], [0], [1], [0, 0, 1, 1], [], []>, transpose_lhs_hint = false} : vector<512x32xf32>, vector<32x16xf32>, vector<512x16xf32> -> vector<512x16xf32>
    %dot_general3A_156 = arith.constant dense<0.000000e+00> : vector<512x16xf32>
    %dot_general3A_157 = tpu.matmul %dot_general3A_151, %get3A_143, %dot_general3A_156 {dimension_numbers = #tpu.dot_dimension_numbers<[1], [0], [0], [1], [0, 0, 1, 1], [], []>, transpose_lhs_hint = false} : vector<512x32xf32>, vector<32x16xf32>, vector<512x16xf32> -> vector<512x16xf32>
    %add3A_158 = arith.addf %dot_general3A_155, %dot_general3A_157 : vector<512x16xf32>
    %dot_general3A_159 = arith.constant dense<0.000000e+00> : vector<512x16xf32>
    %dot_general3A_160 = tpu.matmul %dot_general3A_153, %get3A_146, %dot_general3A_159 {dimension_numbers = #tpu.dot_dimension_numbers<[1], [0], [0], [1], [0, 0, 1, 1], [], []>, transpose_lhs_hint = false} : vector<512x32xf32>, vector<32x16xf32>, vector<512x16xf32> -> vector<512x16xf32>
    %add3A_161 = arith.addf %add3A_158, %dot_general3A_160 : vector<512x16xf32>
    %add3A_162 = vector.broadcast %get3A_149 : vector<1x16xf32> to vector<512x16xf32>
    %add3A_163 = arith.addf %add3A_161, %add3A_162 : vector<512x16xf32>
    %neg3A_164 = arith.constant 0.000000e+00 : f32
    %neg3A_165 = vector.broadcast %neg3A_164 : f32 to vector<512x16xf32>
    %neg3A_166 = arith.subf %neg3A_165, %add3A_163 : vector<512x16xf32>
    %exp3A_167 = math.exp %neg3A_166 : vector<512x16xf32>
    %add3A_168 = arith.constant 1.000000e+00 : f32
    %add3A_169 = vector.broadcast %add3A_168 : f32 to vector<512x16xf32>
    %add3A_170 = arith.addf %add3A_169, %exp3A_167 : vector<512x16xf32>
    %div3A_171 = arith.constant 1.000000e+00 : f32
    %div3A_172 = vector.broadcast %div3A_171 : f32 to vector<512x16xf32>
    %div3A_173 = arith.divf %div3A_172, %add3A_170 : vector<512x16xf32>
    %get3A_174 = arith.constant 0 : index
    %get3A_175 = arith.constant 0 : index
    %get3A_176 = vector.load %arg7[%get3A_174, %get3A_175] : memref<32x16xf32, #tpu.memory_space<vmem>>, vector<32x16xf32>
    %get3A_177 = arith.constant 0 : index
    %get3A_178 = arith.constant 0 : index
    %get3A_179 = vector.load %arg8[%get3A_177, %get3A_178] : memref<32x16xf32, #tpu.memory_space<vmem>>, vector<32x16xf32>
    %get3A_180 = arith.constant 0 : index
    %get3A_181 = arith.constant 0 : index
    %get3A_182 = vector.load %arg9[%get3A_180, %get3A_181] : memref<32x16xf32, #tpu.memory_space<vmem>>, vector<32x16xf32>
    %get3A_183 = arith.constant 0 : index
    %get3A_184 = arith.constant 0 : index
    %get3A_185 = vector.load %arg10[%get3A_183, %get3A_184] : memref<1x16xf32, #tpu.memory_space<vmem>>, vector<1x16xf32>
    %dot_general3A_186 = arith.constant dense<0.000000e+00> : vector<512x32xf32>
    %dot_general3A_187 = tpu.matmul %mul3A_23, %concatenate3A_137, %dot_general3A_186 {dimension_numbers = #tpu.dot_dimension_numbers<[1], [0], [0], [1], [0, 0, 1, 1], [], []>, transpose_lhs_hint = false} : vector<512x512xf32>, vector<512x32xf32>, vector<512x32xf32> -> vector<512x32xf32>
    %dot_general3A_188 = arith.constant dense<0.000000e+00> : vector<512x32xf32>
    %dot_general3A_189 = tpu.matmul %mul3A_25, %concatenate3A_137, %dot_general3A_188 {dimension_numbers = #tpu.dot_dimension_numbers<[1], [0], [0], [1], [0, 0, 1, 1], [], []>, transpose_lhs_hint = false} : vector<512x512xf32>, vector<512x32xf32>, vector<512x32xf32> -> vector<512x32xf32>
    %dot_general3A_190 = arith.constant dense<0.000000e+00> : vector<512x16xf32>
    %dot_general3A_191 = tpu.matmul %concatenate3A_137, %get3A_176, %dot_general3A_190 {dimension_numbers = #tpu.dot_dimension_numbers<[1], [0], [0], [1], [0, 0, 1, 1], [], []>, transpose_lhs_hint = false} : vector<512x32xf32>, vector<32x16xf32>, vector<512x16xf32> -> vector<512x16xf32>
    %dot_general3A_192 = arith.constant dense<0.000000e+00> : vector<512x16xf32>
    %dot_general3A_193 = tpu.matmul %dot_general3A_187, %get3A_179, %dot_general3A_192 {dimension_numbers = #tpu.dot_dimension_numbers<[1], [0], [0], [1], [0, 0, 1, 1], [], []>, transpose_lhs_hint = false} : vector<512x32xf32>, vector<32x16xf32>, vector<512x16xf32> -> vector<512x16xf32>
    %add3A_194 = arith.addf %dot_general3A_191, %dot_general3A_193 : vector<512x16xf32>
    %dot_general3A_195 = arith.constant dense<0.000000e+00> : vector<512x16xf32>
    %dot_general3A_196 = tpu.matmul %dot_general3A_189, %get3A_182, %dot_general3A_195 {dimension_numbers = #tpu.dot_dimension_numbers<[1], [0], [0], [1], [0, 0, 1, 1], [], []>, transpose_lhs_hint = false} : vector<512x32xf32>, vector<32x16xf32>, vector<512x16xf32> -> vector<512x16xf32>
    %add3A_197 = arith.addf %add3A_194, %dot_general3A_196 : vector<512x16xf32>
    %add3A_198 = vector.broadcast %get3A_185 : vector<1x16xf32> to vector<512x16xf32>
    %add3A_199 = arith.addf %add3A_197, %add3A_198 : vector<512x16xf32>
    %neg3A_200 = arith.constant 0.000000e+00 : f32
    %neg3A_201 = vector.broadcast %neg3A_200 : f32 to vector<512x16xf32>
    %neg3A_202 = arith.subf %neg3A_201, %add3A_199 : vector<512x16xf32>
    %exp3A_203 = math.exp %neg3A_202 : vector<512x16xf32>
    %add3A_204 = arith.constant 1.000000e+00 : f32
    %add3A_205 = vector.broadcast %add3A_204 : f32 to vector<512x16xf32>
    %add3A_206 = arith.addf %add3A_205, %exp3A_203 : vector<512x16xf32>
    %div3A_207 = arith.constant 1.000000e+00 : f32
    %div3A_208 = vector.broadcast %div3A_207 : f32 to vector<512x16xf32>
    %div3A_209 = arith.divf %div3A_208, %add3A_206 : vector<512x16xf32>
    %mul3A_210 = arith.mulf %div3A_209, %max3A_133 : vector<512x16xf32>
    %concatenate3A_211 = tpu.concatenate %get3A_136, %mul3A_210 in 1 : vector<512x16xf32>, vector<512x16xf32> -> vector<512x32xf32>
    %get3A_212 = arith.constant 0 : index
    %get3A_213 = arith.constant 0 : index
    %get3A_214 = vector.load %arg11[%get3A_212, %get3A_213] : memref<32x16xf32, #tpu.memory_space<vmem>>, vector<32x16xf32>
    %get3A_215 = arith.constant 0 : index
    %get3A_216 = arith.constant 0 : index
    %get3A_217 = vector.load %arg12[%get3A_215, %get3A_216] : memref<32x16xf32, #tpu.memory_space<vmem>>, vector<32x16xf32>
    %get3A_218 = arith.constant 0 : index
    %get3A_219 = arith.constant 0 : index
    %get3A_220 = vector.load %arg13[%get3A_218, %get3A_219] : memref<32x16xf32, #tpu.memory_space<vmem>>, vector<32x16xf32>
    %get3A_221 = arith.constant 0 : index
    %get3A_222 = arith.constant 0 : index
    %get3A_223 = vector.load %arg14[%get3A_221, %get3A_222] : memref<1x16xf32, #tpu.memory_space<vmem>>, vector<1x16xf32>
    %dot_general3A_224 = arith.constant dense<0.000000e+00> : vector<512x32xf32>
    %dot_general3A_225 = tpu.matmul %mul3A_23, %concatenate3A_211, %dot_general3A_224 {dimension_numbers = #tpu.dot_dimension_numbers<[1], [0], [0], [1], [0, 0, 1, 1], [], []>, transpose_lhs_hint = false} : vector<512x512xf32>, vector<512x32xf32>, vector<512x32xf32> -> vector<512x32xf32>
    %dot_general3A_226 = arith.constant dense<0.000000e+00> : vector<512x32xf32>
    %dot_general3A_227 = tpu.matmul %mul3A_25, %concatenate3A_211, %dot_general3A_226 {dimension_numbers = #tpu.dot_dimension_numbers<[1], [0], [0], [1], [0, 0, 1, 1], [], []>, transpose_lhs_hint = false} : vector<512x512xf32>, vector<512x32xf32>, vector<512x32xf32> -> vector<512x32xf32>
    %dot_general3A_228 = arith.constant dense<0.000000e+00> : vector<512x16xf32>
    %dot_general3A_229 = tpu.matmul %concatenate3A_211, %get3A_214, %dot_general3A_228 {dimension_numbers = #tpu.dot_dimension_numbers<[1], [0], [0], [1], [0, 0, 1, 1], [], []>, transpose_lhs_hint = false} : vector<512x32xf32>, vector<32x16xf32>, vector<512x16xf32> -> vector<512x16xf32>
    %dot_general3A_230 = arith.constant dense<0.000000e+00> : vector<512x16xf32>
    %dot_general3A_231 = tpu.matmul %dot_general3A_225, %get3A_217, %dot_general3A_230 {dimension_numbers = #tpu.dot_dimension_numbers<[1], [0], [0], [1], [0, 0, 1, 1], [], []>, transpose_lhs_hint = false} : vector<512x32xf32>, vector<32x16xf32>, vector<512x16xf32> -> vector<512x16xf32>
    %add3A_232 = arith.addf %dot_general3A_229, %dot_general3A_231 : vector<512x16xf32>
    %dot_general3A_233 = arith.constant dense<0.000000e+00> : vector<512x16xf32>
    %dot_general3A_234 = tpu.matmul %dot_general3A_227, %get3A_220, %dot_general3A_233 {dimension_numbers = #tpu.dot_dimension_numbers<[1], [0], [0], [1], [0, 0, 1, 1], [], []>, transpose_lhs_hint = false} : vector<512x32xf32>, vector<32x16xf32>, vector<512x16xf32> -> vector<512x16xf32>
    %add3A_235 = arith.addf %add3A_232, %dot_general3A_234 : vector<512x16xf32>
    %add3A_236 = vector.broadcast %get3A_223 : vector<1x16xf32> to vector<512x16xf32>
    %add3A_237 = arith.addf %add3A_235, %add3A_236 : vector<512x16xf32>
    %tanh3A_238 = math.tanh %add3A_237 : vector<512x16xf32>
    %mul3A_239 = arith.mulf %div3A_173, %max3A_133 : vector<512x16xf32>
    %sub3A_240 = arith.constant 1.000000e+00 : f32
    %sub3A_241 = vector.broadcast %sub3A_240 : f32 to vector<512x16xf32>
    %sub3A_242 = arith.subf %sub3A_241, %div3A_173 : vector<512x16xf32>
    %mul3A_243 = arith.mulf %sub3A_242, %tanh3A_238 : vector<512x16xf32>
    %add3A_244 = arith.addf %mul3A_239, %mul3A_243 : vector<512x16xf32>
    %max3A_245 = arith.constant 0.000000e+00 : f32
    %max3A_246 = vector.broadcast %max3A_245 : f32 to vector<512x16xf32>
    %max3A_247 = arith.maximumf %add3A_244, %max3A_246 : vector<512x16xf32>
    %get3A_248 = arith.constant 0 : index
    %get3A_249 = arith.constant 32 : index
    %get3A_250 = vector.load %arg0[%get3A_248, %get3A_249] : memref<512x128xf32, #tpu.memory_space<vmem>>, vector<512x16xf32>
    %concatenate3A_251 = tpu.concatenate %get3A_250, %max3A_247 in 1 : vector<512x16xf32>, vector<512x16xf32> -> vector<512x32xf32>
    %get3A_252 = arith.constant 0 : index
    %get3A_253 = arith.constant 0 : index
    %get3A_254 = vector.load %arg3[%get3A_252, %get3A_253] : memref<32x16xf32, #tpu.memory_space<vmem>>, vector<32x16xf32>
    %get3A_255 = arith.constant 0 : index
    %get3A_256 = arith.constant 0 : index
    %get3A_257 = vector.load %arg4[%get3A_255, %get3A_256] : memref<32x16xf32, #tpu.memory_space<vmem>>, vector<32x16xf32>
    %get3A_258 = arith.constant 0 : index
    %get3A_259 = arith.constant 0 : index
    %get3A_260 = vector.load %arg5[%get3A_258, %get3A_259] : memref<32x16xf32, #tpu.memory_space<vmem>>, vector<32x16xf32>
    %get3A_261 = arith.constant 0 : index
    %get3A_262 = arith.constant 0 : index
    %get3A_263 = vector.load %arg6[%get3A_261, %get3A_262] : memref<1x16xf32, #tpu.memory_space<vmem>>, vector<1x16xf32>
    %dot_general3A_264 = arith.constant dense<0.000000e+00> : vector<512x32xf32>
    %dot_general3A_265 = tpu.matmul %mul3A_23, %concatenate3A_251, %dot_general3A_264 {dimension_numbers = #tpu.dot_dimension_numbers<[1], [0], [0], [1], [0, 0, 1, 1], [], []>, transpose_lhs_hint = false} : vector<512x512xf32>, vector<512x32xf32>, vector<512x32xf32> -> vector<512x32xf32>
    %dot_general3A_266 = arith.constant dense<0.000000e+00> : vector<512x32xf32>
    %dot_general3A_267 = tpu.matmul %mul3A_25, %concatenate3A_251, %dot_general3A_266 {dimension_numbers = #tpu.dot_dimension_numbers<[1], [0], [0], [1], [0, 0, 1, 1], [], []>, transpose_lhs_hint = false} : vector<512x512xf32>, vector<512x32xf32>, vector<512x32xf32> -> vector<512x32xf32>
    %dot_general3A_268 = arith.constant dense<0.000000e+00> : vector<512x16xf32>
    %dot_general3A_269 = tpu.matmul %concatenate3A_251, %get3A_254, %dot_general3A_268 {dimension_numbers = #tpu.dot_dimension_numbers<[1], [0], [0], [1], [0, 0, 1, 1], [], []>, transpose_lhs_hint = false} : vector<512x32xf32>, vector<32x16xf32>, vector<512x16xf32> -> vector<512x16xf32>
    %dot_general3A_270 = arith.constant dense<0.000000e+00> : vector<512x16xf32>
    %dot_general3A_271 = tpu.matmul %dot_general3A_265, %get3A_257, %dot_general3A_270 {dimension_numbers = #tpu.dot_dimension_numbers<[1], [0], [0], [1], [0, 0, 1, 1], [], []>, transpose_lhs_hint = false} : vector<512x32xf32>, vector<32x16xf32>, vector<512x16xf32> -> vector<512x16xf32>
    %add3A_272 = arith.addf %dot_general3A_269, %dot_general3A_271 : vector<512x16xf32>
    %dot_general3A_273 = arith.constant dense<0.000000e+00> : vector<512x16xf32>
    %dot_general3A_274 = tpu.matmul %dot_general3A_267, %get3A_260, %dot_general3A_273 {dimension_numbers = #tpu.dot_dimension_numbers<[1], [0], [0], [1], [0, 0, 1, 1], [], []>, transpose_lhs_hint = false} : vector<512x32xf32>, vector<32x16xf32>, vector<512x16xf32> -> vector<512x16xf32>
    %add3A_275 = arith.addf %add3A_272, %dot_general3A_274 : vector<512x16xf32>
    %add3A_276 = vector.broadcast %get3A_263 : vector<1x16xf32> to vector<512x16xf32>
    %add3A_277 = arith.addf %add3A_275, %add3A_276 : vector<512x16xf32>
    %neg3A_278 = arith.constant 0.000000e+00 : f32
    %neg3A_279 = vector.broadcast %neg3A_278 : f32 to vector<512x16xf32>
    %neg3A_280 = arith.subf %neg3A_279, %add3A_277 : vector<512x16xf32>
    %exp3A_281 = math.exp %neg3A_280 : vector<512x16xf32>
    %add3A_282 = arith.constant 1.000000e+00 : f32
    %add3A_283 = vector.broadcast %add3A_282 : f32 to vector<512x16xf32>
    %add3A_284 = arith.addf %add3A_283, %exp3A_281 : vector<512x16xf32>
    %div3A_285 = arith.constant 1.000000e+00 : f32
    %div3A_286 = vector.broadcast %div3A_285 : f32 to vector<512x16xf32>
    %div3A_287 = arith.divf %div3A_286, %add3A_284 : vector<512x16xf32>
    %get3A_288 = arith.constant 0 : index
    %get3A_289 = arith.constant 0 : index
    %get3A_290 = vector.load %arg7[%get3A_288, %get3A_289] : memref<32x16xf32, #tpu.memory_space<vmem>>, vector<32x16xf32>
    %get3A_291 = arith.constant 0 : index
    %get3A_292 = arith.constant 0 : index
    %get3A_293 = vector.load %arg8[%get3A_291, %get3A_292] : memref<32x16xf32, #tpu.memory_space<vmem>>, vector<32x16xf32>
    %get3A_294 = arith.constant 0 : index
    %get3A_295 = arith.constant 0 : index
    %get3A_296 = vector.load %arg9[%get3A_294, %get3A_295] : memref<32x16xf32, #tpu.memory_space<vmem>>, vector<32x16xf32>
    %get3A_297 = arith.constant 0 : index
    %get3A_298 = arith.constant 0 : index
    %get3A_299 = vector.load %arg10[%get3A_297, %get3A_298] : memref<1x16xf32, #tpu.memory_space<vmem>>, vector<1x16xf32>
    %dot_general3A_300 = arith.constant dense<0.000000e+00> : vector<512x32xf32>
    %dot_general3A_301 = tpu.matmul %mul3A_23, %concatenate3A_251, %dot_general3A_300 {dimension_numbers = #tpu.dot_dimension_numbers<[1], [0], [0], [1], [0, 0, 1, 1], [], []>, transpose_lhs_hint = false} : vector<512x512xf32>, vector<512x32xf32>, vector<512x32xf32> -> vector<512x32xf32>
    %dot_general3A_302 = arith.constant dense<0.000000e+00> : vector<512x32xf32>
    %dot_general3A_303 = tpu.matmul %mul3A_25, %concatenate3A_251, %dot_general3A_302 {dimension_numbers = #tpu.dot_dimension_numbers<[1], [0], [0], [1], [0, 0, 1, 1], [], []>, transpose_lhs_hint = false} : vector<512x512xf32>, vector<512x32xf32>, vector<512x32xf32> -> vector<512x32xf32>
    %dot_general3A_304 = arith.constant dense<0.000000e+00> : vector<512x16xf32>
    %dot_general3A_305 = tpu.matmul %concatenate3A_251, %get3A_290, %dot_general3A_304 {dimension_numbers = #tpu.dot_dimension_numbers<[1], [0], [0], [1], [0, 0, 1, 1], [], []>, transpose_lhs_hint = false} : vector<512x32xf32>, vector<32x16xf32>, vector<512x16xf32> -> vector<512x16xf32>
    %dot_general3A_306 = arith.constant dense<0.000000e+00> : vector<512x16xf32>
    %dot_general3A_307 = tpu.matmul %dot_general3A_301, %get3A_293, %dot_general3A_306 {dimension_numbers = #tpu.dot_dimension_numbers<[1], [0], [0], [1], [0, 0, 1, 1], [], []>, transpose_lhs_hint = false} : vector<512x32xf32>, vector<32x16xf32>, vector<512x16xf32> -> vector<512x16xf32>
    %add3A_308 = arith.addf %dot_general3A_305, %dot_general3A_307 : vector<512x16xf32>
    %dot_general3A_309 = arith.constant dense<0.000000e+00> : vector<512x16xf32>
    %dot_general3A_310 = tpu.matmul %dot_general3A_303, %get3A_296, %dot_general3A_309 {dimension_numbers = #tpu.dot_dimension_numbers<[1], [0], [0], [1], [0, 0, 1, 1], [], []>, transpose_lhs_hint = false} : vector<512x32xf32>, vector<32x16xf32>, vector<512x16xf32> -> vector<512x16xf32>
    %add3A_311 = arith.addf %add3A_308, %dot_general3A_310 : vector<512x16xf32>
    %add3A_312 = vector.broadcast %get3A_299 : vector<1x16xf32> to vector<512x16xf32>
    %add3A_313 = arith.addf %add3A_311, %add3A_312 : vector<512x16xf32>
    %neg3A_314 = arith.constant 0.000000e+00 : f32
    %neg3A_315 = vector.broadcast %neg3A_314 : f32 to vector<512x16xf32>
    %neg3A_316 = arith.subf %neg3A_315, %add3A_313 : vector<512x16xf32>
    %exp3A_317 = math.exp %neg3A_316 : vector<512x16xf32>
    %add3A_318 = arith.constant 1.000000e+00 : f32
    %add3A_319 = vector.broadcast %add3A_318 : f32 to vector<512x16xf32>
    %add3A_320 = arith.addf %add3A_319, %exp3A_317 : vector<512x16xf32>
    %div3A_321 = arith.constant 1.000000e+00 : f32
    %div3A_322 = vector.broadcast %div3A_321 : f32 to vector<512x16xf32>
    %div3A_323 = arith.divf %div3A_322, %add3A_320 : vector<512x16xf32>
    %mul3A_324 = arith.mulf %div3A_323, %max3A_247 : vector<512x16xf32>
    %concatenate3A_325 = tpu.concatenate %get3A_250, %mul3A_324 in 1 : vector<512x16xf32>, vector<512x16xf32> -> vector<512x32xf32>
    %get3A_326 = arith.constant 0 : index
    %get3A_327 = arith.constant 0 : index
    %get3A_328 = vector.load %arg11[%get3A_326, %get3A_327] : memref<32x16xf32, #tpu.memory_space<vmem>>, vector<32x16xf32>
    %get3A_329 = arith.constant 0 : index
    %get3A_330 = arith.constant 0 : index
    %get3A_331 = vector.load %arg12[%get3A_329, %get3A_330] : memref<32x16xf32, #tpu.memory_space<vmem>>, vector<32x16xf32>
    %get3A_332 = arith.constant 0 : index
    %get3A_333 = arith.constant 0 : index
    %get3A_334 = vector.load %arg13[%get3A_332, %get3A_333] : memref<32x16xf32, #tpu.memory_space<vmem>>, vector<32x16xf32>
    %get3A_335 = arith.constant 0 : index
    %get3A_336 = arith.constant 0 : index
    %get3A_337 = vector.load %arg14[%get3A_335, %get3A_336] : memref<1x16xf32, #tpu.memory_space<vmem>>, vector<1x16xf32>
    %dot_general3A_338 = arith.constant dense<0.000000e+00> : vector<512x32xf32>
    %dot_general3A_339 = tpu.matmul %mul3A_23, %concatenate3A_325, %dot_general3A_338 {dimension_numbers = #tpu.dot_dimension_numbers<[1], [0], [0], [1], [0, 0, 1, 1], [], []>, transpose_lhs_hint = false} : vector<512x512xf32>, vector<512x32xf32>, vector<512x32xf32> -> vector<512x32xf32>
    %dot_general3A_340 = arith.constant dense<0.000000e+00> : vector<512x32xf32>
    %dot_general3A_341 = tpu.matmul %mul3A_25, %concatenate3A_325, %dot_general3A_340 {dimension_numbers = #tpu.dot_dimension_numbers<[1], [0], [0], [1], [0, 0, 1, 1], [], []>, transpose_lhs_hint = false} : vector<512x512xf32>, vector<512x32xf32>, vector<512x32xf32> -> vector<512x32xf32>
    %dot_general3A_342 = arith.constant dense<0.000000e+00> : vector<512x16xf32>
    %dot_general3A_343 = tpu.matmul %concatenate3A_325, %get3A_328, %dot_general3A_342 {dimension_numbers = #tpu.dot_dimension_numbers<[1], [0], [0], [1], [0, 0, 1, 1], [], []>, transpose_lhs_hint = false} : vector<512x32xf32>, vector<32x16xf32>, vector<512x16xf32> -> vector<512x16xf32>
    %dot_general3A_344 = arith.constant dense<0.000000e+00> : vector<512x16xf32>
    %dot_general3A_345 = tpu.matmul %dot_general3A_339, %get3A_331, %dot_general3A_344 {dimension_numbers = #tpu.dot_dimension_numbers<[1], [0], [0], [1], [0, 0, 1, 1], [], []>, transpose_lhs_hint = false} : vector<512x32xf32>, vector<32x16xf32>, vector<512x16xf32> -> vector<512x16xf32>
    %add3A_346 = arith.addf %dot_general3A_343, %dot_general3A_345 : vector<512x16xf32>
    %dot_general3A_347 = arith.constant dense<0.000000e+00> : vector<512x16xf32>
    %dot_general3A_348 = tpu.matmul %dot_general3A_341, %get3A_334, %dot_general3A_347 {dimension_numbers = #tpu.dot_dimension_numbers<[1], [0], [0], [1], [0, 0, 1, 1], [], []>, transpose_lhs_hint = false} : vector<512x32xf32>, vector<32x16xf32>, vector<512x16xf32> -> vector<512x16xf32>
    %add3A_349 = arith.addf %add3A_346, %dot_general3A_348 : vector<512x16xf32>
    %add3A_350 = vector.broadcast %get3A_337 : vector<1x16xf32> to vector<512x16xf32>
    %add3A_351 = arith.addf %add3A_349, %add3A_350 : vector<512x16xf32>
    %tanh3A_352 = math.tanh %add3A_351 : vector<512x16xf32>
    %mul3A_353 = arith.mulf %div3A_287, %max3A_247 : vector<512x16xf32>
    %sub3A_354 = arith.constant 1.000000e+00 : f32
    %sub3A_355 = vector.broadcast %sub3A_354 : f32 to vector<512x16xf32>
    %sub3A_356 = arith.subf %sub3A_355, %div3A_287 : vector<512x16xf32>
    %mul3A_357 = arith.mulf %sub3A_356, %tanh3A_352 : vector<512x16xf32>
    %add3A_358 = arith.addf %mul3A_353, %mul3A_357 : vector<512x16xf32>
    %max3A_359 = arith.constant 0.000000e+00 : f32
    %max3A_360 = vector.broadcast %max3A_359 : f32 to vector<512x16xf32>
    %max3A_361 = arith.maximumf %add3A_358, %max3A_360 : vector<512x16xf32>
    %get3A_362 = arith.constant 0 : index
    %get3A_363 = arith.constant 48 : index
    %get3A_364 = vector.load %arg0[%get3A_362, %get3A_363] : memref<512x128xf32, #tpu.memory_space<vmem>>, vector<512x16xf32>
    %concatenate3A_365 = tpu.concatenate %get3A_364, %max3A_361 in 1 : vector<512x16xf32>, vector<512x16xf32> -> vector<512x32xf32>
    %get3A_366 = arith.constant 0 : index
    %get3A_367 = arith.constant 0 : index
    %get3A_368 = vector.load %arg3[%get3A_366, %get3A_367] : memref<32x16xf32, #tpu.memory_space<vmem>>, vector<32x16xf32>
    %get3A_369 = arith.constant 0 : index
    %get3A_370 = arith.constant 0 : index
    %get3A_371 = vector.load %arg4[%get3A_369, %get3A_370] : memref<32x16xf32, #tpu.memory_space<vmem>>, vector<32x16xf32>
    %get3A_372 = arith.constant 0 : index
    %get3A_373 = arith.constant 0 : index
    %get3A_374 = vector.load %arg5[%get3A_372, %get3A_373] : memref<32x16xf32, #tpu.memory_space<vmem>>, vector<32x16xf32>
    %get3A_375 = arith.constant 0 : index
    %get3A_376 = arith.constant 0 : index
    %get3A_377 = vector.load %arg6[%get3A_375, %get3A_376] : memref<1x16xf32, #tpu.memory_space<vmem>>, vector<1x16xf32>
    %dot_general3A_378 = arith.constant dense<0.000000e+00> : vector<512x32xf32>
    %dot_general3A_379 = tpu.matmul %mul3A_23, %concatenate3A_365, %dot_general3A_378 {dimension_numbers = #tpu.dot_dimension_numbers<[1], [0], [0], [1], [0, 0, 1, 1], [], []>, transpose_lhs_hint = false} : vector<512x512xf32>, vector<512x32xf32>, vector<512x32xf32> -> vector<512x32xf32>
    %dot_general3A_380 = arith.constant dense<0.000000e+00> : vector<512x32xf32>
    %dot_general3A_381 = tpu.matmul %mul3A_25, %concatenate3A_365, %dot_general3A_380 {dimension_numbers = #tpu.dot_dimension_numbers<[1], [0], [0], [1], [0, 0, 1, 1], [], []>, transpose_lhs_hint = false} : vector<512x512xf32>, vector<512x32xf32>, vector<512x32xf32> -> vector<512x32xf32>
    %dot_general3A_382 = arith.constant dense<0.000000e+00> : vector<512x16xf32>
    %dot_general3A_383 = tpu.matmul %concatenate3A_365, %get3A_368, %dot_general3A_382 {dimension_numbers = #tpu.dot_dimension_numbers<[1], [0], [0], [1], [0, 0, 1, 1], [], []>, transpose_lhs_hint = false} : vector<512x32xf32>, vector<32x16xf32>, vector<512x16xf32> -> vector<512x16xf32>
    %dot_general3A_384 = arith.constant dense<0.000000e+00> : vector<512x16xf32>
    %dot_general3A_385 = tpu.matmul %dot_general3A_379, %get3A_371, %dot_general3A_384 {dimension_numbers = #tpu.dot_dimension_numbers<[1], [0], [0], [1], [0, 0, 1, 1], [], []>, transpose_lhs_hint = false} : vector<512x32xf32>, vector<32x16xf32>, vector<512x16xf32> -> vector<512x16xf32>
    %add3A_386 = arith.addf %dot_general3A_383, %dot_general3A_385 : vector<512x16xf32>
    %dot_general3A_387 = arith.constant dense<0.000000e+00> : vector<512x16xf32>
    %dot_general3A_388 = tpu.matmul %dot_general3A_381, %get3A_374, %dot_general3A_387 {dimension_numbers = #tpu.dot_dimension_numbers<[1], [0], [0], [1], [0, 0, 1, 1], [], []>, transpose_lhs_hint = false} : vector<512x32xf32>, vector<32x16xf32>, vector<512x16xf32> -> vector<512x16xf32>
    %add3A_389 = arith.addf %add3A_386, %dot_general3A_388 : vector<512x16xf32>
    %add3A_390 = vector.broadcast %get3A_377 : vector<1x16xf32> to vector<512x16xf32>
    %add3A_391 = arith.addf %add3A_389, %add3A_390 : vector<512x16xf32>
    %neg3A_392 = arith.constant 0.000000e+00 : f32
    %neg3A_393 = vector.broadcast %neg3A_392 : f32 to vector<512x16xf32>
    %neg3A_394 = arith.subf %neg3A_393, %add3A_391 : vector<512x16xf32>
    %exp3A_395 = math.exp %neg3A_394 : vector<512x16xf32>
    %add3A_396 = arith.constant 1.000000e+00 : f32
    %add3A_397 = vector.broadcast %add3A_396 : f32 to vector<512x16xf32>
    %add3A_398 = arith.addf %add3A_397, %exp3A_395 : vector<512x16xf32>
    %div3A_399 = arith.constant 1.000000e+00 : f32
    %div3A_400 = vector.broadcast %div3A_399 : f32 to vector<512x16xf32>
    %div3A_401 = arith.divf %div3A_400, %add3A_398 : vector<512x16xf32>
    %get3A_402 = arith.constant 0 : index
    %get3A_403 = arith.constant 0 : index
    %get3A_404 = vector.load %arg7[%get3A_402, %get3A_403] : memref<32x16xf32, #tpu.memory_space<vmem>>, vector<32x16xf32>
    %get3A_405 = arith.constant 0 : index
    %get3A_406 = arith.constant 0 : index
    %get3A_407 = vector.load %arg8[%get3A_405, %get3A_406] : memref<32x16xf32, #tpu.memory_space<vmem>>, vector<32x16xf32>
    %get3A_408 = arith.constant 0 : index
    %get3A_409 = arith.constant 0 : index
    %get3A_410 = vector.load %arg9[%get3A_408, %get3A_409] : memref<32x16xf32, #tpu.memory_space<vmem>>, vector<32x16xf32>
    %get3A_411 = arith.constant 0 : index
    %get3A_412 = arith.constant 0 : index
    %get3A_413 = vector.load %arg10[%get3A_411, %get3A_412] : memref<1x16xf32, #tpu.memory_space<vmem>>, vector<1x16xf32>
    %dot_general3A_414 = arith.constant dense<0.000000e+00> : vector<512x32xf32>
    %dot_general3A_415 = tpu.matmul %mul3A_23, %concatenate3A_365, %dot_general3A_414 {dimension_numbers = #tpu.dot_dimension_numbers<[1], [0], [0], [1], [0, 0, 1, 1], [], []>, transpose_lhs_hint = false} : vector<512x512xf32>, vector<512x32xf32>, vector<512x32xf32> -> vector<512x32xf32>
    %dot_general3A_416 = arith.constant dense<0.000000e+00> : vector<512x32xf32>
    %dot_general3A_417 = tpu.matmul %mul3A_25, %concatenate3A_365, %dot_general3A_416 {dimension_numbers = #tpu.dot_dimension_numbers<[1], [0], [0], [1], [0, 0, 1, 1], [], []>, transpose_lhs_hint = false} : vector<512x512xf32>, vector<512x32xf32>, vector<512x32xf32> -> vector<512x32xf32>
    %dot_general3A_418 = arith.constant dense<0.000000e+00> : vector<512x16xf32>
    %dot_general3A_419 = tpu.matmul %concatenate3A_365, %get3A_404, %dot_general3A_418 {dimension_numbers = #tpu.dot_dimension_numbers<[1], [0], [0], [1], [0, 0, 1, 1], [], []>, transpose_lhs_hint = false} : vector<512x32xf32>, vector<32x16xf32>, vector<512x16xf32> -> vector<512x16xf32>
    %dot_general3A_420 = arith.constant dense<0.000000e+00> : vector<512x16xf32>
    %dot_general3A_421 = tpu.matmul %dot_general3A_415, %get3A_407, %dot_general3A_420 {dimension_numbers = #tpu.dot_dimension_numbers<[1], [0], [0], [1], [0, 0, 1, 1], [], []>, transpose_lhs_hint = false} : vector<512x32xf32>, vector<32x16xf32>, vector<512x16xf32> -> vector<512x16xf32>
    %add3A_422 = arith.addf %dot_general3A_419, %dot_general3A_421 : vector<512x16xf32>
    %dot_general3A_423 = arith.constant dense<0.000000e+00> : vector<512x16xf32>
    %dot_general3A_424 = tpu.matmul %dot_general3A_417, %get3A_410, %dot_general3A_423 {dimension_numbers = #tpu.dot_dimension_numbers<[1], [0], [0], [1], [0, 0, 1, 1], [], []>, transpose_lhs_hint = false} : vector<512x32xf32>, vector<32x16xf32>, vector<512x16xf32> -> vector<512x16xf32>
    %add3A_425 = arith.addf %add3A_422, %dot_general3A_424 : vector<512x16xf32>
    %add3A_426 = vector.broadcast %get3A_413 : vector<1x16xf32> to vector<512x16xf32>
    %add3A_427 = arith.addf %add3A_425, %add3A_426 : vector<512x16xf32>
    %neg3A_428 = arith.constant 0.000000e+00 : f32
    %neg3A_429 = vector.broadcast %neg3A_428 : f32 to vector<512x16xf32>
    %neg3A_430 = arith.subf %neg3A_429, %add3A_427 : vector<512x16xf32>
    %exp3A_431 = math.exp %neg3A_430 : vector<512x16xf32>
    %add3A_432 = arith.constant 1.000000e+00 : f32
    %add3A_433 = vector.broadcast %add3A_432 : f32 to vector<512x16xf32>
    %add3A_434 = arith.addf %add3A_433, %exp3A_431 : vector<512x16xf32>
    %div3A_435 = arith.constant 1.000000e+00 : f32
    %div3A_436 = vector.broadcast %div3A_435 : f32 to vector<512x16xf32>
    %div3A_437 = arith.divf %div3A_436, %add3A_434 : vector<512x16xf32>
    %mul3A_438 = arith.mulf %div3A_437, %max3A_361 : vector<512x16xf32>
    %concatenate3A_439 = tpu.concatenate %get3A_364, %mul3A_438 in 1 : vector<512x16xf32>, vector<512x16xf32> -> vector<512x32xf32>
    %get3A_440 = arith.constant 0 : index
    %get3A_441 = arith.constant 0 : index
    %get3A_442 = vector.load %arg11[%get3A_440, %get3A_441] : memref<32x16xf32, #tpu.memory_space<vmem>>, vector<32x16xf32>
    %get3A_443 = arith.constant 0 : index
    %get3A_444 = arith.constant 0 : index
    %get3A_445 = vector.load %arg12[%get3A_443, %get3A_444] : memref<32x16xf32, #tpu.memory_space<vmem>>, vector<32x16xf32>
    %get3A_446 = arith.constant 0 : index
    %get3A_447 = arith.constant 0 : index
    %get3A_448 = vector.load %arg13[%get3A_446, %get3A_447] : memref<32x16xf32, #tpu.memory_space<vmem>>, vector<32x16xf32>
    %get3A_449 = arith.constant 0 : index
    %get3A_450 = arith.constant 0 : index
    %get3A_451 = vector.load %arg14[%get3A_449, %get3A_450] : memref<1x16xf32, #tpu.memory_space<vmem>>, vector<1x16xf32>
    %dot_general3A_452 = arith.constant dense<0.000000e+00> : vector<512x32xf32>
    %dot_general3A_453 = tpu.matmul %mul3A_23, %concatenate3A_439, %dot_general3A_452 {dimension_numbers = #tpu.dot_dimension_numbers<[1], [0], [0], [1], [0, 0, 1, 1], [], []>, transpose_lhs_hint = false} : vector<512x512xf32>, vector<512x32xf32>, vector<512x32xf32> -> vector<512x32xf32>
    %dot_general3A_454 = arith.constant dense<0.000000e+00> : vector<512x32xf32>
    %dot_general3A_455 = tpu.matmul %mul3A_25, %concatenate3A_439, %dot_general3A_454 {dimension_numbers = #tpu.dot_dimension_numbers<[1], [0], [0], [1], [0, 0, 1, 1], [], []>, transpose_lhs_hint = false} : vector<512x512xf32>, vector<512x32xf32>, vector<512x32xf32> -> vector<512x32xf32>
    %dot_general3A_456 = arith.constant dense<0.000000e+00> : vector<512x16xf32>
    %dot_general3A_457 = tpu.matmul %concatenate3A_439, %get3A_442, %dot_general3A_456 {dimension_numbers = #tpu.dot_dimension_numbers<[1], [0], [0], [1], [0, 0, 1, 1], [], []>, transpose_lhs_hint = false} : vector<512x32xf32>, vector<32x16xf32>, vector<512x16xf32> -> vector<512x16xf32>
    %dot_general3A_458 = arith.constant dense<0.000000e+00> : vector<512x16xf32>
    %dot_general3A_459 = tpu.matmul %dot_general3A_453, %get3A_445, %dot_general3A_458 {dimension_numbers = #tpu.dot_dimension_numbers<[1], [0], [0], [1], [0, 0, 1, 1], [], []>, transpose_lhs_hint = false} : vector<512x32xf32>, vector<32x16xf32>, vector<512x16xf32> -> vector<512x16xf32>
    %add3A_460 = arith.addf %dot_general3A_457, %dot_general3A_459 : vector<512x16xf32>
    %dot_general3A_461 = arith.constant dense<0.000000e+00> : vector<512x16xf32>
    %dot_general3A_462 = tpu.matmul %dot_general3A_455, %get3A_448, %dot_general3A_461 {dimension_numbers = #tpu.dot_dimension_numbers<[1], [0], [0], [1], [0, 0, 1, 1], [], []>, transpose_lhs_hint = false} : vector<512x32xf32>, vector<32x16xf32>, vector<512x16xf32> -> vector<512x16xf32>
    %add3A_463 = arith.addf %add3A_460, %dot_general3A_462 : vector<512x16xf32>
    %add3A_464 = vector.broadcast %get3A_451 : vector<1x16xf32> to vector<512x16xf32>
    %add3A_465 = arith.addf %add3A_463, %add3A_464 : vector<512x16xf32>
    %tanh3A_466 = math.tanh %add3A_465 : vector<512x16xf32>
    %mul3A_467 = arith.mulf %div3A_401, %max3A_361 : vector<512x16xf32>
    %sub3A_468 = arith.constant 1.000000e+00 : f32
    %sub3A_469 = vector.broadcast %sub3A_468 : f32 to vector<512x16xf32>
    %sub3A_470 = arith.subf %sub3A_469, %div3A_401 : vector<512x16xf32>
    %mul3A_471 = arith.mulf %sub3A_470, %tanh3A_466 : vector<512x16xf32>
    %add3A_472 = arith.addf %mul3A_467, %mul3A_471 : vector<512x16xf32>
    %max3A_473 = arith.constant 0.000000e+00 : f32
    %max3A_474 = vector.broadcast %max3A_473 : f32 to vector<512x16xf32>
    %max3A_475 = arith.maximumf %add3A_472, %max3A_474 : vector<512x16xf32>
    %get3A_476 = arith.constant 0 : index
    %get3A_477 = arith.constant 64 : index
    %get3A_478 = vector.load %arg0[%get3A_476, %get3A_477] : memref<512x128xf32, #tpu.memory_space<vmem>>, vector<512x16xf32>
    %concatenate3A_479 = tpu.concatenate %get3A_478, %max3A_475 in 1 : vector<512x16xf32>, vector<512x16xf32> -> vector<512x32xf32>
    %get3A_480 = arith.constant 0 : index
    %get3A_481 = arith.constant 0 : index
    %get3A_482 = vector.load %arg3[%get3A_480, %get3A_481] : memref<32x16xf32, #tpu.memory_space<vmem>>, vector<32x16xf32>
    %get3A_483 = arith.constant 0 : index
    %get3A_484 = arith.constant 0 : index
    %get3A_485 = vector.load %arg4[%get3A_483, %get3A_484] : memref<32x16xf32, #tpu.memory_space<vmem>>, vector<32x16xf32>
    %get3A_486 = arith.constant 0 : index
    %get3A_487 = arith.constant 0 : index
    %get3A_488 = vector.load %arg5[%get3A_486, %get3A_487] : memref<32x16xf32, #tpu.memory_space<vmem>>, vector<32x16xf32>
    %get3A_489 = arith.constant 0 : index
    %get3A_490 = arith.constant 0 : index
    %get3A_491 = vector.load %arg6[%get3A_489, %get3A_490] : memref<1x16xf32, #tpu.memory_space<vmem>>, vector<1x16xf32>
    %dot_general3A_492 = arith.constant dense<0.000000e+00> : vector<512x32xf32>
    %dot_general3A_493 = tpu.matmul %mul3A_23, %concatenate3A_479, %dot_general3A_492 {dimension_numbers = #tpu.dot_dimension_numbers<[1], [0], [0], [1], [0, 0, 1, 1], [], []>, transpose_lhs_hint = false} : vector<512x512xf32>, vector<512x32xf32>, vector<512x32xf32> -> vector<512x32xf32>
    %dot_general3A_494 = arith.constant dense<0.000000e+00> : vector<512x32xf32>
    %dot_general3A_495 = tpu.matmul %mul3A_25, %concatenate3A_479, %dot_general3A_494 {dimension_numbers = #tpu.dot_dimension_numbers<[1], [0], [0], [1], [0, 0, 1, 1], [], []>, transpose_lhs_hint = false} : vector<512x512xf32>, vector<512x32xf32>, vector<512x32xf32> -> vector<512x32xf32>
    %dot_general3A_496 = arith.constant dense<0.000000e+00> : vector<512x16xf32>
    %dot_general3A_497 = tpu.matmul %concatenate3A_479, %get3A_482, %dot_general3A_496 {dimension_numbers = #tpu.dot_dimension_numbers<[1], [0], [0], [1], [0, 0, 1, 1], [], []>, transpose_lhs_hint = false} : vector<512x32xf32>, vector<32x16xf32>, vector<512x16xf32> -> vector<512x16xf32>
    %dot_general3A_498 = arith.constant dense<0.000000e+00> : vector<512x16xf32>
    %dot_general3A_499 = tpu.matmul %dot_general3A_493, %get3A_485, %dot_general3A_498 {dimension_numbers = #tpu.dot_dimension_numbers<[1], [0], [0], [1], [0, 0, 1, 1], [], []>, transpose_lhs_hint = false} : vector<512x32xf32>, vector<32x16xf32>, vector<512x16xf32> -> vector<512x16xf32>
    %add3A_500 = arith.addf %dot_general3A_497, %dot_general3A_499 : vector<512x16xf32>
    %dot_general3A_501 = arith.constant dense<0.000000e+00> : vector<512x16xf32>
    %dot_general3A_502 = tpu.matmul %dot_general3A_495, %get3A_488, %dot_general3A_501 {dimension_numbers = #tpu.dot_dimension_numbers<[1], [0], [0], [1], [0, 0, 1, 1], [], []>, transpose_lhs_hint = false} : vector<512x32xf32>, vector<32x16xf32>, vector<512x16xf32> -> vector<512x16xf32>
    %add3A_503 = arith.addf %add3A_500, %dot_general3A_502 : vector<512x16xf32>
    %add3A_504 = vector.broadcast %get3A_491 : vector<1x16xf32> to vector<512x16xf32>
    %add3A_505 = arith.addf %add3A_503, %add3A_504 : vector<512x16xf32>
    %neg3A_506 = arith.constant 0.000000e+00 : f32
    %neg3A_507 = vector.broadcast %neg3A_506 : f32 to vector<512x16xf32>
    %neg3A_508 = arith.subf %neg3A_507, %add3A_505 : vector<512x16xf32>
    %exp3A_509 = math.exp %neg3A_508 : vector<512x16xf32>
    %add3A_510 = arith.constant 1.000000e+00 : f32
    %add3A_511 = vector.broadcast %add3A_510 : f32 to vector<512x16xf32>
    %add3A_512 = arith.addf %add3A_511, %exp3A_509 : vector<512x16xf32>
    %div3A_513 = arith.constant 1.000000e+00 : f32
    %div3A_514 = vector.broadcast %div3A_513 : f32 to vector<512x16xf32>
    %div3A_515 = arith.divf %div3A_514, %add3A_512 : vector<512x16xf32>
    %get3A_516 = arith.constant 0 : index
    %get3A_517 = arith.constant 0 : index
    %get3A_518 = vector.load %arg7[%get3A_516, %get3A_517] : memref<32x16xf32, #tpu.memory_space<vmem>>, vector<32x16xf32>
    %get3A_519 = arith.constant 0 : index
    %get3A_520 = arith.constant 0 : index
    %get3A_521 = vector.load %arg8[%get3A_519, %get3A_520] : memref<32x16xf32, #tpu.memory_space<vmem>>, vector<32x16xf32>
    %get3A_522 = arith.constant 0 : index
    %get3A_523 = arith.constant 0 : index
    %get3A_524 = vector.load %arg9[%get3A_522, %get3A_523] : memref<32x16xf32, #tpu.memory_space<vmem>>, vector<32x16xf32>
    %get3A_525 = arith.constant 0 : index
    %get3A_526 = arith.constant 0 : index
    %get3A_527 = vector.load %arg10[%get3A_525, %get3A_526] : memref<1x16xf32, #tpu.memory_space<vmem>>, vector<1x16xf32>
    %dot_general3A_528 = arith.constant dense<0.000000e+00> : vector<512x32xf32>
    %dot_general3A_529 = tpu.matmul %mul3A_23, %concatenate3A_479, %dot_general3A_528 {dimension_numbers = #tpu.dot_dimension_numbers<[1], [0], [0], [1], [0, 0, 1, 1], [], []>, transpose_lhs_hint = false} : vector<512x512xf32>, vector<512x32xf32>, vector<512x32xf32> -> vector<512x32xf32>
    %dot_general3A_530 = arith.constant dense<0.000000e+00> : vector<512x32xf32>
    %dot_general3A_531 = tpu.matmul %mul3A_25, %concatenate3A_479, %dot_general3A_530 {dimension_numbers = #tpu.dot_dimension_numbers<[1], [0], [0], [1], [0, 0, 1, 1], [], []>, transpose_lhs_hint = false} : vector<512x512xf32>, vector<512x32xf32>, vector<512x32xf32> -> vector<512x32xf32>
    %dot_general3A_532 = arith.constant dense<0.000000e+00> : vector<512x16xf32>
    %dot_general3A_533 = tpu.matmul %concatenate3A_479, %get3A_518, %dot_general3A_532 {dimension_numbers = #tpu.dot_dimension_numbers<[1], [0], [0], [1], [0, 0, 1, 1], [], []>, transpose_lhs_hint = false} : vector<512x32xf32>, vector<32x16xf32>, vector<512x16xf32> -> vector<512x16xf32>
    %dot_general3A_534 = arith.constant dense<0.000000e+00> : vector<512x16xf32>
    %dot_general3A_535 = tpu.matmul %dot_general3A_529, %get3A_521, %dot_general3A_534 {dimension_numbers = #tpu.dot_dimension_numbers<[1], [0], [0], [1], [0, 0, 1, 1], [], []>, transpose_lhs_hint = false} : vector<512x32xf32>, vector<32x16xf32>, vector<512x16xf32> -> vector<512x16xf32>
    %add3A_536 = arith.addf %dot_general3A_533, %dot_general3A_535 : vector<512x16xf32>
    %dot_general3A_537 = arith.constant dense<0.000000e+00> : vector<512x16xf32>
    %dot_general3A_538 = tpu.matmul %dot_general3A_531, %get3A_524, %dot_general3A_537 {dimension_numbers = #tpu.dot_dimension_numbers<[1], [0], [0], [1], [0, 0, 1, 1], [], []>, transpose_lhs_hint = false} : vector<512x32xf32>, vector<32x16xf32>, vector<512x16xf32> -> vector<512x16xf32>
    %add3A_539 = arith.addf %add3A_536, %dot_general3A_538 : vector<512x16xf32>
    %add3A_540 = vector.broadcast %get3A_527 : vector<1x16xf32> to vector<512x16xf32>
    %add3A_541 = arith.addf %add3A_539, %add3A_540 : vector<512x16xf32>
    %neg3A_542 = arith.constant 0.000000e+00 : f32
    %neg3A_543 = vector.broadcast %neg3A_542 : f32 to vector<512x16xf32>
    %neg3A_544 = arith.subf %neg3A_543, %add3A_541 : vector<512x16xf32>
    %exp3A_545 = math.exp %neg3A_544 : vector<512x16xf32>
    %add3A_546 = arith.constant 1.000000e+00 : f32
    %add3A_547 = vector.broadcast %add3A_546 : f32 to vector<512x16xf32>
    %add3A_548 = arith.addf %add3A_547, %exp3A_545 : vector<512x16xf32>
    %div3A_549 = arith.constant 1.000000e+00 : f32
    %div3A_550 = vector.broadcast %div3A_549 : f32 to vector<512x16xf32>
    %div3A_551 = arith.divf %div3A_550, %add3A_548 : vector<512x16xf32>
    %mul3A_552 = arith.mulf %div3A_551, %max3A_475 : vector<512x16xf32>
    %concatenate3A_553 = tpu.concatenate %get3A_478, %mul3A_552 in 1 : vector<512x16xf32>, vector<512x16xf32> -> vector<512x32xf32>
    %get3A_554 = arith.constant 0 : index
    %get3A_555 = arith.constant 0 : index
    %get3A_556 = vector.load %arg11[%get3A_554, %get3A_555] : memref<32x16xf32, #tpu.memory_space<vmem>>, vector<32x16xf32>
    %get3A_557 = arith.constant 0 : index
    %get3A_558 = arith.constant 0 : index
    %get3A_559 = vector.load %arg12[%get3A_557, %get3A_558] : memref<32x16xf32, #tpu.memory_space<vmem>>, vector<32x16xf32>
    %get3A_560 = arith.constant 0 : index
    %get3A_561 = arith.constant 0 : index
    %get3A_562 = vector.load %arg13[%get3A_560, %get3A_561] : memref<32x16xf32, #tpu.memory_space<vmem>>, vector<32x16xf32>
    %get3A_563 = arith.constant 0 : index
    %get3A_564 = arith.constant 0 : index
    %get3A_565 = vector.load %arg14[%get3A_563, %get3A_564] : memref<1x16xf32, #tpu.memory_space<vmem>>, vector<1x16xf32>
    %dot_general3A_566 = arith.constant dense<0.000000e+00> : vector<512x32xf32>
    %dot_general3A_567 = tpu.matmul %mul3A_23, %concatenate3A_553, %dot_general3A_566 {dimension_numbers = #tpu.dot_dimension_numbers<[1], [0], [0], [1], [0, 0, 1, 1], [], []>, transpose_lhs_hint = false} : vector<512x512xf32>, vector<512x32xf32>, vector<512x32xf32> -> vector<512x32xf32>
    %dot_general3A_568 = arith.constant dense<0.000000e+00> : vector<512x32xf32>
    %dot_general3A_569 = tpu.matmul %mul3A_25, %concatenate3A_553, %dot_general3A_568 {dimension_numbers = #tpu.dot_dimension_numbers<[1], [0], [0], [1], [0, 0, 1, 1], [], []>, transpose_lhs_hint = false} : vector<512x512xf32>, vector<512x32xf32>, vector<512x32xf32> -> vector<512x32xf32>
    %dot_general3A_570 = arith.constant dense<0.000000e+00> : vector<512x16xf32>
    %dot_general3A_571 = tpu.matmul %concatenate3A_553, %get3A_556, %dot_general3A_570 {dimension_numbers = #tpu.dot_dimension_numbers<[1], [0], [0], [1], [0, 0, 1, 1], [], []>, transpose_lhs_hint = false} : vector<512x32xf32>, vector<32x16xf32>, vector<512x16xf32> -> vector<512x16xf32>
    %dot_general3A_572 = arith.constant dense<0.000000e+00> : vector<512x16xf32>
    %dot_general3A_573 = tpu.matmul %dot_general3A_567, %get3A_559, %dot_general3A_572 {dimension_numbers = #tpu.dot_dimension_numbers<[1], [0], [0], [1], [0, 0, 1, 1], [], []>, transpose_lhs_hint = false} : vector<512x32xf32>, vector<32x16xf32>, vector<512x16xf32> -> vector<512x16xf32>
    %add3A_574 = arith.addf %dot_general3A_571, %dot_general3A_573 : vector<512x16xf32>
    %dot_general3A_575 = arith.constant dense<0.000000e+00> : vector<512x16xf32>
    %dot_general3A_576 = tpu.matmul %dot_general3A_569, %get3A_562, %dot_general3A_575 {dimension_numbers = #tpu.dot_dimension_numbers<[1], [0], [0], [1], [0, 0, 1, 1], [], []>, transpose_lhs_hint = false} : vector<512x32xf32>, vector<32x16xf32>, vector<512x16xf32> -> vector<512x16xf32>
    %add3A_577 = arith.addf %add3A_574, %dot_general3A_576 : vector<512x16xf32>
    %add3A_578 = vector.broadcast %get3A_565 : vector<1x16xf32> to vector<512x16xf32>
    %add3A_579 = arith.addf %add3A_577, %add3A_578 : vector<512x16xf32>
    %tanh3A_580 = math.tanh %add3A_579 : vector<512x16xf32>
    %mul3A_581 = arith.mulf %div3A_515, %max3A_475 : vector<512x16xf32>
    %sub3A_582 = arith.constant 1.000000e+00 : f32
    %sub3A_583 = vector.broadcast %sub3A_582 : f32 to vector<512x16xf32>
    %sub3A_584 = arith.subf %sub3A_583, %div3A_515 : vector<512x16xf32>
    %mul3A_585 = arith.mulf %sub3A_584, %tanh3A_580 : vector<512x16xf32>
    %add3A_586 = arith.addf %mul3A_581, %mul3A_585 : vector<512x16xf32>
    %max3A_587 = arith.constant 0.000000e+00 : f32
    %max3A_588 = vector.broadcast %max3A_587 : f32 to vector<512x16xf32>
    %max3A_589 = arith.maximumf %add3A_586, %max3A_588 : vector<512x16xf32>
    %get3A_590 = arith.constant 0 : index
    %get3A_591 = arith.constant 80 : index
    %get3A_592 = vector.load %arg0[%get3A_590, %get3A_591] : memref<512x128xf32, #tpu.memory_space<vmem>>, vector<512x16xf32>
    %concatenate3A_593 = tpu.concatenate %get3A_592, %max3A_589 in 1 : vector<512x16xf32>, vector<512x16xf32> -> vector<512x32xf32>
    %get3A_594 = arith.constant 0 : index
    %get3A_595 = arith.constant 0 : index
    %get3A_596 = vector.load %arg3[%get3A_594, %get3A_595] : memref<32x16xf32, #tpu.memory_space<vmem>>, vector<32x16xf32>
    %get3A_597 = arith.constant 0 : index
    %get3A_598 = arith.constant 0 : index
    %get3A_599 = vector.load %arg4[%get3A_597, %get3A_598] : memref<32x16xf32, #tpu.memory_space<vmem>>, vector<32x16xf32>
    %get3A_600 = arith.constant 0 : index
    %get3A_601 = arith.constant 0 : index
    %get3A_602 = vector.load %arg5[%get3A_600, %get3A_601] : memref<32x16xf32, #tpu.memory_space<vmem>>, vector<32x16xf32>
    %get3A_603 = arith.constant 0 : index
    %get3A_604 = arith.constant 0 : index
    %get3A_605 = vector.load %arg6[%get3A_603, %get3A_604] : memref<1x16xf32, #tpu.memory_space<vmem>>, vector<1x16xf32>
    %dot_general3A_606 = arith.constant dense<0.000000e+00> : vector<512x32xf32>
    %dot_general3A_607 = tpu.matmul %mul3A_23, %concatenate3A_593, %dot_general3A_606 {dimension_numbers = #tpu.dot_dimension_numbers<[1], [0], [0], [1], [0, 0, 1, 1], [], []>, transpose_lhs_hint = false} : vector<512x512xf32>, vector<512x32xf32>, vector<512x32xf32> -> vector<512x32xf32>
    %dot_general3A_608 = arith.constant dense<0.000000e+00> : vector<512x32xf32>
    %dot_general3A_609 = tpu.matmul %mul3A_25, %concatenate3A_593, %dot_general3A_608 {dimension_numbers = #tpu.dot_dimension_numbers<[1], [0], [0], [1], [0, 0, 1, 1], [], []>, transpose_lhs_hint = false} : vector<512x512xf32>, vector<512x32xf32>, vector<512x32xf32> -> vector<512x32xf32>
    %dot_general3A_610 = arith.constant dense<0.000000e+00> : vector<512x16xf32>
    %dot_general3A_611 = tpu.matmul %concatenate3A_593, %get3A_596, %dot_general3A_610 {dimension_numbers = #tpu.dot_dimension_numbers<[1], [0], [0], [1], [0, 0, 1, 1], [], []>, transpose_lhs_hint = false} : vector<512x32xf32>, vector<32x16xf32>, vector<512x16xf32> -> vector<512x16xf32>
    %dot_general3A_612 = arith.constant dense<0.000000e+00> : vector<512x16xf32>
    %dot_general3A_613 = tpu.matmul %dot_general3A_607, %get3A_599, %dot_general3A_612 {dimension_numbers = #tpu.dot_dimension_numbers<[1], [0], [0], [1], [0, 0, 1, 1], [], []>, transpose_lhs_hint = false} : vector<512x32xf32>, vector<32x16xf32>, vector<512x16xf32> -> vector<512x16xf32>
    %add3A_614 = arith.addf %dot_general3A_611, %dot_general3A_613 : vector<512x16xf32>
    %dot_general3A_615 = arith.constant dense<0.000000e+00> : vector<512x16xf32>
    %dot_general3A_616 = tpu.matmul %dot_general3A_609, %get3A_602, %dot_general3A_615 {dimension_numbers = #tpu.dot_dimension_numbers<[1], [0], [0], [1], [0, 0, 1, 1], [], []>, transpose_lhs_hint = false} : vector<512x32xf32>, vector<32x16xf32>, vector<512x16xf32> -> vector<512x16xf32>
    %add3A_617 = arith.addf %add3A_614, %dot_general3A_616 : vector<512x16xf32>
    %add3A_618 = vector.broadcast %get3A_605 : vector<1x16xf32> to vector<512x16xf32>
    %add3A_619 = arith.addf %add3A_617, %add3A_618 : vector<512x16xf32>
    %neg3A_620 = arith.constant 0.000000e+00 : f32
    %neg3A_621 = vector.broadcast %neg3A_620 : f32 to vector<512x16xf32>
    %neg3A_622 = arith.subf %neg3A_621, %add3A_619 : vector<512x16xf32>
    %exp3A_623 = math.exp %neg3A_622 : vector<512x16xf32>
    %add3A_624 = arith.constant 1.000000e+00 : f32
    %add3A_625 = vector.broadcast %add3A_624 : f32 to vector<512x16xf32>
    %add3A_626 = arith.addf %add3A_625, %exp3A_623 : vector<512x16xf32>
    %div3A_627 = arith.constant 1.000000e+00 : f32
    %div3A_628 = vector.broadcast %div3A_627 : f32 to vector<512x16xf32>
    %div3A_629 = arith.divf %div3A_628, %add3A_626 : vector<512x16xf32>
    %get3A_630 = arith.constant 0 : index
    %get3A_631 = arith.constant 0 : index
    %get3A_632 = vector.load %arg7[%get3A_630, %get3A_631] : memref<32x16xf32, #tpu.memory_space<vmem>>, vector<32x16xf32>
    %get3A_633 = arith.constant 0 : index
    %get3A_634 = arith.constant 0 : index
    %get3A_635 = vector.load %arg8[%get3A_633, %get3A_634] : memref<32x16xf32, #tpu.memory_space<vmem>>, vector<32x16xf32>
    %get3A_636 = arith.constant 0 : index
    %get3A_637 = arith.constant 0 : index
    %get3A_638 = vector.load %arg9[%get3A_636, %get3A_637] : memref<32x16xf32, #tpu.memory_space<vmem>>, vector<32x16xf32>
    %get3A_639 = arith.constant 0 : index
    %get3A_640 = arith.constant 0 : index
    %get3A_641 = vector.load %arg10[%get3A_639, %get3A_640] : memref<1x16xf32, #tpu.memory_space<vmem>>, vector<1x16xf32>
    %dot_general3A_642 = arith.constant dense<0.000000e+00> : vector<512x32xf32>
    %dot_general3A_643 = tpu.matmul %mul3A_23, %concatenate3A_593, %dot_general3A_642 {dimension_numbers = #tpu.dot_dimension_numbers<[1], [0], [0], [1], [0, 0, 1, 1], [], []>, transpose_lhs_hint = false} : vector<512x512xf32>, vector<512x32xf32>, vector<512x32xf32> -> vector<512x32xf32>
    %dot_general3A_644 = arith.constant dense<0.000000e+00> : vector<512x32xf32>
    %dot_general3A_645 = tpu.matmul %mul3A_25, %concatenate3A_593, %dot_general3A_644 {dimension_numbers = #tpu.dot_dimension_numbers<[1], [0], [0], [1], [0, 0, 1, 1], [], []>, transpose_lhs_hint = false} : vector<512x512xf32>, vector<512x32xf32>, vector<512x32xf32> -> vector<512x32xf32>
    %dot_general3A_646 = arith.constant dense<0.000000e+00> : vector<512x16xf32>
    %dot_general3A_647 = tpu.matmul %concatenate3A_593, %get3A_632, %dot_general3A_646 {dimension_numbers = #tpu.dot_dimension_numbers<[1], [0], [0], [1], [0, 0, 1, 1], [], []>, transpose_lhs_hint = false} : vector<512x32xf32>, vector<32x16xf32>, vector<512x16xf32> -> vector<512x16xf32>
    %dot_general3A_648 = arith.constant dense<0.000000e+00> : vector<512x16xf32>
    %dot_general3A_649 = tpu.matmul %dot_general3A_643, %get3A_635, %dot_general3A_648 {dimension_numbers = #tpu.dot_dimension_numbers<[1], [0], [0], [1], [0, 0, 1, 1], [], []>, transpose_lhs_hint = false} : vector<512x32xf32>, vector<32x16xf32>, vector<512x16xf32> -> vector<512x16xf32>
    %add3A_650 = arith.addf %dot_general3A_647, %dot_general3A_649 : vector<512x16xf32>
    %dot_general3A_651 = arith.constant dense<0.000000e+00> : vector<512x16xf32>
    %dot_general3A_652 = tpu.matmul %dot_general3A_645, %get3A_638, %dot_general3A_651 {dimension_numbers = #tpu.dot_dimension_numbers<[1], [0], [0], [1], [0, 0, 1, 1], [], []>, transpose_lhs_hint = false} : vector<512x32xf32>, vector<32x16xf32>, vector<512x16xf32> -> vector<512x16xf32>
    %add3A_653 = arith.addf %add3A_650, %dot_general3A_652 : vector<512x16xf32>
    %add3A_654 = vector.broadcast %get3A_641 : vector<1x16xf32> to vector<512x16xf32>
    %add3A_655 = arith.addf %add3A_653, %add3A_654 : vector<512x16xf32>
    %neg3A_656 = arith.constant 0.000000e+00 : f32
    %neg3A_657 = vector.broadcast %neg3A_656 : f32 to vector<512x16xf32>
    %neg3A_658 = arith.subf %neg3A_657, %add3A_655 : vector<512x16xf32>
    %exp3A_659 = math.exp %neg3A_658 : vector<512x16xf32>
    %add3A_660 = arith.constant 1.000000e+00 : f32
    %add3A_661 = vector.broadcast %add3A_660 : f32 to vector<512x16xf32>
    %add3A_662 = arith.addf %add3A_661, %exp3A_659 : vector<512x16xf32>
    %div3A_663 = arith.constant 1.000000e+00 : f32
    %div3A_664 = vector.broadcast %div3A_663 : f32 to vector<512x16xf32>
    %div3A_665 = arith.divf %div3A_664, %add3A_662 : vector<512x16xf32>
    %mul3A_666 = arith.mulf %div3A_665, %max3A_589 : vector<512x16xf32>
    %concatenate3A_667 = tpu.concatenate %get3A_592, %mul3A_666 in 1 : vector<512x16xf32>, vector<512x16xf32> -> vector<512x32xf32>
    %get3A_668 = arith.constant 0 : index
    %get3A_669 = arith.constant 0 : index
    %get3A_670 = vector.load %arg11[%get3A_668, %get3A_669] : memref<32x16xf32, #tpu.memory_space<vmem>>, vector<32x16xf32>
    %get3A_671 = arith.constant 0 : index
    %get3A_672 = arith.constant 0 : index
    %get3A_673 = vector.load %arg12[%get3A_671, %get3A_672] : memref<32x16xf32, #tpu.memory_space<vmem>>, vector<32x16xf32>
    %get3A_674 = arith.constant 0 : index
    %get3A_675 = arith.constant 0 : index
    %get3A_676 = vector.load %arg13[%get3A_674, %get3A_675] : memref<32x16xf32, #tpu.memory_space<vmem>>, vector<32x16xf32>
    %get3A_677 = arith.constant 0 : index
    %get3A_678 = arith.constant 0 : index
    %get3A_679 = vector.load %arg14[%get3A_677, %get3A_678] : memref<1x16xf32, #tpu.memory_space<vmem>>, vector<1x16xf32>
    %dot_general3A_680 = arith.constant dense<0.000000e+00> : vector<512x32xf32>
    %dot_general3A_681 = tpu.matmul %mul3A_23, %concatenate3A_667, %dot_general3A_680 {dimension_numbers = #tpu.dot_dimension_numbers<[1], [0], [0], [1], [0, 0, 1, 1], [], []>, transpose_lhs_hint = false} : vector<512x512xf32>, vector<512x32xf32>, vector<512x32xf32> -> vector<512x32xf32>
    %dot_general3A_682 = arith.constant dense<0.000000e+00> : vector<512x32xf32>
    %dot_general3A_683 = tpu.matmul %mul3A_25, %concatenate3A_667, %dot_general3A_682 {dimension_numbers = #tpu.dot_dimension_numbers<[1], [0], [0], [1], [0, 0, 1, 1], [], []>, transpose_lhs_hint = false} : vector<512x512xf32>, vector<512x32xf32>, vector<512x32xf32> -> vector<512x32xf32>
    %dot_general3A_684 = arith.constant dense<0.000000e+00> : vector<512x16xf32>
    %dot_general3A_685 = tpu.matmul %concatenate3A_667, %get3A_670, %dot_general3A_684 {dimension_numbers = #tpu.dot_dimension_numbers<[1], [0], [0], [1], [0, 0, 1, 1], [], []>, transpose_lhs_hint = false} : vector<512x32xf32>, vector<32x16xf32>, vector<512x16xf32> -> vector<512x16xf32>
    %dot_general3A_686 = arith.constant dense<0.000000e+00> : vector<512x16xf32>
    %dot_general3A_687 = tpu.matmul %dot_general3A_681, %get3A_673, %dot_general3A_686 {dimension_numbers = #tpu.dot_dimension_numbers<[1], [0], [0], [1], [0, 0, 1, 1], [], []>, transpose_lhs_hint = false} : vector<512x32xf32>, vector<32x16xf32>, vector<512x16xf32> -> vector<512x16xf32>
    %add3A_688 = arith.addf %dot_general3A_685, %dot_general3A_687 : vector<512x16xf32>
    %dot_general3A_689 = arith.constant dense<0.000000e+00> : vector<512x16xf32>
    %dot_general3A_690 = tpu.matmul %dot_general3A_683, %get3A_676, %dot_general3A_689 {dimension_numbers = #tpu.dot_dimension_numbers<[1], [0], [0], [1], [0, 0, 1, 1], [], []>, transpose_lhs_hint = false} : vector<512x32xf32>, vector<32x16xf32>, vector<512x16xf32> -> vector<512x16xf32>
    %add3A_691 = arith.addf %add3A_688, %dot_general3A_690 : vector<512x16xf32>
    %add3A_692 = vector.broadcast %get3A_679 : vector<1x16xf32> to vector<512x16xf32>
    %add3A_693 = arith.addf %add3A_691, %add3A_692 : vector<512x16xf32>
    %tanh3A_694 = math.tanh %add3A_693 : vector<512x16xf32>
    %mul3A_695 = arith.mulf %div3A_629, %max3A_589 : vector<512x16xf32>
    %sub3A_696 = arith.constant 1.000000e+00 : f32
    %sub3A_697 = vector.broadcast %sub3A_696 : f32 to vector<512x16xf32>
    %sub3A_698 = arith.subf %sub3A_697, %div3A_629 : vector<512x16xf32>
    %mul3A_699 = arith.mulf %sub3A_698, %tanh3A_694 : vector<512x16xf32>
    %add3A_700 = arith.addf %mul3A_695, %mul3A_699 : vector<512x16xf32>
    %max3A_701 = arith.constant 0.000000e+00 : f32
    %max3A_702 = vector.broadcast %max3A_701 : f32 to vector<512x16xf32>
    %max3A_703 = arith.maximumf %add3A_700, %max3A_702 : vector<512x16xf32>
    %get3A_704 = arith.constant 0 : index
    %get3A_705 = arith.constant 96 : index
    %get3A_706 = vector.load %arg0[%get3A_704, %get3A_705] : memref<512x128xf32, #tpu.memory_space<vmem>>, vector<512x16xf32>
    %concatenate3A_707 = tpu.concatenate %get3A_706, %max3A_703 in 1 : vector<512x16xf32>, vector<512x16xf32> -> vector<512x32xf32>
    %get3A_708 = arith.constant 0 : index
    %get3A_709 = arith.constant 0 : index
    %get3A_710 = vector.load %arg3[%get3A_708, %get3A_709] : memref<32x16xf32, #tpu.memory_space<vmem>>, vector<32x16xf32>
    %get3A_711 = arith.constant 0 : index
    %get3A_712 = arith.constant 0 : index
    %get3A_713 = vector.load %arg4[%get3A_711, %get3A_712] : memref<32x16xf32, #tpu.memory_space<vmem>>, vector<32x16xf32>
    %get3A_714 = arith.constant 0 : index
    %get3A_715 = arith.constant 0 : index
    %get3A_716 = vector.load %arg5[%get3A_714, %get3A_715] : memref<32x16xf32, #tpu.memory_space<vmem>>, vector<32x16xf32>
    %get3A_717 = arith.constant 0 : index
    %get3A_718 = arith.constant 0 : index
    %get3A_719 = vector.load %arg6[%get3A_717, %get3A_718] : memref<1x16xf32, #tpu.memory_space<vmem>>, vector<1x16xf32>
    %dot_general3A_720 = arith.constant dense<0.000000e+00> : vector<512x32xf32>
    %dot_general3A_721 = tpu.matmul %mul3A_23, %concatenate3A_707, %dot_general3A_720 {dimension_numbers = #tpu.dot_dimension_numbers<[1], [0], [0], [1], [0, 0, 1, 1], [], []>, transpose_lhs_hint = false} : vector<512x512xf32>, vector<512x32xf32>, vector<512x32xf32> -> vector<512x32xf32>
    %dot_general3A_722 = arith.constant dense<0.000000e+00> : vector<512x32xf32>
    %dot_general3A_723 = tpu.matmul %mul3A_25, %concatenate3A_707, %dot_general3A_722 {dimension_numbers = #tpu.dot_dimension_numbers<[1], [0], [0], [1], [0, 0, 1, 1], [], []>, transpose_lhs_hint = false} : vector<512x512xf32>, vector<512x32xf32>, vector<512x32xf32> -> vector<512x32xf32>
    %dot_general3A_724 = arith.constant dense<0.000000e+00> : vector<512x16xf32>
    %dot_general3A_725 = tpu.matmul %concatenate3A_707, %get3A_710, %dot_general3A_724 {dimension_numbers = #tpu.dot_dimension_numbers<[1], [0], [0], [1], [0, 0, 1, 1], [], []>, transpose_lhs_hint = false} : vector<512x32xf32>, vector<32x16xf32>, vector<512x16xf32> -> vector<512x16xf32>
    %dot_general3A_726 = arith.constant dense<0.000000e+00> : vector<512x16xf32>
    %dot_general3A_727 = tpu.matmul %dot_general3A_721, %get3A_713, %dot_general3A_726 {dimension_numbers = #tpu.dot_dimension_numbers<[1], [0], [0], [1], [0, 0, 1, 1], [], []>, transpose_lhs_hint = false} : vector<512x32xf32>, vector<32x16xf32>, vector<512x16xf32> -> vector<512x16xf32>
    %add3A_728 = arith.addf %dot_general3A_725, %dot_general3A_727 : vector<512x16xf32>
    %dot_general3A_729 = arith.constant dense<0.000000e+00> : vector<512x16xf32>
    %dot_general3A_730 = tpu.matmul %dot_general3A_723, %get3A_716, %dot_general3A_729 {dimension_numbers = #tpu.dot_dimension_numbers<[1], [0], [0], [1], [0, 0, 1, 1], [], []>, transpose_lhs_hint = false} : vector<512x32xf32>, vector<32x16xf32>, vector<512x16xf32> -> vector<512x16xf32>
    %add3A_731 = arith.addf %add3A_728, %dot_general3A_730 : vector<512x16xf32>
    %add3A_732 = vector.broadcast %get3A_719 : vector<1x16xf32> to vector<512x16xf32>
    %add3A_733 = arith.addf %add3A_731, %add3A_732 : vector<512x16xf32>
    %neg3A_734 = arith.constant 0.000000e+00 : f32
    %neg3A_735 = vector.broadcast %neg3A_734 : f32 to vector<512x16xf32>
    %neg3A_736 = arith.subf %neg3A_735, %add3A_733 : vector<512x16xf32>
    %exp3A_737 = math.exp %neg3A_736 : vector<512x16xf32>
    %add3A_738 = arith.constant 1.000000e+00 : f32
    %add3A_739 = vector.broadcast %add3A_738 : f32 to vector<512x16xf32>
    %add3A_740 = arith.addf %add3A_739, %exp3A_737 : vector<512x16xf32>
    %div3A_741 = arith.constant 1.000000e+00 : f32
    %div3A_742 = vector.broadcast %div3A_741 : f32 to vector<512x16xf32>
    %div3A_743 = arith.divf %div3A_742, %add3A_740 : vector<512x16xf32>
    %get3A_744 = arith.constant 0 : index
    %get3A_745 = arith.constant 0 : index
    %get3A_746 = vector.load %arg7[%get3A_744, %get3A_745] : memref<32x16xf32, #tpu.memory_space<vmem>>, vector<32x16xf32>
    %get3A_747 = arith.constant 0 : index
    %get3A_748 = arith.constant 0 : index
    %get3A_749 = vector.load %arg8[%get3A_747, %get3A_748] : memref<32x16xf32, #tpu.memory_space<vmem>>, vector<32x16xf32>
    %get3A_750 = arith.constant 0 : index
    %get3A_751 = arith.constant 0 : index
    %get3A_752 = vector.load %arg9[%get3A_750, %get3A_751] : memref<32x16xf32, #tpu.memory_space<vmem>>, vector<32x16xf32>
    %get3A_753 = arith.constant 0 : index
    %get3A_754 = arith.constant 0 : index
    %get3A_755 = vector.load %arg10[%get3A_753, %get3A_754] : memref<1x16xf32, #tpu.memory_space<vmem>>, vector<1x16xf32>
    %dot_general3A_756 = arith.constant dense<0.000000e+00> : vector<512x32xf32>
    %dot_general3A_757 = tpu.matmul %mul3A_23, %concatenate3A_707, %dot_general3A_756 {dimension_numbers = #tpu.dot_dimension_numbers<[1], [0], [0], [1], [0, 0, 1, 1], [], []>, transpose_lhs_hint = false} : vector<512x512xf32>, vector<512x32xf32>, vector<512x32xf32> -> vector<512x32xf32>
    %dot_general3A_758 = arith.constant dense<0.000000e+00> : vector<512x32xf32>
    %dot_general3A_759 = tpu.matmul %mul3A_25, %concatenate3A_707, %dot_general3A_758 {dimension_numbers = #tpu.dot_dimension_numbers<[1], [0], [0], [1], [0, 0, 1, 1], [], []>, transpose_lhs_hint = false} : vector<512x512xf32>, vector<512x32xf32>, vector<512x32xf32> -> vector<512x32xf32>
    %dot_general3A_760 = arith.constant dense<0.000000e+00> : vector<512x16xf32>
    %dot_general3A_761 = tpu.matmul %concatenate3A_707, %get3A_746, %dot_general3A_760 {dimension_numbers = #tpu.dot_dimension_numbers<[1], [0], [0], [1], [0, 0, 1, 1], [], []>, transpose_lhs_hint = false} : vector<512x32xf32>, vector<32x16xf32>, vector<512x16xf32> -> vector<512x16xf32>
    %dot_general3A_762 = arith.constant dense<0.000000e+00> : vector<512x16xf32>
    %dot_general3A_763 = tpu.matmul %dot_general3A_757, %get3A_749, %dot_general3A_762 {dimension_numbers = #tpu.dot_dimension_numbers<[1], [0], [0], [1], [0, 0, 1, 1], [], []>, transpose_lhs_hint = false} : vector<512x32xf32>, vector<32x16xf32>, vector<512x16xf32> -> vector<512x16xf32>
    %add3A_764 = arith.addf %dot_general3A_761, %dot_general3A_763 : vector<512x16xf32>
    %dot_general3A_765 = arith.constant dense<0.000000e+00> : vector<512x16xf32>
    %dot_general3A_766 = tpu.matmul %dot_general3A_759, %get3A_752, %dot_general3A_765 {dimension_numbers = #tpu.dot_dimension_numbers<[1], [0], [0], [1], [0, 0, 1, 1], [], []>, transpose_lhs_hint = false} : vector<512x32xf32>, vector<32x16xf32>, vector<512x16xf32> -> vector<512x16xf32>
    %add3A_767 = arith.addf %add3A_764, %dot_general3A_766 : vector<512x16xf32>
    %add3A_768 = vector.broadcast %get3A_755 : vector<1x16xf32> to vector<512x16xf32>
    %add3A_769 = arith.addf %add3A_767, %add3A_768 : vector<512x16xf32>
    %neg3A_770 = arith.constant 0.000000e+00 : f32
    %neg3A_771 = vector.broadcast %neg3A_770 : f32 to vector<512x16xf32>
    %neg3A_772 = arith.subf %neg3A_771, %add3A_769 : vector<512x16xf32>
    %exp3A_773 = math.exp %neg3A_772 : vector<512x16xf32>
    %add3A_774 = arith.constant 1.000000e+00 : f32
    %add3A_775 = vector.broadcast %add3A_774 : f32 to vector<512x16xf32>
    %add3A_776 = arith.addf %add3A_775, %exp3A_773 : vector<512x16xf32>
    %div3A_777 = arith.constant 1.000000e+00 : f32
    %div3A_778 = vector.broadcast %div3A_777 : f32 to vector<512x16xf32>
    %div3A_779 = arith.divf %div3A_778, %add3A_776 : vector<512x16xf32>
    %mul3A_780 = arith.mulf %div3A_779, %max3A_703 : vector<512x16xf32>
    %concatenate3A_781 = tpu.concatenate %get3A_706, %mul3A_780 in 1 : vector<512x16xf32>, vector<512x16xf32> -> vector<512x32xf32>
    %get3A_782 = arith.constant 0 : index
    %get3A_783 = arith.constant 0 : index
    %get3A_784 = vector.load %arg11[%get3A_782, %get3A_783] : memref<32x16xf32, #tpu.memory_space<vmem>>, vector<32x16xf32>
    %get3A_785 = arith.constant 0 : index
    %get3A_786 = arith.constant 0 : index
    %get3A_787 = vector.load %arg12[%get3A_785, %get3A_786] : memref<32x16xf32, #tpu.memory_space<vmem>>, vector<32x16xf32>
    %get3A_788 = arith.constant 0 : index
    %get3A_789 = arith.constant 0 : index
    %get3A_790 = vector.load %arg13[%get3A_788, %get3A_789] : memref<32x16xf32, #tpu.memory_space<vmem>>, vector<32x16xf32>
    %get3A_791 = arith.constant 0 : index
    %get3A_792 = arith.constant 0 : index
    %get3A_793 = vector.load %arg14[%get3A_791, %get3A_792] : memref<1x16xf32, #tpu.memory_space<vmem>>, vector<1x16xf32>
    %dot_general3A_794 = arith.constant dense<0.000000e+00> : vector<512x32xf32>
    %dot_general3A_795 = tpu.matmul %mul3A_23, %concatenate3A_781, %dot_general3A_794 {dimension_numbers = #tpu.dot_dimension_numbers<[1], [0], [0], [1], [0, 0, 1, 1], [], []>, transpose_lhs_hint = false} : vector<512x512xf32>, vector<512x32xf32>, vector<512x32xf32> -> vector<512x32xf32>
    %dot_general3A_796 = arith.constant dense<0.000000e+00> : vector<512x32xf32>
    %dot_general3A_797 = tpu.matmul %mul3A_25, %concatenate3A_781, %dot_general3A_796 {dimension_numbers = #tpu.dot_dimension_numbers<[1], [0], [0], [1], [0, 0, 1, 1], [], []>, transpose_lhs_hint = false} : vector<512x512xf32>, vector<512x32xf32>, vector<512x32xf32> -> vector<512x32xf32>
    %dot_general3A_798 = arith.constant dense<0.000000e+00> : vector<512x16xf32>
    %dot_general3A_799 = tpu.matmul %concatenate3A_781, %get3A_784, %dot_general3A_798 {dimension_numbers = #tpu.dot_dimension_numbers<[1], [0], [0], [1], [0, 0, 1, 1], [], []>, transpose_lhs_hint = false} : vector<512x32xf32>, vector<32x16xf32>, vector<512x16xf32> -> vector<512x16xf32>
    %dot_general3A_800 = arith.constant dense<0.000000e+00> : vector<512x16xf32>
    %dot_general3A_801 = tpu.matmul %dot_general3A_795, %get3A_787, %dot_general3A_800 {dimension_numbers = #tpu.dot_dimension_numbers<[1], [0], [0], [1], [0, 0, 1, 1], [], []>, transpose_lhs_hint = false} : vector<512x32xf32>, vector<32x16xf32>, vector<512x16xf32> -> vector<512x16xf32>
    %add3A_802 = arith.addf %dot_general3A_799, %dot_general3A_801 : vector<512x16xf32>
    %dot_general3A_803 = arith.constant dense<0.000000e+00> : vector<512x16xf32>
    %dot_general3A_804 = tpu.matmul %dot_general3A_797, %get3A_790, %dot_general3A_803 {dimension_numbers = #tpu.dot_dimension_numbers<[1], [0], [0], [1], [0, 0, 1, 1], [], []>, transpose_lhs_hint = false} : vector<512x32xf32>, vector<32x16xf32>, vector<512x16xf32> -> vector<512x16xf32>
    %add3A_805 = arith.addf %add3A_802, %dot_general3A_804 : vector<512x16xf32>
    %add3A_806 = vector.broadcast %get3A_793 : vector<1x16xf32> to vector<512x16xf32>
    %add3A_807 = arith.addf %add3A_805, %add3A_806 : vector<512x16xf32>
    %tanh3A_808 = math.tanh %add3A_807 : vector<512x16xf32>
    %mul3A_809 = arith.mulf %div3A_743, %max3A_703 : vector<512x16xf32>
    %sub3A_810 = arith.constant 1.000000e+00 : f32
    %sub3A_811 = vector.broadcast %sub3A_810 : f32 to vector<512x16xf32>
    %sub3A_812 = arith.subf %sub3A_811, %div3A_743 : vector<512x16xf32>
    %mul3A_813 = arith.mulf %sub3A_812, %tanh3A_808 : vector<512x16xf32>
    %add3A_814 = arith.addf %mul3A_809, %mul3A_813 : vector<512x16xf32>
    %max3A_815 = arith.constant 0.000000e+00 : f32
    %max3A_816 = vector.broadcast %max3A_815 : f32 to vector<512x16xf32>
    %max3A_817 = arith.maximumf %add3A_814, %max3A_816 : vector<512x16xf32>
    %get3A_818 = arith.constant 0 : index
    %get3A_819 = arith.constant 112 : index
    %get3A_820 = vector.load %arg0[%get3A_818, %get3A_819] : memref<512x128xf32, #tpu.memory_space<vmem>>, vector<512x16xf32>
    %concatenate3A_821 = tpu.concatenate %get3A_820, %max3A_817 in 1 : vector<512x16xf32>, vector<512x16xf32> -> vector<512x32xf32>
    %get3A_822 = arith.constant 0 : index
    %get3A_823 = arith.constant 0 : index
    %get3A_824 = vector.load %arg3[%get3A_822, %get3A_823] : memref<32x16xf32, #tpu.memory_space<vmem>>, vector<32x16xf32>
    %get3A_825 = arith.constant 0 : index
    %get3A_826 = arith.constant 0 : index
    %get3A_827 = vector.load %arg4[%get3A_825, %get3A_826] : memref<32x16xf32, #tpu.memory_space<vmem>>, vector<32x16xf32>
    %get3A_828 = arith.constant 0 : index
    %get3A_829 = arith.constant 0 : index
    %get3A_830 = vector.load %arg5[%get3A_828, %get3A_829] : memref<32x16xf32, #tpu.memory_space<vmem>>, vector<32x16xf32>
    %get3A_831 = arith.constant 0 : index
    %get3A_832 = arith.constant 0 : index
    %get3A_833 = vector.load %arg6[%get3A_831, %get3A_832] : memref<1x16xf32, #tpu.memory_space<vmem>>, vector<1x16xf32>
    %dot_general3A_834 = arith.constant dense<0.000000e+00> : vector<512x32xf32>
    %dot_general3A_835 = tpu.matmul %mul3A_23, %concatenate3A_821, %dot_general3A_834 {dimension_numbers = #tpu.dot_dimension_numbers<[1], [0], [0], [1], [0, 0, 1, 1], [], []>, transpose_lhs_hint = false} : vector<512x512xf32>, vector<512x32xf32>, vector<512x32xf32> -> vector<512x32xf32>
    %dot_general3A_836 = arith.constant dense<0.000000e+00> : vector<512x32xf32>
    %dot_general3A_837 = tpu.matmul %mul3A_25, %concatenate3A_821, %dot_general3A_836 {dimension_numbers = #tpu.dot_dimension_numbers<[1], [0], [0], [1], [0, 0, 1, 1], [], []>, transpose_lhs_hint = false} : vector<512x512xf32>, vector<512x32xf32>, vector<512x32xf32> -> vector<512x32xf32>
    %dot_general3A_838 = arith.constant dense<0.000000e+00> : vector<512x16xf32>
    %dot_general3A_839 = tpu.matmul %concatenate3A_821, %get3A_824, %dot_general3A_838 {dimension_numbers = #tpu.dot_dimension_numbers<[1], [0], [0], [1], [0, 0, 1, 1], [], []>, transpose_lhs_hint = false} : vector<512x32xf32>, vector<32x16xf32>, vector<512x16xf32> -> vector<512x16xf32>
    %dot_general3A_840 = arith.constant dense<0.000000e+00> : vector<512x16xf32>
    %dot_general3A_841 = tpu.matmul %dot_general3A_835, %get3A_827, %dot_general3A_840 {dimension_numbers = #tpu.dot_dimension_numbers<[1], [0], [0], [1], [0, 0, 1, 1], [], []>, transpose_lhs_hint = false} : vector<512x32xf32>, vector<32x16xf32>, vector<512x16xf32> -> vector<512x16xf32>
    %add3A_842 = arith.addf %dot_general3A_839, %dot_general3A_841 : vector<512x16xf32>
    %dot_general3A_843 = arith.constant dense<0.000000e+00> : vector<512x16xf32>
    %dot_general3A_844 = tpu.matmul %dot_general3A_837, %get3A_830, %dot_general3A_843 {dimension_numbers = #tpu.dot_dimension_numbers<[1], [0], [0], [1], [0, 0, 1, 1], [], []>, transpose_lhs_hint = false} : vector<512x32xf32>, vector<32x16xf32>, vector<512x16xf32> -> vector<512x16xf32>
    %add3A_845 = arith.addf %add3A_842, %dot_general3A_844 : vector<512x16xf32>
    %add3A_846 = vector.broadcast %get3A_833 : vector<1x16xf32> to vector<512x16xf32>
    %add3A_847 = arith.addf %add3A_845, %add3A_846 : vector<512x16xf32>
    %neg3A_848 = arith.constant 0.000000e+00 : f32
    %neg3A_849 = vector.broadcast %neg3A_848 : f32 to vector<512x16xf32>
    %neg3A_850 = arith.subf %neg3A_849, %add3A_847 : vector<512x16xf32>
    %exp3A_851 = math.exp %neg3A_850 : vector<512x16xf32>
    %add3A_852 = arith.constant 1.000000e+00 : f32
    %add3A_853 = vector.broadcast %add3A_852 : f32 to vector<512x16xf32>
    %add3A_854 = arith.addf %add3A_853, %exp3A_851 : vector<512x16xf32>
    %div3A_855 = arith.constant 1.000000e+00 : f32
    %div3A_856 = vector.broadcast %div3A_855 : f32 to vector<512x16xf32>
    %div3A_857 = arith.divf %div3A_856, %add3A_854 : vector<512x16xf32>
    %get3A_858 = arith.constant 0 : index
    %get3A_859 = arith.constant 0 : index
    %get3A_860 = vector.load %arg7[%get3A_858, %get3A_859] : memref<32x16xf32, #tpu.memory_space<vmem>>, vector<32x16xf32>
    %get3A_861 = arith.constant 0 : index
    %get3A_862 = arith.constant 0 : index
    %get3A_863 = vector.load %arg8[%get3A_861, %get3A_862] : memref<32x16xf32, #tpu.memory_space<vmem>>, vector<32x16xf32>
    %get3A_864 = arith.constant 0 : index
    %get3A_865 = arith.constant 0 : index
    %get3A_866 = vector.load %arg9[%get3A_864, %get3A_865] : memref<32x16xf32, #tpu.memory_space<vmem>>, vector<32x16xf32>
    %get3A_867 = arith.constant 0 : index
    %get3A_868 = arith.constant 0 : index
    %get3A_869 = vector.load %arg10[%get3A_867, %get3A_868] : memref<1x16xf32, #tpu.memory_space<vmem>>, vector<1x16xf32>
    %dot_general3A_870 = arith.constant dense<0.000000e+00> : vector<512x32xf32>
    %dot_general3A_871 = tpu.matmul %mul3A_23, %concatenate3A_821, %dot_general3A_870 {dimension_numbers = #tpu.dot_dimension_numbers<[1], [0], [0], [1], [0, 0, 1, 1], [], []>, transpose_lhs_hint = false} : vector<512x512xf32>, vector<512x32xf32>, vector<512x32xf32> -> vector<512x32xf32>
    %dot_general3A_872 = arith.constant dense<0.000000e+00> : vector<512x32xf32>
    %dot_general3A_873 = tpu.matmul %mul3A_25, %concatenate3A_821, %dot_general3A_872 {dimension_numbers = #tpu.dot_dimension_numbers<[1], [0], [0], [1], [0, 0, 1, 1], [], []>, transpose_lhs_hint = false} : vector<512x512xf32>, vector<512x32xf32>, vector<512x32xf32> -> vector<512x32xf32>
    %dot_general3A_874 = arith.constant dense<0.000000e+00> : vector<512x16xf32>
    %dot_general3A_875 = tpu.matmul %concatenate3A_821, %get3A_860, %dot_general3A_874 {dimension_numbers = #tpu.dot_dimension_numbers<[1], [0], [0], [1], [0, 0, 1, 1], [], []>, transpose_lhs_hint = false} : vector<512x32xf32>, vector<32x16xf32>, vector<512x16xf32> -> vector<512x16xf32>
    %dot_general3A_876 = arith.constant dense<0.000000e+00> : vector<512x16xf32>
    %dot_general3A_877 = tpu.matmul %dot_general3A_871, %get3A_863, %dot_general3A_876 {dimension_numbers = #tpu.dot_dimension_numbers<[1], [0], [0], [1], [0, 0, 1, 1], [], []>, transpose_lhs_hint = false} : vector<512x32xf32>, vector<32x16xf32>, vector<512x16xf32> -> vector<512x16xf32>
    %add3A_878 = arith.addf %dot_general3A_875, %dot_general3A_877 : vector<512x16xf32>
    %dot_general3A_879 = arith.constant dense<0.000000e+00> : vector<512x16xf32>
    %dot_general3A_880 = tpu.matmul %dot_general3A_873, %get3A_866, %dot_general3A_879 {dimension_numbers = #tpu.dot_dimension_numbers<[1], [0], [0], [1], [0, 0, 1, 1], [], []>, transpose_lhs_hint = false} : vector<512x32xf32>, vector<32x16xf32>, vector<512x16xf32> -> vector<512x16xf32>
    %add3A_881 = arith.addf %add3A_878, %dot_general3A_880 : vector<512x16xf32>
    %add3A_882 = vector.broadcast %get3A_869 : vector<1x16xf32> to vector<512x16xf32>
    %add3A_883 = arith.addf %add3A_881, %add3A_882 : vector<512x16xf32>
    %neg3A_884 = arith.constant 0.000000e+00 : f32
    %neg3A_885 = vector.broadcast %neg3A_884 : f32 to vector<512x16xf32>
    %neg3A_886 = arith.subf %neg3A_885, %add3A_883 : vector<512x16xf32>
    %exp3A_887 = math.exp %neg3A_886 : vector<512x16xf32>
    %add3A_888 = arith.constant 1.000000e+00 : f32
    %add3A_889 = vector.broadcast %add3A_888 : f32 to vector<512x16xf32>
    %add3A_890 = arith.addf %add3A_889, %exp3A_887 : vector<512x16xf32>
    %div3A_891 = arith.constant 1.000000e+00 : f32
    %div3A_892 = vector.broadcast %div3A_891 : f32 to vector<512x16xf32>
    %div3A_893 = arith.divf %div3A_892, %add3A_890 : vector<512x16xf32>
    %mul3A_894 = arith.mulf %div3A_893, %max3A_817 : vector<512x16xf32>
    %concatenate3A_895 = tpu.concatenate %get3A_820, %mul3A_894 in 1 : vector<512x16xf32>, vector<512x16xf32> -> vector<512x32xf32>
    %get3A_896 = arith.constant 0 : index
    %get3A_897 = arith.constant 0 : index
    %get3A_898 = vector.load %arg11[%get3A_896, %get3A_897] : memref<32x16xf32, #tpu.memory_space<vmem>>, vector<32x16xf32>
    %get3A_899 = arith.constant 0 : index
    %get3A_900 = arith.constant 0 : index
    %get3A_901 = vector.load %arg12[%get3A_899, %get3A_900] : memref<32x16xf32, #tpu.memory_space<vmem>>, vector<32x16xf32>
    %get3A_902 = arith.constant 0 : index
    %get3A_903 = arith.constant 0 : index
    %get3A_904 = vector.load %arg13[%get3A_902, %get3A_903] : memref<32x16xf32, #tpu.memory_space<vmem>>, vector<32x16xf32>
    %get3A_905 = arith.constant 0 : index
    %get3A_906 = arith.constant 0 : index
    %get3A_907 = vector.load %arg14[%get3A_905, %get3A_906] : memref<1x16xf32, #tpu.memory_space<vmem>>, vector<1x16xf32>
    %dot_general3A_908 = arith.constant dense<0.000000e+00> : vector<512x32xf32>
    %dot_general3A_909 = tpu.matmul %mul3A_23, %concatenate3A_895, %dot_general3A_908 {dimension_numbers = #tpu.dot_dimension_numbers<[1], [0], [0], [1], [0, 0, 1, 1], [], []>, transpose_lhs_hint = false} : vector<512x512xf32>, vector<512x32xf32>, vector<512x32xf32> -> vector<512x32xf32>
    %dot_general3A_910 = arith.constant dense<0.000000e+00> : vector<512x32xf32>
    %dot_general3A_911 = tpu.matmul %mul3A_25, %concatenate3A_895, %dot_general3A_910 {dimension_numbers = #tpu.dot_dimension_numbers<[1], [0], [0], [1], [0, 0, 1, 1], [], []>, transpose_lhs_hint = false} : vector<512x512xf32>, vector<512x32xf32>, vector<512x32xf32> -> vector<512x32xf32>
    %dot_general3A_912 = arith.constant dense<0.000000e+00> : vector<512x16xf32>
    %dot_general3A_913 = tpu.matmul %concatenate3A_895, %get3A_898, %dot_general3A_912 {dimension_numbers = #tpu.dot_dimension_numbers<[1], [0], [0], [1], [0, 0, 1, 1], [], []>, transpose_lhs_hint = false} : vector<512x32xf32>, vector<32x16xf32>, vector<512x16xf32> -> vector<512x16xf32>
    %dot_general3A_914 = arith.constant dense<0.000000e+00> : vector<512x16xf32>
    %dot_general3A_915 = tpu.matmul %dot_general3A_909, %get3A_901, %dot_general3A_914 {dimension_numbers = #tpu.dot_dimension_numbers<[1], [0], [0], [1], [0, 0, 1, 1], [], []>, transpose_lhs_hint = false} : vector<512x32xf32>, vector<32x16xf32>, vector<512x16xf32> -> vector<512x16xf32>
    %add3A_916 = arith.addf %dot_general3A_913, %dot_general3A_915 : vector<512x16xf32>
    %dot_general3A_917 = arith.constant dense<0.000000e+00> : vector<512x16xf32>
    %dot_general3A_918 = tpu.matmul %dot_general3A_911, %get3A_904, %dot_general3A_917 {dimension_numbers = #tpu.dot_dimension_numbers<[1], [0], [0], [1], [0, 0, 1, 1], [], []>, transpose_lhs_hint = false} : vector<512x32xf32>, vector<32x16xf32>, vector<512x16xf32> -> vector<512x16xf32>
    %add3A_919 = arith.addf %add3A_916, %dot_general3A_918 : vector<512x16xf32>
    %add3A_920 = vector.broadcast %get3A_907 : vector<1x16xf32> to vector<512x16xf32>
    %add3A_921 = arith.addf %add3A_919, %add3A_920 : vector<512x16xf32>
    %tanh3A_922 = math.tanh %add3A_921 : vector<512x16xf32>
    %mul3A_923 = arith.mulf %div3A_857, %max3A_817 : vector<512x16xf32>
    %sub3A_924 = arith.constant 1.000000e+00 : f32
    %sub3A_925 = vector.broadcast %sub3A_924 : f32 to vector<512x16xf32>
    %sub3A_926 = arith.subf %sub3A_925, %div3A_857 : vector<512x16xf32>
    %mul3A_927 = arith.mulf %sub3A_926, %tanh3A_922 : vector<512x16xf32>
    %add3A_928 = arith.addf %mul3A_923, %mul3A_927 : vector<512x16xf32>
    %max3A_929 = arith.constant 0.000000e+00 : f32
    %max3A_930 = vector.broadcast %max3A_929 : f32 to vector<512x16xf32>
    %max3A_931 = arith.maximumf %add3A_928, %max3A_930 : vector<512x16xf32>
    %swap3A = arith.constant 0 : index
    %swap3A_932 = arith.constant 0 : index
    %swap3A_933 = vector.load %arg15[%swap3A, %swap3A_932] : memref<512x16xf32, #tpu.memory_space<vmem>>, vector<512x16xf32>
    tpu.vector_store %arg15[%swap3A, %swap3A_932], %max3A_931 {strides = array<i32>} : memref<512x16xf32, #tpu.memory_space<vmem>>, vector<512x16xf32>,
    return
  }
}

module attributes {stable_mosaic.version = 14 : i64} {
  func.func @_lin1_body(%arg0: i32, %arg1: memref<1x8192xf32, #tpu.memory_space<vmem>>, %arg2: memref<512x8192xf32, #tpu.memory_space<vmem>>, %arg3: memref<1x512xf32, #tpu.memory_space<vmem>>, %arg4: memref<1x512xf32, #tpu.memory_space<vmem>>) attributes {dimension_semantics = [#tpu.dimension_semantics<arbitrary>], iteration_bounds = array<i64: 8>, scalar_prefetch = 0 : i64, scratch_operands = 0 : i64, tpu.core_type = #tpu.core_type<tc>, window_params = [{pipeline_mode = #tpu.pipeline_mode<synchronous>, transform_indices = @transform_0, window_bounds = array<i64: 1, 8192>}, {transform_indices = @transform_1, window_bounds = array<i64: 512, 8192>}, {transform_indices = @transform_2, window_bounds = array<i64: 1, 512>}, {transform_indices = @transform_3, window_bounds = array<i64: 1, 512>}]} {
    %get3A = arith.constant 0 : index
    %get3A_0 = arith.constant 0 : index
    %get3A_1 = vector.load %arg1[%get3A, %get3A_0] : memref<1x8192xf32, #tpu.memory_space<vmem>>, vector<1x8192xf32>
    %get3A_2 = arith.constant 0 : index
    %get3A_3 = arith.constant 0 : index
    %get3A_4 = vector.load %arg2[%get3A_2, %get3A_3] : memref<512x8192xf32, #tpu.memory_space<vmem>>, vector<512x8192xf32>
    %dot_general3A = arith.constant dense<0.000000e+00> : vector<1x512xf32>
    %dot_general3A_5 = tpu.matmul %get3A_1, %get3A_4, %dot_general3A {dimension_numbers = #tpu.dot_dimension_numbers<[1], [1], [0], [0], [0, 0, 1, 0], [], []>, transpose_lhs_hint = false} : vector<1x8192xf32>, vector<512x8192xf32>, vector<1x512xf32> -> vector<1x512xf32>
    %get3A_6 = arith.constant 0 : index
    %get3A_7 = arith.constant 0 : index
    %get3A_8 = vector.load %arg3[%get3A_6, %get3A_7] : memref<1x512xf32, #tpu.memory_space<vmem>>, vector<1x512xf32>
    %add3A = arith.addf %dot_general3A_5, %get3A_8 : vector<1x512xf32>
    %swap3A = arith.constant 0 : index
    %swap3A_9 = arith.constant 0 : index
    %swap3A_10 = vector.load %arg4[%swap3A, %swap3A_9] : memref<1x512xf32, #tpu.memory_space<vmem>>, vector<1x512xf32>
    tpu.vector_store %arg4[%swap3A, %swap3A_9], %add3A {strides = array<i32>} : memref<1x512xf32, #tpu.memory_space<vmem>>, vector<1x512xf32>,
    return
  }
  func.func @transform_0(%arg0: i32) -> (i32, i32) {
    %c0_i32 = arith.constant 0 : i32
    %c0_i32_0 = arith.constant 0 : i32
    %c0_i32_1 = arith.constant 0 : i32
    return %c0_i32, %c0_i32_0 : i32, i32
  }
  func.func @transform_1(%arg0: i32) -> (i32, i32) {
    %c0_i32 = arith.constant 0 : i32
    %c0_i32_0 = arith.constant 0 : i32
    return %arg0, %c0_i32 : i32, i32
  }
  func.func @transform_2(%arg0: i32) -> (i32, i32) {
    %c0_i32 = arith.constant 0 : i32
    %c0_i32_0 = arith.constant 0 : i32
    return %c0_i32, %arg0 : i32, i32
  }
  func.func @transform_3(%arg0: i32) -> (i32, i32) {
    %c0_i32 = arith.constant 0 : i32
    %c0_i32_0 = arith.constant 0 : i32
    return %c0_i32, %arg0 : i32, i32
  }
}

module attributes {stable_mosaic.version = 14 : i64} {
  func.func @_heads_body(%arg0: memref<1x4096xf32, #tpu.memory_space<vmem>>, %arg1: memref<1024x4096xf32, #tpu.memory_space<vmem>>, %arg2: memref<1x1024xf32, #tpu.memory_space<vmem>>, %arg3: memref<8x1024xf32, #tpu.memory_space<vmem>>, %arg4: memref<1x8xf32, #tpu.memory_space<vmem>>, %arg5: memref<1484x4096xf32, #tpu.memory_space<vmem>>, %arg6: memref<1x1484xf32, #tpu.memory_space<vmem>>, %arg7: memref<1x8xf32, #tpu.memory_space<vmem>>, %arg8: memref<1x1484xf32, #tpu.memory_space<vmem>>) attributes {dimension_semantics = [], scalar_prefetch = 0 : i64, scratch_operands = 0 : i64, tpu.core_type = #tpu.core_type<tc>} {
    %get3A = arith.constant 0 : index
    %get3A_0 = arith.constant 0 : index
    %get3A_1 = vector.load %arg0[%get3A, %get3A_0] : memref<1x4096xf32, #tpu.memory_space<vmem>>, vector<1x4096xf32>
    %get3A_2 = arith.constant 0 : index
    %get3A_3 = arith.constant 0 : index
    %get3A_4 = vector.load %arg1[%get3A_2, %get3A_3] : memref<1024x4096xf32, #tpu.memory_space<vmem>>, vector<1024x4096xf32>
    %dot_general3A = arith.constant dense<0.000000e+00> : vector<1x1024xf32>
    %dot_general3A_5 = tpu.matmul %get3A_1, %get3A_4, %dot_general3A {dimension_numbers = #tpu.dot_dimension_numbers<[1], [1], [0], [0], [0, 0, 1, 0], [], []>, transpose_lhs_hint = false} : vector<1x4096xf32>, vector<1024x4096xf32>, vector<1x1024xf32> -> vector<1x1024xf32>
    %get3A_6 = arith.constant 0 : index
    %get3A_7 = arith.constant 0 : index
    %get3A_8 = vector.load %arg2[%get3A_6, %get3A_7] : memref<1x1024xf32, #tpu.memory_space<vmem>>, vector<1x1024xf32>
    %add3A = arith.addf %dot_general3A_5, %get3A_8 : vector<1x1024xf32>
    %get3A_9 = arith.constant 0 : index
    %get3A_10 = arith.constant 0 : index
    %get3A_11 = vector.load %arg3[%get3A_9, %get3A_10] : memref<8x1024xf32, #tpu.memory_space<vmem>>, vector<8x1024xf32>
    %dot_general3A_12 = arith.constant dense<0.000000e+00> : vector<1x8xf32>
    %dot_general3A_13 = tpu.matmul %add3A, %get3A_11, %dot_general3A_12 {dimension_numbers = #tpu.dot_dimension_numbers<[1], [1], [0], [0], [0, 0, 1, 0], [], []>, transpose_lhs_hint = false} : vector<1x1024xf32>, vector<8x1024xf32>, vector<1x8xf32> -> vector<1x8xf32>
    %get3A_14 = arith.constant 0 : index
    %get3A_15 = arith.constant 0 : index
    %get3A_16 = vector.load %arg4[%get3A_14, %get3A_15] : memref<1x8xf32, #tpu.memory_space<vmem>>, vector<1x8xf32>
    %add3A_17 = arith.addf %dot_general3A_13, %get3A_16 : vector<1x8xf32>
    %swap3A = arith.constant 0 : index
    %swap3A_18 = arith.constant 0 : index
    %swap3A_19 = vector.load %arg7[%swap3A, %swap3A_18] : memref<1x8xf32, #tpu.memory_space<vmem>>, vector<1x8xf32>
    tpu.vector_store %arg7[%swap3A, %swap3A_18], %add3A_17 {strides = array<i32>} : memref<1x8xf32, #tpu.memory_space<vmem>>, vector<1x8xf32>,
    %get3A_20 = arith.constant 0 : index
    %get3A_21 = arith.constant 0 : index
    %get3A_22 = vector.load %arg5[%get3A_20, %get3A_21] : memref<1484x4096xf32, #tpu.memory_space<vmem>>, vector<1484x4096xf32>
    %dot_general3A_23 = arith.constant dense<0.000000e+00> : vector<1x1484xf32>
    %dot_general3A_24 = tpu.matmul %get3A_1, %get3A_22, %dot_general3A_23 {dimension_numbers = #tpu.dot_dimension_numbers<[1], [1], [0], [0], [0, 0, 1, 0], [], []>, transpose_lhs_hint = false} : vector<1x4096xf32>, vector<1484x4096xf32>, vector<1x1484xf32> -> vector<1x1484xf32>
    %get3A_25 = arith.constant 0 : index
    %get3A_26 = arith.constant 0 : index
    %get3A_27 = vector.load %arg6[%get3A_25, %get3A_26] : memref<1x1484xf32, #tpu.memory_space<vmem>>, vector<1x1484xf32>
    %add3A_28 = arith.addf %dot_general3A_24, %get3A_27 : vector<1x1484xf32>
    %swap3A_29 = arith.constant 0 : index
    %swap3A_30 = arith.constant 0 : index
    %swap3A_31 = vector.load %arg8[%swap3A_29, %swap3A_30] : memref<1x1484xf32, #tpu.memory_space<vmem>>, vector<1x1484xf32>
    tpu.vector_store %arg8[%swap3A_29, %swap3A_30], %add3A_28 {strides = array<i32>} : memref<1x1484xf32, #tpu.memory_space<vmem>>, vector<1x1484xf32>,
    return
  }
}

</mosaic_0001>

<sc_bundles>
// kernel: kernel.7.cloned.1.call-start
scs
__scs_entry_jumppad:
0x0: {  	(pc) =	sbr.rel $0x88, $3  }
0x1: {  	(tag) =	ssettag $0x0;
	lr =	simm.s32 $0x1  }
0x2: {  	[smem:$0x3F89] =	sst lr;
	_ =	strace $0xD0000000  }
0x3: {  	_ = 	snop  }
0x4: {  	_ = 	snop  }
0x5: {  	_ = 	snop  }
0x6: {  	_ = 	snop  }
0x7: {  	_ = 	snop  }
__scs_overlays_trampoline_lowered:
0x8: {  	[smem:$0x3F98] =	sst s0  }
0x9: {  	[smem:$0x3F99] =	sst s1  }
0xa: {  	[smem:$0x3F9A] =	sst s2  }
0xb: {  	[smem:$0x3F9B] =	sst s3  }
0xc: {  	[smem:$0x3F9C] =	sst s4  }
0xd: {  	[smem:$0x3F9D] =	sst s5  }
0xe: {  	[smem:$0x3F9E] =	sst s6  }
0xf: {  	[smem:$0x3F9F] =	sst s7  }
0x10: {  	[smem:$0x3FA0] =	sst s8  }
0x11: {  	[smem:$0x3FA1] =	sst s9;
	s0 =	simm.s32 @!p0 $0x0  }
0x12: {  	s1 =	sld [smem:$0x3F87];
	s0 =	simm.s32 @p0 $0x1  }
0x13: {  	[smem:$0x3FA2] =	sst s0;
	s0 =	simm.s32 @!p1 $0x0  }
0x14: {  	s2 =	sld [smem:$0x3F86];
	s0 =	simm.s32 @p1 $0x1  }
0x15: {  	[smem:$0x3FA3] =	sst s0;
	s0 =	simm.s32 @!p2 $0x0  }
0x16: {  	s3 =	sld [smem:$0x3FDB];
	s0 =	simm.s32 @p2 $0x1  }
0x17: {  	s4 =	simm.s32 $0x1BF5;
	[smem:$0x3FA5] =	sst s0  }
0x18: {  	s0 =	sld [smem:$0x3F88];
	_ =	swait.ge [sflag:s4], $0x0  }
0x19: {  	s7 =	sld [smem:$0x3F89]  }
0x1a: {  	s8 =	sadd.s32 $0xFFFFE003, lr  }
0x1b: {  	s9 =	sadd.s32 $0xFFFFFEF7, lr;
	s5 =	simm.s32 $0xFFFFFFFF;
	p2 =	slt.u32 s8, $0xFFFFF086  }
0x1c: {  	p1 =	slt.u32 s9, $0xF7A;
	s5 =	simm.s32 @!p2 $0x0  }
0x1d: {  	s5 =	simm.s32 @p1 $0x1;
	p0 =	seq.s32 s7, s2  }
0x1e: {  	s7 =	smul.u32 @!p0 $0xF7A, s2;
	p2 =	seq.s32 @!p0 s5, $0x0  }
0x1f: {  	s9 =	smul.u32 $0xF7A, s1;
	s8 =	simm.s32 @!p0 $0x1BF5;
	p2 =	por !p2, p0  }
0x20: {  	[sflag:s8] =	ssyncset.s32 @!p0 $0xFFFFF086;
	s6 =	sadd.s32 @!p0 s3, s7;
	s7 =	simm.s32 @!p0 $0x108  }
0x21: {  	s3 =	sadd.s32 s3, s9;
	s6 =	sadd.s32 @!p0 $0x88, s6;
	s7 =	simm.s32 @p2 $0x1082  }
0x22: {  	[simem:s7], [sflag:s8] =	dma.local @!p0 [hbm:s6], $0xF7A  }
0x23: {  	s9 =	sor.u32 $0xD0000000, s2;
	s6 =	simm.s32 $0x108;
	_ =	swait.ge @!p0 [sflag:s8], $0x0  }
0x24: {  	s3 =	sadd.s32 $0x88, s3;
	s6 =	simm.s32 @!p1 $0x1082;
	[sflag:s4] =	ssyncset.s32 $0xFFFFF086  }
0x25: {  	[simem:s6], [sflag:s4] =	dma.local [hbm:s3], $0xF7A  }
0x26: {  	[smem:$0x3F89] =	sst s1;
	(tag) =	ssettag s2;
	_ =	strace s9  }
0x27: {  	s1 =	sld [smem:$0x3F99]  }
0x28: {  	s2 =	sld [smem:$0x3F9A]  }
0x29: {  	s4 =	sld [smem:$0x3F9C]  }
0x2a: {  	p0 =	seq.s32 s5, $0x0;
	s5 =	sld [smem:$0x3F9D]  }
0x2b: {  	s6 =	sld [smem:$0x3F9E]  }
0x2c: {  	s7 =	sld [smem:$0x3F9F]  }
0x2d: {  	s3 =	simm.s32 $0x108;
	s8 =	sld [smem:$0x3FA0]  }
0x2e: {  	s3 =	simm.s32 @!p0 $0x1082;
	s9 =	sld [smem:$0x3FA1]  }
0x2f: {  	lr =	sadd.s32 s0, s3;
	s0 =	sld [smem:$0x3F98]  }
0x30: {  	s3 =	sld [smem:$0x3F9B]  }
0x31: {  	[smem:$0x3FA4] =	sst s10  }
0x32: {  	s10 =	sld [smem:$0x3FA2];
	_ =	sdelay $0x3  }
0x33: {  	p0 =	seq.s32 s10, $0x1;
	s10 =	sld [smem:$0x3FA4];
	_ =	sdelay $0x3  }
0x34: {  	[smem:$0x3FA4] =	sst s10  }
0x35: {  	s10 =	sld [smem:$0x3FA3];
	_ =	sdelay $0x3  }
0x36: {  	p1 =	seq.s32 s10, $0x1;
	s10 =	sld [smem:$0x3FA4];
	_ =	sdelay $0x3  }
0x37: {  	[smem:$0x3FA4] =	sst s10  }
0x38: {  	s10 =	sld [smem:$0x3FA5]  }
0x39: {  	_ = 	snop;
	(pc) =	sbr.ind lr, $3  }
0x3a: {  	_ = 	snop  }
0x3b: {  	_ = 	snop  }
0x3c: {  	p2 =	seq.s32 s10, $0x1;
	s10 =	sld [smem:$0x3FA4]  }
0x3d: {  	_ =	shalt  }
0x3e: {  	_ =	shalt  }
0x3f: {  	_ =	shalt  }
0x40: {  	_ =	shalt  }
0x41: {  	_ =	shalt  }
0x42: {  	_ =	shalt  }
0x43: {  	_ =	shalt  }
0x44: {  	_ =	shalt  }
0x45: {  	_ =	shalt  }
0x46: {  	_ =	shalt  }
0x47: {  	_ =	shalt  }
0x48: {  	_ =	shalt  }
0x49: {  	_ =	shalt  }
0x4a: {  	_ =	shalt  }
0x4b: {  	_ =	shalt  }
0x4c: {  	_ =	shalt  }
0x4d: {  	_ =	shalt  }
0x4e: {  	_ =	shalt  }
0x4f: {  	_ =	shalt  }
0x50: {  	_ =	shalt  }
0x51: {  	_ =	shalt  }
0x52: {  	_ =	shalt  }
0x53: {  	_ =	shalt  }
0x54: {  	_ =	shalt  }
0x55: {  	_ =	shalt  }
0x56: {  	_ =	shalt  }
0x57: {  	_ =	shalt  }
0x58: {  	_ =	shalt  }
0x59: {  	_ =	shalt  }
0x5a: {  	_ =	shalt  }
0x5b: {  	_ =	shalt  }
0x5c: {  	_ =	shalt  }
0x5d: {  	_ =	shalt  }
0x5e: {  	_ =	shalt  }
0x5f: {  	_ =	shalt  }
0x60: {  	_ =	shalt  }
0x61: {  	_ =	shalt  }
0x62: {  	_ =	shalt  }
0x63: {  	_ =	shalt  }
0x64: {  	_ =	shalt  }
0x65: {  	_ =	shalt  }
0x66: {  	_ =	shalt  }
0x67: {  	_ =	shalt  }
0x68: {  	_ =	shalt  }
0x69: {  	_ =	shalt  }
0x6a: {  	_ =	shalt  }
0x6b: {  	_ =	shalt  }
0x6c: {  	_ =	shalt  }
0x6d: {  	_ =	shalt  }
0x6e: {  	_ =	shalt  }
0x6f: {  	_ =	shalt  }
0x70: {  	_ =	shalt  }
0x71: {  	_ =	shalt  }
0x72: {  	_ =	shalt  }
0x73: {  	_ =	shalt  }
0x74: {  	_ =	shalt  }
0x75: {  	_ =	shalt  }
0x76: {  	_ =	shalt  }
0x77: {  	_ =	shalt  }
0x78: {  	_ =	shalt  }
0x79: {  	_ =	shalt  }
0x7a: {  	_ =	shalt  }
0x7b: {  	_ =	shalt  }
0x7c: {  	_ =	shalt  }
0x7d: {  	_ =	shalt  }
0x7e: {  	_ =	shalt  }
0x7f: {  	_ =	shalt  }
0x80: {  	_ =	shalt  }
0x81: {  	_ =	shalt  }
0x82: {  	_ =	shalt  }
0x83: {  	_ =	shalt  }
0x84: {  	_ =	shalt  }
0x85: {  	_ =	shalt  }
0x86: {  	_ =	shalt  }
0x87: {  	_ =	shalt  }
.Lfunc_end0:
.L_simem_size_0:
called_computation_lowered:
.L_overlay_start_0:
0x88: {  	s2 =	sld [smem:$0x3FD9]  }
0x89: {  	s3 =	sld [smem:$0x3FFE];
	_ =	sdelay $0x1  }
0x8a: {  	s1 =	srdreg.scid  }
0x8b: {  	s0 =	sand.u32 $0x1, s1  }
0x8c: {  	s14 =	sshll.u32 s0, $0xA;
	s2 =	sadd.s32 s3, s2  }
0x8d: {  	s2 =	sadd.s32 s2, s14  }
0x8e: {  	[smem:$0x3FB0] =	sst s2  }
0x8f: {  	_ = 	snop  }
0x90: {  	s2 =	sld [smem:$0x3FD0];
	_ =	sdelay $0x2  }
0x91: {  	s15 =	simm.s32 $0xA;
	s4 =	simm.s32 $0x10  }
0x92: {  	[smem:s4], [sflag:s15] =	dma.local [hbm:s2], $0x1  }
0x93: {  	_ =	swait.eq [sflag:s15], $0x1  }
0x94: {  	[sflag:s15] =	ssyncset.done $0x0  }
0x95: {  	[sflag:s15] =	ssyncadd.s32 $0xFFFFFFFF  }
0x96: {  	s16 =	sld [smem:$0x10];
	(tm) =	ssettm $0x1  }
0x97: {  	s17 =	sld [smem:$0x3FFB];
	_ =	sdelay $0x3  }
0x98: {  	_ =	strace s17  }
0x99: {  	s3 =	sld [smem:$0x3FFC];
	_ =	sdelay $0x3  }
0x9a: {  	_ =	strace s3  }
0x9b: {  	s3 =	sld [smem:$0x3FFD];
	_ =	sdelay $0x3  }
0x9c: {  	_ =	strace s3  }
0x9d: {  	_ =	strace $0x8FFFFFFF  }
0x9e: {  	s18 =	sld [smem:$0x3FDB];
	_ =	sdelay $0x1  }
0x9f: {  	s19 =	simm.s32 $_scs_section_size  }
0xa0: {  	s5 =	simm.s32 $_size__tile_overlayer_lowered;
	s6 =	simm.s32 $_tile_overlayer_lowered  }
0xa1: {  	s22 =	simm.s32 $0x1BFF;
	s21 =	sshll.u32 s6, $0x1;
	s3 =	sadd.s32 s19, s18  }
0xa2: {  	s7 =	simm.s32 $0x0;
	s20 =	sshll.u32 s5, $0x1;
	s5 =	sadd.s32 s21, s3  }
0xa3: {  	[timem:s7], [sflag:s22] =	dma.local [hbm:s5], s20  }
0xa4: {  	_ =	swait.ge [sflag:s22], s20  }
0xa5: {  	s4 =	ssub.s32 $0x0, s20;
	[sflag:s22] =	ssyncset.done $0x0  }
0xa6: {  	[sflag:s22] =	ssyncadd.s32 s4;
	_ =	sdelay $0x1  }
0xa7: {  	s23 =	simm.s32 $0x1B8B  }
0xa8: {  	_ =	swait.ge [sflag:s23], $0x1  }
0xa9: {  	[sflag:s23] =	ssyncset.done $0x0  }
0xaa: {  	s25 =	simm.s32 $0x1B8E;
	s24 =	sld [smem:$0x3FFE];
	[sflag:s23] =	ssyncadd.s32 $0xFFFFFFFF  }
0xab: {  	s26 =	simm.s32 $execute0_lowered;
	[smem:$0x3FD2] =	sst s25  }
0xac: {  	s5 =	sshll.u32 s26, $0x1;
	_ =	strace $0x80000046;
	[dreg:$0x1] =	wrdreg $0xFFFFFFFF  }
0xad: {  	s28 =	simm.s32 $_size_execute0_lowered;
	s3 =	sadd.s32 s3, s5;
	[dreg:$0x0] =	wrdreg $0x0  }
0xae: {  	s5 =	sshll.u32 s28, $0x1;
	[dreg:$0x2] =	wrdreg s3  }
0xaf: {  	[dreg:$0x3] =	wrdreg s5  }
0xb0: {  	[dreg:$0x4] =	wrdreg $0xC0  }
0xb1: {  	_ =	task [dreg:s7], $0x5FFFF  }
0xb2: {  	[dreg:$0x1] =	wrdreg $0xFFFFFFFF  }
0xb3: {  	[dreg:$0x0] =	wrdreg $0x60  }
0xb4: {  	[dreg:$0x2] =	wrdreg s16  }
0xb5: {  	[dreg:$0x3] =	wrdreg s24  }
0xb6: {  	[dreg:$0x4] =	wrdreg $0x9  }
0xb7: {  	_ =	task.clear_ibuf [dreg:s7], $0x5FFFF;
	_ =	strace $0x90000046  }
0xb8: {  	s29 =	simm.s32 $0x9;
	_ =	strace $0x80000048  }
0xb9: {  	_ =	swait.ge [sflag:s29], $0x1  }
0xba: {  	[sflag:s29] =	ssyncadd.s32 $0xFFFFFFFF  }
0xbb: {  	_ =	strace $0x90000048  }
0xbc: {  	_ =	sfence  }
0xbd: {  	s30 =	sld [smem:$0x0];
	_ =	sdelay $0x2  }
0xbe: {  	s31 =	sshll.u32 s1, $0xD;
	s1 =	sshrl.u32 s1, $0x2  }
0xbf: {  	s3 =	sand.u32 $0x4000, s31;
	s1 =	sadd.s32 s1, s30  }
0xc0: {  	s0 =	sor.u32 s3, s0;
	s1 =	sshll.u32 s1, $0x11  }
0xc1: {  	s0 =	sor.u32 s1, s0  }
0xc2: {  	s0 =	sadd.s32 $0x8F2B, s0  }
0xc3: {  	[sflag:s0] =	ssyncadd.remote.s32 $0x1  }
0xc4: {  	_ =	sfence.sel $0xFFFF  }
0xc5: {  	[dreg:$0x0] =	wrdreg $0xFFFFFFFF;
	(pc) =	sbr.abs _section_cstart, $3  }
0xc6: {  	[dreg:$0x1] =	wrdreg $0xFFFFFFFF  }
0xc7: {  	_ =	task.clear_ibuf [dreg:s7], $0x2FFFF;
	_ =	strace $0x9FFFFFFF  }
0xc8: {  	(tm) =	ssettm $0x7FFFFFFF  }
0xc9: {  	_ =	shalt  }
tec
execute0_lowered:
.L_overlay_start_1:
0x0: {  	(tag) =	ssettag $0x1  }
0x1: {  	s2 =	rddreg [dreg:$0x0]  }
0x2: {  	s5 =	rddreg [dreg:$0x1]  }
0x3: {  	s0 =	rddreg [dreg:$0x2];
	s4 =	srdreg.scid  }
0x4: {  	s1 =	stileid.u32;
	s3 =	simm.s32 $0x0;
	s6 =	sand.u32 $0x1, s4  }
0x5: {  	s28 =	sshll.u32 s1, $0x1;
	[smem:$0x7FF] =	sst s3;
	s4 =	sadd.s32 $0x2E00, s5  }
0x6: {  	p0 =	slt.u32 s1, $0x8;
	s7 =	sor.u32 s6, s28;
	_ =	strace $0x80000047  }
0x7: {  	s6 =	ssub.s32 $0x2, s6;
	s8 =	sshll.u32 s7, $0xB;
	s9 =	sadd.s32 $0xFFFFFFF0, s7  }
0x8: {  	s11 =	sshrl.u32 s6, $0x1;
	s8 =	sadd.s32 s8, s5;
	s10 =	sshll.u32 s9, $0xB  }
.Ltmp0:
0x9: {  	s9 =	smov.u32 @p0 s7;
	s30 =	ssub.s32 s6, s11;
	(pc) =	sbr.rel .LBB2_1-.Ltmp0, $4  }
0xa: {  	p0 =	sgt.u32 s1, $0x7;
	s11 =	simm.s32 $0x0;
	s10 =	sand.u32 $0x1FFFF800, s10  }
0xb: {  	s9 =	sshll.u32 s9, $0x5;
	s7 =	smax.u32 s30, $0x1;
	s29 =	sadd.s32 s10, s5  }
0xc: {  	v2 =	vimm.f32 $0.0e+00;
	s31 =	sadd.s32 $0x20, s9;
	s5 =	sadd.s32 $0x3C00, s8;
	s8 =	simm.s32 $0x1  }
0xd: {  	v3 =	vimm.f32 $1.000000000e+00;
	v0 =	vmov s9;
	s9 =	simm.s32 $0x6600;
	s10 =	simm.s32 $0xCC00;
	s6 =	sadd.s32 $0xBC00, s29;
	v1 =	vmov s31  }
.LBB2_8:
0xe: {  	v4 =	vld [tilespmem:s16+$0x0];
	_ =	sdelay $0x1  }
0xf: {  	v5 =	vld [tilespmem:s15+$0x0];
	_ =	sdelay $0x2  }
0x10: {  	vm0 =	vge.s32 v4, v0;
	vm1 =	vlt.s32 v4, v1;
	v4 =	vsub.s32 v4, v0  }
0x11: {  	vm0 =	vmand vm0, vm1;
	v4 =	vshll.u32 v4, $0x9  }
0x12: {  	v4 =	vadd.s32 v5, v4;
	_ =	sdelay $0x4  }
0x13: {  	[tilespmem:v4+s10+$0x0] =	vst.idx.msk vm0, v3  }
0x14: {  	v4 =	vld [tilespmem:s14+$0x0];
	_ =	sdelay $0x1  }
0x15: {  	v5 =	vld [tilespmem:s12+$0x0];
	_ =	sdelay $0x2  }
0x16: {  	vm14 =	vge.s32 v4, v0;
	vm15 =	vlt.s32 v4, v1;
	v4 =	vsub.s32 v4, v0  }
0x17: {  	vm0 =	vmand vm14, vm15;
	v4 =	vshll.u32 v4, $0x9  }
0x18: {  	v4 =	vadd.s32 v5, v4;
	_ =	sdelay $0x2  }
0x19: {  	s11 =	sadd.s32 $0x1, s11  }
0x1a: {  	p1 =	sne.s32 s11, s7  }
.Ltmp1:
0x1b: {  	[tilespmem:v4+s10+$0x0] =	vst.idx.msk vm0, v3;
	(pc) =	sbr.rel @!p1 .LBB2_9-.Ltmp1, $4  }
0x1c: {  	[hbm4b:s13+s3] =	stream.linear.scatter [tilespmem:s10], [sflag:$0x1], $0x4000, $0x38;
	[tilespmem:$0x10C00] =	vst v63  }
0x1d: {  	_ =	swait.ge [sflag:s8], $0x4000  }
0x1e: {  	[sflag:s8] =	ssyncset.done $0x0  }
0x1f: {  	[sflag:s8] =	ssyncadd.s32 $0xFFFFC000  }
.LBB2_1:
0x20: {  	s12 =	simm.s32 $0xCC40  }
0x21: {  	[tilespmem:s12+$0xFFFFFFC0] =	vst v2  }
0x22: {  	[tilespmem:s12+$0x30] =	vst v2  }
0x23: {  	[tilespmem:s12+$0x20] =	vst v2  }
0x24: {  	[tilespmem:s12+$0x10] =	vst v2  }
0x25: {  	[tilespmem:s12+$0x0] =	vst v2  }
0x26: {  	[tilespmem:s12+$0xFFFFFFF0] =	vst v2  }
0x27: {  	s13 =	simm.s32 $0x0;
	[tilespmem:s12+$0xFFFFFFE0] =	vst v2  }
.LBB2_2:
0x28: {  	s13 =	sadd.s32 $0x8, s13;
	[tilespmem:s12+$0xFFFFFFD0] =	vst v2;
	s12 =	sadd.s32 $0x80, s12  }
0x29: {  	[tilespmem:s12+$0xFFFFFFC0] =	vst v2;
	p1 =	slt.u32 s13, $0x3F8  }
0x2a: {  	[tilespmem:s12+$0x30] =	vst v2  }
.Ltmp2:
0x2b: {  	[tilespmem:s12+$0x20] =	vst v2;
	(pc) =	sbr.rel @p1 .LBB2_2-.Ltmp2, $4  }
0x2c: {  	[tilespmem:s12+$0x10] =	vst v2  }
0x2d: {  	[tilespmem:s12+$0x0] =	vst v2  }
0x2e: {  	[tilespmem:s12+$0xFFFFFFF0] =	vst v2  }
0x2f: {  	[tilespmem:s12+$0xFFFFFFE0] =	vst v2  }
0x30: {  	[tilespmem:s12+$0xFFFFFFD0] =	vst v2  }
0x31: {  	[tilespmem:s3], [sflag:$0x1] =	stream.linear.gather [hbm4b:s2+s3], $0x6600, $0x38;
	[tilespmem:$0x10C00] =	vst v63  }
0x32: {  	_ =	swait.ge [sflag:s8], $0x6600  }
0x33: {  	[sflag:s8] =	ssyncset.done $0x0  }
.Ltmp3:
0x34: {  	[sflag:s8] =	ssyncadd.s32 $0xFFFF9A00;
	(pc) =	sbr.rel @p0 .LBB2_6-.Ltmp3, $4  }
0x35: {  	[tilespmem:s9], [sflag:$0x1] =	stream.linear.gather [hbm4b:s4+s3], $0x6600, $0x38;
	[tilespmem:$0x10C00] =	vst v63  }
0x36: {  	_ =	swait.ge [sflag:s8], $0x6600  }
0x37: {  	s12 =	simm.s32 $0xFFFFFFF8;
	[sflag:s8] =	ssyncset.done $0x0  }
0x38: {  	s13 =	simm.s32 $0x6640;
	s14 =	simm.s32 $0x40;
	[sflag:s8] =	ssyncadd.s32 $0xFFFF9A00  }
.LBB2_4:
0x39: {  	v4 =	vld [tilespmem:s13+$0xFFFFFFC0];
	_ =	sdelay $0x1  }
0x3a: {  	v5 =	vld [tilespmem:s14+$0xFFFFFFC0];
	_ =	sdelay $0x2  }
0x3b: {  	vm0 =	vge.s32 v4, v0;
	vm1 =	vlt.s32 v4, v1;
	v4 =	vsub.s32 v4, v0  }
0x3c: {  	vm0 =	vmand vm0, vm1;
	v4 =	vshll.u32 v4, $0x9  }
0x3d: {  	v4 =	vadd.s32 v5, v4;
	_ =	sdelay $0x4  }
0x3e: {  	[tilespmem:v4+s10+$0x0] =	vst.idx.msk vm0, v3  }
0x3f: {  	v4 =	vld [tilespmem:s13+$0xFFFFFFD0];
	_ =	sdelay $0x1  }
0x40: {  	v5 =	vld [tilespmem:s14+$0xFFFFFFD0];
	_ =	sdelay $0x2  }
0x41: {  	vm14 =	vge.s32 v4, v0;
	vm15 =	vlt.s32 v4, v1;
	v4 =	vsub.s32 v4, v0  }
0x42: {  	vm0 =	vmand vm14, vm15;
	v4 =	vshll.u32 v4, $0x9  }
0x43: {  	v4 =	vadd.s32 v5, v4;
	_ =	sdelay $0x4  }
0x44: {  	[tilespmem:v4+s10+$0x0] =	vst.idx.msk vm0, v3  }
0x45: {  	v4 =	vld [tilespmem:s13+$0xFFFFFFE0];
	_ =	sdelay $0x1  }
0x46: {  	v5 =	vld [tilespmem:s14+$0xFFFFFFE0];
	_ =	sdelay $0x2  }
0x47: {  	vm4 =	vge.s32 v4, v0;
	vm5 =	vlt.s32 v4, v1;
	v4 =	vsub.s32 v4, v0  }
0x48: {  	vm0 =	vmand vm4, vm5;
	v4 =	vshll.u32 v4, $0x9  }
0x49: {  	v4 =	vadd.s32 v5, v4;
	_ =	sdelay $0x4  }
0x4a: {  	[tilespmem:v4+s10+$0x0] =	vst.idx.msk vm0, v3  }
0x4b: {  	v4 =	vld [tilespmem:s13+$0xFFFFFFF0];
	_ =	sdelay $0x1  }
0x4c: {  	v5 =	vld [tilespmem:s14+$0xFFFFFFF0];
	_ =	sdelay $0x2  }
0x4d: {  	vm6 =	vge.s32 v4, v0;
	vm7 =	vlt.s32 v4, v1;
	v4 =	vsub.s32 v4, v0  }
0x4e: {  	vm0 =	vmand vm6, vm7;
	v4 =	vshll.u32 v4, $0x9  }
0x4f: {  	v4 =	vadd.s32 v5, v4;
	_ =	sdelay $0x4  }
0x50: {  	[tilespmem:v4+s10+$0x0] =	vst.idx.msk vm0, v3  }
0x51: {  	v4 =	vld [tilespmem:s13+$0x0];
	_ =	sdelay $0x1  }
0x52: {  	v5 =	vld [tilespmem:s14+$0x0];
	_ =	sdelay $0x2  }
0x53: {  	vm8 =	vge.s32 v4, v0;
	vm9 =	vlt.s32 v4, v1;
	v4 =	vsub.s32 v4, v0  }
0x54: {  	vm0 =	vmand vm8, vm9;
	v4 =	vshll.u32 v4, $0x9  }
0x55: {  	v4 =	vadd.s32 v5, v4;
	_ =	sdelay $0x4  }
0x56: {  	[tilespmem:v4+s10+$0x0] =	vst.idx.msk vm0, v3  }
0x57: {  	v4 =	vld [tilespmem:s13+$0x10];
	_ =	sdelay $0x1  }
0x58: {  	v5 =	vld [tilespmem:s14+$0x10];
	_ =	sdelay $0x2  }
0x59: {  	vm10 =	vge.s32 v4, v0;
	vm11 =	vlt.s32 v4, v1;
	v4 =	vsub.s32 v4, v0  }
0x5a: {  	vm0 =	vmand vm10, vm11;
	v4 =	vshll.u32 v4, $0x9  }
0x5b: {  	v4 =	vadd.s32 v5, v4;
	_ =	sdelay $0x4  }
0x5c: {  	[tilespmem:v4+s10+$0x0] =	vst.idx.msk vm0, v3  }
0x5d: {  	v4 =	vld [tilespmem:s13+$0x20];
	_ =	sdelay $0x1  }
0x5e: {  	v5 =	vld [tilespmem:s14+$0x20];
	_ =	sdelay $0x2  }
0x5f: {  	vm12 =	vge.s32 v4, v0;
	vm13 =	vlt.s32 v4, v1;
	v4 =	vsub.s32 v4, v0  }
0x60: {  	vm0 =	vmand vm12, vm13;
	v4 =	vshll.u32 v4, $0x9  }
0x61: {  	v4 =	vadd.s32 v5, v4;
	_ =	sdelay $0x4  }
0x62: {  	[tilespmem:v4+s10+$0x0] =	vst.idx.msk vm0, v3  }
0x63: {  	v4 =	vld [tilespmem:s13+$0x30];
	_ =	sdelay $0x1  }
0x64: {  	v5 =	vld [tilespmem:s14+$0x30];
	_ =	sdelay $0x2  }
0x65: {  	vm14 =	vge.s32 v4, v0;
	vm15 =	vlt.s32 v4, v1;
	v4 =	vsub.s32 v4, v0  }
0x66: {  	s12 =	sadd.s32 $0x8, s12;
	vm0 =	vmand vm14, vm15;
	v4 =	vshll.u32 v4, $0x9  }
0x67: {  	p1 =	slt.u32 s12, $0x650;
	v4 =	vadd.s32 v5, v4  }
.Ltmp4:
0x68: {  	_ = 	snop;
	(pc) =	sbr.rel @p1 .LBB2_4-.Ltmp4, $2  }
0x69: {  	_ =	sdelay $0x2  }
0x6a: {  	s13 =	sadd.s32 $0x80, s13;
	s14 =	sadd.s32 $0x80, s14;
	[tilespmem:v4+s10+$0x0] =	vst.idx.msk vm0, v3  }
0x6b: {  	v4 =	vld [tilespmem:$0xCB80];
	_ =	sdelay $0x1  }
0x6c: {  	v5 =	vld [tilespmem:$0x6580];
	_ =	sdelay $0x2  }
0x6d: {  	vm0 =	vge.s32 v4, v0;
	vm1 =	vlt.s32 v4, v1;
	v4 =	vsub.s32 v4, v0  }
0x6e: {  	vm0 =	vmand vm0, vm1;
	v4 =	vshll.u32 v4, $0x9  }
0x6f: {  	v4 =	vadd.s32 v5, v4;
	_ =	sdelay $0x4  }
0x70: {  	[tilespmem:v4+s10+$0x0] =	vst.idx.msk vm0, v3  }
0x71: {  	v4 =	vld [tilespmem:$0xCB90];
	_ =	sdelay $0x1  }
0x72: {  	v5 =	vld [tilespmem:$0x6590];
	_ =	sdelay $0x2  }
0x73: {  	vm10 =	vge.s32 v4, v0;
	vm11 =	vlt.s32 v4, v1;
	v4 =	vsub.s32 v4, v0  }
0x74: {  	vm0 =	vmand vm10, vm11;
	v4 =	vshll.u32 v4, $0x9  }
0x75: {  	v4 =	vadd.s32 v5, v4;
	_ =	sdelay $0x4  }
0x76: {  	[tilespmem:v4+s10+$0x0] =	vst.idx.msk vm0, v3  }
0x77: {  	v4 =	vld [tilespmem:$0xCBA0];
	_ =	sdelay $0x1  }
0x78: {  	v5 =	vld [tilespmem:$0x65A0];
	_ =	sdelay $0x2  }
0x79: {  	vm12 =	vge.s32 v4, v0;
	vm13 =	vlt.s32 v4, v1;
	v4 =	vsub.s32 v4, v0  }
0x7a: {  	vm0 =	vmand vm12, vm13;
	v4 =	vshll.u32 v4, $0x9  }
0x7b: {  	v4 =	vadd.s32 v5, v4;
	_ =	sdelay $0x4  }
0x7c: {  	[tilespmem:v4+s10+$0x0] =	vst.idx.msk vm0, v3  }
0x7d: {  	v4 =	vld [tilespmem:$0xCBB0];
	_ =	sdelay $0x1  }
0x7e: {  	v5 =	vld [tilespmem:$0x65B0];
	_ =	sdelay $0x2  }
0x7f: {  	vm14 =	vge.s32 v4, v0;
	vm15 =	vlt.s32 v4, v1;
	v4 =	vsub.s32 v4, v0  }
0x80: {  	vm0 =	vmand vm14, vm15;
	v4 =	vshll.u32 v4, $0x9  }
0x81: {  	v4 =	vadd.s32 v5, v4  }
.Ltmp5:
0x82: {  	_ = 	snop;
	(pc) =	sbr.rel .LBB2_8-.Ltmp5, $3  }
0x83: {  	_ =	sdelay $0x1  }
0x84: {  	s12 =	simm.s32 $0x65D0;
	s14 =	simm.s32 $0xCBD0  }
0x85: {  	s15 =	simm.s32 $0x65C0;
	s16 =	simm.s32 $0xCBC0;
	s13 =	smov.u32 s5;
	[tilespmem:v4+s10+$0x0] =	vst.idx.msk vm0, v3  }
.LBB2_6:
0x86: {  	v4 =	vld [tilespmem:s14+$0xFFFFFFC0];
	_ =	sdelay $0x1  }
0x87: {  	v5 =	vld [tilespmem:s13+$0xFFFFFFC0];
	_ =	sdelay $0x2  }
0x88: {  	vm0 =	vge.s32 v4, v0;
	vm1 =	vlt.s32 v4, v1;
	v4 =	vsub.s32 v4, v0  }
0x89: {  	vm0 =	vmand vm0, vm1;
	v4 =	vshll.u32 v4, $0x9  }
0x8a: {  	v4 =	vadd.s32 v5, v4;
	_ =	sdelay $0x4  }
0x8b: {  	[tilespmem:v4+s10+$0x0] =	vst.idx.msk vm0, v3  }
0x8c: {  	v4 =	vld [tilespmem:s14+$0xFFFFFFD0];
	_ =	sdelay $0x1  }
0x8d: {  	v5 =	vld [tilespmem:s13+$0xFFFFFFD0];
	_ =	sdelay $0x2  }
0x8e: {  	vm14 =	vge.s32 v4, v0;
	vm15 =	vlt.s32 v4, v1;
	v4 =	vsub.s32 v4, v0  }
0x8f: {  	vm0 =	vmand vm14, vm15;
	v4 =	vshll.u32 v4, $0x9  }
0x90: {  	v4 =	vadd.s32 v5, v4;
	_ =	sdelay $0x4  }
0x91: {  	[tilespmem:v4+s10+$0x0] =	vst.idx.msk vm0, v3  }
0x92: {  	v4 =	vld [tilespmem:s14+$0xFFFFFFE0];
	_ =	sdelay $0x1  }
0x93: {  	v5 =	vld [tilespmem:s13+$0xFFFFFFE0];
	_ =	sdelay $0x2  }
0x94: {  	vm4 =	vge.s32 v4, v0;
	vm5 =	vlt.s32 v4, v1;
	v4 =	vsub.s32 v4, v0  }
0x95: {  	vm0 =	vmand vm4, vm5;
	v4 =	vshll.u32 v4, $0x9  }
0x96: {  	v4 =	vadd.s32 v5, v4;
	_ =	sdelay $0x4  }
0x97: {  	[tilespmem:v4+s10+$0x0] =	vst.idx.msk vm0, v3  }
0x98: {  	v4 =	vld [tilespmem:s14+$0xFFFFFFF0];
	_ =	sdelay $0x1  }
0x99: {  	v5 =	vld [tilespmem:s13+$0xFFFFFFF0];
	_ =	sdelay $0x2  }
0x9a: {  	vm6 =	vge.s32 v4, v0;
	vm7 =	vlt.s32 v4, v1;
	v4 =	vsub.s32 v4, v0  }
0x9b: {  	vm0 =	vmand vm6, vm7;
	v4 =	vshll.u32 v4, $0x9  }
0x9c: {  	v4 =	vadd.s32 v5, v4;
	_ =	sdelay $0x4  }
0x9d: {  	[tilespmem:v4+s10+$0x0] =	vst.idx.msk vm0, v3  }
0x9e: {  	v4 =	vld [tilespmem:s14+$0x0];
	_ =	sdelay $0x1  }
0x9f: {  	v5 =	vld [tilespmem:s13+$0x0];
	_ =	sdelay $0x2  }
0xa0: {  	vm8 =	vge.s32 v4, v0;
	vm9 =	vlt.s32 v4, v1;
	v4 =	vsub.s32 v4, v0  }
0xa1: {  	vm0 =	vmand vm8, vm9;
	v4 =	vshll.u32 v4, $0x9  }
0xa2: {  	v4 =	vadd.s32 v5, v4;
	_ =	sdelay $0x4  }
0xa3: {  	[tilespmem:v4+s10+$0x0] =	vst.idx.msk vm0, v3  }
0xa4: {  	v4 =	vld [tilespmem:s14+$0x10];
	_ =	sdelay $0x1  }
0xa5: {  	v5 =	vld [tilespmem:s13+$0x10];
	_ =	sdelay $0x2  }
0xa6: {  	vm10 =	vge.s32 v4, v0;
	vm11 =	vlt.s32 v4, v1;
	v4 =	vsub.s32 v4, v0  }
0xa7: {  	vm0 =	vmand vm10, vm11;
	v4 =	vshll.u32 v4, $0x9  }
0xa8: {  	v4 =	vadd.s32 v5, v4;
	_ =	sdelay $0x4  }
0xa9: {  	[tilespmem:v4+s10+$0x0] =	vst.idx.msk vm0, v3  }
0xaa: {  	v4 =	vld [tilespmem:s14+$0x20];
	_ =	sdelay $0x1  }
0xab: {  	v5 =	vld [tilespmem:s13+$0x20];
	_ =	sdelay $0x2  }
0xac: {  	vm12 =	vge.s32 v4, v0;
	vm13 =	vlt.s32 v4, v1;
	v4 =	vsub.s32 v4, v0  }
0xad: {  	vm0 =	vmand vm12, vm13;
	v4 =	vshll.u32 v4, $0x9  }
0xae: {  	v4 =	vadd.s32 v5, v4;
	_ =	sdelay $0x4  }
0xaf: {  	[tilespmem:v4+s10+$0x0] =	vst.idx.msk vm0, v3  }
0xb0: {  	v4 =	vld [tilespmem:s14+$0x30];
	_ =	sdelay $0x1  }
0xb1: {  	v5 =	vld [tilespmem:s13+$0x30];
	_ =	sdelay $0x2  }
0xb2: {  	vm14 =	vge.s32 v4, v0;
	vm15 =	vlt.s32 v4, v1;
	v4 =	vsub.s32 v4, v0  }
0xb3: {  	s12 =	sadd.s32 $0x8, s12;
	vm0 =	vmand vm14, vm15;
	v4 =	vshll.u32 v4, $0x9  }
0xb4: {  	p1 =	slt.u32 s12, $0x650;
	v4 =	vadd.s32 v5, v4  }
.Ltmp6:
0xb5: {  	_ = 	snop;
	(pc) =	sbr.rel @p1 .LBB2_6-.Ltmp6, $2  }
0xb6: {  	_ =	sdelay $0x2  }
0xb7: {  	s14 =	sadd.s32 $0x80, s14;
	s13 =	sadd.s32 $0x80, s13;
	[tilespmem:v4+s10+$0x0] =	vst.idx.msk vm0, v3  }
0xb8: {  	v4 =	vld [tilespmem:$0x6580];
	_ =	sdelay $0x1  }
0xb9: {  	v5 =	vld [tilespmem:$0xCB80];
	_ =	sdelay $0x2  }
0xba: {  	vm0 =	vge.s32 v4, v0;
	vm1 =	vlt.s32 v4, v1;
	v4 =	vsub.s32 v4, v0  }
0xbb: {  	vm0 =	vmand vm0, vm1;
	v4 =	vshll.u32 v4, $0x9  }
0xbc: {  	v4 =	vadd.s32 v5, v4;
	_ =	sdelay $0x4  }
0xbd: {  	[tilespmem:v4+s10+$0x0] =	vst.idx.msk vm0, v3  }
0xbe: {  	v4 =	vld [tilespmem:$0x6590];
	_ =	sdelay $0x1  }
0xbf: {  	v5 =	vld [tilespmem:$0xCB90];
	_ =	sdelay $0x2  }
0xc0: {  	vm10 =	vge.s32 v4, v0;
	vm11 =	vlt.s32 v4, v1;
	v4 =	vsub.s32 v4, v0  }
0xc1: {  	vm0 =	vmand vm10, vm11;
	v4 =	vshll.u32 v4, $0x9  }
0xc2: {  	v4 =	vadd.s32 v5, v4;
	_ =	sdelay $0x4  }
0xc3: {  	[tilespmem:v4+s10+$0x0] =	vst.idx.msk vm0, v3  }
0xc4: {  	v4 =	vld [tilespmem:$0x65A0];
	_ =	sdelay $0x1  }
0xc5: {  	v5 =	vld [tilespmem:$0xCBA0];
	_ =	sdelay $0x2  }
0xc6: {  	vm12 =	vge.s32 v4, v0;
	vm13 =	vlt.s32 v4, v1;
	v4 =	vsub.s32 v4, v0  }
0xc7: {  	vm0 =	vmand vm12, vm13;
	v4 =	vshll.u32 v4, $0x9  }
0xc8: {  	v4 =	vadd.s32 v5, v4;
	_ =	sdelay $0x4  }
0xc9: {  	[tilespmem:v4+s10+$0x0] =	vst.idx.msk vm0, v3  }
0xca: {  	v4 =	vld [tilespmem:$0x65B0];
	_ =	sdelay $0x1  }
0xcb: {  	v5 =	vld [tilespmem:$0xCBB0];
	_ =	sdelay $0x2  }
0xcc: {  	vm14 =	vge.s32 v4, v0;
	vm15 =	vlt.s32 v4, v1;
	v4 =	vsub.s32 v4, v0  }
0xcd: {  	vm0 =	vmand vm14, vm15;
	v4 =	vshll.u32 v4, $0x9  }
0xce: {  	v4 =	vadd.s32 v5, v4  }
.Ltmp7:
0xcf: {  	_ = 	snop;
	(pc) =	sbr.rel .LBB2_8-.Ltmp7, $3  }
0xd0: {  	_ =	sdelay $0x1  }
0xd1: {  	s12 =	simm.s32 $0xCBD0;
	s14 =	simm.s32 $0x65D0  }
0xd2: {  	s15 =	simm.s32 $0xCBC0;
	s16 =	simm.s32 $0x65C0;
	s13 =	smov.u32 s6;
	[tilespmem:v4+s10+$0x0] =	vst.idx.msk vm0, v3  }
.LBB2_9:
0xd3: {  	_ =	sfence.sel $0x180000  }
0xd4: {  	[bflag:$0x0] =	sbarrier.arrive $0xFFFF  }
0xd5: {  	p0 =	sne.s32 s1, $0x0;
	_ =	strace $0x90000047  }
0xd6: {  	s0 =	sadd.s32 @!p0 $0x100000, s0;
	[bflag:$0x2] =	sbarrier.arrive $0xFFFF  }
0xd7: {  	[sflag:s0] =	ssyncadd.tile.s32 @!p0 $0x1;
	_ =	shalt  }
.Lfunc_end2:
_tile_overlayer_lowered:
.L_overlay_start_2:
0xd8: {  	(tag) =	ssettag $0x2  }
0xd9: {  	s0 =	rddreg [dreg:$0x0];
	s2 =	stileid.u32  }
0xda: {  	s1 =	rddreg [dreg:$0x1];
	p0 =	sne.s32 s2, $0x0  }
0xdb: {  	s3 =	rddreg [dreg:$0x2];
	[bflag:$0x3] =	sbarrier.arrive $0xFFFF;
	s2 =	simm.s32 @!p0 $0x1C01  }
0xdc: {  	[timem:s3], [sflag:s2] =	dma.local @!p0 [hbm:s0], s1  }
0xdd: {  	s0 =	simm.s32 @!p0 $0x1  }
0xde: {  	_ =	swait.ge @!p0 [sflag:s0], s1  }
0xdf: {  	s1 =	ssub.s32 @!p0 $0x0, s1;
	[sflag:s0] =	ssyncset.done @!p0 $0x0  }
0xe0: {  	[sflag:s0] =	ssyncadd.s32 @!p0 s1  }
0xe1: {  	[bflag:$0x3] =	sbarrier.arrive $0xFFFF  }
0xe2: {  	_ =	shalt  }

</sc_bundles>
